<compile_context>
chip_gen: v7x
topology: tpu7x:2x2x1
jax: 0.10.2.dev20260603
libtpu: 0.0.44.dev20260713+nightly
codegen_flags: <defaults>
</compile_context>

<pallas_src>
import jax
import jax.numpy as jnp
from jax import lax
from jax.experimental import pallas as pl
from jax.experimental.pallas import tpu as pltpu
from jax.experimental.pallas import tpu_sc as plsc

N = 10000
D = 128
E = 320000
N_PAD = 10240
NC, NS = 2, 16
NW = NC * NS
EW = E // NW
K = 80
NCHUNK = EW // K
RPT = N_PAD // NS
RB = 1280
GRID = N_PAD // RB

_HIGH = lax.Precision.HIGHEST


def _leaky(v):
    return jnp.where(v >= 0.0, v, 0.2 * v)



def _tc_entry_body(x_ref, w_ref, asrc_ref, adst_ref, h_ref, as_ref, ad_ref, cm_ref):
    i = pl.program_id(0)
    h = lax.dot_general(x_ref[...], w_ref[...], (((1,), (0,)), ((), ())),
                        precision=_HIGH, preferred_element_type=jnp.float32)
    h_ref[...] = h
    a_s = jnp.sum(h * asrc_ref[...], axis=1)
    a_d = jnp.sum(h * adst_ref[...], axis=1)
    as_ref[pl.ds(i * RB, RB)] = a_s
    ad_ref[pl.ds(i * RB, RB)] = a_d
    cur = jnp.concatenate([jnp.full((1, D), jnp.max(a_s), jnp.float32),
                           jnp.full((1, D), jnp.max(a_d), jnp.float32)], axis=0)

    @pl.when(i == 0)
    def _():
        cm_ref[...] = cur

    @pl.when(i > 0)
    def _():
        cm_ref[...] = jnp.maximum(cm_ref[...], cur)


def _tc_entry(x_pad, W, a_src, a_dst):
    return pl.pallas_call(
        _tc_entry_body,
        grid=(GRID,),
        in_specs=[pl.BlockSpec((RB, D), lambda i: (i, 0)),
                  pl.BlockSpec((D, D), lambda i: (0, 0)),
                  pl.BlockSpec((1, D), lambda i: (0, 0)),
                  pl.BlockSpec((1, D), lambda i: (0, 0))],
        out_specs=[pl.BlockSpec((RB, D), lambda i: (i, 0)),
                   pl.BlockSpec((N_PAD,), lambda i: (0,)),
                   pl.BlockSpec((N_PAD,), lambda i: (0,)),
                   pl.BlockSpec((2, D), lambda i: (0, 0))],
        out_shape=[jax.ShapeDtypeStruct((N_PAD, D), jnp.float32),
                   jax.ShapeDtypeStruct((N_PAD,), jnp.float32),
                   jax.ShapeDtypeStruct((N_PAD,), jnp.float32),
                   jax.ShapeDtypeStruct((2, D), jnp.float32)],
    )(x_pad, W, a_src.reshape(1, D), a_dst.reshape(1, D))



def _sc_edge_body(h_h, as_h, ad_h, cm_h, src_h, dst_h, zrow_h, zden_h,
                  acc_out, den_out,
                  srcv, dstv, cmv, w_v, rows_v, asg, adg,
                  as_sh, ad_sh, acc_sh, den_sh,
                  gsem, asem, dsem, ssem, tsem, qsem, rsem):
    cid = lax.axis_index("c")
    sid = lax.axis_index("s")
    wid = cid * NS + sid

    pltpu.sync_copy(cm_h, cmv)
    pltpu.sync_copy(as_h.at[pl.ds(sid * RPT, RPT)],
                    as_sh.at[pl.ds(sid * RPT, RPT)])
    pltpu.sync_copy(ad_h.at[pl.ds(sid * RPT, RPT)],
                    ad_sh.at[pl.ds(sid * RPT, RPT)])
    pltpu.sync_copy(zrow_h, acc_sh.at[pl.ds(sid * RPT, RPT)])
    pltpu.sync_copy(zden_h, den_sh.at[pl.ds(sid * RPT, RPT)])
    plsc.subcore_barrier()

    c0 = cmv[0, pl.ds(0, 16)]
    c1 = cmv[1, pl.ds(0, 16)]
    Cv = _leaky(c0 + c1)

    def idx_issue(j):
        pltpu.async_copy(src_h.at[wid, j], srcv.at[lax.rem(j, 4)],
                         ssem.at[lax.rem(j, 4)])
        pltpu.async_copy(dst_h.at[wid, j], dstv.at[lax.rem(j, 6)],
                         tsem.at[lax.rem(j, 6)])

    def idx_wait(j):
        pltpu.make_async_copy(src_h.at[wid, j], srcv.at[lax.rem(j, 4)],
                              ssem.at[lax.rem(j, 4)]).wait()
        pltpu.make_async_copy(dst_h.at[wid, j], dstv.at[lax.rem(j, 6)],
                              tsem.at[lax.rem(j, 6)]).wait()

    def pre_issue(j):
        b = lax.rem(j, 4)
        a = lax.rem(j, 3)
        pltpu.async_copy(h_h.at[srcv.at[b]], rows_v.at[b], gsem.at[b])
        pltpu.async_copy(as_sh.at[srcv.at[b]], asg.at[a], qsem.at[a])
        pltpu.async_copy(ad_sh.at[dstv.at[lax.rem(j, 6)]], adg.at[a],
                         rsem.at[a])

    def g_wait(j):
        b = lax.rem(j, 4)
        a = lax.rem(j, 3)
        pltpu.make_async_copy(h_h.at[srcv.at[b]], rows_v.at[b],
                              gsem.at[b]).wait()
        pltpu.make_async_copy(as_sh.at[srcv.at[b]], asg.at[a],
                              qsem.at[a]).wait()
        pltpu.make_async_copy(ad_sh.at[dstv.at[lax.rem(j, 6)]], adg.at[a],
                              rsem.at[a]).wait()

    def sc_issue(j):
        b = lax.rem(j, 4)
        p = lax.rem(j, 2)
        t = lax.rem(j, 6)
        pltpu.async_copy(rows_v.at[b], acc_sh.at[dstv.at[t]], asem.at[p],
                         add=True)
        pltpu.async_copy(w_v.at[p], den_sh.at[dstv.at[t]], dsem.at[p],
                         add=True)

    def sc_wait(j):
        b = lax.rem(j, 4)
        p = lax.rem(j, 2)
        t = lax.rem(j, 6)
        pltpu.make_async_copy(rows_v.at[b], acc_sh.at[dstv.at[t]],
                              asem.at[p]).wait()
        pltpu.make_async_copy(w_v.at[p], den_sh.at[dstv.at[t]],
                              dsem.at[p]).wait()

    for j0 in range(4):
        idx_issue(j0)
    idx_wait(0)
    pre_issue(0)
    idx_wait(1)
    pre_issue(1)

    def chunk_body(j, carry):
        b = lax.rem(j, 4)
        p = lax.rem(j, 2)
        a = lax.rem(j, 3)
        g_wait(j)

        @pl.when(j + 2 < NCHUNK)
        def _():
            idx_wait(j + 2)
            pre_issue(j + 2)

        for g in range(K // 16):
            a_s = asg[a, pl.ds(g * 16, 16)]
            a_d = adg[a, pl.ds(g * 16, 16)]
            w_v[p, pl.ds(g * 16, 16)] = jnp.exp(_leaky(a_s + a_d) - Cv)

        def scale(s_i, c2):
            for u in range(8):
                e_i = s_i * 8 + u
                wb = plsc.load_gather(w_v.at[p],
                                      [jnp.full((16,), e_i, jnp.int32)])
                for v in range(D // 16):
                    rows_v[b, e_i, pl.ds(v * 16, 16)] = (
                        rows_v[b, e_i, pl.ds(v * 16, 16)] * wb)
            return c2

        lax.fori_loop(0, K // 8, scale, 0)

        @pl.when(j > 0)
        def _():
            sc_wait(j - 1)

        sc_issue(j)

        @pl.when(j + 4 < NCHUNK)
        def _():
            idx_issue(j + 4)

        return carry

    lax.fori_loop(0, NCHUNK, chunk_body, 0)
    sc_wait(NCHUNK - 1)
    plsc.subcore_barrier()

    pltpu.sync_copy(acc_sh.at[pl.ds(sid * RPT, RPT)],
                    acc_out.at[cid, pl.ds(sid * RPT, RPT)])
    pltpu.sync_copy(den_sh.at[pl.ds(sid * RPT, RPT)],
                    den_out.at[cid, pl.ds(sid * RPT, RPT)])


def _sc_edge(h, as_f, ad_f, cm, src2d, dst2d, zrow, zden):
    mesh = plsc.VectorSubcoreMesh(core_axis_name="c", subcore_axis_name="s")
    f = pl.kernel(
        _sc_edge_body,
        out_type=[jax.ShapeDtypeStruct((NC, N_PAD, D), jnp.float32),
                  jax.ShapeDtypeStruct((NC, N_PAD), jnp.float32)],
        mesh=mesh,
        scratch_types=[
            pltpu.VMEM((4, K), jnp.int32),
            pltpu.VMEM((6, K), jnp.int32),
            pltpu.VMEM((2, D), jnp.float32),
            pltpu.VMEM((2, K), jnp.float32),
            pltpu.VMEM((4, K, D), jnp.float32),
            pltpu.VMEM((3, K), jnp.float32),
            pltpu.VMEM((3, K), jnp.float32),
            pltpu.VMEM_SHARED((N_PAD,), jnp.float32),
            pltpu.VMEM_SHARED((N_PAD,), jnp.float32),
            pltpu.VMEM_SHARED((N_PAD, D), jnp.float32),
            pltpu.VMEM_SHARED((N_PAD,), jnp.float32),
            pltpu.SemaphoreType.DMA((4,)),
            pltpu.SemaphoreType.DMA((2,)),
            pltpu.SemaphoreType.DMA((2,)),
            pltpu.SemaphoreType.DMA((4,)),
            pltpu.SemaphoreType.DMA((6,)),
            pltpu.SemaphoreType.DMA((3,)),
            pltpu.SemaphoreType.DMA((3,)),
        ],
        compiler_params=pltpu.CompilerParams(use_tc_tiling_on_sc=False,
                                             needs_layout_passes=False),
    )
    return f(h, as_f, ad_f, cm, src2d, dst2d, zrow, zden)



def _combine_block(accp, denp, a_s, a_d, cm, h, b):
    C = _leaky(cm[0, 0] + cm[1, 0])
    wl = jnp.exp(_leaky(a_s + a_d) - C)
    den = denp[0] + denp[1] + wl + 1e-16
    acc = accp[0] + accp[1] + wl[:, None] * h
    return jax.nn.relu(acc / den[:, None] + b)


def _tc_mid_body(accp_ref, denp_ref, as_ref, ad_ref, cm_ref, h_ref, b_ref,
                 w2_ref, asrc2_ref, adst2_ref,
                 h2_ref, as2_ref, ad2_ref, cm2_ref):
    i = pl.program_id(0)
    sl = pl.ds(i * RB, RB)
    o = _combine_block(accp_ref[...], denp_ref[:, sl], as_ref[sl], ad_ref[sl],
                       cm_ref[...], h_ref[...], b_ref[...])
    h2 = lax.dot_general(o, w2_ref[...], (((1,), (0,)), ((), ())),
                         precision=_HIGH, preferred_element_type=jnp.float32)
    h2_ref[...] = h2
    a_s2 = jnp.sum(h2 * asrc2_ref[...], axis=1)
    a_d2 = jnp.sum(h2 * adst2_ref[...], axis=1)
    as2_ref[sl] = a_s2
    ad2_ref[sl] = a_d2
    cur = jnp.concatenate([jnp.full((1, D), jnp.max(a_s2), jnp.float32),
                           jnp.full((1, D), jnp.max(a_d2), jnp.float32)], axis=0)

    @pl.when(i == 0)
    def _():
        cm2_ref[...] = cur

    @pl.when(i > 0)
    def _():
        cm2_ref[...] = jnp.maximum(cm2_ref[...], cur)


def _tc_mid(acc_p, den_p, as_f, ad_f, cm, h, b, W2, a_src2, a_dst2):
    return pl.pallas_call(
        _tc_mid_body,
        grid=(GRID,),
        in_specs=[pl.BlockSpec((NC, RB, D), lambda i: (0, i, 0)),
                  pl.BlockSpec((NC, N_PAD), lambda i: (0, 0)),
                  pl.BlockSpec((N_PAD,), lambda i: (0,)),
                  pl.BlockSpec((N_PAD,), lambda i: (0,)),
                  pl.BlockSpec((2, D), lambda i: (0, 0)),
                  pl.BlockSpec((RB, D), lambda i: (i, 0)),
                  pl.BlockSpec((1, D), lambda i: (0, 0)),
                  pl.BlockSpec((D, D), lambda i: (0, 0)),
                  pl.BlockSpec((1, D), lambda i: (0, 0)),
                  pl.BlockSpec((1, D), lambda i: (0, 0))],
        out_specs=[pl.BlockSpec((RB, D), lambda i: (i, 0)),
                   pl.BlockSpec((N_PAD,), lambda i: (0,)),
                   pl.BlockSpec((N_PAD,), lambda i: (0,)),
                   pl.BlockSpec((2, D), lambda i: (0, 0))],
        out_shape=[jax.ShapeDtypeStruct((N_PAD, D), jnp.float32),
                   jax.ShapeDtypeStruct((N_PAD,), jnp.float32),
                   jax.ShapeDtypeStruct((N_PAD,), jnp.float32),
                   jax.ShapeDtypeStruct((2, D), jnp.float32)],
    )(acc_p, den_p, as_f, ad_f, cm, h, b.reshape(1, D), W2,
      a_src2.reshape(1, D), a_dst2.reshape(1, D))


def _tc_final_body(accp_ref, denp_ref, as_ref, ad_ref, cm_ref, h_ref, b_ref,
                   out_ref):
    sl = pl.ds(pl.program_id(0) * RB, RB)
    out_ref[...] = _combine_block(accp_ref[...], denp_ref[:, sl], as_ref[sl],
                                  ad_ref[sl], cm_ref[...], h_ref[...],
                                  b_ref[...])


def _tc_final(acc_p, den_p, as_f, ad_f, cm, h, b):
    return pl.pallas_call(
        _tc_final_body,
        grid=(GRID,),
        in_specs=[pl.BlockSpec((NC, RB, D), lambda i: (0, i, 0)),
                  pl.BlockSpec((NC, N_PAD), lambda i: (0, 0)),
                  pl.BlockSpec((N_PAD,), lambda i: (0,)),
                  pl.BlockSpec((N_PAD,), lambda i: (0,)),
                  pl.BlockSpec((2, D), lambda i: (0, 0)),
                  pl.BlockSpec((RB, D), lambda i: (i, 0)),
                  pl.BlockSpec((1, D), lambda i: (0, 0))],
        out_specs=pl.BlockSpec((RB, D), lambda i: (i, 0)),
        out_shape=jax.ShapeDtypeStruct((N_PAD, D), jnp.float32),
    )(acc_p, den_p, as_f, ad_f, cm, h, b.reshape(1, D))



def kernel(x, edge_index, W1, a_src1, a_dst1, b1, W2, a_src2, a_dst2, b2):
    ei = edge_index.astype(jnp.int32)
    src2d = ei[0].reshape(NW, NCHUNK, K)
    dst2d = ei[1].reshape(NW, NCHUNK, K)
    x_pad = jnp.pad(x, ((0, N_PAD - N), (0, 0)))
    zrow = jnp.zeros((RPT, D), jnp.float32)
    zden = jnp.zeros((RPT,), jnp.float32)

    h1, as1, ad1, cm1 = _tc_entry(x_pad, W1, a_src1, a_dst1)
    acc1, den1 = _sc_edge(h1, as1, ad1, cm1, src2d, dst2d, zrow, zden)
    h2, as2, ad2, cm2 = _tc_mid(acc1, den1, as1, ad1, cm1, h1, b1,
                                W2, a_src2, a_dst2)
    acc2, den2 = _sc_edge(h2, as2, ad2, cm2, src2d, dst2d, zrow, zden)
    out = _tc_final(acc2, den2, as2, ad2, cm2, h2, b2)
    return out[:N]

# --- scband reference (transcript-rebuilt; emitter-appended) ---
"""Pipeline reference for scband-gat-1992864825774 (READ-ONLY COPY).

The authoritative reference and input builder live on the scoring server;
editing this copy changes nothing except your own understanding.
"""

import jax, jax.numpy as jnp
import numpy as np

N_NODES = 10000
D_IN = 128
D_OUT = 128
N_EDGES = 320000


def gat_conv(x, src, dst, W, a_src, a_dst, b):
    N = x.shape[0]
    h = x @ W  # [N, C]
    # PyG GATConv adds self-loops by default
    loop = jnp.arange(N, dtype=src.dtype)
    src_ = jnp.concatenate([src, loop])
    dst_ = jnp.concatenate([dst, loop])
    alpha_src = h @ a_src  # [N]
    alpha_dst = h @ a_dst  # [N]
    e = alpha_src[src_] + alpha_dst[dst_]
    e = jax.nn.leaky_relu(e, 0.2)
    m = jax.ops.segment_max(e, dst_, num_segments=N)
    m = jnp.where(jnp.isneginf(m), 0.0, m)
    ex = jnp.exp(e - m[dst_])
    denom = jax.ops.segment_sum(ex, dst_, num_segments=N)
    alpha = ex / (denom[dst_] + 1e-16)
    out = jax.ops.segment_sum(h[src_] * alpha[:, None], dst_, num_segments=N)
    return out + b


def setup_inputs(seed: int = 0) -> dict:
    key = jax.random.key(seed)
    ks = jax.random.split(key, 12)
    x = jax.random.normal(ks[0], (N_NODES, D_IN), dtype=jnp.float32)
    edge_index = jax.random.randint(ks[1], (2, N_EDGES), 0, N_NODES, dtype=jnp.int64)
    s_in = 1.0 / np.sqrt(D_IN)
    s_out = 1.0 / np.sqrt(D_OUT)
    W1 = jax.random.normal(ks[2], (D_IN, D_OUT), dtype=jnp.float32) * s_in
    a_src1 = jax.random.normal(ks[3], (D_OUT,), dtype=jnp.float32) * s_out
    a_dst1 = jax.random.normal(ks[4], (D_OUT,), dtype=jnp.float32) * s_out
    b1 = jnp.zeros((D_OUT,), dtype=jnp.float32)
    W2 = jax.random.normal(ks[5], (D_OUT, D_OUT), dtype=jnp.float32) * s_out
    a_src2 = jax.random.normal(ks[6], (D_OUT,), dtype=jnp.float32) * s_out
    a_dst2 = jax.random.normal(ks[7], (D_OUT,), dtype=jnp.float32) * s_out
    b2 = jnp.zeros((D_OUT,), dtype=jnp.float32)
    return {"x": x, "edge_index": edge_index, "W1": W1, "a_src1": a_src1, "a_dst1": a_dst1, "b1": b1, "W2": W2, "a_src2": a_src2, "a_dst2": a_dst2, "b2": b2}


def reference(x, edge_index, W1, a_src1, a_dst1, b1, W2, a_src2, a_dst2, b2):
    src, dst = edge_index[0], edge_index[1]
    h = jax.nn.relu(gat_conv(x, src, dst, W1, a_src1, a_dst1, b1))
    h = jax.nn.relu(gat_conv(h, src, dst, W2, a_src2, a_dst2, b2))
    return h

if __name__ == "__main__":
    import jax
    _d = setup_inputs()
    print(jax.jit(kernel)(*tuple(_d.values())))

</pallas_src>

<mosaic_0001>
#map = affine_map<(d0, d1) -> (0, 0)>
#map1 = affine_map<(d0, d1) -> (0)>
#map2 = affine_map<(d0, d1) -> (0, 0, 0)>
module attributes {stable_mosaic.version = 14 : i64} {
  func.func @_sc_edge_body(%arg0: i32, %arg1: i32, %arg2: memref<10240x128xf32, #tpu.memory_space<hbm>>, %arg3: memref<10240xf32, #tpu.memory_space<hbm>>, %arg4: memref<10240xf32, #tpu.memory_space<hbm>>, %arg5: memref<2x128xf32, #tpu.memory_space<hbm>>, %arg6: memref<32x125x80xi32, #tpu.memory_space<hbm>>, %arg7: memref<32x125x80xi32, #tpu.memory_space<hbm>>, %arg8: memref<640x128xf32, #tpu.memory_space<hbm>>, %arg9: memref<640xf32, #tpu.memory_space<hbm>>, %arg10: memref<2x10240x128xf32, #tpu.memory_space<hbm>>, %arg11: memref<2x10240xf32, #tpu.memory_space<hbm>>, %arg12: memref<4x80xi32, #tpu.memory_space<vmem>>, %arg13: memref<6x80xi32, #tpu.memory_space<vmem>>, %arg14: memref<2x128xf32, #tpu.memory_space<vmem>>, %arg15: memref<2x80xf32, #tpu.memory_space<vmem>>, %arg16: memref<4x80x128xf32, #tpu.memory_space<vmem>>, %arg17: memref<3x80xf32, #tpu.memory_space<vmem>>, %arg18: memref<3x80xf32, #tpu.memory_space<vmem>>, %arg19: memref<10240xf32, #tpu.memory_space<vmem_shared>>, %arg20: memref<10240xf32, #tpu.memory_space<vmem_shared>>, %arg21: memref<10240x128xf32, #tpu.memory_space<vmem_shared>>, %arg22: memref<10240xf32, #tpu.memory_space<vmem_shared>>, %arg23: memref<4x!tpu.dma_semaphore, #tpu.memory_space<semaphore_mem>>, %arg24: memref<2x!tpu.dma_semaphore, #tpu.memory_space<semaphore_mem>>, %arg25: memref<2x!tpu.dma_semaphore, #tpu.memory_space<semaphore_mem>>, %arg26: memref<4x!tpu.dma_semaphore, #tpu.memory_space<semaphore_mem>>, %arg27: memref<6x!tpu.dma_semaphore, #tpu.memory_space<semaphore_mem>>, %arg28: memref<3x!tpu.dma_semaphore, #tpu.memory_space<semaphore_mem>>, %arg29: memref<3x!tpu.dma_semaphore, #tpu.memory_space<semaphore_mem>>) attributes {dimension_semantics = [#tpu.dimension_semantics<core_parallel>, #tpu.dimension_semantics<subcore_parallel>], iteration_bounds = array<i64: 2, 16>, scalar_prefetch = 0 : i64, scratch_operands = 18 : i64, tpu.core_type = #tpu.core_type<sc_vector_subcore>, window_params = [{transform_indices = #map}, {transform_indices = #map1}, {transform_indices = #map1}, {transform_indices = #map}, {transform_indices = #map2}, {transform_indices = #map2}, {transform_indices = #map}, {transform_indices = #map1}, {transform_indices = #map2}, {transform_indices = #map}]} {
    %mul3A = arith.constant 16 : i32
    %mul3A_0 = arith.muli %arg0, %mul3A : i32
    %add3A = arith.addi %mul3A_0, %arg1 : i32
    "tpu.region"() ({
      %run_scoped3A = tpu.sem_alloc : memref<!tpu.dma_semaphore, #tpu.memory_space<semaphore_mem>>
      tpu.enqueue_dma source(%arg5 : memref<2x128xf32, #tpu.memory_space<hbm>>) target(%arg14 : memref<2x128xf32, #tpu.memory_space<vmem>>) target_semaphore(%run_scoped3A : memref<!tpu.dma_semaphore, #tpu.memory_space<semaphore_mem>>)
      tpu.wait_dma2 semaphore(%run_scoped3A : memref<!tpu.dma_semaphore, #tpu.memory_space<semaphore_mem>>) src(%arg5 : memref<2x128xf32, #tpu.memory_space<hbm>>) dst(%arg14 : memref<2x128xf32, #tpu.memory_space<vmem>>)
      tpu.yield
    }) : () -> ()
    %mul3A_1 = arith.constant 640 : i32
    %mul3A_2 = arith.muli %arg1, %mul3A_1 : i32
    %mul3A_3 = arith.constant 640 : i32
    %mul3A_4 = arith.muli %arg1, %mul3A_3 : i32
    "tpu.region"() ({
      %run_scoped3A = tpu.sem_alloc : memref<!tpu.dma_semaphore, #tpu.memory_space<semaphore_mem>>
      %dma_start3A_402 = tpu.memref_slice %arg19[%mul3A_4] : memref<10240xf32, #tpu.memory_space<vmem_shared>> -> memref<640xf32, #tpu.memory_space<vmem_shared>>
      %dma_start3A_403 = tpu.memref_slice %arg3[%mul3A_2] : memref<10240xf32, #tpu.memory_space<hbm>> -> memref<640xf32, #tpu.memory_space<hbm>>
      tpu.enqueue_dma source(%dma_start3A_403 : memref<640xf32, #tpu.memory_space<hbm>>) target(%dma_start3A_402 : memref<640xf32, #tpu.memory_space<vmem_shared>>) target_semaphore(%run_scoped3A : memref<!tpu.dma_semaphore, #tpu.memory_space<semaphore_mem>>)
      %dma_wait3A_404 = tpu.memref_slice %arg19[%mul3A_4] : memref<10240xf32, #tpu.memory_space<vmem_shared>> -> memref<640xf32, #tpu.memory_space<vmem_shared>>
      %dma_wait3A_405 = tpu.memref_slice %arg3[%mul3A_2] : memref<10240xf32, #tpu.memory_space<hbm>> -> memref<640xf32, #tpu.memory_space<hbm>>
      tpu.wait_dma2 semaphore(%run_scoped3A : memref<!tpu.dma_semaphore, #tpu.memory_space<semaphore_mem>>) src(%dma_wait3A_405 : memref<640xf32, #tpu.memory_space<hbm>>) dst(%dma_wait3A_404 : memref<640xf32, #tpu.memory_space<vmem_shared>>)
      tpu.yield
    }) : () -> ()
    %mul3A_5 = arith.constant 640 : i32
    %mul3A_6 = arith.muli %arg1, %mul3A_5 : i32
    %mul3A_7 = arith.constant 640 : i32
    %mul3A_8 = arith.muli %arg1, %mul3A_7 : i32
    "tpu.region"() ({
      %run_scoped3A = tpu.sem_alloc : memref<!tpu.dma_semaphore, #tpu.memory_space<semaphore_mem>>
      %dma_start3A_402 = tpu.memref_slice %arg20[%mul3A_8] : memref<10240xf32, #tpu.memory_space<vmem_shared>> -> memref<640xf32, #tpu.memory_space<vmem_shared>>
      %dma_start3A_403 = tpu.memref_slice %arg4[%mul3A_6] : memref<10240xf32, #tpu.memory_space<hbm>> -> memref<640xf32, #tpu.memory_space<hbm>>
      tpu.enqueue_dma source(%dma_start3A_403 : memref<640xf32, #tpu.memory_space<hbm>>) target(%dma_start3A_402 : memref<640xf32, #tpu.memory_space<vmem_shared>>) target_semaphore(%run_scoped3A : memref<!tpu.dma_semaphore, #tpu.memory_space<semaphore_mem>>)
      %dma_wait3A_404 = tpu.memref_slice %arg20[%mul3A_8] : memref<10240xf32, #tpu.memory_space<vmem_shared>> -> memref<640xf32, #tpu.memory_space<vmem_shared>>
      %dma_wait3A_405 = tpu.memref_slice %arg4[%mul3A_6] : memref<10240xf32, #tpu.memory_space<hbm>> -> memref<640xf32, #tpu.memory_space<hbm>>
      tpu.wait_dma2 semaphore(%run_scoped3A : memref<!tpu.dma_semaphore, #tpu.memory_space<semaphore_mem>>) src(%dma_wait3A_405 : memref<640xf32, #tpu.memory_space<hbm>>) dst(%dma_wait3A_404 : memref<640xf32, #tpu.memory_space<vmem_shared>>)
      tpu.yield
    }) : () -> ()
    %mul3A_9 = arith.constant 640 : i32
    %mul3A_10 = arith.muli %arg1, %mul3A_9 : i32
    "tpu.region"() ({
      %run_scoped3A = tpu.sem_alloc : memref<!tpu.dma_semaphore, #tpu.memory_space<semaphore_mem>>
      %dma_start3A_402 = arith.constant 0 : i32
      %dma_start3A_403 = tpu.memref_slice %arg21[%mul3A_10, %dma_start3A_402] : memref<10240x128xf32, #tpu.memory_space<vmem_shared>> -> memref<640x128xf32, #tpu.memory_space<vmem_shared>>
      tpu.enqueue_dma source(%arg8 : memref<640x128xf32, #tpu.memory_space<hbm>>) target(%dma_start3A_403 : memref<640x128xf32, #tpu.memory_space<vmem_shared>>) target_semaphore(%run_scoped3A : memref<!tpu.dma_semaphore, #tpu.memory_space<semaphore_mem>>)
      %dma_wait3A_404 = arith.constant 0 : i32
      %dma_wait3A_405 = tpu.memref_slice %arg21[%mul3A_10, %dma_wait3A_404] : memref<10240x128xf32, #tpu.memory_space<vmem_shared>> -> memref<640x128xf32, #tpu.memory_space<vmem_shared>>
      tpu.wait_dma2 semaphore(%run_scoped3A : memref<!tpu.dma_semaphore, #tpu.memory_space<semaphore_mem>>) src(%arg8 : memref<640x128xf32, #tpu.memory_space<hbm>>) dst(%dma_wait3A_405 : memref<640x128xf32, #tpu.memory_space<vmem_shared>>)
      tpu.yield
    }) : () -> ()
    %mul3A_11 = arith.constant 640 : i32
    %mul3A_12 = arith.muli %arg1, %mul3A_11 : i32
    "tpu.region"() ({
      %run_scoped3A = tpu.sem_alloc : memref<!tpu.dma_semaphore, #tpu.memory_space<semaphore_mem>>
      %dma_start3A_402 = tpu.memref_slice %arg22[%mul3A_12] : memref<10240xf32, #tpu.memory_space<vmem_shared>> -> memref<640xf32, #tpu.memory_space<vmem_shared>>
      tpu.enqueue_dma source(%arg9 : memref<640xf32, #tpu.memory_space<hbm>>) target(%dma_start3A_402 : memref<640xf32, #tpu.memory_space<vmem_shared>>) target_semaphore(%run_scoped3A : memref<!tpu.dma_semaphore, #tpu.memory_space<semaphore_mem>>)
      %dma_wait3A_403 = tpu.memref_slice %arg22[%mul3A_12] : memref<10240xf32, #tpu.memory_space<vmem_shared>> -> memref<640xf32, #tpu.memory_space<vmem_shared>>
      tpu.wait_dma2 semaphore(%run_scoped3A : memref<!tpu.dma_semaphore, #tpu.memory_space<semaphore_mem>>) src(%arg9 : memref<640xf32, #tpu.memory_space<hbm>>) dst(%dma_wait3A_403 : memref<640xf32, #tpu.memory_space<vmem_shared>>)
      tpu.yield
    }) : () -> ()
    %barrier3A = arith.constant 0 : index
    tpu.barrier barrier_id(%barrier3A)
    %get3A = arith.constant 0 : i32
    %get3A_13 = arith.index_cast %get3A : i32 to index
    %get3A_14 = arith.constant 0 : index
    %get3A_15 = tpu.vector_load %arg14[%get3A_13, %get3A_14] {strides = array<i32>} : memref<2x128xf32, #tpu.memory_space<vmem>>, vector<16xf32>,
    %get3A_16 = arith.constant 1 : i32
    %get3A_17 = arith.index_cast %get3A_16 : i32 to index
    %get3A_18 = arith.constant 0 : index
    %get3A_19 = tpu.vector_load %arg14[%get3A_17, %get3A_18] {strides = array<i32>} : memref<2x128xf32, #tpu.memory_space<vmem>>, vector<16xf32>,
    %add3A_20 = arith.addf %get3A_15, %get3A_19 : vector<16xf32>
    %ge3A = arith.constant 0.000000e+00 : f32
    %ge3A_21 = vector.broadcast %ge3A : f32 to vector<16xf32>
    %ge3A_22 = arith.cmpf oge, %add3A_20, %ge3A_21 : vector<16xf32>
    %mul3A_23 = arith.constant 2.000000e-01 : f32
    %mul3A_24 = vector.broadcast %mul3A_23 : f32 to vector<16xf32>
    %mul3A_25 = arith.mulf %mul3A_24, %add3A_20 : vector<16xf32>
    %select_n3A = arith.select %ge3A_22, %add3A_20, %mul3A_25 : vector<16xi1>, vector<16xf32>
    %rem3A = arith.constant 0 : i32
    %rem3A_26 = arith.constant 4 : i32
    %rem3A_27 = arith.remsi %rem3A, %rem3A_26 : i32
    %rem3A_28 = arith.constant 0 : i32
    %rem3A_29 = arith.constant 4 : i32
    %rem3A_30 = arith.remsi %rem3A_28, %rem3A_29 : i32
    %dma_start3A = arith.constant 0 : i32
    %dma_start3A_31 = arith.constant 0 : i32
    %dma_start3A_32 = tpu.memref_slice %arg12[%rem3A_27, %dma_start3A_31] : memref<4x80xi32, #tpu.memory_space<vmem>> -> memref<1x80xi32, #tpu.memory_space<vmem>>
    %dma_start3A_33 = tpu.memref_squeeze %dma_start3A_32 : memref<1x80xi32, #tpu.memory_space<vmem>> -> memref<80xi32, #tpu.memory_space<vmem>>
    %dma_start3A_34 = arith.constant 0 : i32
    %dma_start3A_35 = tpu.memref_slice %arg6[%add3A, %dma_start3A, %dma_start3A_34] : memref<32x125x80xi32, #tpu.memory_space<hbm>> -> memref<1x1x80xi32, #tpu.memory_space<hbm>>
    %dma_start3A_36 = tpu.memref_squeeze %dma_start3A_35 : memref<1x1x80xi32, #tpu.memory_space<hbm>> -> memref<80xi32, #tpu.memory_space<hbm>>
    %dma_start3A_37 = tpu.memref_slice %arg26[%rem3A_30] : memref<4x!tpu.dma_semaphore, #tpu.memory_space<semaphore_mem>> -> memref<1x!tpu.dma_semaphore, #tpu.memory_space<semaphore_mem>>
    %dma_start3A_38 = tpu.memref_squeeze %dma_start3A_37 : memref<1x!tpu.dma_semaphore, #tpu.memory_space<semaphore_mem>> -> memref<!tpu.dma_semaphore, #tpu.memory_space<semaphore_mem>>
    %dma_start3A_39 = arith.constant 0 : i32
    %dma_start3A_40 = tpu.memref_slice %arg12[%rem3A_27, %dma_start3A_39] : memref<4x80xi32, #tpu.memory_space<vmem>> -> memref<1x80xi32, #tpu.memory_space<vmem>>
    %dma_start3A_41 = tpu.memref_squeeze %dma_start3A_40 : memref<1x80xi32, #tpu.memory_space<vmem>> -> memref<80xi32, #tpu.memory_space<vmem>>
    %dma_start3A_42 = arith.constant 0 : i32
    %dma_start3A_43 = tpu.memref_slice %arg6[%add3A, %dma_start3A, %dma_start3A_42] : memref<32x125x80xi32, #tpu.memory_space<hbm>> -> memref<1x1x80xi32, #tpu.memory_space<hbm>>
    %dma_start3A_44 = tpu.memref_squeeze %dma_start3A_43 : memref<1x1x80xi32, #tpu.memory_space<hbm>> -> memref<80xi32, #tpu.memory_space<hbm>>
    tpu.enqueue_dma source(%dma_start3A_44 : memref<80xi32, #tpu.memory_space<hbm>>) target(%dma_start3A_41 : memref<80xi32, #tpu.memory_space<vmem>>) target_semaphore(%dma_start3A_38 : memref<!tpu.dma_semaphore, #tpu.memory_space<semaphore_mem>>)
    %rem3A_45 = arith.constant 0 : i32
    %rem3A_46 = arith.constant 6 : i32
    %rem3A_47 = arith.remsi %rem3A_45, %rem3A_46 : i32
    %rem3A_48 = arith.constant 0 : i32
    %rem3A_49 = arith.constant 6 : i32
    %rem3A_50 = arith.remsi %rem3A_48, %rem3A_49 : i32
    %dma_start3A_51 = arith.constant 0 : i32
    %dma_start3A_52 = arith.constant 0 : i32
    %dma_start3A_53 = tpu.memref_slice %arg13[%rem3A_47, %dma_start3A_52] : memref<6x80xi32, #tpu.memory_space<vmem>> -> memref<1x80xi32, #tpu.memory_space<vmem>>
    %dma_start3A_54 = tpu.memref_squeeze %dma_start3A_53 : memref<1x80xi32, #tpu.memory_space<vmem>> -> memref<80xi32, #tpu.memory_space<vmem>>
    %dma_start3A_55 = arith.constant 0 : i32
    %dma_start3A_56 = tpu.memref_slice %arg7[%add3A, %dma_start3A_51, %dma_start3A_55] : memref<32x125x80xi32, #tpu.memory_space<hbm>> -> memref<1x1x80xi32, #tpu.memory_space<hbm>>
    %dma_start3A_57 = tpu.memref_squeeze %dma_start3A_56 : memref<1x1x80xi32, #tpu.memory_space<hbm>> -> memref<80xi32, #tpu.memory_space<hbm>>
    %dma_start3A_58 = tpu.memref_slice %arg27[%rem3A_50] : memref<6x!tpu.dma_semaphore, #tpu.memory_space<semaphore_mem>> -> memref<1x!tpu.dma_semaphore, #tpu.memory_space<semaphore_mem>>
    %dma_start3A_59 = tpu.memref_squeeze %dma_start3A_58 : memref<1x!tpu.dma_semaphore, #tpu.memory_space<semaphore_mem>> -> memref<!tpu.dma_semaphore, #tpu.memory_space<semaphore_mem>>
    %dma_start3A_60 = arith.constant 0 : i32
    %dma_start3A_61 = tpu.memref_slice %arg13[%rem3A_47, %dma_start3A_60] : memref<6x80xi32, #tpu.memory_space<vmem>> -> memref<1x80xi32, #tpu.memory_space<vmem>>
    %dma_start3A_62 = tpu.memref_squeeze %dma_start3A_61 : memref<1x80xi32, #tpu.memory_space<vmem>> -> memref<80xi32, #tpu.memory_space<vmem>>
    %dma_start3A_63 = arith.constant 0 : i32
    %dma_start3A_64 = tpu.memref_slice %arg7[%add3A, %dma_start3A_51, %dma_start3A_63] : memref<32x125x80xi32, #tpu.memory_space<hbm>> -> memref<1x1x80xi32, #tpu.memory_space<hbm>>
    %dma_start3A_65 = tpu.memref_squeeze %dma_start3A_64 : memref<1x1x80xi32, #tpu.memory_space<hbm>> -> memref<80xi32, #tpu.memory_space<hbm>>
    tpu.enqueue_dma source(%dma_start3A_65 : memref<80xi32, #tpu.memory_space<hbm>>) target(%dma_start3A_62 : memref<80xi32, #tpu.memory_space<vmem>>) target_semaphore(%dma_start3A_59 : memref<!tpu.dma_semaphore, #tpu.memory_space<semaphore_mem>>)
    %rem3A_66 = arith.constant 1 : i32
    %rem3A_67 = arith.constant 4 : i32
    %rem3A_68 = arith.remsi %rem3A_66, %rem3A_67 : i32
    %rem3A_69 = arith.constant 1 : i32
    %rem3A_70 = arith.constant 4 : i32
    %rem3A_71 = arith.remsi %rem3A_69, %rem3A_70 : i32
    %dma_start3A_72 = arith.constant 1 : i32
    %dma_start3A_73 = arith.constant 0 : i32
    %dma_start3A_74 = tpu.memref_slice %arg12[%rem3A_68, %dma_start3A_73] : memref<4x80xi32, #tpu.memory_space<vmem>> -> memref<1x80xi32, #tpu.memory_space<vmem>>
    %dma_start3A_75 = tpu.memref_squeeze %dma_start3A_74 : memref<1x80xi32, #tpu.memory_space<vmem>> -> memref<80xi32, #tpu.memory_space<vmem>>
    %dma_start3A_76 = arith.constant 0 : i32
    %dma_start3A_77 = tpu.memref_slice %arg6[%add3A, %dma_start3A_72, %dma_start3A_76] : memref<32x125x80xi32, #tpu.memory_space<hbm>> -> memref<1x1x80xi32, #tpu.memory_space<hbm>>
    %dma_start3A_78 = tpu.memref_squeeze %dma_start3A_77 : memref<1x1x80xi32, #tpu.memory_space<hbm>> -> memref<80xi32, #tpu.memory_space<hbm>>
    %dma_start3A_79 = tpu.memref_slice %arg26[%rem3A_71] : memref<4x!tpu.dma_semaphore, #tpu.memory_space<semaphore_mem>> -> memref<1x!tpu.dma_semaphore, #tpu.memory_space<semaphore_mem>>
    %dma_start3A_80 = tpu.memref_squeeze %dma_start3A_79 : memref<1x!tpu.dma_semaphore, #tpu.memory_space<semaphore_mem>> -> memref<!tpu.dma_semaphore, #tpu.memory_space<semaphore_mem>>
    %dma_start3A_81 = arith.constant 0 : i32
    %dma_start3A_82 = tpu.memref_slice %arg12[%rem3A_68, %dma_start3A_81] : memref<4x80xi32, #tpu.memory_space<vmem>> -> memref<1x80xi32, #tpu.memory_space<vmem>>
    %dma_start3A_83 = tpu.memref_squeeze %dma_start3A_82 : memref<1x80xi32, #tpu.memory_space<vmem>> -> memref<80xi32, #tpu.memory_space<vmem>>
    %dma_start3A_84 = arith.constant 0 : i32
    %dma_start3A_85 = tpu.memref_slice %arg6[%add3A, %dma_start3A_72, %dma_start3A_84] : memref<32x125x80xi32, #tpu.memory_space<hbm>> -> memref<1x1x80xi32, #tpu.memory_space<hbm>>
    %dma_start3A_86 = tpu.memref_squeeze %dma_start3A_85 : memref<1x1x80xi32, #tpu.memory_space<hbm>> -> memref<80xi32, #tpu.memory_space<hbm>>
    tpu.enqueue_dma source(%dma_start3A_86 : memref<80xi32, #tpu.memory_space<hbm>>) target(%dma_start3A_83 : memref<80xi32, #tpu.memory_space<vmem>>) target_semaphore(%dma_start3A_80 : memref<!tpu.dma_semaphore, #tpu.memory_space<semaphore_mem>>)
    %rem3A_87 = arith.constant 1 : i32
    %rem3A_88 = arith.constant 6 : i32
    %rem3A_89 = arith.remsi %rem3A_87, %rem3A_88 : i32
    %rem3A_90 = arith.constant 1 : i32
    %rem3A_91 = arith.constant 6 : i32
    %rem3A_92 = arith.remsi %rem3A_90, %rem3A_91 : i32
    %dma_start3A_93 = arith.constant 1 : i32
    %dma_start3A_94 = arith.constant 0 : i32
    %dma_start3A_95 = tpu.memref_slice %arg13[%rem3A_89, %dma_start3A_94] : memref<6x80xi32, #tpu.memory_space<vmem>> -> memref<1x80xi32, #tpu.memory_space<vmem>>
    %dma_start3A_96 = tpu.memref_squeeze %dma_start3A_95 : memref<1x80xi32, #tpu.memory_space<vmem>> -> memref<80xi32, #tpu.memory_space<vmem>>
    %dma_start3A_97 = arith.constant 0 : i32
    %dma_start3A_98 = tpu.memref_slice %arg7[%add3A, %dma_start3A_93, %dma_start3A_97] : memref<32x125x80xi32, #tpu.memory_space<hbm>> -> memref<1x1x80xi32, #tpu.memory_space<hbm>>
    %dma_start3A_99 = tpu.memref_squeeze %dma_start3A_98 : memref<1x1x80xi32, #tpu.memory_space<hbm>> -> memref<80xi32, #tpu.memory_space<hbm>>
    %dma_start3A_100 = tpu.memref_slice %arg27[%rem3A_92] : memref<6x!tpu.dma_semaphore, #tpu.memory_space<semaphore_mem>> -> memref<1x!tpu.dma_semaphore, #tpu.memory_space<semaphore_mem>>
    %dma_start3A_101 = tpu.memref_squeeze %dma_start3A_100 : memref<1x!tpu.dma_semaphore, #tpu.memory_space<semaphore_mem>> -> memref<!tpu.dma_semaphore, #tpu.memory_space<semaphore_mem>>
    %dma_start3A_102 = arith.constant 0 : i32
    %dma_start3A_103 = tpu.memref_slice %arg13[%rem3A_89, %dma_start3A_102] : memref<6x80xi32, #tpu.memory_space<vmem>> -> memref<1x80xi32, #tpu.memory_space<vmem>>
    %dma_start3A_104 = tpu.memref_squeeze %dma_start3A_103 : memref<1x80xi32, #tpu.memory_space<vmem>> -> memref<80xi32, #tpu.memory_space<vmem>>
    %dma_start3A_105 = arith.constant 0 : i32
    %dma_start3A_106 = tpu.memref_slice %arg7[%add3A, %dma_start3A_93, %dma_start3A_105] : memref<32x125x80xi32, #tpu.memory_space<hbm>> -> memref<1x1x80xi32, #tpu.memory_space<hbm>>
    %dma_start3A_107 = tpu.memref_squeeze %dma_start3A_106 : memref<1x1x80xi32, #tpu.memory_space<hbm>> -> memref<80xi32, #tpu.memory_space<hbm>>
    tpu.enqueue_dma source(%dma_start3A_107 : memref<80xi32, #tpu.memory_space<hbm>>) target(%dma_start3A_104 : memref<80xi32, #tpu.memory_space<vmem>>) target_semaphore(%dma_start3A_101 : memref<!tpu.dma_semaphore, #tpu.memory_space<semaphore_mem>>)
    %rem3A_108 = arith.constant 2 : i32
    %rem3A_109 = arith.constant 4 : i32
    %rem3A_110 = arith.remsi %rem3A_108, %rem3A_109 : i32
    %rem3A_111 = arith.constant 2 : i32
    %rem3A_112 = arith.constant 4 : i32
    %rem3A_113 = arith.remsi %rem3A_111, %rem3A_112 : i32
    %dma_start3A_114 = arith.constant 2 : i32
    %dma_start3A_115 = arith.constant 0 : i32
    %dma_start3A_116 = tpu.memref_slice %arg12[%rem3A_110, %dma_start3A_115] : memref<4x80xi32, #tpu.memory_space<vmem>> -> memref<1x80xi32, #tpu.memory_space<vmem>>
    %dma_start3A_117 = tpu.memref_squeeze %dma_start3A_116 : memref<1x80xi32, #tpu.memory_space<vmem>> -> memref<80xi32, #tpu.memory_space<vmem>>
    %dma_start3A_118 = arith.constant 0 : i32
    %dma_start3A_119 = tpu.memref_slice %arg6[%add3A, %dma_start3A_114, %dma_start3A_118] : memref<32x125x80xi32, #tpu.memory_space<hbm>> -> memref<1x1x80xi32, #tpu.memory_space<hbm>>
    %dma_start3A_120 = tpu.memref_squeeze %dma_start3A_119 : memref<1x1x80xi32, #tpu.memory_space<hbm>> -> memref<80xi32, #tpu.memory_space<hbm>>
    %dma_start3A_121 = tpu.memref_slice %arg26[%rem3A_113] : memref<4x!tpu.dma_semaphore, #tpu.memory_space<semaphore_mem>> -> memref<1x!tpu.dma_semaphore, #tpu.memory_space<semaphore_mem>>
    %dma_start3A_122 = tpu.memref_squeeze %dma_start3A_121 : memref<1x!tpu.dma_semaphore, #tpu.memory_space<semaphore_mem>> -> memref<!tpu.dma_semaphore, #tpu.memory_space<semaphore_mem>>
    %dma_start3A_123 = arith.constant 0 : i32
    %dma_start3A_124 = tpu.memref_slice %arg12[%rem3A_110, %dma_start3A_123] : memref<4x80xi32, #tpu.memory_space<vmem>> -> memref<1x80xi32, #tpu.memory_space<vmem>>
    %dma_start3A_125 = tpu.memref_squeeze %dma_start3A_124 : memref<1x80xi32, #tpu.memory_space<vmem>> -> memref<80xi32, #tpu.memory_space<vmem>>
    %dma_start3A_126 = arith.constant 0 : i32
    %dma_start3A_127 = tpu.memref_slice %arg6[%add3A, %dma_start3A_114, %dma_start3A_126] : memref<32x125x80xi32, #tpu.memory_space<hbm>> -> memref<1x1x80xi32, #tpu.memory_space<hbm>>
    %dma_start3A_128 = tpu.memref_squeeze %dma_start3A_127 : memref<1x1x80xi32, #tpu.memory_space<hbm>> -> memref<80xi32, #tpu.memory_space<hbm>>
    tpu.enqueue_dma source(%dma_start3A_128 : memref<80xi32, #tpu.memory_space<hbm>>) target(%dma_start3A_125 : memref<80xi32, #tpu.memory_space<vmem>>) target_semaphore(%dma_start3A_122 : memref<!tpu.dma_semaphore, #tpu.memory_space<semaphore_mem>>)
    %rem3A_129 = arith.constant 2 : i32
    %rem3A_130 = arith.constant 6 : i32
    %rem3A_131 = arith.remsi %rem3A_129, %rem3A_130 : i32
    %rem3A_132 = arith.constant 2 : i32
    %rem3A_133 = arith.constant 6 : i32
    %rem3A_134 = arith.remsi %rem3A_132, %rem3A_133 : i32
    %dma_start3A_135 = arith.constant 2 : i32
    %dma_start3A_136 = arith.constant 0 : i32
    %dma_start3A_137 = tpu.memref_slice %arg13[%rem3A_131, %dma_start3A_136] : memref<6x80xi32, #tpu.memory_space<vmem>> -> memref<1x80xi32, #tpu.memory_space<vmem>>
    %dma_start3A_138 = tpu.memref_squeeze %dma_start3A_137 : memref<1x80xi32, #tpu.memory_space<vmem>> -> memref<80xi32, #tpu.memory_space<vmem>>
    %dma_start3A_139 = arith.constant 0 : i32
    %dma_start3A_140 = tpu.memref_slice %arg7[%add3A, %dma_start3A_135, %dma_start3A_139] : memref<32x125x80xi32, #tpu.memory_space<hbm>> -> memref<1x1x80xi32, #tpu.memory_space<hbm>>
    %dma_start3A_141 = tpu.memref_squeeze %dma_start3A_140 : memref<1x1x80xi32, #tpu.memory_space<hbm>> -> memref<80xi32, #tpu.memory_space<hbm>>
    %dma_start3A_142 = tpu.memref_slice %arg27[%rem3A_134] : memref<6x!tpu.dma_semaphore, #tpu.memory_space<semaphore_mem>> -> memref<1x!tpu.dma_semaphore, #tpu.memory_space<semaphore_mem>>
    %dma_start3A_143 = tpu.memref_squeeze %dma_start3A_142 : memref<1x!tpu.dma_semaphore, #tpu.memory_space<semaphore_mem>> -> memref<!tpu.dma_semaphore, #tpu.memory_space<semaphore_mem>>
    %dma_start3A_144 = arith.constant 0 : i32
    %dma_start3A_145 = tpu.memref_slice %arg13[%rem3A_131, %dma_start3A_144] : memref<6x80xi32, #tpu.memory_space<vmem>> -> memref<1x80xi32, #tpu.memory_space<vmem>>
    %dma_start3A_146 = tpu.memref_squeeze %dma_start3A_145 : memref<1x80xi32, #tpu.memory_space<vmem>> -> memref<80xi32, #tpu.memory_space<vmem>>
    %dma_start3A_147 = arith.constant 0 : i32
    %dma_start3A_148 = tpu.memref_slice %arg7[%add3A, %dma_start3A_135, %dma_start3A_147] : memref<32x125x80xi32, #tpu.memory_space<hbm>> -> memref<1x1x80xi32, #tpu.memory_space<hbm>>
    %dma_start3A_149 = tpu.memref_squeeze %dma_start3A_148 : memref<1x1x80xi32, #tpu.memory_space<hbm>> -> memref<80xi32, #tpu.memory_space<hbm>>
    tpu.enqueue_dma source(%dma_start3A_149 : memref<80xi32, #tpu.memory_space<hbm>>) target(%dma_start3A_146 : memref<80xi32, #tpu.memory_space<vmem>>) target_semaphore(%dma_start3A_143 : memref<!tpu.dma_semaphore, #tpu.memory_space<semaphore_mem>>)
    %rem3A_150 = arith.constant 3 : i32
    %rem3A_151 = arith.constant 4 : i32
    %rem3A_152 = arith.remsi %rem3A_150, %rem3A_151 : i32
    %rem3A_153 = arith.constant 3 : i32
    %rem3A_154 = arith.constant 4 : i32
    %rem3A_155 = arith.remsi %rem3A_153, %rem3A_154 : i32
    %dma_start3A_156 = arith.constant 3 : i32
    %dma_start3A_157 = arith.constant 0 : i32
    %dma_start3A_158 = tpu.memref_slice %arg12[%rem3A_152, %dma_start3A_157] : memref<4x80xi32, #tpu.memory_space<vmem>> -> memref<1x80xi32, #tpu.memory_space<vmem>>
    %dma_start3A_159 = tpu.memref_squeeze %dma_start3A_158 : memref<1x80xi32, #tpu.memory_space<vmem>> -> memref<80xi32, #tpu.memory_space<vmem>>
    %dma_start3A_160 = arith.constant 0 : i32
    %dma_start3A_161 = tpu.memref_slice %arg6[%add3A, %dma_start3A_156, %dma_start3A_160] : memref<32x125x80xi32, #tpu.memory_space<hbm>> -> memref<1x1x80xi32, #tpu.memory_space<hbm>>
    %dma_start3A_162 = tpu.memref_squeeze %dma_start3A_161 : memref<1x1x80xi32, #tpu.memory_space<hbm>> -> memref<80xi32, #tpu.memory_space<hbm>>
    %dma_start3A_163 = tpu.memref_slice %arg26[%rem3A_155] : memref<4x!tpu.dma_semaphore, #tpu.memory_space<semaphore_mem>> -> memref<1x!tpu.dma_semaphore, #tpu.memory_space<semaphore_mem>>
    %dma_start3A_164 = tpu.memref_squeeze %dma_start3A_163 : memref<1x!tpu.dma_semaphore, #tpu.memory_space<semaphore_mem>> -> memref<!tpu.dma_semaphore, #tpu.memory_space<semaphore_mem>>
    %dma_start3A_165 = arith.constant 0 : i32
    %dma_start3A_166 = tpu.memref_slice %arg12[%rem3A_152, %dma_start3A_165] : memref<4x80xi32, #tpu.memory_space<vmem>> -> memref<1x80xi32, #tpu.memory_space<vmem>>
    %dma_start3A_167 = tpu.memref_squeeze %dma_start3A_166 : memref<1x80xi32, #tpu.memory_space<vmem>> -> memref<80xi32, #tpu.memory_space<vmem>>
    %dma_start3A_168 = arith.constant 0 : i32
    %dma_start3A_169 = tpu.memref_slice %arg6[%add3A, %dma_start3A_156, %dma_start3A_168] : memref<32x125x80xi32, #tpu.memory_space<hbm>> -> memref<1x1x80xi32, #tpu.memory_space<hbm>>
    %dma_start3A_170 = tpu.memref_squeeze %dma_start3A_169 : memref<1x1x80xi32, #tpu.memory_space<hbm>> -> memref<80xi32, #tpu.memory_space<hbm>>
    tpu.enqueue_dma source(%dma_start3A_170 : memref<80xi32, #tpu.memory_space<hbm>>) target(%dma_start3A_167 : memref<80xi32, #tpu.memory_space<vmem>>) target_semaphore(%dma_start3A_164 : memref<!tpu.dma_semaphore, #tpu.memory_space<semaphore_mem>>)
    %rem3A_171 = arith.constant 3 : i32
    %rem3A_172 = arith.constant 6 : i32
    %rem3A_173 = arith.remsi %rem3A_171, %rem3A_172 : i32
    %rem3A_174 = arith.constant 3 : i32
    %rem3A_175 = arith.constant 6 : i32
    %rem3A_176 = arith.remsi %rem3A_174, %rem3A_175 : i32
    %dma_start3A_177 = arith.constant 3 : i32
    %dma_start3A_178 = arith.constant 0 : i32
    %dma_start3A_179 = tpu.memref_slice %arg13[%rem3A_173, %dma_start3A_178] : memref<6x80xi32, #tpu.memory_space<vmem>> -> memref<1x80xi32, #tpu.memory_space<vmem>>
    %dma_start3A_180 = tpu.memref_squeeze %dma_start3A_179 : memref<1x80xi32, #tpu.memory_space<vmem>> -> memref<80xi32, #tpu.memory_space<vmem>>
    %dma_start3A_181 = arith.constant 0 : i32
    %dma_start3A_182 = tpu.memref_slice %arg7[%add3A, %dma_start3A_177, %dma_start3A_181] : memref<32x125x80xi32, #tpu.memory_space<hbm>> -> memref<1x1x80xi32, #tpu.memory_space<hbm>>
    %dma_start3A_183 = tpu.memref_squeeze %dma_start3A_182 : memref<1x1x80xi32, #tpu.memory_space<hbm>> -> memref<80xi32, #tpu.memory_space<hbm>>
    %dma_start3A_184 = tpu.memref_slice %arg27[%rem3A_176] : memref<6x!tpu.dma_semaphore, #tpu.memory_space<semaphore_mem>> -> memref<1x!tpu.dma_semaphore, #tpu.memory_space<semaphore_mem>>
    %dma_start3A_185 = tpu.memref_squeeze %dma_start3A_184 : memref<1x!tpu.dma_semaphore, #tpu.memory_space<semaphore_mem>> -> memref<!tpu.dma_semaphore, #tpu.memory_space<semaphore_mem>>
    %dma_start3A_186 = arith.constant 0 : i32
    %dma_start3A_187 = tpu.memref_slice %arg13[%rem3A_173, %dma_start3A_186] : memref<6x80xi32, #tpu.memory_space<vmem>> -> memref<1x80xi32, #tpu.memory_space<vmem>>
    %dma_start3A_188 = tpu.memref_squeeze %dma_start3A_187 : memref<1x80xi32, #tpu.memory_space<vmem>> -> memref<80xi32, #tpu.memory_space<vmem>>
    %dma_start3A_189 = arith.constant 0 : i32
    %dma_start3A_190 = tpu.memref_slice %arg7[%add3A, %dma_start3A_177, %dma_start3A_189] : memref<32x125x80xi32, #tpu.memory_space<hbm>> -> memref<1x1x80xi32, #tpu.memory_space<hbm>>
    %dma_start3A_191 = tpu.memref_squeeze %dma_start3A_190 : memref<1x1x80xi32, #tpu.memory_space<hbm>> -> memref<80xi32, #tpu.memory_space<hbm>>
    tpu.enqueue_dma source(%dma_start3A_191 : memref<80xi32, #tpu.memory_space<hbm>>) target(%dma_start3A_188 : memref<80xi32, #tpu.memory_space<vmem>>) target_semaphore(%dma_start3A_185 : memref<!tpu.dma_semaphore, #tpu.memory_space<semaphore_mem>>)
    %rem3A_192 = arith.constant 0 : i32
    %rem3A_193 = arith.constant 4 : i32
    %rem3A_194 = arith.remsi %rem3A_192, %rem3A_193 : i32
    %rem3A_195 = arith.constant 0 : i32
    %rem3A_196 = arith.constant 4 : i32
    %rem3A_197 = arith.remsi %rem3A_195, %rem3A_196 : i32
    %dma_wait3A = arith.constant 0 : i32
    %dma_wait3A_198 = arith.constant 0 : i32
    %dma_wait3A_199 = tpu.memref_slice %arg12[%rem3A_194, %dma_wait3A_198] : memref<4x80xi32, #tpu.memory_space<vmem>> -> memref<1x80xi32, #tpu.memory_space<vmem>>
    %dma_wait3A_200 = tpu.memref_squeeze %dma_wait3A_199 : memref<1x80xi32, #tpu.memory_space<vmem>> -> memref<80xi32, #tpu.memory_space<vmem>>
    %dma_wait3A_201 = arith.constant 0 : i32
    %dma_wait3A_202 = tpu.memref_slice %arg6[%add3A, %dma_wait3A, %dma_wait3A_201] : memref<32x125x80xi32, #tpu.memory_space<hbm>> -> memref<1x1x80xi32, #tpu.memory_space<hbm>>
    %dma_wait3A_203 = tpu.memref_squeeze %dma_wait3A_202 : memref<1x1x80xi32, #tpu.memory_space<hbm>> -> memref<80xi32, #tpu.memory_space<hbm>>
    %dma_wait3A_204 = tpu.memref_slice %arg26[%rem3A_197] : memref<4x!tpu.dma_semaphore, #tpu.memory_space<semaphore_mem>> -> memref<1x!tpu.dma_semaphore, #tpu.memory_space<semaphore_mem>>
    %dma_wait3A_205 = tpu.memref_squeeze %dma_wait3A_204 : memref<1x!tpu.dma_semaphore, #tpu.memory_space<semaphore_mem>> -> memref<!tpu.dma_semaphore, #tpu.memory_space<semaphore_mem>>
    %dma_wait3A_206 = arith.constant 0 : i32
    %dma_wait3A_207 = tpu.memref_slice %arg12[%rem3A_194, %dma_wait3A_206] : memref<4x80xi32, #tpu.memory_space<vmem>> -> memref<1x80xi32, #tpu.memory_space<vmem>>
    %dma_wait3A_208 = tpu.memref_squeeze %dma_wait3A_207 : memref<1x80xi32, #tpu.memory_space<vmem>> -> memref<80xi32, #tpu.memory_space<vmem>>
    %dma_wait3A_209 = arith.constant 0 : i32
    %dma_wait3A_210 = tpu.memref_slice %arg6[%add3A, %dma_wait3A, %dma_wait3A_209] : memref<32x125x80xi32, #tpu.memory_space<hbm>> -> memref<1x1x80xi32, #tpu.memory_space<hbm>>
    %dma_wait3A_211 = tpu.memref_squeeze %dma_wait3A_210 : memref<1x1x80xi32, #tpu.memory_space<hbm>> -> memref<80xi32, #tpu.memory_space<hbm>>
    tpu.wait_dma2 semaphore(%dma_wait3A_205 : memref<!tpu.dma_semaphore, #tpu.memory_space<semaphore_mem>>) src(%dma_wait3A_211 : memref<80xi32, #tpu.memory_space<hbm>>) dst(%dma_wait3A_208 : memref<80xi32, #tpu.memory_space<vmem>>)
    %rem3A_212 = arith.constant 0 : i32
    %rem3A_213 = arith.constant 6 : i32
    %rem3A_214 = arith.remsi %rem3A_212, %rem3A_213 : i32
    %rem3A_215 = arith.constant 0 : i32
    %rem3A_216 = arith.constant 6 : i32
    %rem3A_217 = arith.remsi %rem3A_215, %rem3A_216 : i32
    %dma_wait3A_218 = arith.constant 0 : i32
    %dma_wait3A_219 = arith.constant 0 : i32
    %dma_wait3A_220 = tpu.memref_slice %arg13[%rem3A_214, %dma_wait3A_219] : memref<6x80xi32, #tpu.memory_space<vmem>> -> memref<1x80xi32, #tpu.memory_space<vmem>>
    %dma_wait3A_221 = tpu.memref_squeeze %dma_wait3A_220 : memref<1x80xi32, #tpu.memory_space<vmem>> -> memref<80xi32, #tpu.memory_space<vmem>>
    %dma_wait3A_222 = arith.constant 0 : i32
    %dma_wait3A_223 = tpu.memref_slice %arg7[%add3A, %dma_wait3A_218, %dma_wait3A_222] : memref<32x125x80xi32, #tpu.memory_space<hbm>> -> memref<1x1x80xi32, #tpu.memory_space<hbm>>
    %dma_wait3A_224 = tpu.memref_squeeze %dma_wait3A_223 : memref<1x1x80xi32, #tpu.memory_space<hbm>> -> memref<80xi32, #tpu.memory_space<hbm>>
    %dma_wait3A_225 = tpu.memref_slice %arg27[%rem3A_217] : memref<6x!tpu.dma_semaphore, #tpu.memory_space<semaphore_mem>> -> memref<1x!tpu.dma_semaphore, #tpu.memory_space<semaphore_mem>>
    %dma_wait3A_226 = tpu.memref_squeeze %dma_wait3A_225 : memref<1x!tpu.dma_semaphore, #tpu.memory_space<semaphore_mem>> -> memref<!tpu.dma_semaphore, #tpu.memory_space<semaphore_mem>>
    %dma_wait3A_227 = arith.constant 0 : i32
    %dma_wait3A_228 = tpu.memref_slice %arg13[%rem3A_214, %dma_wait3A_227] : memref<6x80xi32, #tpu.memory_space<vmem>> -> memref<1x80xi32, #tpu.memory_space<vmem>>
    %dma_wait3A_229 = tpu.memref_squeeze %dma_wait3A_228 : memref<1x80xi32, #tpu.memory_space<vmem>> -> memref<80xi32, #tpu.memory_space<vmem>>
    %dma_wait3A_230 = arith.constant 0 : i32
    %dma_wait3A_231 = tpu.memref_slice %arg7[%add3A, %dma_wait3A_218, %dma_wait3A_230] : memref<32x125x80xi32, #tpu.memory_space<hbm>> -> memref<1x1x80xi32, #tpu.memory_space<hbm>>
    %dma_wait3A_232 = tpu.memref_squeeze %dma_wait3A_231 : memref<1x1x80xi32, #tpu.memory_space<hbm>> -> memref<80xi32, #tpu.memory_space<hbm>>
    tpu.wait_dma2 semaphore(%dma_wait3A_226 : memref<!tpu.dma_semaphore, #tpu.memory_space<semaphore_mem>>) src(%dma_wait3A_232 : memref<80xi32, #tpu.memory_space<hbm>>) dst(%dma_wait3A_229 : memref<80xi32, #tpu.memory_space<vmem>>)
    %rem3A_233 = arith.constant 0 : i32
    %rem3A_234 = arith.constant 4 : i32
    %rem3A_235 = arith.remsi %rem3A_233, %rem3A_234 : i32
    %rem3A_236 = arith.constant 0 : i32
    %rem3A_237 = arith.constant 3 : i32
    %rem3A_238 = arith.remsi %rem3A_236, %rem3A_237 : i32
    %dma_start3A_239 = arith.constant 0 : i32
    %dma_start3A_240 = arith.constant 0 : i32
    %dma_start3A_241 = tpu.memref_slice %arg16[%rem3A_235, %dma_start3A_239, %dma_start3A_240] : memref<4x80x128xf32, #tpu.memory_space<vmem>> -> memref<1x80x128xf32, #tpu.memory_space<vmem>>
    %dma_start3A_242 = tpu.memref_squeeze %dma_start3A_241 : memref<1x80x128xf32, #tpu.memory_space<vmem>> -> memref<80x128xf32, #tpu.memory_space<vmem>>
    %dma_start3A_243 = arith.constant 0 : i32
    %dma_start3A_244 = tpu.memref_slice %arg12[%rem3A_235, %dma_start3A_243] : memref<4x80xi32, #tpu.memory_space<vmem>> -> memref<1x80xi32, #tpu.memory_space<vmem>>
    %dma_start3A_245 = tpu.memref_squeeze %dma_start3A_244 : memref<1x80xi32, #tpu.memory_space<vmem>> -> memref<80xi32, #tpu.memory_space<vmem>>
    %dma_start3A_246 = arith.constant 0 : i32
    %dma_start3A_247 = arith.constant 0 : i32
    %dma_start3A_248 = tpu.memref_slice %arg2[%dma_start3A_246, %dma_start3A_247] : memref<10240x128xf32, #tpu.memory_space<hbm>> -> memref<10240x128xf32, #tpu.memory_space<hbm>>
    %dma_start3A_249 = tpu.memref_slice %arg23[%rem3A_235] : memref<4x!tpu.dma_semaphore, #tpu.memory_space<semaphore_mem>> -> memref<1x!tpu.dma_semaphore, #tpu.memory_space<semaphore_mem>>
    %dma_start3A_250 = tpu.memref_squeeze %dma_start3A_249 : memref<1x!tpu.dma_semaphore, #tpu.memory_space<semaphore_mem>> -> memref<!tpu.dma_semaphore, #tpu.memory_space<semaphore_mem>>
    tpu.enqueue_indirect_dma source(%dma_start3A_248 : memref<10240x128xf32, #tpu.memory_space<hbm>>) target(%dma_start3A_242 : memref<80x128xf32, #tpu.memory_space<vmem>>) offsets(%dma_start3A_245 : memref<80xi32, #tpu.memory_space<vmem>>) semaphore(%dma_start3A_250 : memref<!tpu.dma_semaphore, #tpu.memory_space<semaphore_mem>>)
    %dma_start3A_251 = arith.constant 0 : i32
    %dma_start3A_252 = tpu.memref_slice %arg17[%rem3A_238, %dma_start3A_251] : memref<3x80xf32, #tpu.memory_space<vmem>> -> memref<1x80xf32, #tpu.memory_space<vmem>>
    %dma_start3A_253 = tpu.memref_squeeze %dma_start3A_252 : memref<1x80xf32, #tpu.memory_space<vmem>> -> memref<80xf32, #tpu.memory_space<vmem>>
    %dma_start3A_254 = arith.constant 0 : i32
    %dma_start3A_255 = tpu.memref_slice %arg12[%rem3A_235, %dma_start3A_254] : memref<4x80xi32, #tpu.memory_space<vmem>> -> memref<1x80xi32, #tpu.memory_space<vmem>>
    %dma_start3A_256 = tpu.memref_squeeze %dma_start3A_255 : memref<1x80xi32, #tpu.memory_space<vmem>> -> memref<80xi32, #tpu.memory_space<vmem>>
    %dma_start3A_257 = arith.constant 0 : i32
    %dma_start3A_258 = tpu.memref_slice %arg19[%dma_start3A_257] : memref<10240xf32, #tpu.memory_space<vmem_shared>> -> memref<10240xf32, #tpu.memory_space<vmem_shared>>
    %dma_start3A_259 = tpu.memref_slice %arg28[%rem3A_238] : memref<3x!tpu.dma_semaphore, #tpu.memory_space<semaphore_mem>> -> memref<1x!tpu.dma_semaphore, #tpu.memory_space<semaphore_mem>>
    %dma_start3A_260 = tpu.memref_squeeze %dma_start3A_259 : memref<1x!tpu.dma_semaphore, #tpu.memory_space<semaphore_mem>> -> memref<!tpu.dma_semaphore, #tpu.memory_space<semaphore_mem>>
    tpu.enqueue_indirect_dma source(%dma_start3A_258 : memref<10240xf32, #tpu.memory_space<vmem_shared>>) target(%dma_start3A_253 : memref<80xf32, #tpu.memory_space<vmem>>) offsets(%dma_start3A_256 : memref<80xi32, #tpu.memory_space<vmem>>) semaphore(%dma_start3A_260 : memref<!tpu.dma_semaphore, #tpu.memory_space<semaphore_mem>>)
    %rem3A_261 = arith.constant 0 : i32
    %rem3A_262 = arith.constant 6 : i32
    %rem3A_263 = arith.remsi %rem3A_261, %rem3A_262 : i32
    %dma_start3A_264 = arith.constant 0 : i32
    %dma_start3A_265 = tpu.memref_slice %arg18[%rem3A_238, %dma_start3A_264] : memref<3x80xf32, #tpu.memory_space<vmem>> -> memref<1x80xf32, #tpu.memory_space<vmem>>
    %dma_start3A_266 = tpu.memref_squeeze %dma_start3A_265 : memref<1x80xf32, #tpu.memory_space<vmem>> -> memref<80xf32, #tpu.memory_space<vmem>>
    %dma_start3A_267 = arith.constant 0 : i32
    %dma_start3A_268 = tpu.memref_slice %arg13[%rem3A_263, %dma_start3A_267] : memref<6x80xi32, #tpu.memory_space<vmem>> -> memref<1x80xi32, #tpu.memory_space<vmem>>
    %dma_start3A_269 = tpu.memref_squeeze %dma_start3A_268 : memref<1x80xi32, #tpu.memory_space<vmem>> -> memref<80xi32, #tpu.memory_space<vmem>>
    %dma_start3A_270 = arith.constant 0 : i32
    %dma_start3A_271 = tpu.memref_slice %arg20[%dma_start3A_270] : memref<10240xf32, #tpu.memory_space<vmem_shared>> -> memref<10240xf32, #tpu.memory_space<vmem_shared>>
    %dma_start3A_272 = tpu.memref_slice %arg29[%rem3A_238] : memref<3x!tpu.dma_semaphore, #tpu.memory_space<semaphore_mem>> -> memref<1x!tpu.dma_semaphore, #tpu.memory_space<semaphore_mem>>
    %dma_start3A_273 = tpu.memref_squeeze %dma_start3A_272 : memref<1x!tpu.dma_semaphore, #tpu.memory_space<semaphore_mem>> -> memref<!tpu.dma_semaphore, #tpu.memory_space<semaphore_mem>>
    tpu.enqueue_indirect_dma source(%dma_start3A_271 : memref<10240xf32, #tpu.memory_space<vmem_shared>>) target(%dma_start3A_266 : memref<80xf32, #tpu.memory_space<vmem>>) offsets(%dma_start3A_269 : memref<80xi32, #tpu.memory_space<vmem>>) semaphore(%dma_start3A_273 : memref<!tpu.dma_semaphore, #tpu.memory_space<semaphore_mem>>)
    %rem3A_274 = arith.constant 1 : i32
    %rem3A_275 = arith.constant 4 : i32
    %rem3A_276 = arith.remsi %rem3A_274, %rem3A_275 : i32
    %rem3A_277 = arith.constant 1 : i32
    %rem3A_278 = arith.constant 4 : i32
    %rem3A_279 = arith.remsi %rem3A_277, %rem3A_278 : i32
    %dma_wait3A_280 = arith.constant 1 : i32
    %dma_wait3A_281 = arith.constant 0 : i32
    %dma_wait3A_282 = tpu.memref_slice %arg12[%rem3A_276, %dma_wait3A_281] : memref<4x80xi32, #tpu.memory_space<vmem>> -> memref<1x80xi32, #tpu.memory_space<vmem>>
    %dma_wait3A_283 = tpu.memref_squeeze %dma_wait3A_282 : memref<1x80xi32, #tpu.memory_space<vmem>> -> memref<80xi32, #tpu.memory_space<vmem>>
    %dma_wait3A_284 = arith.constant 0 : i32
    %dma_wait3A_285 = tpu.memref_slice %arg6[%add3A, %dma_wait3A_280, %dma_wait3A_284] : memref<32x125x80xi32, #tpu.memory_space<hbm>> -> memref<1x1x80xi32, #tpu.memory_space<hbm>>
    %dma_wait3A_286 = tpu.memref_squeeze %dma_wait3A_285 : memref<1x1x80xi32, #tpu.memory_space<hbm>> -> memref<80xi32, #tpu.memory_space<hbm>>
    %dma_wait3A_287 = tpu.memref_slice %arg26[%rem3A_279] : memref<4x!tpu.dma_semaphore, #tpu.memory_space<semaphore_mem>> -> memref<1x!tpu.dma_semaphore, #tpu.memory_space<semaphore_mem>>
    %dma_wait3A_288 = tpu.memref_squeeze %dma_wait3A_287 : memref<1x!tpu.dma_semaphore, #tpu.memory_space<semaphore_mem>> -> memref<!tpu.dma_semaphore, #tpu.memory_space<semaphore_mem>>
    %dma_wait3A_289 = arith.constant 0 : i32
    %dma_wait3A_290 = tpu.memref_slice %arg12[%rem3A_276, %dma_wait3A_289] : memref<4x80xi32, #tpu.memory_space<vmem>> -> memref<1x80xi32, #tpu.memory_space<vmem>>
    %dma_wait3A_291 = tpu.memref_squeeze %dma_wait3A_290 : memref<1x80xi32, #tpu.memory_space<vmem>> -> memref<80xi32, #tpu.memory_space<vmem>>
    %dma_wait3A_292 = arith.constant 0 : i32
    %dma_wait3A_293 = tpu.memref_slice %arg6[%add3A, %dma_wait3A_280, %dma_wait3A_292] : memref<32x125x80xi32, #tpu.memory_space<hbm>> -> memref<1x1x80xi32, #tpu.memory_space<hbm>>
    %dma_wait3A_294 = tpu.memref_squeeze %dma_wait3A_293 : memref<1x1x80xi32, #tpu.memory_space<hbm>> -> memref<80xi32, #tpu.memory_space<hbm>>
    tpu.wait_dma2 semaphore(%dma_wait3A_288 : memref<!tpu.dma_semaphore, #tpu.memory_space<semaphore_mem>>) src(%dma_wait3A_294 : memref<80xi32, #tpu.memory_space<hbm>>) dst(%dma_wait3A_291 : memref<80xi32, #tpu.memory_space<vmem>>)
    %rem3A_295 = arith.constant 1 : i32
    %rem3A_296 = arith.constant 6 : i32
    %rem3A_297 = arith.remsi %rem3A_295, %rem3A_296 : i32
    %rem3A_298 = arith.constant 1 : i32
    %rem3A_299 = arith.constant 6 : i32
    %rem3A_300 = arith.remsi %rem3A_298, %rem3A_299 : i32
    %dma_wait3A_301 = arith.constant 1 : i32
    %dma_wait3A_302 = arith.constant 0 : i32
    %dma_wait3A_303 = tpu.memref_slice %arg13[%rem3A_297, %dma_wait3A_302] : memref<6x80xi32, #tpu.memory_space<vmem>> -> memref<1x80xi32, #tpu.memory_space<vmem>>
    %dma_wait3A_304 = tpu.memref_squeeze %dma_wait3A_303 : memref<1x80xi32, #tpu.memory_space<vmem>> -> memref<80xi32, #tpu.memory_space<vmem>>
    %dma_wait3A_305 = arith.constant 0 : i32
    %dma_wait3A_306 = tpu.memref_slice %arg7[%add3A, %dma_wait3A_301, %dma_wait3A_305] : memref<32x125x80xi32, #tpu.memory_space<hbm>> -> memref<1x1x80xi32, #tpu.memory_space<hbm>>
    %dma_wait3A_307 = tpu.memref_squeeze %dma_wait3A_306 : memref<1x1x80xi32, #tpu.memory_space<hbm>> -> memref<80xi32, #tpu.memory_space<hbm>>
    %dma_wait3A_308 = tpu.memref_slice %arg27[%rem3A_300] : memref<6x!tpu.dma_semaphore, #tpu.memory_space<semaphore_mem>> -> memref<1x!tpu.dma_semaphore, #tpu.memory_space<semaphore_mem>>
    %dma_wait3A_309 = tpu.memref_squeeze %dma_wait3A_308 : memref<1x!tpu.dma_semaphore, #tpu.memory_space<semaphore_mem>> -> memref<!tpu.dma_semaphore, #tpu.memory_space<semaphore_mem>>
    %dma_wait3A_310 = arith.constant 0 : i32
    %dma_wait3A_311 = tpu.memref_slice %arg13[%rem3A_297, %dma_wait3A_310] : memref<6x80xi32, #tpu.memory_space<vmem>> -> memref<1x80xi32, #tpu.memory_space<vmem>>
    %dma_wait3A_312 = tpu.memref_squeeze %dma_wait3A_311 : memref<1x80xi32, #tpu.memory_space<vmem>> -> memref<80xi32, #tpu.memory_space<vmem>>
    %dma_wait3A_313 = arith.constant 0 : i32
    %dma_wait3A_314 = tpu.memref_slice %arg7[%add3A, %dma_wait3A_301, %dma_wait3A_313] : memref<32x125x80xi32, #tpu.memory_space<hbm>> -> memref<1x1x80xi32, #tpu.memory_space<hbm>>
    %dma_wait3A_315 = tpu.memref_squeeze %dma_wait3A_314 : memref<1x1x80xi32, #tpu.memory_space<hbm>> -> memref<80xi32, #tpu.memory_space<hbm>>
    tpu.wait_dma2 semaphore(%dma_wait3A_309 : memref<!tpu.dma_semaphore, #tpu.memory_space<semaphore_mem>>) src(%dma_wait3A_315 : memref<80xi32, #tpu.memory_space<hbm>>) dst(%dma_wait3A_312 : memref<80xi32, #tpu.memory_space<vmem>>)
    %rem3A_316 = arith.constant 1 : i32
    %rem3A_317 = arith.constant 4 : i32
    %rem3A_318 = arith.remsi %rem3A_316, %rem3A_317 : i32
    %rem3A_319 = arith.constant 1 : i32
    %rem3A_320 = arith.constant 3 : i32
    %rem3A_321 = arith.remsi %rem3A_319, %rem3A_320 : i32
    %dma_start3A_322 = arith.constant 0 : i32
    %dma_start3A_323 = arith.constant 0 : i32
    %dma_start3A_324 = tpu.memref_slice %arg16[%rem3A_318, %dma_start3A_322, %dma_start3A_323] : memref<4x80x128xf32, #tpu.memory_space<vmem>> -> memref<1x80x128xf32, #tpu.memory_space<vmem>>
    %dma_start3A_325 = tpu.memref_squeeze %dma_start3A_324 : memref<1x80x128xf32, #tpu.memory_space<vmem>> -> memref<80x128xf32, #tpu.memory_space<vmem>>
    %dma_start3A_326 = arith.constant 0 : i32
    %dma_start3A_327 = tpu.memref_slice %arg12[%rem3A_318, %dma_start3A_326] : memref<4x80xi32, #tpu.memory_space<vmem>> -> memref<1x80xi32, #tpu.memory_space<vmem>>
    %dma_start3A_328 = tpu.memref_squeeze %dma_start3A_327 : memref<1x80xi32, #tpu.memory_space<vmem>> -> memref<80xi32, #tpu.memory_space<vmem>>
    %dma_start3A_329 = arith.constant 0 : i32
    %dma_start3A_330 = arith.constant 0 : i32
    %dma_start3A_331 = tpu.memref_slice %arg2[%dma_start3A_329, %dma_start3A_330] : memref<10240x128xf32, #tpu.memory_space<hbm>> -> memref<10240x128xf32, #tpu.memory_space<hbm>>
    %dma_start3A_332 = tpu.memref_slice %arg23[%rem3A_318] : memref<4x!tpu.dma_semaphore, #tpu.memory_space<semaphore_mem>> -> memref<1x!tpu.dma_semaphore, #tpu.memory_space<semaphore_mem>>
    %dma_start3A_333 = tpu.memref_squeeze %dma_start3A_332 : memref<1x!tpu.dma_semaphore, #tpu.memory_space<semaphore_mem>> -> memref<!tpu.dma_semaphore, #tpu.memory_space<semaphore_mem>>
    tpu.enqueue_indirect_dma source(%dma_start3A_331 : memref<10240x128xf32, #tpu.memory_space<hbm>>) target(%dma_start3A_325 : memref<80x128xf32, #tpu.memory_space<vmem>>) offsets(%dma_start3A_328 : memref<80xi32, #tpu.memory_space<vmem>>) semaphore(%dma_start3A_333 : memref<!tpu.dma_semaphore, #tpu.memory_space<semaphore_mem>>)
    %dma_start3A_334 = arith.constant 0 : i32
    %dma_start3A_335 = tpu.memref_slice %arg17[%rem3A_321, %dma_start3A_334] : memref<3x80xf32, #tpu.memory_space<vmem>> -> memref<1x80xf32, #tpu.memory_space<vmem>>
    %dma_start3A_336 = tpu.memref_squeeze %dma_start3A_335 : memref<1x80xf32, #tpu.memory_space<vmem>> -> memref<80xf32, #tpu.memory_space<vmem>>
    %dma_start3A_337 = arith.constant 0 : i32
    %dma_start3A_338 = tpu.memref_slice %arg12[%rem3A_318, %dma_start3A_337] : memref<4x80xi32, #tpu.memory_space<vmem>> -> memref<1x80xi32, #tpu.memory_space<vmem>>
    %dma_start3A_339 = tpu.memref_squeeze %dma_start3A_338 : memref<1x80xi32, #tpu.memory_space<vmem>> -> memref<80xi32, #tpu.memory_space<vmem>>
    %dma_start3A_340 = arith.constant 0 : i32
    %dma_start3A_341 = tpu.memref_slice %arg19[%dma_start3A_340] : memref<10240xf32, #tpu.memory_space<vmem_shared>> -> memref<10240xf32, #tpu.memory_space<vmem_shared>>
    %dma_start3A_342 = tpu.memref_slice %arg28[%rem3A_321] : memref<3x!tpu.dma_semaphore, #tpu.memory_space<semaphore_mem>> -> memref<1x!tpu.dma_semaphore, #tpu.memory_space<semaphore_mem>>
    %dma_start3A_343 = tpu.memref_squeeze %dma_start3A_342 : memref<1x!tpu.dma_semaphore, #tpu.memory_space<semaphore_mem>> -> memref<!tpu.dma_semaphore, #tpu.memory_space<semaphore_mem>>
    tpu.enqueue_indirect_dma source(%dma_start3A_341 : memref<10240xf32, #tpu.memory_space<vmem_shared>>) target(%dma_start3A_336 : memref<80xf32, #tpu.memory_space<vmem>>) offsets(%dma_start3A_339 : memref<80xi32, #tpu.memory_space<vmem>>) semaphore(%dma_start3A_343 : memref<!tpu.dma_semaphore, #tpu.memory_space<semaphore_mem>>)
    %rem3A_344 = arith.constant 1 : i32
    %rem3A_345 = arith.constant 6 : i32
    %rem3A_346 = arith.remsi %rem3A_344, %rem3A_345 : i32
    %dma_start3A_347 = arith.constant 0 : i32
    %dma_start3A_348 = tpu.memref_slice %arg18[%rem3A_321, %dma_start3A_347] : memref<3x80xf32, #tpu.memory_space<vmem>> -> memref<1x80xf32, #tpu.memory_space<vmem>>
    %dma_start3A_349 = tpu.memref_squeeze %dma_start3A_348 : memref<1x80xf32, #tpu.memory_space<vmem>> -> memref<80xf32, #tpu.memory_space<vmem>>
    %dma_start3A_350 = arith.constant 0 : i32
    %dma_start3A_351 = tpu.memref_slice %arg13[%rem3A_346, %dma_start3A_350] : memref<6x80xi32, #tpu.memory_space<vmem>> -> memref<1x80xi32, #tpu.memory_space<vmem>>
    %dma_start3A_352 = tpu.memref_squeeze %dma_start3A_351 : memref<1x80xi32, #tpu.memory_space<vmem>> -> memref<80xi32, #tpu.memory_space<vmem>>
    %dma_start3A_353 = arith.constant 0 : i32
    %dma_start3A_354 = tpu.memref_slice %arg20[%dma_start3A_353] : memref<10240xf32, #tpu.memory_space<vmem_shared>> -> memref<10240xf32, #tpu.memory_space<vmem_shared>>
    %dma_start3A_355 = tpu.memref_slice %arg29[%rem3A_321] : memref<3x!tpu.dma_semaphore, #tpu.memory_space<semaphore_mem>> -> memref<1x!tpu.dma_semaphore, #tpu.memory_space<semaphore_mem>>
    %dma_start3A_356 = tpu.memref_squeeze %dma_start3A_355 : memref<1x!tpu.dma_semaphore, #tpu.memory_space<semaphore_mem>> -> memref<!tpu.dma_semaphore, #tpu.memory_space<semaphore_mem>>
    tpu.enqueue_indirect_dma source(%dma_start3A_354 : memref<10240xf32, #tpu.memory_space<vmem_shared>>) target(%dma_start3A_349 : memref<80xf32, #tpu.memory_space<vmem>>) offsets(%dma_start3A_352 : memref<80xi32, #tpu.memory_space<vmem>>) semaphore(%dma_start3A_356 : memref<!tpu.dma_semaphore, #tpu.memory_space<semaphore_mem>>)
    %scan3A = arith.constant 0 : i32
    %scan3A_357 = arith.constant 0 : i32
    %scan3A_358 = arith.constant 125 : i32
    %scan3A_359 = arith.addi %scan3A_357, %scan3A_358 : i32
    %scan3A_360 = arith.constant 1 : i32
    scf.for %scan3A_402 = %scan3A_357 to %scan3A_359 step %scan3A_360  : i32 {
      %rem3A_403 = arith.constant 4 : i32
      %rem3A_404 = arith.remsi %scan3A_402, %rem3A_403 : i32
      %rem3A_405 = arith.constant 2 : i32
      %rem3A_406 = arith.remsi %scan3A_402, %rem3A_405 : i32
      %rem3A_407 = arith.constant 3 : i32
      %rem3A_408 = arith.remsi %scan3A_402, %rem3A_407 : i32
      %rem3A_409 = arith.constant 4 : i32
      %rem3A_410 = arith.remsi %scan3A_402, %rem3A_409 : i32
      %rem3A_411 = arith.constant 3 : i32
      %rem3A_412 = arith.remsi %scan3A_402, %rem3A_411 : i32
      %dma_wait3A_413 = arith.constant 0 : i32
      %dma_wait3A_414 = arith.constant 0 : i32
      %dma_wait3A_415 = tpu.memref_slice %arg16[%rem3A_410, %dma_wait3A_413, %dma_wait3A_414] : memref<4x80x128xf32, #tpu.memory_space<vmem>> -> memref<1x80x128xf32, #tpu.memory_space<vmem>>
      %dma_wait3A_416 = tpu.memref_squeeze %dma_wait3A_415 : memref<1x80x128xf32, #tpu.memory_space<vmem>> -> memref<80x128xf32, #tpu.memory_space<vmem>>
      %dma_wait3A_417 = arith.constant 0 : i32
      %dma_wait3A_418 = tpu.memref_slice %arg12[%rem3A_410, %dma_wait3A_417] : memref<4x80xi32, #tpu.memory_space<vmem>> -> memref<1x80xi32, #tpu.memory_space<vmem>>
      %dma_wait3A_419 = tpu.memref_squeeze %dma_wait3A_418 : memref<1x80xi32, #tpu.memory_space<vmem>> -> memref<80xi32, #tpu.memory_space<vmem>>
      %dma_wait3A_420 = arith.constant 0 : i32
      %dma_wait3A_421 = arith.constant 0 : i32
      %dma_wait3A_422 = tpu.memref_slice %arg2[%dma_wait3A_420, %dma_wait3A_421] : memref<10240x128xf32, #tpu.memory_space<hbm>> -> memref<10240x128xf32, #tpu.memory_space<hbm>>
      %dma_wait3A_423 = tpu.memref_slice %arg23[%rem3A_410] : memref<4x!tpu.dma_semaphore, #tpu.memory_space<semaphore_mem>> -> memref<1x!tpu.dma_semaphore, #tpu.memory_space<semaphore_mem>>
      %dma_wait3A_424 = tpu.memref_squeeze %dma_wait3A_423 : memref<1x!tpu.dma_semaphore, #tpu.memory_space<semaphore_mem>> -> memref<!tpu.dma_semaphore, #tpu.memory_space<semaphore_mem>>
      tpu.wait_indirect_dma semaphore(%dma_wait3A_424 : memref<!tpu.dma_semaphore, #tpu.memory_space<semaphore_mem>>) src(%dma_wait3A_422 : memref<10240x128xf32, #tpu.memory_space<hbm>>) dst(%dma_wait3A_416 : memref<80x128xf32, #tpu.memory_space<vmem>>)
      %dma_wait3A_425 = arith.constant 0 : i32
      %dma_wait3A_426 = tpu.memref_slice %arg17[%rem3A_412, %dma_wait3A_425] : memref<3x80xf32, #tpu.memory_space<vmem>> -> memref<1x80xf32, #tpu.memory_space<vmem>>
      %dma_wait3A_427 = tpu.memref_squeeze %dma_wait3A_426 : memref<1x80xf32, #tpu.memory_space<vmem>> -> memref<80xf32, #tpu.memory_space<vmem>>
      %dma_wait3A_428 = arith.constant 0 : i32
      %dma_wait3A_429 = tpu.memref_slice %arg12[%rem3A_410, %dma_wait3A_428] : memref<4x80xi32, #tpu.memory_space<vmem>> -> memref<1x80xi32, #tpu.memory_space<vmem>>
      %dma_wait3A_430 = tpu.memref_squeeze %dma_wait3A_429 : memref<1x80xi32, #tpu.memory_space<vmem>> -> memref<80xi32, #tpu.memory_space<vmem>>
      %dma_wait3A_431 = arith.constant 0 : i32
      %dma_wait3A_432 = tpu.memref_slice %arg19[%dma_wait3A_431] : memref<10240xf32, #tpu.memory_space<vmem_shared>> -> memref<10240xf32, #tpu.memory_space<vmem_shared>>
      %dma_wait3A_433 = tpu.memref_slice %arg28[%rem3A_412] : memref<3x!tpu.dma_semaphore, #tpu.memory_space<semaphore_mem>> -> memref<1x!tpu.dma_semaphore, #tpu.memory_space<semaphore_mem>>
      %dma_wait3A_434 = tpu.memref_squeeze %dma_wait3A_433 : memref<1x!tpu.dma_semaphore, #tpu.memory_space<semaphore_mem>> -> memref<!tpu.dma_semaphore, #tpu.memory_space<semaphore_mem>>
      tpu.wait_indirect_dma semaphore(%dma_wait3A_434 : memref<!tpu.dma_semaphore, #tpu.memory_space<semaphore_mem>>) src(%dma_wait3A_432 : memref<10240xf32, #tpu.memory_space<vmem_shared>>) dst(%dma_wait3A_427 : memref<80xf32, #tpu.memory_space<vmem>>)
      %rem3A_435 = arith.constant 6 : i32
      %rem3A_436 = arith.remsi %scan3A_402, %rem3A_435 : i32
      %dma_wait3A_437 = arith.constant 0 : i32
      %dma_wait3A_438 = tpu.memref_slice %arg18[%rem3A_412, %dma_wait3A_437] : memref<3x80xf32, #tpu.memory_space<vmem>> -> memref<1x80xf32, #tpu.memory_space<vmem>>
      %dma_wait3A_439 = tpu.memref_squeeze %dma_wait3A_438 : memref<1x80xf32, #tpu.memory_space<vmem>> -> memref<80xf32, #tpu.memory_space<vmem>>
      %dma_wait3A_440 = arith.constant 0 : i32
      %dma_wait3A_441 = tpu.memref_slice %arg13[%rem3A_436, %dma_wait3A_440] : memref<6x80xi32, #tpu.memory_space<vmem>> -> memref<1x80xi32, #tpu.memory_space<vmem>>
      %dma_wait3A_442 = tpu.memref_squeeze %dma_wait3A_441 : memref<1x80xi32, #tpu.memory_space<vmem>> -> memref<80xi32, #tpu.memory_space<vmem>>
      %dma_wait3A_443 = arith.constant 0 : i32
      %dma_wait3A_444 = tpu.memref_slice %arg20[%dma_wait3A_443] : memref<10240xf32, #tpu.memory_space<vmem_shared>> -> memref<10240xf32, #tpu.memory_space<vmem_shared>>
      %dma_wait3A_445 = tpu.memref_slice %arg29[%rem3A_412] : memref<3x!tpu.dma_semaphore, #tpu.memory_space<semaphore_mem>> -> memref<1x!tpu.dma_semaphore, #tpu.memory_space<semaphore_mem>>
      %dma_wait3A_446 = tpu.memref_squeeze %dma_wait3A_445 : memref<1x!tpu.dma_semaphore, #tpu.memory_space<semaphore_mem>> -> memref<!tpu.dma_semaphore, #tpu.memory_space<semaphore_mem>>
      tpu.wait_indirect_dma semaphore(%dma_wait3A_446 : memref<!tpu.dma_semaphore, #tpu.memory_space<semaphore_mem>>) src(%dma_wait3A_444 : memref<10240xf32, #tpu.memory_space<vmem_shared>>) dst(%dma_wait3A_439 : memref<80xf32, #tpu.memory_space<vmem>>)
      %add3A_447 = arith.constant 2 : i32
      %add3A_448 = arith.addi %scan3A_402, %add3A_447 : i32
      %lt3A = arith.constant 125 : i32
      %lt3A_449 = arith.cmpi slt, %add3A_448, %lt3A : i32
      %convert_element_type3A = arith.extui %lt3A_449 : i1 to i32
      %cond3A = arith.constant 0 : i32
      %cond3A_450 = arith.cmpi ne, %convert_element_type3A, %cond3A : i32
      scf.if %cond3A_450 {
        %add3A_588 = arith.constant 2 : i32
        %add3A_589 = arith.addi %scan3A_402, %add3A_588 : i32
        %rem3A_590 = arith.constant 4 : i32
        %rem3A_591 = arith.remsi %add3A_589, %rem3A_590 : i32
        %rem3A_592 = arith.constant 4 : i32
        %rem3A_593 = arith.remsi %add3A_589, %rem3A_592 : i32
        %dma_wait3A_594 = arith.constant 0 : i32
        %dma_wait3A_595 = tpu.memref_slice %arg12[%rem3A_591, %dma_wait3A_594] : memref<4x80xi32, #tpu.memory_space<vmem>> -> memref<1x80xi32, #tpu.memory_space<vmem>>
        %dma_wait3A_596 = tpu.memref_squeeze %dma_wait3A_595 : memref<1x80xi32, #tpu.memory_space<vmem>> -> memref<80xi32, #tpu.memory_space<vmem>>
        %dma_wait3A_597 = arith.constant 0 : i32
        %dma_wait3A_598 = tpu.memref_slice %arg6[%add3A, %add3A_589, %dma_wait3A_597] : memref<32x125x80xi32, #tpu.memory_space<hbm>> -> memref<1x1x80xi32, #tpu.memory_space<hbm>>
        %dma_wait3A_599 = tpu.memref_squeeze %dma_wait3A_598 : memref<1x1x80xi32, #tpu.memory_space<hbm>> -> memref<80xi32, #tpu.memory_space<hbm>>
        %dma_wait3A_600 = tpu.memref_slice %arg26[%rem3A_593] : memref<4x!tpu.dma_semaphore, #tpu.memory_space<semaphore_mem>> -> memref<1x!tpu.dma_semaphore, #tpu.memory_space<semaphore_mem>>
        %dma_wait3A_601 = tpu.memref_squeeze %dma_wait3A_600 : memref<1x!tpu.dma_semaphore, #tpu.memory_space<semaphore_mem>> -> memref<!tpu.dma_semaphore, #tpu.memory_space<semaphore_mem>>
        %dma_wait3A_602 = arith.constant 0 : i32
        %dma_wait3A_603 = tpu.memref_slice %arg12[%rem3A_591, %dma_wait3A_602] : memref<4x80xi32, #tpu.memory_space<vmem>> -> memref<1x80xi32, #tpu.memory_space<vmem>>
        %dma_wait3A_604 = tpu.memref_squeeze %dma_wait3A_603 : memref<1x80xi32, #tpu.memory_space<vmem>> -> memref<80xi32, #tpu.memory_space<vmem>>
        %dma_wait3A_605 = arith.constant 0 : i32
        %dma_wait3A_606 = tpu.memref_slice %arg6[%add3A, %add3A_589, %dma_wait3A_605] : memref<32x125x80xi32, #tpu.memory_space<hbm>> -> memref<1x1x80xi32, #tpu.memory_space<hbm>>
        %dma_wait3A_607 = tpu.memref_squeeze %dma_wait3A_606 : memref<1x1x80xi32, #tpu.memory_space<hbm>> -> memref<80xi32, #tpu.memory_space<hbm>>
        tpu.wait_dma2 semaphore(%dma_wait3A_601 : memref<!tpu.dma_semaphore, #tpu.memory_space<semaphore_mem>>) src(%dma_wait3A_607 : memref<80xi32, #tpu.memory_space<hbm>>) dst(%dma_wait3A_604 : memref<80xi32, #tpu.memory_space<vmem>>)
        %rem3A_608 = arith.constant 6 : i32
        %rem3A_609 = arith.remsi %add3A_589, %rem3A_608 : i32
        %rem3A_610 = arith.constant 6 : i32
        %rem3A_611 = arith.remsi %add3A_589, %rem3A_610 : i32
        %dma_wait3A_612 = arith.constant 0 : i32
        %dma_wait3A_613 = tpu.memref_slice %arg13[%rem3A_609, %dma_wait3A_612] : memref<6x80xi32, #tpu.memory_space<vmem>> -> memref<1x80xi32, #tpu.memory_space<vmem>>
        %dma_wait3A_614 = tpu.memref_squeeze %dma_wait3A_613 : memref<1x80xi32, #tpu.memory_space<vmem>> -> memref<80xi32, #tpu.memory_space<vmem>>
        %dma_wait3A_615 = arith.constant 0 : i32
        %dma_wait3A_616 = tpu.memref_slice %arg7[%add3A, %add3A_589, %dma_wait3A_615] : memref<32x125x80xi32, #tpu.memory_space<hbm>> -> memref<1x1x80xi32, #tpu.memory_space<hbm>>
        %dma_wait3A_617 = tpu.memref_squeeze %dma_wait3A_616 : memref<1x1x80xi32, #tpu.memory_space<hbm>> -> memref<80xi32, #tpu.memory_space<hbm>>
        %dma_wait3A_618 = tpu.memref_slice %arg27[%rem3A_611] : memref<6x!tpu.dma_semaphore, #tpu.memory_space<semaphore_mem>> -> memref<1x!tpu.dma_semaphore, #tpu.memory_space<semaphore_mem>>
        %dma_wait3A_619 = tpu.memref_squeeze %dma_wait3A_618 : memref<1x!tpu.dma_semaphore, #tpu.memory_space<semaphore_mem>> -> memref<!tpu.dma_semaphore, #tpu.memory_space<semaphore_mem>>
        %dma_wait3A_620 = arith.constant 0 : i32
        %dma_wait3A_621 = tpu.memref_slice %arg13[%rem3A_609, %dma_wait3A_620] : memref<6x80xi32, #tpu.memory_space<vmem>> -> memref<1x80xi32, #tpu.memory_space<vmem>>
        %dma_wait3A_622 = tpu.memref_squeeze %dma_wait3A_621 : memref<1x80xi32, #tpu.memory_space<vmem>> -> memref<80xi32, #tpu.memory_space<vmem>>
        %dma_wait3A_623 = arith.constant 0 : i32
        %dma_wait3A_624 = tpu.memref_slice %arg7[%add3A, %add3A_589, %dma_wait3A_623] : memref<32x125x80xi32, #tpu.memory_space<hbm>> -> memref<1x1x80xi32, #tpu.memory_space<hbm>>
        %dma_wait3A_625 = tpu.memref_squeeze %dma_wait3A_624 : memref<1x1x80xi32, #tpu.memory_space<hbm>> -> memref<80xi32, #tpu.memory_space<hbm>>
        tpu.wait_dma2 semaphore(%dma_wait3A_619 : memref<!tpu.dma_semaphore, #tpu.memory_space<semaphore_mem>>) src(%dma_wait3A_625 : memref<80xi32, #tpu.memory_space<hbm>>) dst(%dma_wait3A_622 : memref<80xi32, #tpu.memory_space<vmem>>)
        %add3A_626 = arith.constant 2 : i32
        %add3A_627 = arith.addi %scan3A_402, %add3A_626 : i32
        %rem3A_628 = arith.constant 4 : i32
        %rem3A_629 = arith.remsi %add3A_627, %rem3A_628 : i32
        %rem3A_630 = arith.constant 3 : i32
        %rem3A_631 = arith.remsi %add3A_627, %rem3A_630 : i32
        %dma_start3A_632 = arith.constant 0 : i32
        %dma_start3A_633 = arith.constant 0 : i32
        %dma_start3A_634 = tpu.memref_slice %arg16[%rem3A_629, %dma_start3A_632, %dma_start3A_633] : memref<4x80x128xf32, #tpu.memory_space<vmem>> -> memref<1x80x128xf32, #tpu.memory_space<vmem>>
        %dma_start3A_635 = tpu.memref_squeeze %dma_start3A_634 : memref<1x80x128xf32, #tpu.memory_space<vmem>> -> memref<80x128xf32, #tpu.memory_space<vmem>>
        %dma_start3A_636 = arith.constant 0 : i32
        %dma_start3A_637 = tpu.memref_slice %arg12[%rem3A_629, %dma_start3A_636] : memref<4x80xi32, #tpu.memory_space<vmem>> -> memref<1x80xi32, #tpu.memory_space<vmem>>
        %dma_start3A_638 = tpu.memref_squeeze %dma_start3A_637 : memref<1x80xi32, #tpu.memory_space<vmem>> -> memref<80xi32, #tpu.memory_space<vmem>>
        %dma_start3A_639 = arith.constant 0 : i32
        %dma_start3A_640 = arith.constant 0 : i32
        %dma_start3A_641 = tpu.memref_slice %arg2[%dma_start3A_639, %dma_start3A_640] : memref<10240x128xf32, #tpu.memory_space<hbm>> -> memref<10240x128xf32, #tpu.memory_space<hbm>>
        %dma_start3A_642 = tpu.memref_slice %arg23[%rem3A_629] : memref<4x!tpu.dma_semaphore, #tpu.memory_space<semaphore_mem>> -> memref<1x!tpu.dma_semaphore, #tpu.memory_space<semaphore_mem>>
        %dma_start3A_643 = tpu.memref_squeeze %dma_start3A_642 : memref<1x!tpu.dma_semaphore, #tpu.memory_space<semaphore_mem>> -> memref<!tpu.dma_semaphore, #tpu.memory_space<semaphore_mem>>
        tpu.enqueue_indirect_dma source(%dma_start3A_641 : memref<10240x128xf32, #tpu.memory_space<hbm>>) target(%dma_start3A_635 : memref<80x128xf32, #tpu.memory_space<vmem>>) offsets(%dma_start3A_638 : memref<80xi32, #tpu.memory_space<vmem>>) semaphore(%dma_start3A_643 : memref<!tpu.dma_semaphore, #tpu.memory_space<semaphore_mem>>)
        %dma_start3A_644 = arith.constant 0 : i32
        %dma_start3A_645 = tpu.memref_slice %arg17[%rem3A_631, %dma_start3A_644] : memref<3x80xf32, #tpu.memory_space<vmem>> -> memref<1x80xf32, #tpu.memory_space<vmem>>
        %dma_start3A_646 = tpu.memref_squeeze %dma_start3A_645 : memref<1x80xf32, #tpu.memory_space<vmem>> -> memref<80xf32, #tpu.memory_space<vmem>>
        %dma_start3A_647 = arith.constant 0 : i32
        %dma_start3A_648 = tpu.memref_slice %arg12[%rem3A_629, %dma_start3A_647] : memref<4x80xi32, #tpu.memory_space<vmem>> -> memref<1x80xi32, #tpu.memory_space<vmem>>
        %dma_start3A_649 = tpu.memref_squeeze %dma_start3A_648 : memref<1x80xi32, #tpu.memory_space<vmem>> -> memref<80xi32, #tpu.memory_space<vmem>>
        %dma_start3A_650 = arith.constant 0 : i32
        %dma_start3A_651 = tpu.memref_slice %arg19[%dma_start3A_650] : memref<10240xf32, #tpu.memory_space<vmem_shared>> -> memref<10240xf32, #tpu.memory_space<vmem_shared>>
        %dma_start3A_652 = tpu.memref_slice %arg28[%rem3A_631] : memref<3x!tpu.dma_semaphore, #tpu.memory_space<semaphore_mem>> -> memref<1x!tpu.dma_semaphore, #tpu.memory_space<semaphore_mem>>
        %dma_start3A_653 = tpu.memref_squeeze %dma_start3A_652 : memref<1x!tpu.dma_semaphore, #tpu.memory_space<semaphore_mem>> -> memref<!tpu.dma_semaphore, #tpu.memory_space<semaphore_mem>>
        tpu.enqueue_indirect_dma source(%dma_start3A_651 : memref<10240xf32, #tpu.memory_space<vmem_shared>>) target(%dma_start3A_646 : memref<80xf32, #tpu.memory_space<vmem>>) offsets(%dma_start3A_649 : memref<80xi32, #tpu.memory_space<vmem>>) semaphore(%dma_start3A_653 : memref<!tpu.dma_semaphore, #tpu.memory_space<semaphore_mem>>)
        %rem3A_654 = arith.constant 6 : i32
        %rem3A_655 = arith.remsi %add3A_627, %rem3A_654 : i32
        %dma_start3A_656 = arith.constant 0 : i32
        %dma_start3A_657 = tpu.memref_slice %arg18[%rem3A_631, %dma_start3A_656] : memref<3x80xf32, #tpu.memory_space<vmem>> -> memref<1x80xf32, #tpu.memory_space<vmem>>
        %dma_start3A_658 = tpu.memref_squeeze %dma_start3A_657 : memref<1x80xf32, #tpu.memory_space<vmem>> -> memref<80xf32, #tpu.memory_space<vmem>>
        %dma_start3A_659 = arith.constant 0 : i32
        %dma_start3A_660 = tpu.memref_slice %arg13[%rem3A_655, %dma_start3A_659] : memref<6x80xi32, #tpu.memory_space<vmem>> -> memref<1x80xi32, #tpu.memory_space<vmem>>
        %dma_start3A_661 = tpu.memref_squeeze %dma_start3A_660 : memref<1x80xi32, #tpu.memory_space<vmem>> -> memref<80xi32, #tpu.memory_space<vmem>>
        %dma_start3A_662 = arith.constant 0 : i32
        %dma_start3A_663 = tpu.memref_slice %arg20[%dma_start3A_662] : memref<10240xf32, #tpu.memory_space<vmem_shared>> -> memref<10240xf32, #tpu.memory_space<vmem_shared>>
        %dma_start3A_664 = tpu.memref_slice %arg29[%rem3A_631] : memref<3x!tpu.dma_semaphore, #tpu.memory_space<semaphore_mem>> -> memref<1x!tpu.dma_semaphore, #tpu.memory_space<semaphore_mem>>
        %dma_start3A_665 = tpu.memref_squeeze %dma_start3A_664 : memref<1x!tpu.dma_semaphore, #tpu.memory_space<semaphore_mem>> -> memref<!tpu.dma_semaphore, #tpu.memory_space<semaphore_mem>>
        tpu.enqueue_indirect_dma source(%dma_start3A_663 : memref<10240xf32, #tpu.memory_space<vmem_shared>>) target(%dma_start3A_658 : memref<80xf32, #tpu.memory_space<vmem>>) offsets(%dma_start3A_661 : memref<80xi32, #tpu.memory_space<vmem>>) semaphore(%dma_start3A_665 : memref<!tpu.dma_semaphore, #tpu.memory_space<semaphore_mem>>)
      } else {
      }
      %get3A_451 = arith.index_cast %rem3A_408 : i32 to index
      %get3A_452 = arith.constant 0 : index
      %get3A_453 = tpu.vector_load %arg17[%get3A_451, %get3A_452] {strides = array<i32>} : memref<3x80xf32, #tpu.memory_space<vmem>>, vector<16xf32>,
      %get3A_454 = arith.index_cast %rem3A_408 : i32 to index
      %get3A_455 = arith.constant 0 : index
      %get3A_456 = tpu.vector_load %arg18[%get3A_454, %get3A_455] {strides = array<i32>} : memref<3x80xf32, #tpu.memory_space<vmem>>, vector<16xf32>,
      %add3A_457 = arith.addf %get3A_453, %get3A_456 : vector<16xf32>
      %ge3A_458 = arith.constant 0.000000e+00 : f32
      %ge3A_459 = vector.broadcast %ge3A_458 : f32 to vector<16xf32>
      %ge3A_460 = arith.cmpf oge, %add3A_457, %ge3A_459 : vector<16xf32>
      %mul3A_461 = arith.constant 2.000000e-01 : f32
      %mul3A_462 = vector.broadcast %mul3A_461 : f32 to vector<16xf32>
      %mul3A_463 = arith.mulf %mul3A_462, %add3A_457 : vector<16xf32>
      %select_n3A_464 = arith.select %ge3A_460, %add3A_457, %mul3A_463 : vector<16xi1>, vector<16xf32>
      %sub3A = arith.subf %select_n3A_464, %select_n3A : vector<16xf32>
      %exp3A = math.exp %sub3A : vector<16xf32>
      %swap3A = arith.index_cast %rem3A_406 : i32 to index
      %swap3A_465 = arith.constant 0 : index
      %swap3A_466 = tpu.vector_load %arg15[%swap3A, %swap3A_465] {strides = array<i32>} : memref<2x80xf32, #tpu.memory_space<vmem>>, vector<16xf32>,
      tpu.vector_store %arg15[%swap3A, %swap3A_465], %exp3A {strides = array<i32>} : memref<2x80xf32, #tpu.memory_space<vmem>>, vector<16xf32>,
      %get3A_467 = arith.index_cast %rem3A_408 : i32 to index
      %get3A_468 = arith.constant 16 : index
      %get3A_469 = tpu.vector_load %arg17[%get3A_467, %get3A_468] {strides = array<i32>} : memref<3x80xf32, #tpu.memory_space<vmem>>, vector<16xf32>,
      %get3A_470 = arith.index_cast %rem3A_408 : i32 to index
      %get3A_471 = arith.constant 16 : index
      %get3A_472 = tpu.vector_load %arg18[%get3A_470, %get3A_471] {strides = array<i32>} : memref<3x80xf32, #tpu.memory_space<vmem>>, vector<16xf32>,
      %add3A_473 = arith.addf %get3A_469, %get3A_472 : vector<16xf32>
      %ge3A_474 = arith.constant 0.000000e+00 : f32
      %ge3A_475 = vector.broadcast %ge3A_474 : f32 to vector<16xf32>
      %ge3A_476 = arith.cmpf oge, %add3A_473, %ge3A_475 : vector<16xf32>
      %mul3A_477 = arith.constant 2.000000e-01 : f32
      %mul3A_478 = vector.broadcast %mul3A_477 : f32 to vector<16xf32>
      %mul3A_479 = arith.mulf %mul3A_478, %add3A_473 : vector<16xf32>
      %select_n3A_480 = arith.select %ge3A_476, %add3A_473, %mul3A_479 : vector<16xi1>, vector<16xf32>
      %sub3A_481 = arith.subf %select_n3A_480, %select_n3A : vector<16xf32>
      %exp3A_482 = math.exp %sub3A_481 : vector<16xf32>
      %swap3A_483 = arith.index_cast %rem3A_406 : i32 to index
      %swap3A_484 = arith.constant 16 : index
      %swap3A_485 = tpu.vector_load %arg15[%swap3A_483, %swap3A_484] {strides = array<i32>} : memref<2x80xf32, #tpu.memory_space<vmem>>, vector<16xf32>,
      tpu.vector_store %arg15[%swap3A_483, %swap3A_484], %exp3A_482 {strides = array<i32>} : memref<2x80xf32, #tpu.memory_space<vmem>>, vector<16xf32>,
      %get3A_486 = arith.index_cast %rem3A_408 : i32 to index
      %get3A_487 = arith.constant 32 : index
      %get3A_488 = tpu.vector_load %arg17[%get3A_486, %get3A_487] {strides = array<i32>} : memref<3x80xf32, #tpu.memory_space<vmem>>, vector<16xf32>,
      %get3A_489 = arith.index_cast %rem3A_408 : i32 to index
      %get3A_490 = arith.constant 32 : index
      %get3A_491 = tpu.vector_load %arg18[%get3A_489, %get3A_490] {strides = array<i32>} : memref<3x80xf32, #tpu.memory_space<vmem>>, vector<16xf32>,
      %add3A_492 = arith.addf %get3A_488, %get3A_491 : vector<16xf32>
      %ge3A_493 = arith.constant 0.000000e+00 : f32
      %ge3A_494 = vector.broadcast %ge3A_493 : f32 to vector<16xf32>
      %ge3A_495 = arith.cmpf oge, %add3A_492, %ge3A_494 : vector<16xf32>
      %mul3A_496 = arith.constant 2.000000e-01 : f32
      %mul3A_497 = vector.broadcast %mul3A_496 : f32 to vector<16xf32>
      %mul3A_498 = arith.mulf %mul3A_497, %add3A_492 : vector<16xf32>
      %select_n3A_499 = arith.select %ge3A_495, %add3A_492, %mul3A_498 : vector<16xi1>, vector<16xf32>
      %sub3A_500 = arith.subf %select_n3A_499, %select_n3A : vector<16xf32>
      %exp3A_501 = math.exp %sub3A_500 : vector<16xf32>
      %swap3A_502 = arith.index_cast %rem3A_406 : i32 to index
      %swap3A_503 = arith.constant 32 : index
      %swap3A_504 = tpu.vector_load %arg15[%swap3A_502, %swap3A_503] {strides = array<i32>} : memref<2x80xf32, #tpu.memory_space<vmem>>, vector<16xf32>,
      tpu.vector_store %arg15[%swap3A_502, %swap3A_503], %exp3A_501 {strides = array<i32>} : memref<2x80xf32, #tpu.memory_space<vmem>>, vector<16xf32>,
      %get3A_505 = arith.index_cast %rem3A_408 : i32 to index
      %get3A_506 = arith.constant 48 : index
      %get3A_507 = tpu.vector_load %arg17[%get3A_505, %get3A_506] {strides = array<i32>} : memref<3x80xf32, #tpu.memory_space<vmem>>, vector<16xf32>,
      %get3A_508 = arith.index_cast %rem3A_408 : i32 to index
      %get3A_509 = arith.constant 48 : index
      %get3A_510 = tpu.vector_load %arg18[%get3A_508, %get3A_509] {strides = array<i32>} : memref<3x80xf32, #tpu.memory_space<vmem>>, vector<16xf32>,
      %add3A_511 = arith.addf %get3A_507, %get3A_510 : vector<16xf32>
      %ge3A_512 = arith.constant 0.000000e+00 : f32
      %ge3A_513 = vector.broadcast %ge3A_512 : f32 to vector<16xf32>
      %ge3A_514 = arith.cmpf oge, %add3A_511, %ge3A_513 : vector<16xf32>
      %mul3A_515 = arith.constant 2.000000e-01 : f32
      %mul3A_516 = vector.broadcast %mul3A_515 : f32 to vector<16xf32>
      %mul3A_517 = arith.mulf %mul3A_516, %add3A_511 : vector<16xf32>
      %select_n3A_518 = arith.select %ge3A_514, %add3A_511, %mul3A_517 : vector<16xi1>, vector<16xf32>
      %sub3A_519 = arith.subf %select_n3A_518, %select_n3A : vector<16xf32>
      %exp3A_520 = math.exp %sub3A_519 : vector<16xf32>
      %swap3A_521 = arith.index_cast %rem3A_406 : i32 to index
      %swap3A_522 = arith.constant 48 : index
      %swap3A_523 = tpu.vector_load %arg15[%swap3A_521, %swap3A_522] {strides = array<i32>} : memref<2x80xf32, #tpu.memory_space<vmem>>, vector<16xf32>,
      tpu.vector_store %arg15[%swap3A_521, %swap3A_522], %exp3A_520 {strides = array<i32>} : memref<2x80xf32, #tpu.memory_space<vmem>>, vector<16xf32>,
      %get3A_524 = arith.index_cast %rem3A_408 : i32 to index
      %get3A_525 = arith.constant 64 : index
      %get3A_526 = tpu.vector_load %arg17[%get3A_524, %get3A_525] {strides = array<i32>} : memref<3x80xf32, #tpu.memory_space<vmem>>, vector<16xf32>,
      %get3A_527 = arith.index_cast %rem3A_408 : i32 to index
      %get3A_528 = arith.constant 64 : index
      %get3A_529 = tpu.vector_load %arg18[%get3A_527, %get3A_528] {strides = array<i32>} : memref<3x80xf32, #tpu.memory_space<vmem>>, vector<16xf32>,
      %add3A_530 = arith.addf %get3A_526, %get3A_529 : vector<16xf32>
      %ge3A_531 = arith.constant 0.000000e+00 : f32
      %ge3A_532 = vector.broadcast %ge3A_531 : f32 to vector<16xf32>
      %ge3A_533 = arith.cmpf oge, %add3A_530, %ge3A_532 : vector<16xf32>
      %mul3A_534 = arith.constant 2.000000e-01 : f32
      %mul3A_535 = vector.broadcast %mul3A_534 : f32 to vector<16xf32>
      %mul3A_536 = arith.mulf %mul3A_535, %add3A_530 : vector<16xf32>
      %select_n3A_537 = arith.select %ge3A_533, %add3A_530, %mul3A_536 : vector<16xi1>, vector<16xf32>
      %sub3A_538 = arith.subf %select_n3A_537, %select_n3A : vector<16xf32>
      %exp3A_539 = math.exp %sub3A_538 : vector<16xf32>
      %swap3A_540 = arith.index_cast %rem3A_406 : i32 to index
      %swap3A_541 = arith.constant 64 : index
      %swap3A_542 = tpu.vector_load %arg15[%swap3A_540, %swap3A_541] {strides = array<i32>} : memref<2x80xf32, #tpu.memory_space<vmem>>, vector<16xf32>,
      tpu.vector_store %arg15[%swap3A_540, %swap3A_541], %exp3A_539 {strides = array<i32>} : memref<2x80xf32, #tpu.memory_space<vmem>>, vector<16xf32>,
      %scan3A_543 = arith.constant 0 : i32
      %scan3A_544 = arith.constant 0 : i32
      %scan3A_545 = arith.constant 10 : i32
      %scan3A_546 = arith.addi %scan3A_544, %scan3A_545 : i32
      %scan3A_547 = arith.constant 1 : i32
      scf.for %scan3A_588 = %scan3A_544 to %scan3A_546 step %scan3A_547  : i32 {
        %mul3A_589 = arith.constant 8 : i32
        %mul3A_590 = arith.muli %scan3A_588, %mul3A_589 : i32
        %add3A_591 = arith.constant 0 : i32
        %add3A_592 = arith.addi %mul3A_590, %add3A_591 : i32
        %broadcast_in_dim3A = vector.broadcast %add3A_592 : i32 to vector<16xi32>
        %gather3A = arith.constant 0 : i32
        %gather3A_593 = tpu.memref_slice %arg15[%rem3A_406, %gather3A] : memref<2x80xf32, #tpu.memory_space<vmem>> -> memref<1x80xf32, #tpu.memory_space<vmem>>
        %gather3A_594 = tpu.memref_squeeze %gather3A_593 : memref<1x80xf32, #tpu.memory_space<vmem>> -> memref<80xf32, #tpu.memory_space<vmem>>
        %gather3A_595 = tpu.vector_load_idx %gather3A_594[%broadcast_in_dim3A] : memref<80xf32, #tpu.memory_space<vmem>>[vector<16xi32>], vector<16xf32>,
        %get3A_596 = arith.index_cast %rem3A_404 : i32 to index
        %get3A_597 = arith.index_cast %add3A_592 : i32 to index
        %get3A_598 = arith.constant 0 : index
        %get3A_599 = tpu.vector_load %arg16[%get3A_596, %get3A_597, %get3A_598] {strides = array<i32>} : memref<4x80x128xf32, #tpu.memory_space<vmem>>, vector<16xf32>,
        %mul3A_600 = arith.mulf %get3A_599, %gather3A_595 : vector<16xf32>
        %swap3A_601 = arith.index_cast %rem3A_404 : i32 to index
        %swap3A_602 = arith.index_cast %add3A_592 : i32 to index
        %swap3A_603 = arith.constant 0 : index
        %swap3A_604 = tpu.vector_load %arg16[%swap3A_601, %swap3A_602, %swap3A_603] {strides = array<i32>} : memref<4x80x128xf32, #tpu.memory_space<vmem>>, vector<16xf32>,
        tpu.vector_store %arg16[%swap3A_601, %swap3A_602, %swap3A_603], %mul3A_600 {strides = array<i32>} : memref<4x80x128xf32, #tpu.memory_space<vmem>>, vector<16xf32>,
        %get3A_605 = arith.index_cast %rem3A_404 : i32 to index
        %get3A_606 = arith.index_cast %add3A_592 : i32 to index
        %get3A_607 = arith.constant 16 : index
        %get3A_608 = tpu.vector_load %arg16[%get3A_605, %get3A_606, %get3A_607] {strides = array<i32>} : memref<4x80x128xf32, #tpu.memory_space<vmem>>, vector<16xf32>,
        %mul3A_609 = arith.mulf %get3A_608, %gather3A_595 : vector<16xf32>
        %swap3A_610 = arith.index_cast %rem3A_404 : i32 to index
        %swap3A_611 = arith.index_cast %add3A_592 : i32 to index
        %swap3A_612 = arith.constant 16 : index
        %swap3A_613 = tpu.vector_load %arg16[%swap3A_610, %swap3A_611, %swap3A_612] {strides = array<i32>} : memref<4x80x128xf32, #tpu.memory_space<vmem>>, vector<16xf32>,
        tpu.vector_store %arg16[%swap3A_610, %swap3A_611, %swap3A_612], %mul3A_609 {strides = array<i32>} : memref<4x80x128xf32, #tpu.memory_space<vmem>>, vector<16xf32>,
        %get3A_614 = arith.index_cast %rem3A_404 : i32 to index
        %get3A_615 = arith.index_cast %add3A_592 : i32 to index
        %get3A_616 = arith.constant 32 : index
        %get3A_617 = tpu.vector_load %arg16[%get3A_614, %get3A_615, %get3A_616] {strides = array<i32>} : memref<4x80x128xf32, #tpu.memory_space<vmem>>, vector<16xf32>,
        %mul3A_618 = arith.mulf %get3A_617, %gather3A_595 : vector<16xf32>
        %swap3A_619 = arith.index_cast %rem3A_404 : i32 to index
        %swap3A_620 = arith.index_cast %add3A_592 : i32 to index
        %swap3A_621 = arith.constant 32 : index
        %swap3A_622 = tpu.vector_load %arg16[%swap3A_619, %swap3A_620, %swap3A_621] {strides = array<i32>} : memref<4x80x128xf32, #tpu.memory_space<vmem>>, vector<16xf32>,
        tpu.vector_store %arg16[%swap3A_619, %swap3A_620, %swap3A_621], %mul3A_618 {strides = array<i32>} : memref<4x80x128xf32, #tpu.memory_space<vmem>>, vector<16xf32>,
        %get3A_623 = arith.index_cast %rem3A_404 : i32 to index
        %get3A_624 = arith.index_cast %add3A_592 : i32 to index
        %get3A_625 = arith.constant 48 : index
        %get3A_626 = tpu.vector_load %arg16[%get3A_623, %get3A_624, %get3A_625] {strides = array<i32>} : memref<4x80x128xf32, #tpu.memory_space<vmem>>, vector<16xf32>,
        %mul3A_627 = arith.mulf %get3A_626, %gather3A_595 : vector<16xf32>
        %swap3A_628 = arith.index_cast %rem3A_404 : i32 to index
        %swap3A_629 = arith.index_cast %add3A_592 : i32 to index
        %swap3A_630 = arith.constant 48 : index
        %swap3A_631 = tpu.vector_load %arg16[%swap3A_628, %swap3A_629, %swap3A_630] {strides = array<i32>} : memref<4x80x128xf32, #tpu.memory_space<vmem>>, vector<16xf32>,
        tpu.vector_store %arg16[%swap3A_628, %swap3A_629, %swap3A_630], %mul3A_627 {strides = array<i32>} : memref<4x80x128xf32, #tpu.memory_space<vmem>>, vector<16xf32>,
        %get3A_632 = arith.index_cast %rem3A_404 : i32 to index
        %get3A_633 = arith.index_cast %add3A_592 : i32 to index
        %get3A_634 = arith.constant 64 : index
        %get3A_635 = tpu.vector_load %arg16[%get3A_632, %get3A_633, %get3A_634] {strides = array<i32>} : memref<4x80x128xf32, #tpu.memory_space<vmem>>, vector<16xf32>,
        %mul3A_636 = arith.mulf %get3A_635, %gather3A_595 : vector<16xf32>
        %swap3A_637 = arith.index_cast %rem3A_404 : i32 to index
        %swap3A_638 = arith.index_cast %add3A_592 : i32 to index
        %swap3A_639 = arith.constant 64 : index
        %swap3A_640 = tpu.vector_load %arg16[%swap3A_637, %swap3A_638, %swap3A_639] {strides = array<i32>} : memref<4x80x128xf32, #tpu.memory_space<vmem>>, vector<16xf32>,
        tpu.vector_store %arg16[%swap3A_637, %swap3A_638, %swap3A_639], %mul3A_636 {strides = array<i32>} : memref<4x80x128xf32, #tpu.memory_space<vmem>>, vector<16xf32>,
        %get3A_641 = arith.index_cast %rem3A_404 : i32 to index
        %get3A_642 = arith.index_cast %add3A_592 : i32 to index
        %get3A_643 = arith.constant 80 : index
        %get3A_644 = tpu.vector_load %arg16[%get3A_641, %get3A_642, %get3A_643] {strides = array<i32>} : memref<4x80x128xf32, #tpu.memory_space<vmem>>, vector<16xf32>,
        %mul3A_645 = arith.mulf %get3A_644, %gather3A_595 : vector<16xf32>
        %swap3A_646 = arith.index_cast %rem3A_404 : i32 to index
        %swap3A_647 = arith.index_cast %add3A_592 : i32 to index
        %swap3A_648 = arith.constant 80 : index
        %swap3A_649 = tpu.vector_load %arg16[%swap3A_646, %swap3A_647, %swap3A_648] {strides = array<i32>} : memref<4x80x128xf32, #tpu.memory_space<vmem>>, vector<16xf32>,
        tpu.vector_store %arg16[%swap3A_646, %swap3A_647, %swap3A_648], %mul3A_645 {strides = array<i32>} : memref<4x80x128xf32, #tpu.memory_space<vmem>>, vector<16xf32>,
        %get3A_650 = arith.index_cast %rem3A_404 : i32 to index
        %get3A_651 = arith.index_cast %add3A_592 : i32 to index
        %get3A_652 = arith.constant 96 : index
        %get3A_653 = tpu.vector_load %arg16[%get3A_650, %get3A_651, %get3A_652] {strides = array<i32>} : memref<4x80x128xf32, #tpu.memory_space<vmem>>, vector<16xf32>,
        %mul3A_654 = arith.mulf %get3A_653, %gather3A_595 : vector<16xf32>
        %swap3A_655 = arith.index_cast %rem3A_404 : i32 to index
        %swap3A_656 = arith.index_cast %add3A_592 : i32 to index
        %swap3A_657 = arith.constant 96 : index
        %swap3A_658 = tpu.vector_load %arg16[%swap3A_655, %swap3A_656, %swap3A_657] {strides = array<i32>} : memref<4x80x128xf32, #tpu.memory_space<vmem>>, vector<16xf32>,
        tpu.vector_store %arg16[%swap3A_655, %swap3A_656, %swap3A_657], %mul3A_654 {strides = array<i32>} : memref<4x80x128xf32, #tpu.memory_space<vmem>>, vector<16xf32>,
        %get3A_659 = arith.index_cast %rem3A_404 : i32 to index
        %get3A_660 = arith.index_cast %add3A_592 : i32 to index
        %get3A_661 = arith.constant 112 : index
        %get3A_662 = tpu.vector_load %arg16[%get3A_659, %get3A_660, %get3A_661] {strides = array<i32>} : memref<4x80x128xf32, #tpu.memory_space<vmem>>, vector<16xf32>,
        %mul3A_663 = arith.mulf %get3A_662, %gather3A_595 : vector<16xf32>
        %swap3A_664 = arith.index_cast %rem3A_404 : i32 to index
        %swap3A_665 = arith.index_cast %add3A_592 : i32 to index
        %swap3A_666 = arith.constant 112 : index
        %swap3A_667 = tpu.vector_load %arg16[%swap3A_664, %swap3A_665, %swap3A_666] {strides = array<i32>} : memref<4x80x128xf32, #tpu.memory_space<vmem>>, vector<16xf32>,
        tpu.vector_store %arg16[%swap3A_664, %swap3A_665, %swap3A_666], %mul3A_663 {strides = array<i32>} : memref<4x80x128xf32, #tpu.memory_space<vmem>>, vector<16xf32>,
        %mul3A_668 = arith.constant 8 : i32
        %mul3A_669 = arith.muli %scan3A_588, %mul3A_668 : i32
        %add3A_670 = arith.constant 1 : i32
        %add3A_671 = arith.addi %mul3A_669, %add3A_670 : i32
        %broadcast_in_dim3A_672 = vector.broadcast %add3A_671 : i32 to vector<16xi32>
        %gather3A_673 = arith.constant 0 : i32
        %gather3A_674 = tpu.memref_slice %arg15[%rem3A_406, %gather3A_673] : memref<2x80xf32, #tpu.memory_space<vmem>> -> memref<1x80xf32, #tpu.memory_space<vmem>>
        %gather3A_675 = tpu.memref_squeeze %gather3A_674 : memref<1x80xf32, #tpu.memory_space<vmem>> -> memref<80xf32, #tpu.memory_space<vmem>>
        %gather3A_676 = tpu.vector_load_idx %gather3A_675[%broadcast_in_dim3A_672] : memref<80xf32, #tpu.memory_space<vmem>>[vector<16xi32>], vector<16xf32>,
        %get3A_677 = arith.index_cast %rem3A_404 : i32 to index
        %get3A_678 = arith.index_cast %add3A_671 : i32 to index
        %get3A_679 = arith.constant 0 : index
        %get3A_680 = tpu.vector_load %arg16[%get3A_677, %get3A_678, %get3A_679] {strides = array<i32>} : memref<4x80x128xf32, #tpu.memory_space<vmem>>, vector<16xf32>,
        %mul3A_681 = arith.mulf %get3A_680, %gather3A_676 : vector<16xf32>
        %swap3A_682 = arith.index_cast %rem3A_404 : i32 to index
        %swap3A_683 = arith.index_cast %add3A_671 : i32 to index
        %swap3A_684 = arith.constant 0 : index
        %swap3A_685 = tpu.vector_load %arg16[%swap3A_682, %swap3A_683, %swap3A_684] {strides = array<i32>} : memref<4x80x128xf32, #tpu.memory_space<vmem>>, vector<16xf32>,
        tpu.vector_store %arg16[%swap3A_682, %swap3A_683, %swap3A_684], %mul3A_681 {strides = array<i32>} : memref<4x80x128xf32, #tpu.memory_space<vmem>>, vector<16xf32>,
        %get3A_686 = arith.index_cast %rem3A_404 : i32 to index
        %get3A_687 = arith.index_cast %add3A_671 : i32 to index
        %get3A_688 = arith.constant 16 : index
        %get3A_689 = tpu.vector_load %arg16[%get3A_686, %get3A_687, %get3A_688] {strides = array<i32>} : memref<4x80x128xf32, #tpu.memory_space<vmem>>, vector<16xf32>,
        %mul3A_690 = arith.mulf %get3A_689, %gather3A_676 : vector<16xf32>
        %swap3A_691 = arith.index_cast %rem3A_404 : i32 to index
        %swap3A_692 = arith.index_cast %add3A_671 : i32 to index
        %swap3A_693 = arith.constant 16 : index
        %swap3A_694 = tpu.vector_load %arg16[%swap3A_691, %swap3A_692, %swap3A_693] {strides = array<i32>} : memref<4x80x128xf32, #tpu.memory_space<vmem>>, vector<16xf32>,
        tpu.vector_store %arg16[%swap3A_691, %swap3A_692, %swap3A_693], %mul3A_690 {strides = array<i32>} : memref<4x80x128xf32, #tpu.memory_space<vmem>>, vector<16xf32>,
        %get3A_695 = arith.index_cast %rem3A_404 : i32 to index
        %get3A_696 = arith.index_cast %add3A_671 : i32 to index
        %get3A_697 = arith.constant 32 : index
        %get3A_698 = tpu.vector_load %arg16[%get3A_695, %get3A_696, %get3A_697] {strides = array<i32>} : memref<4x80x128xf32, #tpu.memory_space<vmem>>, vector<16xf32>,
        %mul3A_699 = arith.mulf %get3A_698, %gather3A_676 : vector<16xf32>
        %swap3A_700 = arith.index_cast %rem3A_404 : i32 to index
        %swap3A_701 = arith.index_cast %add3A_671 : i32 to index
        %swap3A_702 = arith.constant 32 : index
        %swap3A_703 = tpu.vector_load %arg16[%swap3A_700, %swap3A_701, %swap3A_702] {strides = array<i32>} : memref<4x80x128xf32, #tpu.memory_space<vmem>>, vector<16xf32>,
        tpu.vector_store %arg16[%swap3A_700, %swap3A_701, %swap3A_702], %mul3A_699 {strides = array<i32>} : memref<4x80x128xf32, #tpu.memory_space<vmem>>, vector<16xf32>,
        %get3A_704 = arith.index_cast %rem3A_404 : i32 to index
        %get3A_705 = arith.index_cast %add3A_671 : i32 to index
        %get3A_706 = arith.constant 48 : index
        %get3A_707 = tpu.vector_load %arg16[%get3A_704, %get3A_705, %get3A_706] {strides = array<i32>} : memref<4x80x128xf32, #tpu.memory_space<vmem>>, vector<16xf32>,
        %mul3A_708 = arith.mulf %get3A_707, %gather3A_676 : vector<16xf32>
        %swap3A_709 = arith.index_cast %rem3A_404 : i32 to index
        %swap3A_710 = arith.index_cast %add3A_671 : i32 to index
        %swap3A_711 = arith.constant 48 : index
        %swap3A_712 = tpu.vector_load %arg16[%swap3A_709, %swap3A_710, %swap3A_711] {strides = array<i32>} : memref<4x80x128xf32, #tpu.memory_space<vmem>>, vector<16xf32>,
        tpu.vector_store %arg16[%swap3A_709, %swap3A_710, %swap3A_711], %mul3A_708 {strides = array<i32>} : memref<4x80x128xf32, #tpu.memory_space<vmem>>, vector<16xf32>,
        %get3A_713 = arith.index_cast %rem3A_404 : i32 to index
        %get3A_714 = arith.index_cast %add3A_671 : i32 to index
        %get3A_715 = arith.constant 64 : index
        %get3A_716 = tpu.vector_load %arg16[%get3A_713, %get3A_714, %get3A_715] {strides = array<i32>} : memref<4x80x128xf32, #tpu.memory_space<vmem>>, vector<16xf32>,
        %mul3A_717 = arith.mulf %get3A_716, %gather3A_676 : vector<16xf32>
        %swap3A_718 = arith.index_cast %rem3A_404 : i32 to index
        %swap3A_719 = arith.index_cast %add3A_671 : i32 to index
        %swap3A_720 = arith.constant 64 : index
        %swap3A_721 = tpu.vector_load %arg16[%swap3A_718, %swap3A_719, %swap3A_720] {strides = array<i32>} : memref<4x80x128xf32, #tpu.memory_space<vmem>>, vector<16xf32>,
        tpu.vector_store %arg16[%swap3A_718, %swap3A_719, %swap3A_720], %mul3A_717 {strides = array<i32>} : memref<4x80x128xf32, #tpu.memory_space<vmem>>, vector<16xf32>,
        %get3A_722 = arith.index_cast %rem3A_404 : i32 to index
        %get3A_723 = arith.index_cast %add3A_671 : i32 to index
        %get3A_724 = arith.constant 80 : index
        %get3A_725 = tpu.vector_load %arg16[%get3A_722, %get3A_723, %get3A_724] {strides = array<i32>} : memref<4x80x128xf32, #tpu.memory_space<vmem>>, vector<16xf32>,
        %mul3A_726 = arith.mulf %get3A_725, %gather3A_676 : vector<16xf32>
        %swap3A_727 = arith.index_cast %rem3A_404 : i32 to index
        %swap3A_728 = arith.index_cast %add3A_671 : i32 to index
        %swap3A_729 = arith.constant 80 : index
        %swap3A_730 = tpu.vector_load %arg16[%swap3A_727, %swap3A_728, %swap3A_729] {strides = array<i32>} : memref<4x80x128xf32, #tpu.memory_space<vmem>>, vector<16xf32>,
        tpu.vector_store %arg16[%swap3A_727, %swap3A_728, %swap3A_729], %mul3A_726 {strides = array<i32>} : memref<4x80x128xf32, #tpu.memory_space<vmem>>, vector<16xf32>,
        %get3A_731 = arith.index_cast %rem3A_404 : i32 to index
        %get3A_732 = arith.index_cast %add3A_671 : i32 to index
        %get3A_733 = arith.constant 96 : index
        %get3A_734 = tpu.vector_load %arg16[%get3A_731, %get3A_732, %get3A_733] {strides = array<i32>} : memref<4x80x128xf32, #tpu.memory_space<vmem>>, vector<16xf32>,
        %mul3A_735 = arith.mulf %get3A_734, %gather3A_676 : vector<16xf32>
        %swap3A_736 = arith.index_cast %rem3A_404 : i32 to index
        %swap3A_737 = arith.index_cast %add3A_671 : i32 to index
        %swap3A_738 = arith.constant 96 : index
        %swap3A_739 = tpu.vector_load %arg16[%swap3A_736, %swap3A_737, %swap3A_738] {strides = array<i32>} : memref<4x80x128xf32, #tpu.memory_space<vmem>>, vector<16xf32>,
        tpu.vector_store %arg16[%swap3A_736, %swap3A_737, %swap3A_738], %mul3A_735 {strides = array<i32>} : memref<4x80x128xf32, #tpu.memory_space<vmem>>, vector<16xf32>,
        %get3A_740 = arith.index_cast %rem3A_404 : i32 to index
        %get3A_741 = arith.index_cast %add3A_671 : i32 to index
        %get3A_742 = arith.constant 112 : index
        %get3A_743 = tpu.vector_load %arg16[%get3A_740, %get3A_741, %get3A_742] {strides = array<i32>} : memref<4x80x128xf32, #tpu.memory_space<vmem>>, vector<16xf32>,
        %mul3A_744 = arith.mulf %get3A_743, %gather3A_676 : vector<16xf32>
        %swap3A_745 = arith.index_cast %rem3A_404 : i32 to index
        %swap3A_746 = arith.index_cast %add3A_671 : i32 to index
        %swap3A_747 = arith.constant 112 : index
        %swap3A_748 = tpu.vector_load %arg16[%swap3A_745, %swap3A_746, %swap3A_747] {strides = array<i32>} : memref<4x80x128xf32, #tpu.memory_space<vmem>>, vector<16xf32>,
        tpu.vector_store %arg16[%swap3A_745, %swap3A_746, %swap3A_747], %mul3A_744 {strides = array<i32>} : memref<4x80x128xf32, #tpu.memory_space<vmem>>, vector<16xf32>,
        %mul3A_749 = arith.constant 8 : i32
        %mul3A_750 = arith.muli %scan3A_588, %mul3A_749 : i32
        %add3A_751 = arith.constant 2 : i32
        %add3A_752 = arith.addi %mul3A_750, %add3A_751 : i32
        %broadcast_in_dim3A_753 = vector.broadcast %add3A_752 : i32 to vector<16xi32>
        %gather3A_754 = arith.constant 0 : i32
        %gather3A_755 = tpu.memref_slice %arg15[%rem3A_406, %gather3A_754] : memref<2x80xf32, #tpu.memory_space<vmem>> -> memref<1x80xf32, #tpu.memory_space<vmem>>
        %gather3A_756 = tpu.memref_squeeze %gather3A_755 : memref<1x80xf32, #tpu.memory_space<vmem>> -> memref<80xf32, #tpu.memory_space<vmem>>
        %gather3A_757 = tpu.vector_load_idx %gather3A_756[%broadcast_in_dim3A_753] : memref<80xf32, #tpu.memory_space<vmem>>[vector<16xi32>], vector<16xf32>,
        %get3A_758 = arith.index_cast %rem3A_404 : i32 to index
        %get3A_759 = arith.index_cast %add3A_752 : i32 to index
        %get3A_760 = arith.constant 0 : index
        %get3A_761 = tpu.vector_load %arg16[%get3A_758, %get3A_759, %get3A_760] {strides = array<i32>} : memref<4x80x128xf32, #tpu.memory_space<vmem>>, vector<16xf32>,
        %mul3A_762 = arith.mulf %get3A_761, %gather3A_757 : vector<16xf32>
        %swap3A_763 = arith.index_cast %rem3A_404 : i32 to index
        %swap3A_764 = arith.index_cast %add3A_752 : i32 to index
        %swap3A_765 = arith.constant 0 : index
        %swap3A_766 = tpu.vector_load %arg16[%swap3A_763, %swap3A_764, %swap3A_765] {strides = array<i32>} : memref<4x80x128xf32, #tpu.memory_space<vmem>>, vector<16xf32>,
        tpu.vector_store %arg16[%swap3A_763, %swap3A_764, %swap3A_765], %mul3A_762 {strides = array<i32>} : memref<4x80x128xf32, #tpu.memory_space<vmem>>, vector<16xf32>,
        %get3A_767 = arith.index_cast %rem3A_404 : i32 to index
        %get3A_768 = arith.index_cast %add3A_752 : i32 to index
        %get3A_769 = arith.constant 16 : index
        %get3A_770 = tpu.vector_load %arg16[%get3A_767, %get3A_768, %get3A_769] {strides = array<i32>} : memref<4x80x128xf32, #tpu.memory_space<vmem>>, vector<16xf32>,
        %mul3A_771 = arith.mulf %get3A_770, %gather3A_757 : vector<16xf32>
        %swap3A_772 = arith.index_cast %rem3A_404 : i32 to index
        %swap3A_773 = arith.index_cast %add3A_752 : i32 to index
        %swap3A_774 = arith.constant 16 : index
        %swap3A_775 = tpu.vector_load %arg16[%swap3A_772, %swap3A_773, %swap3A_774] {strides = array<i32>} : memref<4x80x128xf32, #tpu.memory_space<vmem>>, vector<16xf32>,
        tpu.vector_store %arg16[%swap3A_772, %swap3A_773, %swap3A_774], %mul3A_771 {strides = array<i32>} : memref<4x80x128xf32, #tpu.memory_space<vmem>>, vector<16xf32>,
        %get3A_776 = arith.index_cast %rem3A_404 : i32 to index
        %get3A_777 = arith.index_cast %add3A_752 : i32 to index
        %get3A_778 = arith.constant 32 : index
        %get3A_779 = tpu.vector_load %arg16[%get3A_776, %get3A_777, %get3A_778] {strides = array<i32>} : memref<4x80x128xf32, #tpu.memory_space<vmem>>, vector<16xf32>,
        %mul3A_780 = arith.mulf %get3A_779, %gather3A_757 : vector<16xf32>
        %swap3A_781 = arith.index_cast %rem3A_404 : i32 to index
        %swap3A_782 = arith.index_cast %add3A_752 : i32 to index
        %swap3A_783 = arith.constant 32 : index
        %swap3A_784 = tpu.vector_load %arg16[%swap3A_781, %swap3A_782, %swap3A_783] {strides = array<i32>} : memref<4x80x128xf32, #tpu.memory_space<vmem>>, vector<16xf32>,
        tpu.vector_store %arg16[%swap3A_781, %swap3A_782, %swap3A_783], %mul3A_780 {strides = array<i32>} : memref<4x80x128xf32, #tpu.memory_space<vmem>>, vector<16xf32>,
        %get3A_785 = arith.index_cast %rem3A_404 : i32 to index
        %get3A_786 = arith.index_cast %add3A_752 : i32 to index
        %get3A_787 = arith.constant 48 : index
        %get3A_788 = tpu.vector_load %arg16[%get3A_785, %get3A_786, %get3A_787] {strides = array<i32>} : memref<4x80x128xf32, #tpu.memory_space<vmem>>, vector<16xf32>,
        %mul3A_789 = arith.mulf %get3A_788, %gather3A_757 : vector<16xf32>
        %swap3A_790 = arith.index_cast %rem3A_404 : i32 to index
        %swap3A_791 = arith.index_cast %add3A_752 : i32 to index
        %swap3A_792 = arith.constant 48 : index
        %swap3A_793 = tpu.vector_load %arg16[%swap3A_790, %swap3A_791, %swap3A_792] {strides = array<i32>} : memref<4x80x128xf32, #tpu.memory_space<vmem>>, vector<16xf32>,
        tpu.vector_store %arg16[%swap3A_790, %swap3A_791, %swap3A_792], %mul3A_789 {strides = array<i32>} : memref<4x80x128xf32, #tpu.memory_space<vmem>>, vector<16xf32>,
        %get3A_794 = arith.index_cast %rem3A_404 : i32 to index
        %get3A_795 = arith.index_cast %add3A_752 : i32 to index
        %get3A_796 = arith.constant 64 : index
        %get3A_797 = tpu.vector_load %arg16[%get3A_794, %get3A_795, %get3A_796] {strides = array<i32>} : memref<4x80x128xf32, #tpu.memory_space<vmem>>, vector<16xf32>,
        %mul3A_798 = arith.mulf %get3A_797, %gather3A_757 : vector<16xf32>
        %swap3A_799 = arith.index_cast %rem3A_404 : i32 to index
        %swap3A_800 = arith.index_cast %add3A_752 : i32 to index
        %swap3A_801 = arith.constant 64 : index
        %swap3A_802 = tpu.vector_load %arg16[%swap3A_799, %swap3A_800, %swap3A_801] {strides = array<i32>} : memref<4x80x128xf32, #tpu.memory_space<vmem>>, vector<16xf32>,
        tpu.vector_store %arg16[%swap3A_799, %swap3A_800, %swap3A_801], %mul3A_798 {strides = array<i32>} : memref<4x80x128xf32, #tpu.memory_space<vmem>>, vector<16xf32>,
        %get3A_803 = arith.index_cast %rem3A_404 : i32 to index
        %get3A_804 = arith.index_cast %add3A_752 : i32 to index
        %get3A_805 = arith.constant 80 : index
        %get3A_806 = tpu.vector_load %arg16[%get3A_803, %get3A_804, %get3A_805] {strides = array<i32>} : memref<4x80x128xf32, #tpu.memory_space<vmem>>, vector<16xf32>,
        %mul3A_807 = arith.mulf %get3A_806, %gather3A_757 : vector<16xf32>
        %swap3A_808 = arith.index_cast %rem3A_404 : i32 to index
        %swap3A_809 = arith.index_cast %add3A_752 : i32 to index
        %swap3A_810 = arith.constant 80 : index
        %swap3A_811 = tpu.vector_load %arg16[%swap3A_808, %swap3A_809, %swap3A_810] {strides = array<i32>} : memref<4x80x128xf32, #tpu.memory_space<vmem>>, vector<16xf32>,
        tpu.vector_store %arg16[%swap3A_808, %swap3A_809, %swap3A_810], %mul3A_807 {strides = array<i32>} : memref<4x80x128xf32, #tpu.memory_space<vmem>>, vector<16xf32>,
        %get3A_812 = arith.index_cast %rem3A_404 : i32 to index
        %get3A_813 = arith.index_cast %add3A_752 : i32 to index
        %get3A_814 = arith.constant 96 : index
        %get3A_815 = tpu.vector_load %arg16[%get3A_812, %get3A_813, %get3A_814] {strides = array<i32>} : memref<4x80x128xf32, #tpu.memory_space<vmem>>, vector<16xf32>,
        %mul3A_816 = arith.mulf %get3A_815, %gather3A_757 : vector<16xf32>
        %swap3A_817 = arith.index_cast %rem3A_404 : i32 to index
        %swap3A_818 = arith.index_cast %add3A_752 : i32 to index
        %swap3A_819 = arith.constant 96 : index
        %swap3A_820 = tpu.vector_load %arg16[%swap3A_817, %swap3A_818, %swap3A_819] {strides = array<i32>} : memref<4x80x128xf32, #tpu.memory_space<vmem>>, vector<16xf32>,
        tpu.vector_store %arg16[%swap3A_817, %swap3A_818, %swap3A_819], %mul3A_816 {strides = array<i32>} : memref<4x80x128xf32, #tpu.memory_space<vmem>>, vector<16xf32>,
        %get3A_821 = arith.index_cast %rem3A_404 : i32 to index
        %get3A_822 = arith.index_cast %add3A_752 : i32 to index
        %get3A_823 = arith.constant 112 : index
        %get3A_824 = tpu.vector_load %arg16[%get3A_821, %get3A_822, %get3A_823] {strides = array<i32>} : memref<4x80x128xf32, #tpu.memory_space<vmem>>, vector<16xf32>,
        %mul3A_825 = arith.mulf %get3A_824, %gather3A_757 : vector<16xf32>
        %swap3A_826 = arith.index_cast %rem3A_404 : i32 to index
        %swap3A_827 = arith.index_cast %add3A_752 : i32 to index
        %swap3A_828 = arith.constant 112 : index
        %swap3A_829 = tpu.vector_load %arg16[%swap3A_826, %swap3A_827, %swap3A_828] {strides = array<i32>} : memref<4x80x128xf32, #tpu.memory_space<vmem>>, vector<16xf32>,
        tpu.vector_store %arg16[%swap3A_826, %swap3A_827, %swap3A_828], %mul3A_825 {strides = array<i32>} : memref<4x80x128xf32, #tpu.memory_space<vmem>>, vector<16xf32>,
        %mul3A_830 = arith.constant 8 : i32
        %mul3A_831 = arith.muli %scan3A_588, %mul3A_830 : i32
        %add3A_832 = arith.constant 3 : i32
        %add3A_833 = arith.addi %mul3A_831, %add3A_832 : i32
        %broadcast_in_dim3A_834 = vector.broadcast %add3A_833 : i32 to vector<16xi32>
        %gather3A_835 = arith.constant 0 : i32
        %gather3A_836 = tpu.memref_slice %arg15[%rem3A_406, %gather3A_835] : memref<2x80xf32, #tpu.memory_space<vmem>> -> memref<1x80xf32, #tpu.memory_space<vmem>>
        %gather3A_837 = tpu.memref_squeeze %gather3A_836 : memref<1x80xf32, #tpu.memory_space<vmem>> -> memref<80xf32, #tpu.memory_space<vmem>>
        %gather3A_838 = tpu.vector_load_idx %gather3A_837[%broadcast_in_dim3A_834] : memref<80xf32, #tpu.memory_space<vmem>>[vector<16xi32>], vector<16xf32>,
        %get3A_839 = arith.index_cast %rem3A_404 : i32 to index
        %get3A_840 = arith.index_cast %add3A_833 : i32 to index
        %get3A_841 = arith.constant 0 : index
        %get3A_842 = tpu.vector_load %arg16[%get3A_839, %get3A_840, %get3A_841] {strides = array<i32>} : memref<4x80x128xf32, #tpu.memory_space<vmem>>, vector<16xf32>,
        %mul3A_843 = arith.mulf %get3A_842, %gather3A_838 : vector<16xf32>
        %swap3A_844 = arith.index_cast %rem3A_404 : i32 to index
        %swap3A_845 = arith.index_cast %add3A_833 : i32 to index
        %swap3A_846 = arith.constant 0 : index
        %swap3A_847 = tpu.vector_load %arg16[%swap3A_844, %swap3A_845, %swap3A_846] {strides = array<i32>} : memref<4x80x128xf32, #tpu.memory_space<vmem>>, vector<16xf32>,
        tpu.vector_store %arg16[%swap3A_844, %swap3A_845, %swap3A_846], %mul3A_843 {strides = array<i32>} : memref<4x80x128xf32, #tpu.memory_space<vmem>>, vector<16xf32>,
        %get3A_848 = arith.index_cast %rem3A_404 : i32 to index
        %get3A_849 = arith.index_cast %add3A_833 : i32 to index
        %get3A_850 = arith.constant 16 : index
        %get3A_851 = tpu.vector_load %arg16[%get3A_848, %get3A_849, %get3A_850] {strides = array<i32>} : memref<4x80x128xf32, #tpu.memory_space<vmem>>, vector<16xf32>,
        %mul3A_852 = arith.mulf %get3A_851, %gather3A_838 : vector<16xf32>
        %swap3A_853 = arith.index_cast %rem3A_404 : i32 to index
        %swap3A_854 = arith.index_cast %add3A_833 : i32 to index
        %swap3A_855 = arith.constant 16 : index
        %swap3A_856 = tpu.vector_load %arg16[%swap3A_853, %swap3A_854, %swap3A_855] {strides = array<i32>} : memref<4x80x128xf32, #tpu.memory_space<vmem>>, vector<16xf32>,
        tpu.vector_store %arg16[%swap3A_853, %swap3A_854, %swap3A_855], %mul3A_852 {strides = array<i32>} : memref<4x80x128xf32, #tpu.memory_space<vmem>>, vector<16xf32>,
        %get3A_857 = arith.index_cast %rem3A_404 : i32 to index
        %get3A_858 = arith.index_cast %add3A_833 : i32 to index
        %get3A_859 = arith.constant 32 : index
        %get3A_860 = tpu.vector_load %arg16[%get3A_857, %get3A_858, %get3A_859] {strides = array<i32>} : memref<4x80x128xf32, #tpu.memory_space<vmem>>, vector<16xf32>,
        %mul3A_861 = arith.mulf %get3A_860, %gather3A_838 : vector<16xf32>
        %swap3A_862 = arith.index_cast %rem3A_404 : i32 to index
        %swap3A_863 = arith.index_cast %add3A_833 : i32 to index
        %swap3A_864 = arith.constant 32 : index
        %swap3A_865 = tpu.vector_load %arg16[%swap3A_862, %swap3A_863, %swap3A_864] {strides = array<i32>} : memref<4x80x128xf32, #tpu.memory_space<vmem>>, vector<16xf32>,
        tpu.vector_store %arg16[%swap3A_862, %swap3A_863, %swap3A_864], %mul3A_861 {strides = array<i32>} : memref<4x80x128xf32, #tpu.memory_space<vmem>>, vector<16xf32>,
        %get3A_866 = arith.index_cast %rem3A_404 : i32 to index
        %get3A_867 = arith.index_cast %add3A_833 : i32 to index
        %get3A_868 = arith.constant 48 : index
        %get3A_869 = tpu.vector_load %arg16[%get3A_866, %get3A_867, %get3A_868] {strides = array<i32>} : memref<4x80x128xf32, #tpu.memory_space<vmem>>, vector<16xf32>,
        %mul3A_870 = arith.mulf %get3A_869, %gather3A_838 : vector<16xf32>
        %swap3A_871 = arith.index_cast %rem3A_404 : i32 to index
        %swap3A_872 = arith.index_cast %add3A_833 : i32 to index
        %swap3A_873 = arith.constant 48 : index
        %swap3A_874 = tpu.vector_load %arg16[%swap3A_871, %swap3A_872, %swap3A_873] {strides = array<i32>} : memref<4x80x128xf32, #tpu.memory_space<vmem>>, vector<16xf32>,
        tpu.vector_store %arg16[%swap3A_871, %swap3A_872, %swap3A_873], %mul3A_870 {strides = array<i32>} : memref<4x80x128xf32, #tpu.memory_space<vmem>>, vector<16xf32>,
        %get3A_875 = arith.index_cast %rem3A_404 : i32 to index
        %get3A_876 = arith.index_cast %add3A_833 : i32 to index
        %get3A_877 = arith.constant 64 : index
        %get3A_878 = tpu.vector_load %arg16[%get3A_875, %get3A_876, %get3A_877] {strides = array<i32>} : memref<4x80x128xf32, #tpu.memory_space<vmem>>, vector<16xf32>,
        %mul3A_879 = arith.mulf %get3A_878, %gather3A_838 : vector<16xf32>
        %swap3A_880 = arith.index_cast %rem3A_404 : i32 to index
        %swap3A_881 = arith.index_cast %add3A_833 : i32 to index
        %swap3A_882 = arith.constant 64 : index
        %swap3A_883 = tpu.vector_load %arg16[%swap3A_880, %swap3A_881, %swap3A_882] {strides = array<i32>} : memref<4x80x128xf32, #tpu.memory_space<vmem>>, vector<16xf32>,
        tpu.vector_store %arg16[%swap3A_880, %swap3A_881, %swap3A_882], %mul3A_879 {strides = array<i32>} : memref<4x80x128xf32, #tpu.memory_space<vmem>>, vector<16xf32>,
        %get3A_884 = arith.index_cast %rem3A_404 : i32 to index
        %get3A_885 = arith.index_cast %add3A_833 : i32 to index
        %get3A_886 = arith.constant 80 : index
        %get3A_887 = tpu.vector_load %arg16[%get3A_884, %get3A_885, %get3A_886] {strides = array<i32>} : memref<4x80x128xf32, #tpu.memory_space<vmem>>, vector<16xf32>,
        %mul3A_888 = arith.mulf %get3A_887, %gather3A_838 : vector<16xf32>
        %swap3A_889 = arith.index_cast %rem3A_404 : i32 to index
        %swap3A_890 = arith.index_cast %add3A_833 : i32 to index
        %swap3A_891 = arith.constant 80 : index
        %swap3A_892 = tpu.vector_load %arg16[%swap3A_889, %swap3A_890, %swap3A_891] {strides = array<i32>} : memref<4x80x128xf32, #tpu.memory_space<vmem>>, vector<16xf32>,
        tpu.vector_store %arg16[%swap3A_889, %swap3A_890, %swap3A_891], %mul3A_888 {strides = array<i32>} : memref<4x80x128xf32, #tpu.memory_space<vmem>>, vector<16xf32>,
        %get3A_893 = arith.index_cast %rem3A_404 : i32 to index
        %get3A_894 = arith.index_cast %add3A_833 : i32 to index
        %get3A_895 = arith.constant 96 : index
        %get3A_896 = tpu.vector_load %arg16[%get3A_893, %get3A_894, %get3A_895] {strides = array<i32>} : memref<4x80x128xf32, #tpu.memory_space<vmem>>, vector<16xf32>,
        %mul3A_897 = arith.mulf %get3A_896, %gather3A_838 : vector<16xf32>
        %swap3A_898 = arith.index_cast %rem3A_404 : i32 to index
        %swap3A_899 = arith.index_cast %add3A_833 : i32 to index
        %swap3A_900 = arith.constant 96 : index
        %swap3A_901 = tpu.vector_load %arg16[%swap3A_898, %swap3A_899, %swap3A_900] {strides = array<i32>} : memref<4x80x128xf32, #tpu.memory_space<vmem>>, vector<16xf32>,
        tpu.vector_store %arg16[%swap3A_898, %swap3A_899, %swap3A_900], %mul3A_897 {strides = array<i32>} : memref<4x80x128xf32, #tpu.memory_space<vmem>>, vector<16xf32>,
        %get3A_902 = arith.index_cast %rem3A_404 : i32 to index
        %get3A_903 = arith.index_cast %add3A_833 : i32 to index
        %get3A_904 = arith.constant 112 : index
        %get3A_905 = tpu.vector_load %arg16[%get3A_902, %get3A_903, %get3A_904] {strides = array<i32>} : memref<4x80x128xf32, #tpu.memory_space<vmem>>, vector<16xf32>,
        %mul3A_906 = arith.mulf %get3A_905, %gather3A_838 : vector<16xf32>
        %swap3A_907 = arith.index_cast %rem3A_404 : i32 to index
        %swap3A_908 = arith.index_cast %add3A_833 : i32 to index
        %swap3A_909 = arith.constant 112 : index
        %swap3A_910 = tpu.vector_load %arg16[%swap3A_907, %swap3A_908, %swap3A_909] {strides = array<i32>} : memref<4x80x128xf32, #tpu.memory_space<vmem>>, vector<16xf32>,
        tpu.vector_store %arg16[%swap3A_907, %swap3A_908, %swap3A_909], %mul3A_906 {strides = array<i32>} : memref<4x80x128xf32, #tpu.memory_space<vmem>>, vector<16xf32>,
        %mul3A_911 = arith.constant 8 : i32
        %mul3A_912 = arith.muli %scan3A_588, %mul3A_911 : i32
        %add3A_913 = arith.constant 4 : i32
        %add3A_914 = arith.addi %mul3A_912, %add3A_913 : i32
        %broadcast_in_dim3A_915 = vector.broadcast %add3A_914 : i32 to vector<16xi32>
        %gather3A_916 = arith.constant 0 : i32
        %gather3A_917 = tpu.memref_slice %arg15[%rem3A_406, %gather3A_916] : memref<2x80xf32, #tpu.memory_space<vmem>> -> memref<1x80xf32, #tpu.memory_space<vmem>>
        %gather3A_918 = tpu.memref_squeeze %gather3A_917 : memref<1x80xf32, #tpu.memory_space<vmem>> -> memref<80xf32, #tpu.memory_space<vmem>>
        %gather3A_919 = tpu.vector_load_idx %gather3A_918[%broadcast_in_dim3A_915] : memref<80xf32, #tpu.memory_space<vmem>>[vector<16xi32>], vector<16xf32>,
        %get3A_920 = arith.index_cast %rem3A_404 : i32 to index
        %get3A_921 = arith.index_cast %add3A_914 : i32 to index
        %get3A_922 = arith.constant 0 : index
        %get3A_923 = tpu.vector_load %arg16[%get3A_920, %get3A_921, %get3A_922] {strides = array<i32>} : memref<4x80x128xf32, #tpu.memory_space<vmem>>, vector<16xf32>,
        %mul3A_924 = arith.mulf %get3A_923, %gather3A_919 : vector<16xf32>
        %swap3A_925 = arith.index_cast %rem3A_404 : i32 to index
        %swap3A_926 = arith.index_cast %add3A_914 : i32 to index
        %swap3A_927 = arith.constant 0 : index
        %swap3A_928 = tpu.vector_load %arg16[%swap3A_925, %swap3A_926, %swap3A_927] {strides = array<i32>} : memref<4x80x128xf32, #tpu.memory_space<vmem>>, vector<16xf32>,
        tpu.vector_store %arg16[%swap3A_925, %swap3A_926, %swap3A_927], %mul3A_924 {strides = array<i32>} : memref<4x80x128xf32, #tpu.memory_space<vmem>>, vector<16xf32>,
        %get3A_929 = arith.index_cast %rem3A_404 : i32 to index
        %get3A_930 = arith.index_cast %add3A_914 : i32 to index
        %get3A_931 = arith.constant 16 : index
        %get3A_932 = tpu.vector_load %arg16[%get3A_929, %get3A_930, %get3A_931] {strides = array<i32>} : memref<4x80x128xf32, #tpu.memory_space<vmem>>, vector<16xf32>,
        %mul3A_933 = arith.mulf %get3A_932, %gather3A_919 : vector<16xf32>
        %swap3A_934 = arith.index_cast %rem3A_404 : i32 to index
        %swap3A_935 = arith.index_cast %add3A_914 : i32 to index
        %swap3A_936 = arith.constant 16 : index
        %swap3A_937 = tpu.vector_load %arg16[%swap3A_934, %swap3A_935, %swap3A_936] {strides = array<i32>} : memref<4x80x128xf32, #tpu.memory_space<vmem>>, vector<16xf32>,
        tpu.vector_store %arg16[%swap3A_934, %swap3A_935, %swap3A_936], %mul3A_933 {strides = array<i32>} : memref<4x80x128xf32, #tpu.memory_space<vmem>>, vector<16xf32>,
        %get3A_938 = arith.index_cast %rem3A_404 : i32 to index
        %get3A_939 = arith.index_cast %add3A_914 : i32 to index
        %get3A_940 = arith.constant 32 : index
        %get3A_941 = tpu.vector_load %arg16[%get3A_938, %get3A_939, %get3A_940] {strides = array<i32>} : memref<4x80x128xf32, #tpu.memory_space<vmem>>, vector<16xf32>,
        %mul3A_942 = arith.mulf %get3A_941, %gather3A_919 : vector<16xf32>
        %swap3A_943 = arith.index_cast %rem3A_404 : i32 to index
        %swap3A_944 = arith.index_cast %add3A_914 : i32 to index
        %swap3A_945 = arith.constant 32 : index
        %swap3A_946 = tpu.vector_load %arg16[%swap3A_943, %swap3A_944, %swap3A_945] {strides = array<i32>} : memref<4x80x128xf32, #tpu.memory_space<vmem>>, vector<16xf32>,
        tpu.vector_store %arg16[%swap3A_943, %swap3A_944, %swap3A_945], %mul3A_942 {strides = array<i32>} : memref<4x80x128xf32, #tpu.memory_space<vmem>>, vector<16xf32>,
        %get3A_947 = arith.index_cast %rem3A_404 : i32 to index
        %get3A_948 = arith.index_cast %add3A_914 : i32 to index
        %get3A_949 = arith.constant 48 : index
        %get3A_950 = tpu.vector_load %arg16[%get3A_947, %get3A_948, %get3A_949] {strides = array<i32>} : memref<4x80x128xf32, #tpu.memory_space<vmem>>, vector<16xf32>,
        %mul3A_951 = arith.mulf %get3A_950, %gather3A_919 : vector<16xf32>
        %swap3A_952 = arith.index_cast %rem3A_404 : i32 to index
        %swap3A_953 = arith.index_cast %add3A_914 : i32 to index
        %swap3A_954 = arith.constant 48 : index
        %swap3A_955 = tpu.vector_load %arg16[%swap3A_952, %swap3A_953, %swap3A_954] {strides = array<i32>} : memref<4x80x128xf32, #tpu.memory_space<vmem>>, vector<16xf32>,
        tpu.vector_store %arg16[%swap3A_952, %swap3A_953, %swap3A_954], %mul3A_951 {strides = array<i32>} : memref<4x80x128xf32, #tpu.memory_space<vmem>>, vector<16xf32>,
        %get3A_956 = arith.index_cast %rem3A_404 : i32 to index
        %get3A_957 = arith.index_cast %add3A_914 : i32 to index
        %get3A_958 = arith.constant 64 : index
        %get3A_959 = tpu.vector_load %arg16[%get3A_956, %get3A_957, %get3A_958] {strides = array<i32>} : memref<4x80x128xf32, #tpu.memory_space<vmem>>, vector<16xf32>,
        %mul3A_960 = arith.mulf %get3A_959, %gather3A_919 : vector<16xf32>
        %swap3A_961 = arith.index_cast %rem3A_404 : i32 to index
        %swap3A_962 = arith.index_cast %add3A_914 : i32 to index
        %swap3A_963 = arith.constant 64 : index
        %swap3A_964 = tpu.vector_load %arg16[%swap3A_961, %swap3A_962, %swap3A_963] {strides = array<i32>} : memref<4x80x128xf32, #tpu.memory_space<vmem>>, vector<16xf32>,
        tpu.vector_store %arg16[%swap3A_961, %swap3A_962, %swap3A_963], %mul3A_960 {strides = array<i32>} : memref<4x80x128xf32, #tpu.memory_space<vmem>>, vector<16xf32>,
        %get3A_965 = arith.index_cast %rem3A_404 : i32 to index
        %get3A_966 = arith.index_cast %add3A_914 : i32 to index
        %get3A_967 = arith.constant 80 : index
        %get3A_968 = tpu.vector_load %arg16[%get3A_965, %get3A_966, %get3A_967] {strides = array<i32>} : memref<4x80x128xf32, #tpu.memory_space<vmem>>, vector<16xf32>,
        %mul3A_969 = arith.mulf %get3A_968, %gather3A_919 : vector<16xf32>
        %swap3A_970 = arith.index_cast %rem3A_404 : i32 to index
        %swap3A_971 = arith.index_cast %add3A_914 : i32 to index
        %swap3A_972 = arith.constant 80 : index
        %swap3A_973 = tpu.vector_load %arg16[%swap3A_970, %swap3A_971, %swap3A_972] {strides = array<i32>} : memref<4x80x128xf32, #tpu.memory_space<vmem>>, vector<16xf32>,
        tpu.vector_store %arg16[%swap3A_970, %swap3A_971, %swap3A_972], %mul3A_969 {strides = array<i32>} : memref<4x80x128xf32, #tpu.memory_space<vmem>>, vector<16xf32>,
        %get3A_974 = arith.index_cast %rem3A_404 : i32 to index
        %get3A_975 = arith.index_cast %add3A_914 : i32 to index
        %get3A_976 = arith.constant 96 : index
        %get3A_977 = tpu.vector_load %arg16[%get3A_974, %get3A_975, %get3A_976] {strides = array<i32>} : memref<4x80x128xf32, #tpu.memory_space<vmem>>, vector<16xf32>,
        %mul3A_978 = arith.mulf %get3A_977, %gather3A_919 : vector<16xf32>
        %swap3A_979 = arith.index_cast %rem3A_404 : i32 to index
        %swap3A_980 = arith.index_cast %add3A_914 : i32 to index
        %swap3A_981 = arith.constant 96 : index
        %swap3A_982 = tpu.vector_load %arg16[%swap3A_979, %swap3A_980, %swap3A_981] {strides = array<i32>} : memref<4x80x128xf32, #tpu.memory_space<vmem>>, vector<16xf32>,
        tpu.vector_store %arg16[%swap3A_979, %swap3A_980, %swap3A_981], %mul3A_978 {strides = array<i32>} : memref<4x80x128xf32, #tpu.memory_space<vmem>>, vector<16xf32>,
        %get3A_983 = arith.index_cast %rem3A_404 : i32 to index
        %get3A_984 = arith.index_cast %add3A_914 : i32 to index
        %get3A_985 = arith.constant 112 : index
        %get3A_986 = tpu.vector_load %arg16[%get3A_983, %get3A_984, %get3A_985] {strides = array<i32>} : memref<4x80x128xf32, #tpu.memory_space<vmem>>, vector<16xf32>,
        %mul3A_987 = arith.mulf %get3A_986, %gather3A_919 : vector<16xf32>
        %swap3A_988 = arith.index_cast %rem3A_404 : i32 to index
        %swap3A_989 = arith.index_cast %add3A_914 : i32 to index
        %swap3A_990 = arith.constant 112 : index
        %swap3A_991 = tpu.vector_load %arg16[%swap3A_988, %swap3A_989, %swap3A_990] {strides = array<i32>} : memref<4x80x128xf32, #tpu.memory_space<vmem>>, vector<16xf32>,
        tpu.vector_store %arg16[%swap3A_988, %swap3A_989, %swap3A_990], %mul3A_987 {strides = array<i32>} : memref<4x80x128xf32, #tpu.memory_space<vmem>>, vector<16xf32>,
        %mul3A_992 = arith.constant 8 : i32
        %mul3A_993 = arith.muli %scan3A_588, %mul3A_992 : i32
        %add3A_994 = arith.constant 5 : i32
        %add3A_995 = arith.addi %mul3A_993, %add3A_994 : i32
        %broadcast_in_dim3A_996 = vector.broadcast %add3A_995 : i32 to vector<16xi32>
        %gather3A_997 = arith.constant 0 : i32
        %gather3A_998 = tpu.memref_slice %arg15[%rem3A_406, %gather3A_997] : memref<2x80xf32, #tpu.memory_space<vmem>> -> memref<1x80xf32, #tpu.memory_space<vmem>>
        %gather3A_999 = tpu.memref_squeeze %gather3A_998 : memref<1x80xf32, #tpu.memory_space<vmem>> -> memref<80xf32, #tpu.memory_space<vmem>>
        %gather3A_1000 = tpu.vector_load_idx %gather3A_999[%broadcast_in_dim3A_996] : memref<80xf32, #tpu.memory_space<vmem>>[vector<16xi32>], vector<16xf32>,
        %get3A_1001 = arith.index_cast %rem3A_404 : i32 to index
        %get3A_1002 = arith.index_cast %add3A_995 : i32 to index
        %get3A_1003 = arith.constant 0 : index
        %get3A_1004 = tpu.vector_load %arg16[%get3A_1001, %get3A_1002, %get3A_1003] {strides = array<i32>} : memref<4x80x128xf32, #tpu.memory_space<vmem>>, vector<16xf32>,
        %mul3A_1005 = arith.mulf %get3A_1004, %gather3A_1000 : vector<16xf32>
        %swap3A_1006 = arith.index_cast %rem3A_404 : i32 to index
        %swap3A_1007 = arith.index_cast %add3A_995 : i32 to index
        %swap3A_1008 = arith.constant 0 : index
        %swap3A_1009 = tpu.vector_load %arg16[%swap3A_1006, %swap3A_1007, %swap3A_1008] {strides = array<i32>} : memref<4x80x128xf32, #tpu.memory_space<vmem>>, vector<16xf32>,
        tpu.vector_store %arg16[%swap3A_1006, %swap3A_1007, %swap3A_1008], %mul3A_1005 {strides = array<i32>} : memref<4x80x128xf32, #tpu.memory_space<vmem>>, vector<16xf32>,
        %get3A_1010 = arith.index_cast %rem3A_404 : i32 to index
        %get3A_1011 = arith.index_cast %add3A_995 : i32 to index
        %get3A_1012 = arith.constant 16 : index
        %get3A_1013 = tpu.vector_load %arg16[%get3A_1010, %get3A_1011, %get3A_1012] {strides = array<i32>} : memref<4x80x128xf32, #tpu.memory_space<vmem>>, vector<16xf32>,
        %mul3A_1014 = arith.mulf %get3A_1013, %gather3A_1000 : vector<16xf32>
        %swap3A_1015 = arith.index_cast %rem3A_404 : i32 to index
        %swap3A_1016 = arith.index_cast %add3A_995 : i32 to index
        %swap3A_1017 = arith.constant 16 : index
        %swap3A_1018 = tpu.vector_load %arg16[%swap3A_1015, %swap3A_1016, %swap3A_1017] {strides = array<i32>} : memref<4x80x128xf32, #tpu.memory_space<vmem>>, vector<16xf32>,
        tpu.vector_store %arg16[%swap3A_1015, %swap3A_1016, %swap3A_1017], %mul3A_1014 {strides = array<i32>} : memref<4x80x128xf32, #tpu.memory_space<vmem>>, vector<16xf32>,
        %get3A_1019 = arith.index_cast %rem3A_404 : i32 to index
        %get3A_1020 = arith.index_cast %add3A_995 : i32 to index
        %get3A_1021 = arith.constant 32 : index
        %get3A_1022 = tpu.vector_load %arg16[%get3A_1019, %get3A_1020, %get3A_1021] {strides = array<i32>} : memref<4x80x128xf32, #tpu.memory_space<vmem>>, vector<16xf32>,
        %mul3A_1023 = arith.mulf %get3A_1022, %gather3A_1000 : vector<16xf32>
        %swap3A_1024 = arith.index_cast %rem3A_404 : i32 to index
        %swap3A_1025 = arith.index_cast %add3A_995 : i32 to index
        %swap3A_1026 = arith.constant 32 : index
        %swap3A_1027 = tpu.vector_load %arg16[%swap3A_1024, %swap3A_1025, %swap3A_1026] {strides = array<i32>} : memref<4x80x128xf32, #tpu.memory_space<vmem>>, vector<16xf32>,
        tpu.vector_store %arg16[%swap3A_1024, %swap3A_1025, %swap3A_1026], %mul3A_1023 {strides = array<i32>} : memref<4x80x128xf32, #tpu.memory_space<vmem>>, vector<16xf32>,
        %get3A_1028 = arith.index_cast %rem3A_404 : i32 to index
        %get3A_1029 = arith.index_cast %add3A_995 : i32 to index
        %get3A_1030 = arith.constant 48 : index
        %get3A_1031 = tpu.vector_load %arg16[%get3A_1028, %get3A_1029, %get3A_1030] {strides = array<i32>} : memref<4x80x128xf32, #tpu.memory_space<vmem>>, vector<16xf32>,
        %mul3A_1032 = arith.mulf %get3A_1031, %gather3A_1000 : vector<16xf32>
        %swap3A_1033 = arith.index_cast %rem3A_404 : i32 to index
        %swap3A_1034 = arith.index_cast %add3A_995 : i32 to index
        %swap3A_1035 = arith.constant 48 : index
        %swap3A_1036 = tpu.vector_load %arg16[%swap3A_1033, %swap3A_1034, %swap3A_1035] {strides = array<i32>} : memref<4x80x128xf32, #tpu.memory_space<vmem>>, vector<16xf32>,
        tpu.vector_store %arg16[%swap3A_1033, %swap3A_1034, %swap3A_1035], %mul3A_1032 {strides = array<i32>} : memref<4x80x128xf32, #tpu.memory_space<vmem>>, vector<16xf32>,
        %get3A_1037 = arith.index_cast %rem3A_404 : i32 to index
        %get3A_1038 = arith.index_cast %add3A_995 : i32 to index
        %get3A_1039 = arith.constant 64 : index
        %get3A_1040 = tpu.vector_load %arg16[%get3A_1037, %get3A_1038, %get3A_1039] {strides = array<i32>} : memref<4x80x128xf32, #tpu.memory_space<vmem>>, vector<16xf32>,
        %mul3A_1041 = arith.mulf %get3A_1040, %gather3A_1000 : vector<16xf32>
        %swap3A_1042 = arith.index_cast %rem3A_404 : i32 to index
        %swap3A_1043 = arith.index_cast %add3A_995 : i32 to index
        %swap3A_1044 = arith.constant 64 : index
        %swap3A_1045 = tpu.vector_load %arg16[%swap3A_1042, %swap3A_1043, %swap3A_1044] {strides = array<i32>} : memref<4x80x128xf32, #tpu.memory_space<vmem>>, vector<16xf32>,
        tpu.vector_store %arg16[%swap3A_1042, %swap3A_1043, %swap3A_1044], %mul3A_1041 {strides = array<i32>} : memref<4x80x128xf32, #tpu.memory_space<vmem>>, vector<16xf32>,
        %get3A_1046 = arith.index_cast %rem3A_404 : i32 to index
        %get3A_1047 = arith.index_cast %add3A_995 : i32 to index
        %get3A_1048 = arith.constant 80 : index
        %get3A_1049 = tpu.vector_load %arg16[%get3A_1046, %get3A_1047, %get3A_1048] {strides = array<i32>} : memref<4x80x128xf32, #tpu.memory_space<vmem>>, vector<16xf32>,
        %mul3A_1050 = arith.mulf %get3A_1049, %gather3A_1000 : vector<16xf32>
        %swap3A_1051 = arith.index_cast %rem3A_404 : i32 to index
        %swap3A_1052 = arith.index_cast %add3A_995 : i32 to index
        %swap3A_1053 = arith.constant 80 : index
        %swap3A_1054 = tpu.vector_load %arg16[%swap3A_1051, %swap3A_1052, %swap3A_1053] {strides = array<i32>} : memref<4x80x128xf32, #tpu.memory_space<vmem>>, vector<16xf32>,
        tpu.vector_store %arg16[%swap3A_1051, %swap3A_1052, %swap3A_1053], %mul3A_1050 {strides = array<i32>} : memref<4x80x128xf32, #tpu.memory_space<vmem>>, vector<16xf32>,
        %get3A_1055 = arith.index_cast %rem3A_404 : i32 to index
        %get3A_1056 = arith.index_cast %add3A_995 : i32 to index
        %get3A_1057 = arith.constant 96 : index
        %get3A_1058 = tpu.vector_load %arg16[%get3A_1055, %get3A_1056, %get3A_1057] {strides = array<i32>} : memref<4x80x128xf32, #tpu.memory_space<vmem>>, vector<16xf32>,
        %mul3A_1059 = arith.mulf %get3A_1058, %gather3A_1000 : vector<16xf32>
        %swap3A_1060 = arith.index_cast %rem3A_404 : i32 to index
        %swap3A_1061 = arith.index_cast %add3A_995 : i32 to index
        %swap3A_1062 = arith.constant 96 : index
        %swap3A_1063 = tpu.vector_load %arg16[%swap3A_1060, %swap3A_1061, %swap3A_1062] {strides = array<i32>} : memref<4x80x128xf32, #tpu.memory_space<vmem>>, vector<16xf32>,
        tpu.vector_store %arg16[%swap3A_1060, %swap3A_1061, %swap3A_1062], %mul3A_1059 {strides = array<i32>} : memref<4x80x128xf32, #tpu.memory_space<vmem>>, vector<16xf32>,
        %get3A_1064 = arith.index_cast %rem3A_404 : i32 to index
        %get3A_1065 = arith.index_cast %add3A_995 : i32 to index
        %get3A_1066 = arith.constant 112 : index
        %get3A_1067 = tpu.vector_load %arg16[%get3A_1064, %get3A_1065, %get3A_1066] {strides = array<i32>} : memref<4x80x128xf32, #tpu.memory_space<vmem>>, vector<16xf32>,
        %mul3A_1068 = arith.mulf %get3A_1067, %gather3A_1000 : vector<16xf32>
        %swap3A_1069 = arith.index_cast %rem3A_404 : i32 to index
        %swap3A_1070 = arith.index_cast %add3A_995 : i32 to index
        %swap3A_1071 = arith.constant 112 : index
        %swap3A_1072 = tpu.vector_load %arg16[%swap3A_1069, %swap3A_1070, %swap3A_1071] {strides = array<i32>} : memref<4x80x128xf32, #tpu.memory_space<vmem>>, vector<16xf32>,
        tpu.vector_store %arg16[%swap3A_1069, %swap3A_1070, %swap3A_1071], %mul3A_1068 {strides = array<i32>} : memref<4x80x128xf32, #tpu.memory_space<vmem>>, vector<16xf32>,
        %mul3A_1073 = arith.constant 8 : i32
        %mul3A_1074 = arith.muli %scan3A_588, %mul3A_1073 : i32
        %add3A_1075 = arith.constant 6 : i32
        %add3A_1076 = arith.addi %mul3A_1074, %add3A_1075 : i32
        %broadcast_in_dim3A_1077 = vector.broadcast %add3A_1076 : i32 to vector<16xi32>
        %gather3A_1078 = arith.constant 0 : i32
        %gather3A_1079 = tpu.memref_slice %arg15[%rem3A_406, %gather3A_1078] : memref<2x80xf32, #tpu.memory_space<vmem>> -> memref<1x80xf32, #tpu.memory_space<vmem>>
        %gather3A_1080 = tpu.memref_squeeze %gather3A_1079 : memref<1x80xf32, #tpu.memory_space<vmem>> -> memref<80xf32, #tpu.memory_space<vmem>>
        %gather3A_1081 = tpu.vector_load_idx %gather3A_1080[%broadcast_in_dim3A_1077] : memref<80xf32, #tpu.memory_space<vmem>>[vector<16xi32>], vector<16xf32>,
        %get3A_1082 = arith.index_cast %rem3A_404 : i32 to index
        %get3A_1083 = arith.index_cast %add3A_1076 : i32 to index
        %get3A_1084 = arith.constant 0 : index
        %get3A_1085 = tpu.vector_load %arg16[%get3A_1082, %get3A_1083, %get3A_1084] {strides = array<i32>} : memref<4x80x128xf32, #tpu.memory_space<vmem>>, vector<16xf32>,
        %mul3A_1086 = arith.mulf %get3A_1085, %gather3A_1081 : vector<16xf32>
        %swap3A_1087 = arith.index_cast %rem3A_404 : i32 to index
        %swap3A_1088 = arith.index_cast %add3A_1076 : i32 to index
        %swap3A_1089 = arith.constant 0 : index
        %swap3A_1090 = tpu.vector_load %arg16[%swap3A_1087, %swap3A_1088, %swap3A_1089] {strides = array<i32>} : memref<4x80x128xf32, #tpu.memory_space<vmem>>, vector<16xf32>,
        tpu.vector_store %arg16[%swap3A_1087, %swap3A_1088, %swap3A_1089], %mul3A_1086 {strides = array<i32>} : memref<4x80x128xf32, #tpu.memory_space<vmem>>, vector<16xf32>,
        %get3A_1091 = arith.index_cast %rem3A_404 : i32 to index
        %get3A_1092 = arith.index_cast %add3A_1076 : i32 to index
        %get3A_1093 = arith.constant 16 : index
        %get3A_1094 = tpu.vector_load %arg16[%get3A_1091, %get3A_1092, %get3A_1093] {strides = array<i32>} : memref<4x80x128xf32, #tpu.memory_space<vmem>>, vector<16xf32>,
        %mul3A_1095 = arith.mulf %get3A_1094, %gather3A_1081 : vector<16xf32>
        %swap3A_1096 = arith.index_cast %rem3A_404 : i32 to index
        %swap3A_1097 = arith.index_cast %add3A_1076 : i32 to index
        %swap3A_1098 = arith.constant 16 : index
        %swap3A_1099 = tpu.vector_load %arg16[%swap3A_1096, %swap3A_1097, %swap3A_1098] {strides = array<i32>} : memref<4x80x128xf32, #tpu.memory_space<vmem>>, vector<16xf32>,
        tpu.vector_store %arg16[%swap3A_1096, %swap3A_1097, %swap3A_1098], %mul3A_1095 {strides = array<i32>} : memref<4x80x128xf32, #tpu.memory_space<vmem>>, vector<16xf32>,
        %get3A_1100 = arith.index_cast %rem3A_404 : i32 to index
        %get3A_1101 = arith.index_cast %add3A_1076 : i32 to index
        %get3A_1102 = arith.constant 32 : index
        %get3A_1103 = tpu.vector_load %arg16[%get3A_1100, %get3A_1101, %get3A_1102] {strides = array<i32>} : memref<4x80x128xf32, #tpu.memory_space<vmem>>, vector<16xf32>,
        %mul3A_1104 = arith.mulf %get3A_1103, %gather3A_1081 : vector<16xf32>
        %swap3A_1105 = arith.index_cast %rem3A_404 : i32 to index
        %swap3A_1106 = arith.index_cast %add3A_1076 : i32 to index
        %swap3A_1107 = arith.constant 32 : index
        %swap3A_1108 = tpu.vector_load %arg16[%swap3A_1105, %swap3A_1106, %swap3A_1107] {strides = array<i32>} : memref<4x80x128xf32, #tpu.memory_space<vmem>>, vector<16xf32>,
        tpu.vector_store %arg16[%swap3A_1105, %swap3A_1106, %swap3A_1107], %mul3A_1104 {strides = array<i32>} : memref<4x80x128xf32, #tpu.memory_space<vmem>>, vector<16xf32>,
        %get3A_1109 = arith.index_cast %rem3A_404 : i32 to index
        %get3A_1110 = arith.index_cast %add3A_1076 : i32 to index
        %get3A_1111 = arith.constant 48 : index
        %get3A_1112 = tpu.vector_load %arg16[%get3A_1109, %get3A_1110, %get3A_1111] {strides = array<i32>} : memref<4x80x128xf32, #tpu.memory_space<vmem>>, vector<16xf32>,
        %mul3A_1113 = arith.mulf %get3A_1112, %gather3A_1081 : vector<16xf32>
        %swap3A_1114 = arith.index_cast %rem3A_404 : i32 to index
        %swap3A_1115 = arith.index_cast %add3A_1076 : i32 to index
        %swap3A_1116 = arith.constant 48 : index
        %swap3A_1117 = tpu.vector_load %arg16[%swap3A_1114, %swap3A_1115, %swap3A_1116] {strides = array<i32>} : memref<4x80x128xf32, #tpu.memory_space<vmem>>, vector<16xf32>,
        tpu.vector_store %arg16[%swap3A_1114, %swap3A_1115, %swap3A_1116], %mul3A_1113 {strides = array<i32>} : memref<4x80x128xf32, #tpu.memory_space<vmem>>, vector<16xf32>,
        %get3A_1118 = arith.index_cast %rem3A_404 : i32 to index
        %get3A_1119 = arith.index_cast %add3A_1076 : i32 to index
        %get3A_1120 = arith.constant 64 : index
        %get3A_1121 = tpu.vector_load %arg16[%get3A_1118, %get3A_1119, %get3A_1120] {strides = array<i32>} : memref<4x80x128xf32, #tpu.memory_space<vmem>>, vector<16xf32>,
        %mul3A_1122 = arith.mulf %get3A_1121, %gather3A_1081 : vector<16xf32>
        %swap3A_1123 = arith.index_cast %rem3A_404 : i32 to index
        %swap3A_1124 = arith.index_cast %add3A_1076 : i32 to index
        %swap3A_1125 = arith.constant 64 : index
        %swap3A_1126 = tpu.vector_load %arg16[%swap3A_1123, %swap3A_1124, %swap3A_1125] {strides = array<i32>} : memref<4x80x128xf32, #tpu.memory_space<vmem>>, vector<16xf32>,
        tpu.vector_store %arg16[%swap3A_1123, %swap3A_1124, %swap3A_1125], %mul3A_1122 {strides = array<i32>} : memref<4x80x128xf32, #tpu.memory_space<vmem>>, vector<16xf32>,
        %get3A_1127 = arith.index_cast %rem3A_404 : i32 to index
        %get3A_1128 = arith.index_cast %add3A_1076 : i32 to index
        %get3A_1129 = arith.constant 80 : index
        %get3A_1130 = tpu.vector_load %arg16[%get3A_1127, %get3A_1128, %get3A_1129] {strides = array<i32>} : memref<4x80x128xf32, #tpu.memory_space<vmem>>, vector<16xf32>,
        %mul3A_1131 = arith.mulf %get3A_1130, %gather3A_1081 : vector<16xf32>
        %swap3A_1132 = arith.index_cast %rem3A_404 : i32 to index
        %swap3A_1133 = arith.index_cast %add3A_1076 : i32 to index
        %swap3A_1134 = arith.constant 80 : index
        %swap3A_1135 = tpu.vector_load %arg16[%swap3A_1132, %swap3A_1133, %swap3A_1134] {strides = array<i32>} : memref<4x80x128xf32, #tpu.memory_space<vmem>>, vector<16xf32>,
        tpu.vector_store %arg16[%swap3A_1132, %swap3A_1133, %swap3A_1134], %mul3A_1131 {strides = array<i32>} : memref<4x80x128xf32, #tpu.memory_space<vmem>>, vector<16xf32>,
        %get3A_1136 = arith.index_cast %rem3A_404 : i32 to index
        %get3A_1137 = arith.index_cast %add3A_1076 : i32 to index
        %get3A_1138 = arith.constant 96 : index
        %get3A_1139 = tpu.vector_load %arg16[%get3A_1136, %get3A_1137, %get3A_1138] {strides = array<i32>} : memref<4x80x128xf32, #tpu.memory_space<vmem>>, vector<16xf32>,
        %mul3A_1140 = arith.mulf %get3A_1139, %gather3A_1081 : vector<16xf32>
        %swap3A_1141 = arith.index_cast %rem3A_404 : i32 to index
        %swap3A_1142 = arith.index_cast %add3A_1076 : i32 to index
        %swap3A_1143 = arith.constant 96 : index
        %swap3A_1144 = tpu.vector_load %arg16[%swap3A_1141, %swap3A_1142, %swap3A_1143] {strides = array<i32>} : memref<4x80x128xf32, #tpu.memory_space<vmem>>, vector<16xf32>,
        tpu.vector_store %arg16[%swap3A_1141, %swap3A_1142, %swap3A_1143], %mul3A_1140 {strides = array<i32>} : memref<4x80x128xf32, #tpu.memory_space<vmem>>, vector<16xf32>,
        %get3A_1145 = arith.index_cast %rem3A_404 : i32 to index
        %get3A_1146 = arith.index_cast %add3A_1076 : i32 to index
        %get3A_1147 = arith.constant 112 : index
        %get3A_1148 = tpu.vector_load %arg16[%get3A_1145, %get3A_1146, %get3A_1147] {strides = array<i32>} : memref<4x80x128xf32, #tpu.memory_space<vmem>>, vector<16xf32>,
        %mul3A_1149 = arith.mulf %get3A_1148, %gather3A_1081 : vector<16xf32>
        %swap3A_1150 = arith.index_cast %rem3A_404 : i32 to index
        %swap3A_1151 = arith.index_cast %add3A_1076 : i32 to index
        %swap3A_1152 = arith.constant 112 : index
        %swap3A_1153 = tpu.vector_load %arg16[%swap3A_1150, %swap3A_1151, %swap3A_1152] {strides = array<i32>} : memref<4x80x128xf32, #tpu.memory_space<vmem>>, vector<16xf32>,
        tpu.vector_store %arg16[%swap3A_1150, %swap3A_1151, %swap3A_1152], %mul3A_1149 {strides = array<i32>} : memref<4x80x128xf32, #tpu.memory_space<vmem>>, vector<16xf32>,
        %mul3A_1154 = arith.constant 8 : i32
        %mul3A_1155 = arith.muli %scan3A_588, %mul3A_1154 : i32
        %add3A_1156 = arith.constant 7 : i32
        %add3A_1157 = arith.addi %mul3A_1155, %add3A_1156 : i32
        %broadcast_in_dim3A_1158 = vector.broadcast %add3A_1157 : i32 to vector<16xi32>
        %gather3A_1159 = arith.constant 0 : i32
        %gather3A_1160 = tpu.memref_slice %arg15[%rem3A_406, %gather3A_1159] : memref<2x80xf32, #tpu.memory_space<vmem>> -> memref<1x80xf32, #tpu.memory_space<vmem>>
        %gather3A_1161 = tpu.memref_squeeze %gather3A_1160 : memref<1x80xf32, #tpu.memory_space<vmem>> -> memref<80xf32, #tpu.memory_space<vmem>>
        %gather3A_1162 = tpu.vector_load_idx %gather3A_1161[%broadcast_in_dim3A_1158] : memref<80xf32, #tpu.memory_space<vmem>>[vector<16xi32>], vector<16xf32>,
        %get3A_1163 = arith.index_cast %rem3A_404 : i32 to index
        %get3A_1164 = arith.index_cast %add3A_1157 : i32 to index
        %get3A_1165 = arith.constant 0 : index
        %get3A_1166 = tpu.vector_load %arg16[%get3A_1163, %get3A_1164, %get3A_1165] {strides = array<i32>} : memref<4x80x128xf32, #tpu.memory_space<vmem>>, vector<16xf32>,
        %mul3A_1167 = arith.mulf %get3A_1166, %gather3A_1162 : vector<16xf32>
        %swap3A_1168 = arith.index_cast %rem3A_404 : i32 to index
        %swap3A_1169 = arith.index_cast %add3A_1157 : i32 to index
        %swap3A_1170 = arith.constant 0 : index
        %swap3A_1171 = tpu.vector_load %arg16[%swap3A_1168, %swap3A_1169, %swap3A_1170] {strides = array<i32>} : memref<4x80x128xf32, #tpu.memory_space<vmem>>, vector<16xf32>,
        tpu.vector_store %arg16[%swap3A_1168, %swap3A_1169, %swap3A_1170], %mul3A_1167 {strides = array<i32>} : memref<4x80x128xf32, #tpu.memory_space<vmem>>, vector<16xf32>,
        %get3A_1172 = arith.index_cast %rem3A_404 : i32 to index
        %get3A_1173 = arith.index_cast %add3A_1157 : i32 to index
        %get3A_1174 = arith.constant 16 : index
        %get3A_1175 = tpu.vector_load %arg16[%get3A_1172, %get3A_1173, %get3A_1174] {strides = array<i32>} : memref<4x80x128xf32, #tpu.memory_space<vmem>>, vector<16xf32>,
        %mul3A_1176 = arith.mulf %get3A_1175, %gather3A_1162 : vector<16xf32>
        %swap3A_1177 = arith.index_cast %rem3A_404 : i32 to index
        %swap3A_1178 = arith.index_cast %add3A_1157 : i32 to index
        %swap3A_1179 = arith.constant 16 : index
        %swap3A_1180 = tpu.vector_load %arg16[%swap3A_1177, %swap3A_1178, %swap3A_1179] {strides = array<i32>} : memref<4x80x128xf32, #tpu.memory_space<vmem>>, vector<16xf32>,
        tpu.vector_store %arg16[%swap3A_1177, %swap3A_1178, %swap3A_1179], %mul3A_1176 {strides = array<i32>} : memref<4x80x128xf32, #tpu.memory_space<vmem>>, vector<16xf32>,
        %get3A_1181 = arith.index_cast %rem3A_404 : i32 to index
        %get3A_1182 = arith.index_cast %add3A_1157 : i32 to index
        %get3A_1183 = arith.constant 32 : index
        %get3A_1184 = tpu.vector_load %arg16[%get3A_1181, %get3A_1182, %get3A_1183] {strides = array<i32>} : memref<4x80x128xf32, #tpu.memory_space<vmem>>, vector<16xf32>,
        %mul3A_1185 = arith.mulf %get3A_1184, %gather3A_1162 : vector<16xf32>
        %swap3A_1186 = arith.index_cast %rem3A_404 : i32 to index
        %swap3A_1187 = arith.index_cast %add3A_1157 : i32 to index
        %swap3A_1188 = arith.constant 32 : index
        %swap3A_1189 = tpu.vector_load %arg16[%swap3A_1186, %swap3A_1187, %swap3A_1188] {strides = array<i32>} : memref<4x80x128xf32, #tpu.memory_space<vmem>>, vector<16xf32>,
        tpu.vector_store %arg16[%swap3A_1186, %swap3A_1187, %swap3A_1188], %mul3A_1185 {strides = array<i32>} : memref<4x80x128xf32, #tpu.memory_space<vmem>>, vector<16xf32>,
        %get3A_1190 = arith.index_cast %rem3A_404 : i32 to index
        %get3A_1191 = arith.index_cast %add3A_1157 : i32 to index
        %get3A_1192 = arith.constant 48 : index
        %get3A_1193 = tpu.vector_load %arg16[%get3A_1190, %get3A_1191, %get3A_1192] {strides = array<i32>} : memref<4x80x128xf32, #tpu.memory_space<vmem>>, vector<16xf32>,
        %mul3A_1194 = arith.mulf %get3A_1193, %gather3A_1162 : vector<16xf32>
        %swap3A_1195 = arith.index_cast %rem3A_404 : i32 to index
        %swap3A_1196 = arith.index_cast %add3A_1157 : i32 to index
        %swap3A_1197 = arith.constant 48 : index
        %swap3A_1198 = tpu.vector_load %arg16[%swap3A_1195, %swap3A_1196, %swap3A_1197] {strides = array<i32>} : memref<4x80x128xf32, #tpu.memory_space<vmem>>, vector<16xf32>,
        tpu.vector_store %arg16[%swap3A_1195, %swap3A_1196, %swap3A_1197], %mul3A_1194 {strides = array<i32>} : memref<4x80x128xf32, #tpu.memory_space<vmem>>, vector<16xf32>,
        %get3A_1199 = arith.index_cast %rem3A_404 : i32 to index
        %get3A_1200 = arith.index_cast %add3A_1157 : i32 to index
        %get3A_1201 = arith.constant 64 : index
        %get3A_1202 = tpu.vector_load %arg16[%get3A_1199, %get3A_1200, %get3A_1201] {strides = array<i32>} : memref<4x80x128xf32, #tpu.memory_space<vmem>>, vector<16xf32>,
        %mul3A_1203 = arith.mulf %get3A_1202, %gather3A_1162 : vector<16xf32>
        %swap3A_1204 = arith.index_cast %rem3A_404 : i32 to index
        %swap3A_1205 = arith.index_cast %add3A_1157 : i32 to index
        %swap3A_1206 = arith.constant 64 : index
        %swap3A_1207 = tpu.vector_load %arg16[%swap3A_1204, %swap3A_1205, %swap3A_1206] {strides = array<i32>} : memref<4x80x128xf32, #tpu.memory_space<vmem>>, vector<16xf32>,
        tpu.vector_store %arg16[%swap3A_1204, %swap3A_1205, %swap3A_1206], %mul3A_1203 {strides = array<i32>} : memref<4x80x128xf32, #tpu.memory_space<vmem>>, vector<16xf32>,
        %get3A_1208 = arith.index_cast %rem3A_404 : i32 to index
        %get3A_1209 = arith.index_cast %add3A_1157 : i32 to index
        %get3A_1210 = arith.constant 80 : index
        %get3A_1211 = tpu.vector_load %arg16[%get3A_1208, %get3A_1209, %get3A_1210] {strides = array<i32>} : memref<4x80x128xf32, #tpu.memory_space<vmem>>, vector<16xf32>,
        %mul3A_1212 = arith.mulf %get3A_1211, %gather3A_1162 : vector<16xf32>
        %swap3A_1213 = arith.index_cast %rem3A_404 : i32 to index
        %swap3A_1214 = arith.index_cast %add3A_1157 : i32 to index
        %swap3A_1215 = arith.constant 80 : index
        %swap3A_1216 = tpu.vector_load %arg16[%swap3A_1213, %swap3A_1214, %swap3A_1215] {strides = array<i32>} : memref<4x80x128xf32, #tpu.memory_space<vmem>>, vector<16xf32>,
        tpu.vector_store %arg16[%swap3A_1213, %swap3A_1214, %swap3A_1215], %mul3A_1212 {strides = array<i32>} : memref<4x80x128xf32, #tpu.memory_space<vmem>>, vector<16xf32>,
        %get3A_1217 = arith.index_cast %rem3A_404 : i32 to index
        %get3A_1218 = arith.index_cast %add3A_1157 : i32 to index
        %get3A_1219 = arith.constant 96 : index
        %get3A_1220 = tpu.vector_load %arg16[%get3A_1217, %get3A_1218, %get3A_1219] {strides = array<i32>} : memref<4x80x128xf32, #tpu.memory_space<vmem>>, vector<16xf32>,
        %mul3A_1221 = arith.mulf %get3A_1220, %gather3A_1162 : vector<16xf32>
        %swap3A_1222 = arith.index_cast %rem3A_404 : i32 to index
        %swap3A_1223 = arith.index_cast %add3A_1157 : i32 to index
        %swap3A_1224 = arith.constant 96 : index
        %swap3A_1225 = tpu.vector_load %arg16[%swap3A_1222, %swap3A_1223, %swap3A_1224] {strides = array<i32>} : memref<4x80x128xf32, #tpu.memory_space<vmem>>, vector<16xf32>,
        tpu.vector_store %arg16[%swap3A_1222, %swap3A_1223, %swap3A_1224], %mul3A_1221 {strides = array<i32>} : memref<4x80x128xf32, #tpu.memory_space<vmem>>, vector<16xf32>,
        %get3A_1226 = arith.index_cast %rem3A_404 : i32 to index
        %get3A_1227 = arith.index_cast %add3A_1157 : i32 to index
        %get3A_1228 = arith.constant 112 : index
        %get3A_1229 = tpu.vector_load %arg16[%get3A_1226, %get3A_1227, %get3A_1228] {strides = array<i32>} : memref<4x80x128xf32, #tpu.memory_space<vmem>>, vector<16xf32>,
        %mul3A_1230 = arith.mulf %get3A_1229, %gather3A_1162 : vector<16xf32>
        %swap3A_1231 = arith.index_cast %rem3A_404 : i32 to index
        %swap3A_1232 = arith.index_cast %add3A_1157 : i32 to index
        %swap3A_1233 = arith.constant 112 : index
        %swap3A_1234 = tpu.vector_load %arg16[%swap3A_1231, %swap3A_1232, %swap3A_1233] {strides = array<i32>} : memref<4x80x128xf32, #tpu.memory_space<vmem>>, vector<16xf32>,
        tpu.vector_store %arg16[%swap3A_1231, %swap3A_1232, %swap3A_1233], %mul3A_1230 {strides = array<i32>} : memref<4x80x128xf32, #tpu.memory_space<vmem>>, vector<16xf32>,
      }
      %scan3A_548 = arith.constant 10 : i32
      %gt3A = arith.constant 0 : i32
      %gt3A_549 = arith.cmpi sgt, %scan3A_402, %gt3A : i32
      %convert_element_type3A_550 = arith.extui %gt3A_549 : i1 to i32
      %cond3A_551 = arith.constant 0 : i32
      %cond3A_552 = arith.cmpi ne, %convert_element_type3A_550, %cond3A_551 : i32
      scf.if %cond3A_552 {
        %sub3A_588 = arith.constant 1 : i32
        %sub3A_589 = arith.subi %scan3A_402, %sub3A_588 : i32
        %rem3A_590 = arith.constant 4 : i32
        %rem3A_591 = arith.remsi %sub3A_589, %rem3A_590 : i32
        %rem3A_592 = arith.constant 2 : i32
        %rem3A_593 = arith.remsi %sub3A_589, %rem3A_592 : i32
        %rem3A_594 = arith.constant 6 : i32
        %rem3A_595 = arith.remsi %sub3A_589, %rem3A_594 : i32
        %dma_wait3A_596 = arith.constant 0 : i32
        %dma_wait3A_597 = arith.constant 0 : i32
        %dma_wait3A_598 = tpu.memref_slice %arg16[%rem3A_591, %dma_wait3A_596, %dma_wait3A_597] : memref<4x80x128xf32, #tpu.memory_space<vmem>> -> memref<1x80x128xf32, #tpu.memory_space<vmem>>
        %dma_wait3A_599 = tpu.memref_squeeze %dma_wait3A_598 : memref<1x80x128xf32, #tpu.memory_space<vmem>> -> memref<80x128xf32, #tpu.memory_space<vmem>>
        %dma_wait3A_600 = arith.constant 0 : i32
        %dma_wait3A_601 = tpu.memref_slice %arg13[%rem3A_595, %dma_wait3A_600] : memref<6x80xi32, #tpu.memory_space<vmem>> -> memref<1x80xi32, #tpu.memory_space<vmem>>
        %dma_wait3A_602 = tpu.memref_squeeze %dma_wait3A_601 : memref<1x80xi32, #tpu.memory_space<vmem>> -> memref<80xi32, #tpu.memory_space<vmem>>
        %dma_wait3A_603 = arith.constant 0 : i32
        %dma_wait3A_604 = arith.constant 0 : i32
        %dma_wait3A_605 = tpu.memref_slice %arg21[%dma_wait3A_603, %dma_wait3A_604] : memref<10240x128xf32, #tpu.memory_space<vmem_shared>> -> memref<10240x128xf32, #tpu.memory_space<vmem_shared>>
        %dma_wait3A_606 = tpu.memref_slice %arg24[%rem3A_593] : memref<2x!tpu.dma_semaphore, #tpu.memory_space<semaphore_mem>> -> memref<1x!tpu.dma_semaphore, #tpu.memory_space<semaphore_mem>>
        %dma_wait3A_607 = tpu.memref_squeeze %dma_wait3A_606 : memref<1x!tpu.dma_semaphore, #tpu.memory_space<semaphore_mem>> -> memref<!tpu.dma_semaphore, #tpu.memory_space<semaphore_mem>>
        tpu.wait_indirect_dma semaphore(%dma_wait3A_607 : memref<!tpu.dma_semaphore, #tpu.memory_space<semaphore_mem>>) src(%dma_wait3A_599 : memref<80x128xf32, #tpu.memory_space<vmem>>) dst(%dma_wait3A_605 : memref<10240x128xf32, #tpu.memory_space<vmem_shared>>)
        %dma_wait3A_608 = arith.constant 0 : i32
        %dma_wait3A_609 = tpu.memref_slice %arg15[%rem3A_593, %dma_wait3A_608] : memref<2x80xf32, #tpu.memory_space<vmem>> -> memref<1x80xf32, #tpu.memory_space<vmem>>
        %dma_wait3A_610 = tpu.memref_squeeze %dma_wait3A_609 : memref<1x80xf32, #tpu.memory_space<vmem>> -> memref<80xf32, #tpu.memory_space<vmem>>
        %dma_wait3A_611 = arith.constant 0 : i32
        %dma_wait3A_612 = tpu.memref_slice %arg13[%rem3A_595, %dma_wait3A_611] : memref<6x80xi32, #tpu.memory_space<vmem>> -> memref<1x80xi32, #tpu.memory_space<vmem>>
        %dma_wait3A_613 = tpu.memref_squeeze %dma_wait3A_612 : memref<1x80xi32, #tpu.memory_space<vmem>> -> memref<80xi32, #tpu.memory_space<vmem>>
        %dma_wait3A_614 = arith.constant 0 : i32
        %dma_wait3A_615 = tpu.memref_slice %arg22[%dma_wait3A_614] : memref<10240xf32, #tpu.memory_space<vmem_shared>> -> memref<10240xf32, #tpu.memory_space<vmem_shared>>
        %dma_wait3A_616 = tpu.memref_slice %arg25[%rem3A_593] : memref<2x!tpu.dma_semaphore, #tpu.memory_space<semaphore_mem>> -> memref<1x!tpu.dma_semaphore, #tpu.memory_space<semaphore_mem>>
        %dma_wait3A_617 = tpu.memref_squeeze %dma_wait3A_616 : memref<1x!tpu.dma_semaphore, #tpu.memory_space<semaphore_mem>> -> memref<!tpu.dma_semaphore, #tpu.memory_space<semaphore_mem>>
        tpu.wait_indirect_dma semaphore(%dma_wait3A_617 : memref<!tpu.dma_semaphore, #tpu.memory_space<semaphore_mem>>) src(%dma_wait3A_610 : memref<80xf32, #tpu.memory_space<vmem>>) dst(%dma_wait3A_615 : memref<10240xf32, #tpu.memory_space<vmem_shared>>)
      } else {
      }
      %rem3A_553 = arith.constant 4 : i32
      %rem3A_554 = arith.remsi %scan3A_402, %rem3A_553 : i32
      %rem3A_555 = arith.constant 2 : i32
      %rem3A_556 = arith.remsi %scan3A_402, %rem3A_555 : i32
      %rem3A_557 = arith.constant 6 : i32
      %rem3A_558 = arith.remsi %scan3A_402, %rem3A_557 : i32
      %dma_start3A_559 = arith.constant 0 : i32
      %dma_start3A_560 = arith.constant 0 : i32
      %dma_start3A_561 = tpu.memref_slice %arg16[%rem3A_554, %dma_start3A_559, %dma_start3A_560] : memref<4x80x128xf32, #tpu.memory_space<vmem>> -> memref<1x80x128xf32, #tpu.memory_space<vmem>>
      %dma_start3A_562 = tpu.memref_squeeze %dma_start3A_561 : memref<1x80x128xf32, #tpu.memory_space<vmem>> -> memref<80x128xf32, #tpu.memory_space<vmem>>
      %dma_start3A_563 = arith.constant 0 : i32
      %dma_start3A_564 = tpu.memref_slice %arg13[%rem3A_558, %dma_start3A_563] : memref<6x80xi32, #tpu.memory_space<vmem>> -> memref<1x80xi32, #tpu.memory_space<vmem>>
      %dma_start3A_565 = tpu.memref_squeeze %dma_start3A_564 : memref<1x80xi32, #tpu.memory_space<vmem>> -> memref<80xi32, #tpu.memory_space<vmem>>
      %dma_start3A_566 = arith.constant 0 : i32
      %dma_start3A_567 = arith.constant 0 : i32
      %dma_start3A_568 = tpu.memref_slice %arg21[%dma_start3A_566, %dma_start3A_567] : memref<10240x128xf32, #tpu.memory_space<vmem_shared>> -> memref<10240x128xf32, #tpu.memory_space<vmem_shared>>
      %dma_start3A_569 = tpu.memref_slice %arg24[%rem3A_556] : memref<2x!tpu.dma_semaphore, #tpu.memory_space<semaphore_mem>> -> memref<1x!tpu.dma_semaphore, #tpu.memory_space<semaphore_mem>>
      %dma_start3A_570 = tpu.memref_squeeze %dma_start3A_569 : memref<1x!tpu.dma_semaphore, #tpu.memory_space<semaphore_mem>> -> memref<!tpu.dma_semaphore, #tpu.memory_space<semaphore_mem>>
      tpu.enqueue_indirect_dma source(%dma_start3A_562 : memref<80x128xf32, #tpu.memory_space<vmem>>) target(%dma_start3A_568 : memref<10240x128xf32, #tpu.memory_space<vmem_shared>>) offsets(%dma_start3A_565 : memref<80xi32, #tpu.memory_space<vmem>>) semaphore(%dma_start3A_570 : memref<!tpu.dma_semaphore, #tpu.memory_space<semaphore_mem>>) {add = true}
      %dma_start3A_571 = arith.constant 0 : i32
      %dma_start3A_572 = tpu.memref_slice %arg15[%rem3A_556, %dma_start3A_571] : memref<2x80xf32, #tpu.memory_space<vmem>> -> memref<1x80xf32, #tpu.memory_space<vmem>>
      %dma_start3A_573 = tpu.memref_squeeze %dma_start3A_572 : memref<1x80xf32, #tpu.memory_space<vmem>> -> memref<80xf32, #tpu.memory_space<vmem>>
      %dma_start3A_574 = arith.constant 0 : i32
      %dma_start3A_575 = tpu.memref_slice %arg13[%rem3A_558, %dma_start3A_574] : memref<6x80xi32, #tpu.memory_space<vmem>> -> memref<1x80xi32, #tpu.memory_space<vmem>>
      %dma_start3A_576 = tpu.memref_squeeze %dma_start3A_575 : memref<1x80xi32, #tpu.memory_space<vmem>> -> memref<80xi32, #tpu.memory_space<vmem>>
      %dma_start3A_577 = arith.constant 0 : i32
      %dma_start3A_578 = tpu.memref_slice %arg22[%dma_start3A_577] : memref<10240xf32, #tpu.memory_space<vmem_shared>> -> memref<10240xf32, #tpu.memory_space<vmem_shared>>
      %dma_start3A_579 = tpu.memref_slice %arg25[%rem3A_556] : memref<2x!tpu.dma_semaphore, #tpu.memory_space<semaphore_mem>> -> memref<1x!tpu.dma_semaphore, #tpu.memory_space<semaphore_mem>>
      %dma_start3A_580 = tpu.memref_squeeze %dma_start3A_579 : memref<1x!tpu.dma_semaphore, #tpu.memory_space<semaphore_mem>> -> memref<!tpu.dma_semaphore, #tpu.memory_space<semaphore_mem>>
      tpu.enqueue_indirect_dma source(%dma_start3A_573 : memref<80xf32, #tpu.memory_space<vmem>>) target(%dma_start3A_578 : memref<10240xf32, #tpu.memory_space<vmem_shared>>) offsets(%dma_start3A_576 : memref<80xi32, #tpu.memory_space<vmem>>) semaphore(%dma_start3A_580 : memref<!tpu.dma_semaphore, #tpu.memory_space<semaphore_mem>>) {add = true}
      %add3A_581 = arith.constant 4 : i32
      %add3A_582 = arith.addi %scan3A_402, %add3A_581 : i32
      %lt3A_583 = arith.constant 125 : i32
      %lt3A_584 = arith.cmpi slt, %add3A_582, %lt3A_583 : i32
      %convert_element_type3A_585 = arith.extui %lt3A_584 : i1 to i32
      %cond3A_586 = arith.constant 0 : i32
      %cond3A_587 = arith.cmpi ne, %convert_element_type3A_585, %cond3A_586 : i32
      scf.if %cond3A_587 {
        %add3A_588 = arith.constant 4 : i32
        %add3A_589 = arith.addi %scan3A_402, %add3A_588 : i32
        %rem3A_590 = arith.constant 4 : i32
        %rem3A_591 = arith.remsi %add3A_589, %rem3A_590 : i32
        %rem3A_592 = arith.constant 4 : i32
        %rem3A_593 = arith.remsi %add3A_589, %rem3A_592 : i32
        %dma_start3A_594 = arith.constant 0 : i32
        %dma_start3A_595 = tpu.memref_slice %arg12[%rem3A_591, %dma_start3A_594] : memref<4x80xi32, #tpu.memory_space<vmem>> -> memref<1x80xi32, #tpu.memory_space<vmem>>
        %dma_start3A_596 = tpu.memref_squeeze %dma_start3A_595 : memref<1x80xi32, #tpu.memory_space<vmem>> -> memref<80xi32, #tpu.memory_space<vmem>>
        %dma_start3A_597 = arith.constant 0 : i32
        %dma_start3A_598 = tpu.memref_slice %arg6[%add3A, %add3A_589, %dma_start3A_597] : memref<32x125x80xi32, #tpu.memory_space<hbm>> -> memref<1x1x80xi32, #tpu.memory_space<hbm>>
        %dma_start3A_599 = tpu.memref_squeeze %dma_start3A_598 : memref<1x1x80xi32, #tpu.memory_space<hbm>> -> memref<80xi32, #tpu.memory_space<hbm>>
        %dma_start3A_600 = tpu.memref_slice %arg26[%rem3A_593] : memref<4x!tpu.dma_semaphore, #tpu.memory_space<semaphore_mem>> -> memref<1x!tpu.dma_semaphore, #tpu.memory_space<semaphore_mem>>
        %dma_start3A_601 = tpu.memref_squeeze %dma_start3A_600 : memref<1x!tpu.dma_semaphore, #tpu.memory_space<semaphore_mem>> -> memref<!tpu.dma_semaphore, #tpu.memory_space<semaphore_mem>>
        %dma_start3A_602 = arith.constant 0 : i32
        %dma_start3A_603 = tpu.memref_slice %arg12[%rem3A_591, %dma_start3A_602] : memref<4x80xi32, #tpu.memory_space<vmem>> -> memref<1x80xi32, #tpu.memory_space<vmem>>
        %dma_start3A_604 = tpu.memref_squeeze %dma_start3A_603 : memref<1x80xi32, #tpu.memory_space<vmem>> -> memref<80xi32, #tpu.memory_space<vmem>>
        %dma_start3A_605 = arith.constant 0 : i32
        %dma_start3A_606 = tpu.memref_slice %arg6[%add3A, %add3A_589, %dma_start3A_605] : memref<32x125x80xi32, #tpu.memory_space<hbm>> -> memref<1x1x80xi32, #tpu.memory_space<hbm>>
        %dma_start3A_607 = tpu.memref_squeeze %dma_start3A_606 : memref<1x1x80xi32, #tpu.memory_space<hbm>> -> memref<80xi32, #tpu.memory_space<hbm>>
        tpu.enqueue_dma source(%dma_start3A_607 : memref<80xi32, #tpu.memory_space<hbm>>) target(%dma_start3A_604 : memref<80xi32, #tpu.memory_space<vmem>>) target_semaphore(%dma_start3A_601 : memref<!tpu.dma_semaphore, #tpu.memory_space<semaphore_mem>>)
        %rem3A_608 = arith.constant 6 : i32
        %rem3A_609 = arith.remsi %add3A_589, %rem3A_608 : i32
        %rem3A_610 = arith.constant 6 : i32
        %rem3A_611 = arith.remsi %add3A_589, %rem3A_610 : i32
        %dma_start3A_612 = arith.constant 0 : i32
        %dma_start3A_613 = tpu.memref_slice %arg13[%rem3A_609, %dma_start3A_612] : memref<6x80xi32, #tpu.memory_space<vmem>> -> memref<1x80xi32, #tpu.memory_space<vmem>>
        %dma_start3A_614 = tpu.memref_squeeze %dma_start3A_613 : memref<1x80xi32, #tpu.memory_space<vmem>> -> memref<80xi32, #tpu.memory_space<vmem>>
        %dma_start3A_615 = arith.constant 0 : i32
        %dma_start3A_616 = tpu.memref_slice %arg7[%add3A, %add3A_589, %dma_start3A_615] : memref<32x125x80xi32, #tpu.memory_space<hbm>> -> memref<1x1x80xi32, #tpu.memory_space<hbm>>
        %dma_start3A_617 = tpu.memref_squeeze %dma_start3A_616 : memref<1x1x80xi32, #tpu.memory_space<hbm>> -> memref<80xi32, #tpu.memory_space<hbm>>
        %dma_start3A_618 = tpu.memref_slice %arg27[%rem3A_611] : memref<6x!tpu.dma_semaphore, #tpu.memory_space<semaphore_mem>> -> memref<1x!tpu.dma_semaphore, #tpu.memory_space<semaphore_mem>>
        %dma_start3A_619 = tpu.memref_squeeze %dma_start3A_618 : memref<1x!tpu.dma_semaphore, #tpu.memory_space<semaphore_mem>> -> memref<!tpu.dma_semaphore, #tpu.memory_space<semaphore_mem>>
        %dma_start3A_620 = arith.constant 0 : i32
        %dma_start3A_621 = tpu.memref_slice %arg13[%rem3A_609, %dma_start3A_620] : memref<6x80xi32, #tpu.memory_space<vmem>> -> memref<1x80xi32, #tpu.memory_space<vmem>>
        %dma_start3A_622 = tpu.memref_squeeze %dma_start3A_621 : memref<1x80xi32, #tpu.memory_space<vmem>> -> memref<80xi32, #tpu.memory_space<vmem>>
        %dma_start3A_623 = arith.constant 0 : i32
        %dma_start3A_624 = tpu.memref_slice %arg7[%add3A, %add3A_589, %dma_start3A_623] : memref<32x125x80xi32, #tpu.memory_space<hbm>> -> memref<1x1x80xi32, #tpu.memory_space<hbm>>
        %dma_start3A_625 = tpu.memref_squeeze %dma_start3A_624 : memref<1x1x80xi32, #tpu.memory_space<hbm>> -> memref<80xi32, #tpu.memory_space<hbm>>
        tpu.enqueue_dma source(%dma_start3A_625 : memref<80xi32, #tpu.memory_space<hbm>>) target(%dma_start3A_622 : memref<80xi32, #tpu.memory_space<vmem>>) target_semaphore(%dma_start3A_619 : memref<!tpu.dma_semaphore, #tpu.memory_space<semaphore_mem>>)
      } else {
      }
    }
    %scan3A_361 = arith.constant 125 : i32
    %rem3A_362 = arith.constant 124 : i32
    %rem3A_363 = arith.constant 4 : i32
    %rem3A_364 = arith.remsi %rem3A_362, %rem3A_363 : i32
    %rem3A_365 = arith.constant 124 : i32
    %rem3A_366 = arith.constant 2 : i32
    %rem3A_367 = arith.remsi %rem3A_365, %rem3A_366 : i32
    %rem3A_368 = arith.constant 124 : i32
    %rem3A_369 = arith.constant 6 : i32
    %rem3A_370 = arith.remsi %rem3A_368, %rem3A_369 : i32
    %dma_wait3A_371 = arith.constant 0 : i32
    %dma_wait3A_372 = arith.constant 0 : i32
    %dma_wait3A_373 = tpu.memref_slice %arg16[%rem3A_364, %dma_wait3A_371, %dma_wait3A_372] : memref<4x80x128xf32, #tpu.memory_space<vmem>> -> memref<1x80x128xf32, #tpu.memory_space<vmem>>
    %dma_wait3A_374 = tpu.memref_squeeze %dma_wait3A_373 : memref<1x80x128xf32, #tpu.memory_space<vmem>> -> memref<80x128xf32, #tpu.memory_space<vmem>>
    %dma_wait3A_375 = arith.constant 0 : i32
    %dma_wait3A_376 = tpu.memref_slice %arg13[%rem3A_370, %dma_wait3A_375] : memref<6x80xi32, #tpu.memory_space<vmem>> -> memref<1x80xi32, #tpu.memory_space<vmem>>
    %dma_wait3A_377 = tpu.memref_squeeze %dma_wait3A_376 : memref<1x80xi32, #tpu.memory_space<vmem>> -> memref<80xi32, #tpu.memory_space<vmem>>
    %dma_wait3A_378 = arith.constant 0 : i32
    %dma_wait3A_379 = arith.constant 0 : i32
    %dma_wait3A_380 = tpu.memref_slice %arg21[%dma_wait3A_378, %dma_wait3A_379] : memref<10240x128xf32, #tpu.memory_space<vmem_shared>> -> memref<10240x128xf32, #tpu.memory_space<vmem_shared>>
    %dma_wait3A_381 = tpu.memref_slice %arg24[%rem3A_367] : memref<2x!tpu.dma_semaphore, #tpu.memory_space<semaphore_mem>> -> memref<1x!tpu.dma_semaphore, #tpu.memory_space<semaphore_mem>>
    %dma_wait3A_382 = tpu.memref_squeeze %dma_wait3A_381 : memref<1x!tpu.dma_semaphore, #tpu.memory_space<semaphore_mem>> -> memref<!tpu.dma_semaphore, #tpu.memory_space<semaphore_mem>>
    tpu.wait_indirect_dma semaphore(%dma_wait3A_382 : memref<!tpu.dma_semaphore, #tpu.memory_space<semaphore_mem>>) src(%dma_wait3A_374 : memref<80x128xf32, #tpu.memory_space<vmem>>) dst(%dma_wait3A_380 : memref<10240x128xf32, #tpu.memory_space<vmem_shared>>)
    %dma_wait3A_383 = arith.constant 0 : i32
    %dma_wait3A_384 = tpu.memref_slice %arg15[%rem3A_367, %dma_wait3A_383] : memref<2x80xf32, #tpu.memory_space<vmem>> -> memref<1x80xf32, #tpu.memory_space<vmem>>
    %dma_wait3A_385 = tpu.memref_squeeze %dma_wait3A_384 : memref<1x80xf32, #tpu.memory_space<vmem>> -> memref<80xf32, #tpu.memory_space<vmem>>
    %dma_wait3A_386 = arith.constant 0 : i32
    %dma_wait3A_387 = tpu.memref_slice %arg13[%rem3A_370, %dma_wait3A_386] : memref<6x80xi32, #tpu.memory_space<vmem>> -> memref<1x80xi32, #tpu.memory_space<vmem>>
    %dma_wait3A_388 = tpu.memref_squeeze %dma_wait3A_387 : memref<1x80xi32, #tpu.memory_space<vmem>> -> memref<80xi32, #tpu.memory_space<vmem>>
    %dma_wait3A_389 = arith.constant 0 : i32
    %dma_wait3A_390 = tpu.memref_slice %arg22[%dma_wait3A_389] : memref<10240xf32, #tpu.memory_space<vmem_shared>> -> memref<10240xf32, #tpu.memory_space<vmem_shared>>
    %dma_wait3A_391 = tpu.memref_slice %arg25[%rem3A_367] : memref<2x!tpu.dma_semaphore, #tpu.memory_space<semaphore_mem>> -> memref<1x!tpu.dma_semaphore, #tpu.memory_space<semaphore_mem>>
    %dma_wait3A_392 = tpu.memref_squeeze %dma_wait3A_391 : memref<1x!tpu.dma_semaphore, #tpu.memory_space<semaphore_mem>> -> memref<!tpu.dma_semaphore, #tpu.memory_space<semaphore_mem>>
    tpu.wait_indirect_dma semaphore(%dma_wait3A_392 : memref<!tpu.dma_semaphore, #tpu.memory_space<semaphore_mem>>) src(%dma_wait3A_385 : memref<80xf32, #tpu.memory_space<vmem>>) dst(%dma_wait3A_390 : memref<10240xf32, #tpu.memory_space<vmem_shared>>)
    %barrier3A_393 = arith.constant 0 : index
    tpu.barrier barrier_id(%barrier3A_393)
    %mul3A_394 = arith.constant 640 : i32
    %mul3A_395 = arith.muli %arg1, %mul3A_394 : i32
    %mul3A_396 = arith.constant 640 : i32
    %mul3A_397 = arith.muli %arg1, %mul3A_396 : i32
    "tpu.region"() ({
      %run_scoped3A = tpu.sem_alloc : memref<!tpu.dma_semaphore, #tpu.memory_space<semaphore_mem>>
      %dma_start3A_402 = arith.constant 0 : i32
      %dma_start3A_403 = tpu.memref_slice %arg10[%arg0, %mul3A_397, %dma_start3A_402] : memref<2x10240x128xf32, #tpu.memory_space<hbm>> -> memref<1x640x128xf32, #tpu.memory_space<hbm>>
      %dma_start3A_404 = tpu.memref_squeeze %dma_start3A_403 : memref<1x640x128xf32, #tpu.memory_space<hbm>> -> memref<640x128xf32, #tpu.memory_space<hbm>>
      %dma_start3A_405 = arith.constant 0 : i32
      %dma_start3A_406 = tpu.memref_slice %arg21[%mul3A_395, %dma_start3A_405] : memref<10240x128xf32, #tpu.memory_space<vmem_shared>> -> memref<640x128xf32, #tpu.memory_space<vmem_shared>>
      tpu.enqueue_dma source(%dma_start3A_406 : memref<640x128xf32, #tpu.memory_space<vmem_shared>>) target(%dma_start3A_404 : memref<640x128xf32, #tpu.memory_space<hbm>>) target_semaphore(%run_scoped3A : memref<!tpu.dma_semaphore, #tpu.memory_space<semaphore_mem>>)
      %dma_wait3A_407 = arith.constant 0 : i32
      %dma_wait3A_408 = tpu.memref_slice %arg10[%arg0, %mul3A_397, %dma_wait3A_407] : memref<2x10240x128xf32, #tpu.memory_space<hbm>> -> memref<1x640x128xf32, #tpu.memory_space<hbm>>
      %dma_wait3A_409 = tpu.memref_squeeze %dma_wait3A_408 : memref<1x640x128xf32, #tpu.memory_space<hbm>> -> memref<640x128xf32, #tpu.memory_space<hbm>>
      %dma_wait3A_410 = arith.constant 0 : i32
      %dma_wait3A_411 = tpu.memref_slice %arg21[%mul3A_395, %dma_wait3A_410] : memref<10240x128xf32, #tpu.memory_space<vmem_shared>> -> memref<640x128xf32, #tpu.memory_space<vmem_shared>>
      tpu.wait_dma2 semaphore(%run_scoped3A : memref<!tpu.dma_semaphore, #tpu.memory_space<semaphore_mem>>) src(%dma_wait3A_411 : memref<640x128xf32, #tpu.memory_space<vmem_shared>>) dst(%dma_wait3A_409 : memref<640x128xf32, #tpu.memory_space<hbm>>)
      tpu.yield
    }) : () -> ()
    %mul3A_398 = arith.constant 640 : i32
    %mul3A_399 = arith.muli %arg1, %mul3A_398 : i32
    %mul3A_400 = arith.constant 640 : i32
    %mul3A_401 = arith.muli %arg1, %mul3A_400 : i32
    "tpu.region"() ({
      %run_scoped3A = tpu.sem_alloc : memref<!tpu.dma_semaphore, #tpu.memory_space<semaphore_mem>>
      %dma_start3A_402 = tpu.memref_slice %arg11[%arg0, %mul3A_401] : memref<2x10240xf32, #tpu.memory_space<hbm>> -> memref<1x640xf32, #tpu.memory_space<hbm>>
      %dma_start3A_403 = tpu.memref_squeeze %dma_start3A_402 : memref<1x640xf32, #tpu.memory_space<hbm>> -> memref<640xf32, #tpu.memory_space<hbm>>
      %dma_start3A_404 = tpu.memref_slice %arg22[%mul3A_399] : memref<10240xf32, #tpu.memory_space<vmem_shared>> -> memref<640xf32, #tpu.memory_space<vmem_shared>>
      tpu.enqueue_dma source(%dma_start3A_404 : memref<640xf32, #tpu.memory_space<vmem_shared>>) target(%dma_start3A_403 : memref<640xf32, #tpu.memory_space<hbm>>) target_semaphore(%run_scoped3A : memref<!tpu.dma_semaphore, #tpu.memory_space<semaphore_mem>>)
      %dma_wait3A_405 = tpu.memref_slice %arg11[%arg0, %mul3A_401] : memref<2x10240xf32, #tpu.memory_space<hbm>> -> memref<1x640xf32, #tpu.memory_space<hbm>>
      %dma_wait3A_406 = tpu.memref_squeeze %dma_wait3A_405 : memref<1x640xf32, #tpu.memory_space<hbm>> -> memref<640xf32, #tpu.memory_space<hbm>>
      %dma_wait3A_407 = tpu.memref_slice %arg22[%mul3A_399] : memref<10240xf32, #tpu.memory_space<vmem_shared>> -> memref<640xf32, #tpu.memory_space<vmem_shared>>
      tpu.wait_dma2 semaphore(%run_scoped3A : memref<!tpu.dma_semaphore, #tpu.memory_space<semaphore_mem>>) src(%dma_wait3A_407 : memref<640xf32, #tpu.memory_space<vmem_shared>>) dst(%dma_wait3A_406 : memref<640xf32, #tpu.memory_space<hbm>>)
      tpu.yield
    }) : () -> ()
    return
  }
}

#map = affine_map<(d0, d1) -> (0, 0)>
#map1 = affine_map<(d0, d1) -> (0)>
#map2 = affine_map<(d0, d1) -> (0, 0, 0)>
module attributes {stable_mosaic.version = 14 : i64} {
  func.func @_sc_edge_body(%arg0: i32, %arg1: i32, %arg2: memref<10240x128xf32, #tpu.memory_space<hbm>>, %arg3: memref<10240xf32, #tpu.memory_space<hbm>>, %arg4: memref<10240xf32, #tpu.memory_space<hbm>>, %arg5: memref<2x128xf32, #tpu.memory_space<hbm>>, %arg6: memref<32x125x80xi32, #tpu.memory_space<hbm>>, %arg7: memref<32x125x80xi32, #tpu.memory_space<hbm>>, %arg8: memref<640x128xf32, #tpu.memory_space<hbm>>, %arg9: memref<640xf32, #tpu.memory_space<hbm>>, %arg10: memref<2x10240x128xf32, #tpu.memory_space<hbm>>, %arg11: memref<2x10240xf32, #tpu.memory_space<hbm>>, %arg12: memref<4x80xi32, #tpu.memory_space<vmem>>, %arg13: memref<6x80xi32, #tpu.memory_space<vmem>>, %arg14: memref<2x128xf32, #tpu.memory_space<vmem>>, %arg15: memref<2x80xf32, #tpu.memory_space<vmem>>, %arg16: memref<4x80x128xf32, #tpu.memory_space<vmem>>, %arg17: memref<3x80xf32, #tpu.memory_space<vmem>>, %arg18: memref<3x80xf32, #tpu.memory_space<vmem>>, %arg19: memref<10240xf32, #tpu.memory_space<vmem_shared>>, %arg20: memref<10240xf32, #tpu.memory_space<vmem_shared>>, %arg21: memref<10240x128xf32, #tpu.memory_space<vmem_shared>>, %arg22: memref<10240xf32, #tpu.memory_space<vmem_shared>>, %arg23: memref<4x!tpu.dma_semaphore, #tpu.memory_space<semaphore_mem>>, %arg24: memref<2x!tpu.dma_semaphore, #tpu.memory_space<semaphore_mem>>, %arg25: memref<2x!tpu.dma_semaphore, #tpu.memory_space<semaphore_mem>>, %arg26: memref<4x!tpu.dma_semaphore, #tpu.memory_space<semaphore_mem>>, %arg27: memref<6x!tpu.dma_semaphore, #tpu.memory_space<semaphore_mem>>, %arg28: memref<3x!tpu.dma_semaphore, #tpu.memory_space<semaphore_mem>>, %arg29: memref<3x!tpu.dma_semaphore, #tpu.memory_space<semaphore_mem>>) attributes {dimension_semantics = [#tpu.dimension_semantics<core_parallel>, #tpu.dimension_semantics<subcore_parallel>], iteration_bounds = array<i64: 2, 16>, scalar_prefetch = 0 : i64, scratch_operands = 18 : i64, tpu.core_type = #tpu.core_type<sc_vector_subcore>, window_params = [{transform_indices = #map}, {transform_indices = #map1}, {transform_indices = #map1}, {transform_indices = #map}, {transform_indices = #map2}, {transform_indices = #map2}, {transform_indices = #map}, {transform_indices = #map1}, {transform_indices = #map2}, {transform_indices = #map}]} {
    %mul3A = arith.constant 16 : i32
    %mul3A_0 = arith.muli %arg0, %mul3A : i32
    %add3A = arith.addi %mul3A_0, %arg1 : i32
    "tpu.region"() ({
      %run_scoped3A = tpu.sem_alloc : memref<!tpu.dma_semaphore, #tpu.memory_space<semaphore_mem>>
      tpu.enqueue_dma source(%arg5 : memref<2x128xf32, #tpu.memory_space<hbm>>) target(%arg14 : memref<2x128xf32, #tpu.memory_space<vmem>>) target_semaphore(%run_scoped3A : memref<!tpu.dma_semaphore, #tpu.memory_space<semaphore_mem>>)
      tpu.wait_dma2 semaphore(%run_scoped3A : memref<!tpu.dma_semaphore, #tpu.memory_space<semaphore_mem>>) src(%arg5 : memref<2x128xf32, #tpu.memory_space<hbm>>) dst(%arg14 : memref<2x128xf32, #tpu.memory_space<vmem>>)
      tpu.yield
    }) : () -> ()
    %mul3A_1 = arith.constant 640 : i32
    %mul3A_2 = arith.muli %arg1, %mul3A_1 : i32
    %mul3A_3 = arith.constant 640 : i32
    %mul3A_4 = arith.muli %arg1, %mul3A_3 : i32
    "tpu.region"() ({
      %run_scoped3A = tpu.sem_alloc : memref<!tpu.dma_semaphore, #tpu.memory_space<semaphore_mem>>
      %dma_start3A_402 = tpu.memref_slice %arg19[%mul3A_4] : memref<10240xf32, #tpu.memory_space<vmem_shared>> -> memref<640xf32, #tpu.memory_space<vmem_shared>>
      %dma_start3A_403 = tpu.memref_slice %arg3[%mul3A_2] : memref<10240xf32, #tpu.memory_space<hbm>> -> memref<640xf32, #tpu.memory_space<hbm>>
      tpu.enqueue_dma source(%dma_start3A_403 : memref<640xf32, #tpu.memory_space<hbm>>) target(%dma_start3A_402 : memref<640xf32, #tpu.memory_space<vmem_shared>>) target_semaphore(%run_scoped3A : memref<!tpu.dma_semaphore, #tpu.memory_space<semaphore_mem>>)
      %dma_wait3A_404 = tpu.memref_slice %arg19[%mul3A_4] : memref<10240xf32, #tpu.memory_space<vmem_shared>> -> memref<640xf32, #tpu.memory_space<vmem_shared>>
      %dma_wait3A_405 = tpu.memref_slice %arg3[%mul3A_2] : memref<10240xf32, #tpu.memory_space<hbm>> -> memref<640xf32, #tpu.memory_space<hbm>>
      tpu.wait_dma2 semaphore(%run_scoped3A : memref<!tpu.dma_semaphore, #tpu.memory_space<semaphore_mem>>) src(%dma_wait3A_405 : memref<640xf32, #tpu.memory_space<hbm>>) dst(%dma_wait3A_404 : memref<640xf32, #tpu.memory_space<vmem_shared>>)
      tpu.yield
    }) : () -> ()
    %mul3A_5 = arith.constant 640 : i32
    %mul3A_6 = arith.muli %arg1, %mul3A_5 : i32
    %mul3A_7 = arith.constant 640 : i32
    %mul3A_8 = arith.muli %arg1, %mul3A_7 : i32
    "tpu.region"() ({
      %run_scoped3A = tpu.sem_alloc : memref<!tpu.dma_semaphore, #tpu.memory_space<semaphore_mem>>
      %dma_start3A_402 = tpu.memref_slice %arg20[%mul3A_8] : memref<10240xf32, #tpu.memory_space<vmem_shared>> -> memref<640xf32, #tpu.memory_space<vmem_shared>>
      %dma_start3A_403 = tpu.memref_slice %arg4[%mul3A_6] : memref<10240xf32, #tpu.memory_space<hbm>> -> memref<640xf32, #tpu.memory_space<hbm>>
      tpu.enqueue_dma source(%dma_start3A_403 : memref<640xf32, #tpu.memory_space<hbm>>) target(%dma_start3A_402 : memref<640xf32, #tpu.memory_space<vmem_shared>>) target_semaphore(%run_scoped3A : memref<!tpu.dma_semaphore, #tpu.memory_space<semaphore_mem>>)
      %dma_wait3A_404 = tpu.memref_slice %arg20[%mul3A_8] : memref<10240xf32, #tpu.memory_space<vmem_shared>> -> memref<640xf32, #tpu.memory_space<vmem_shared>>
      %dma_wait3A_405 = tpu.memref_slice %arg4[%mul3A_6] : memref<10240xf32, #tpu.memory_space<hbm>> -> memref<640xf32, #tpu.memory_space<hbm>>
      tpu.wait_dma2 semaphore(%run_scoped3A : memref<!tpu.dma_semaphore, #tpu.memory_space<semaphore_mem>>) src(%dma_wait3A_405 : memref<640xf32, #tpu.memory_space<hbm>>) dst(%dma_wait3A_404 : memref<640xf32, #tpu.memory_space<vmem_shared>>)
      tpu.yield
    }) : () -> ()
    %mul3A_9 = arith.constant 640 : i32
    %mul3A_10 = arith.muli %arg1, %mul3A_9 : i32
    "tpu.region"() ({
      %run_scoped3A = tpu.sem_alloc : memref<!tpu.dma_semaphore, #tpu.memory_space<semaphore_mem>>
      %dma_start3A_402 = arith.constant 0 : i32
      %dma_start3A_403 = tpu.memref_slice %arg21[%mul3A_10, %dma_start3A_402] : memref<10240x128xf32, #tpu.memory_space<vmem_shared>> -> memref<640x128xf32, #tpu.memory_space<vmem_shared>>
      tpu.enqueue_dma source(%arg8 : memref<640x128xf32, #tpu.memory_space<hbm>>) target(%dma_start3A_403 : memref<640x128xf32, #tpu.memory_space<vmem_shared>>) target_semaphore(%run_scoped3A : memref<!tpu.dma_semaphore, #tpu.memory_space<semaphore_mem>>)
      %dma_wait3A_404 = arith.constant 0 : i32
      %dma_wait3A_405 = tpu.memref_slice %arg21[%mul3A_10, %dma_wait3A_404] : memref<10240x128xf32, #tpu.memory_space<vmem_shared>> -> memref<640x128xf32, #tpu.memory_space<vmem_shared>>
      tpu.wait_dma2 semaphore(%run_scoped3A : memref<!tpu.dma_semaphore, #tpu.memory_space<semaphore_mem>>) src(%arg8 : memref<640x128xf32, #tpu.memory_space<hbm>>) dst(%dma_wait3A_405 : memref<640x128xf32, #tpu.memory_space<vmem_shared>>)
      tpu.yield
    }) : () -> ()
    %mul3A_11 = arith.constant 640 : i32
    %mul3A_12 = arith.muli %arg1, %mul3A_11 : i32
    "tpu.region"() ({
      %run_scoped3A = tpu.sem_alloc : memref<!tpu.dma_semaphore, #tpu.memory_space<semaphore_mem>>
      %dma_start3A_402 = tpu.memref_slice %arg22[%mul3A_12] : memref<10240xf32, #tpu.memory_space<vmem_shared>> -> memref<640xf32, #tpu.memory_space<vmem_shared>>
      tpu.enqueue_dma source(%arg9 : memref<640xf32, #tpu.memory_space<hbm>>) target(%dma_start3A_402 : memref<640xf32, #tpu.memory_space<vmem_shared>>) target_semaphore(%run_scoped3A : memref<!tpu.dma_semaphore, #tpu.memory_space<semaphore_mem>>)
      %dma_wait3A_403 = tpu.memref_slice %arg22[%mul3A_12] : memref<10240xf32, #tpu.memory_space<vmem_shared>> -> memref<640xf32, #tpu.memory_space<vmem_shared>>
      tpu.wait_dma2 semaphore(%run_scoped3A : memref<!tpu.dma_semaphore, #tpu.memory_space<semaphore_mem>>) src(%arg9 : memref<640xf32, #tpu.memory_space<hbm>>) dst(%dma_wait3A_403 : memref<640xf32, #tpu.memory_space<vmem_shared>>)
      tpu.yield
    }) : () -> ()
    %barrier3A = arith.constant 0 : index
    tpu.barrier barrier_id(%barrier3A)
    %get3A = arith.constant 0 : i32
    %get3A_13 = arith.index_cast %get3A : i32 to index
    %get3A_14 = arith.constant 0 : index
    %get3A_15 = tpu.vector_load %arg14[%get3A_13, %get3A_14] {strides = array<i32>} : memref<2x128xf32, #tpu.memory_space<vmem>>, vector<16xf32>,
    %get3A_16 = arith.constant 1 : i32
    %get3A_17 = arith.index_cast %get3A_16 : i32 to index
    %get3A_18 = arith.constant 0 : index
    %get3A_19 = tpu.vector_load %arg14[%get3A_17, %get3A_18] {strides = array<i32>} : memref<2x128xf32, #tpu.memory_space<vmem>>, vector<16xf32>,
    %add3A_20 = arith.addf %get3A_15, %get3A_19 : vector<16xf32>
    %ge3A = arith.constant 0.000000e+00 : f32
    %ge3A_21 = vector.broadcast %ge3A : f32 to vector<16xf32>
    %ge3A_22 = arith.cmpf oge, %add3A_20, %ge3A_21 : vector<16xf32>
    %mul3A_23 = arith.constant 2.000000e-01 : f32
    %mul3A_24 = vector.broadcast %mul3A_23 : f32 to vector<16xf32>
    %mul3A_25 = arith.mulf %mul3A_24, %add3A_20 : vector<16xf32>
    %select_n3A = arith.select %ge3A_22, %add3A_20, %mul3A_25 : vector<16xi1>, vector<16xf32>
    %rem3A = arith.constant 0 : i32
    %rem3A_26 = arith.constant 4 : i32
    %rem3A_27 = arith.remsi %rem3A, %rem3A_26 : i32
    %rem3A_28 = arith.constant 0 : i32
    %rem3A_29 = arith.constant 4 : i32
    %rem3A_30 = arith.remsi %rem3A_28, %rem3A_29 : i32
    %dma_start3A = arith.constant 0 : i32
    %dma_start3A_31 = arith.constant 0 : i32
    %dma_start3A_32 = tpu.memref_slice %arg12[%rem3A_27, %dma_start3A_31] : memref<4x80xi32, #tpu.memory_space<vmem>> -> memref<1x80xi32, #tpu.memory_space<vmem>>
    %dma_start3A_33 = tpu.memref_squeeze %dma_start3A_32 : memref<1x80xi32, #tpu.memory_space<vmem>> -> memref<80xi32, #tpu.memory_space<vmem>>
    %dma_start3A_34 = arith.constant 0 : i32
    %dma_start3A_35 = tpu.memref_slice %arg6[%add3A, %dma_start3A, %dma_start3A_34] : memref<32x125x80xi32, #tpu.memory_space<hbm>> -> memref<1x1x80xi32, #tpu.memory_space<hbm>>
    %dma_start3A_36 = tpu.memref_squeeze %dma_start3A_35 : memref<1x1x80xi32, #tpu.memory_space<hbm>> -> memref<80xi32, #tpu.memory_space<hbm>>
    %dma_start3A_37 = tpu.memref_slice %arg26[%rem3A_30] : memref<4x!tpu.dma_semaphore, #tpu.memory_space<semaphore_mem>> -> memref<1x!tpu.dma_semaphore, #tpu.memory_space<semaphore_mem>>
    %dma_start3A_38 = tpu.memref_squeeze %dma_start3A_37 : memref<1x!tpu.dma_semaphore, #tpu.memory_space<semaphore_mem>> -> memref<!tpu.dma_semaphore, #tpu.memory_space<semaphore_mem>>
    %dma_start3A_39 = arith.constant 0 : i32
    %dma_start3A_40 = tpu.memref_slice %arg12[%rem3A_27, %dma_start3A_39] : memref<4x80xi32, #tpu.memory_space<vmem>> -> memref<1x80xi32, #tpu.memory_space<vmem>>
    %dma_start3A_41 = tpu.memref_squeeze %dma_start3A_40 : memref<1x80xi32, #tpu.memory_space<vmem>> -> memref<80xi32, #tpu.memory_space<vmem>>
    %dma_start3A_42 = arith.constant 0 : i32
    %dma_start3A_43 = tpu.memref_slice %arg6[%add3A, %dma_start3A, %dma_start3A_42] : memref<32x125x80xi32, #tpu.memory_space<hbm>> -> memref<1x1x80xi32, #tpu.memory_space<hbm>>
    %dma_start3A_44 = tpu.memref_squeeze %dma_start3A_43 : memref<1x1x80xi32, #tpu.memory_space<hbm>> -> memref<80xi32, #tpu.memory_space<hbm>>
    tpu.enqueue_dma source(%dma_start3A_44 : memref<80xi32, #tpu.memory_space<hbm>>) target(%dma_start3A_41 : memref<80xi32, #tpu.memory_space<vmem>>) target_semaphore(%dma_start3A_38 : memref<!tpu.dma_semaphore, #tpu.memory_space<semaphore_mem>>)
    %rem3A_45 = arith.constant 0 : i32
    %rem3A_46 = arith.constant 6 : i32
    %rem3A_47 = arith.remsi %rem3A_45, %rem3A_46 : i32
    %rem3A_48 = arith.constant 0 : i32
    %rem3A_49 = arith.constant 6 : i32
    %rem3A_50 = arith.remsi %rem3A_48, %rem3A_49 : i32
    %dma_start3A_51 = arith.constant 0 : i32
    %dma_start3A_52 = arith.constant 0 : i32
    %dma_start3A_53 = tpu.memref_slice %arg13[%rem3A_47, %dma_start3A_52] : memref<6x80xi32, #tpu.memory_space<vmem>> -> memref<1x80xi32, #tpu.memory_space<vmem>>
    %dma_start3A_54 = tpu.memref_squeeze %dma_start3A_53 : memref<1x80xi32, #tpu.memory_space<vmem>> -> memref<80xi32, #tpu.memory_space<vmem>>
    %dma_start3A_55 = arith.constant 0 : i32
    %dma_start3A_56 = tpu.memref_slice %arg7[%add3A, %dma_start3A_51, %dma_start3A_55] : memref<32x125x80xi32, #tpu.memory_space<hbm>> -> memref<1x1x80xi32, #tpu.memory_space<hbm>>
    %dma_start3A_57 = tpu.memref_squeeze %dma_start3A_56 : memref<1x1x80xi32, #tpu.memory_space<hbm>> -> memref<80xi32, #tpu.memory_space<hbm>>
    %dma_start3A_58 = tpu.memref_slice %arg27[%rem3A_50] : memref<6x!tpu.dma_semaphore, #tpu.memory_space<semaphore_mem>> -> memref<1x!tpu.dma_semaphore, #tpu.memory_space<semaphore_mem>>
    %dma_start3A_59 = tpu.memref_squeeze %dma_start3A_58 : memref<1x!tpu.dma_semaphore, #tpu.memory_space<semaphore_mem>> -> memref<!tpu.dma_semaphore, #tpu.memory_space<semaphore_mem>>
    %dma_start3A_60 = arith.constant 0 : i32
    %dma_start3A_61 = tpu.memref_slice %arg13[%rem3A_47, %dma_start3A_60] : memref<6x80xi32, #tpu.memory_space<vmem>> -> memref<1x80xi32, #tpu.memory_space<vmem>>
    %dma_start3A_62 = tpu.memref_squeeze %dma_start3A_61 : memref<1x80xi32, #tpu.memory_space<vmem>> -> memref<80xi32, #tpu.memory_space<vmem>>
    %dma_start3A_63 = arith.constant 0 : i32
    %dma_start3A_64 = tpu.memref_slice %arg7[%add3A, %dma_start3A_51, %dma_start3A_63] : memref<32x125x80xi32, #tpu.memory_space<hbm>> -> memref<1x1x80xi32, #tpu.memory_space<hbm>>
    %dma_start3A_65 = tpu.memref_squeeze %dma_start3A_64 : memref<1x1x80xi32, #tpu.memory_space<hbm>> -> memref<80xi32, #tpu.memory_space<hbm>>
    tpu.enqueue_dma source(%dma_start3A_65 : memref<80xi32, #tpu.memory_space<hbm>>) target(%dma_start3A_62 : memref<80xi32, #tpu.memory_space<vmem>>) target_semaphore(%dma_start3A_59 : memref<!tpu.dma_semaphore, #tpu.memory_space<semaphore_mem>>)
    %rem3A_66 = arith.constant 1 : i32
    %rem3A_67 = arith.constant 4 : i32
    %rem3A_68 = arith.remsi %rem3A_66, %rem3A_67 : i32
    %rem3A_69 = arith.constant 1 : i32
    %rem3A_70 = arith.constant 4 : i32
    %rem3A_71 = arith.remsi %rem3A_69, %rem3A_70 : i32
    %dma_start3A_72 = arith.constant 1 : i32
    %dma_start3A_73 = arith.constant 0 : i32
    %dma_start3A_74 = tpu.memref_slice %arg12[%rem3A_68, %dma_start3A_73] : memref<4x80xi32, #tpu.memory_space<vmem>> -> memref<1x80xi32, #tpu.memory_space<vmem>>
    %dma_start3A_75 = tpu.memref_squeeze %dma_start3A_74 : memref<1x80xi32, #tpu.memory_space<vmem>> -> memref<80xi32, #tpu.memory_space<vmem>>
    %dma_start3A_76 = arith.constant 0 : i32
    %dma_start3A_77 = tpu.memref_slice %arg6[%add3A, %dma_start3A_72, %dma_start3A_76] : memref<32x125x80xi32, #tpu.memory_space<hbm>> -> memref<1x1x80xi32, #tpu.memory_space<hbm>>
    %dma_start3A_78 = tpu.memref_squeeze %dma_start3A_77 : memref<1x1x80xi32, #tpu.memory_space<hbm>> -> memref<80xi32, #tpu.memory_space<hbm>>
    %dma_start3A_79 = tpu.memref_slice %arg26[%rem3A_71] : memref<4x!tpu.dma_semaphore, #tpu.memory_space<semaphore_mem>> -> memref<1x!tpu.dma_semaphore, #tpu.memory_space<semaphore_mem>>
    %dma_start3A_80 = tpu.memref_squeeze %dma_start3A_79 : memref<1x!tpu.dma_semaphore, #tpu.memory_space<semaphore_mem>> -> memref<!tpu.dma_semaphore, #tpu.memory_space<semaphore_mem>>
    %dma_start3A_81 = arith.constant 0 : i32
    %dma_start3A_82 = tpu.memref_slice %arg12[%rem3A_68, %dma_start3A_81] : memref<4x80xi32, #tpu.memory_space<vmem>> -> memref<1x80xi32, #tpu.memory_space<vmem>>
    %dma_start3A_83 = tpu.memref_squeeze %dma_start3A_82 : memref<1x80xi32, #tpu.memory_space<vmem>> -> memref<80xi32, #tpu.memory_space<vmem>>
    %dma_start3A_84 = arith.constant 0 : i32
    %dma_start3A_85 = tpu.memref_slice %arg6[%add3A, %dma_start3A_72, %dma_start3A_84] : memref<32x125x80xi32, #tpu.memory_space<hbm>> -> memref<1x1x80xi32, #tpu.memory_space<hbm>>
    %dma_start3A_86 = tpu.memref_squeeze %dma_start3A_85 : memref<1x1x80xi32, #tpu.memory_space<hbm>> -> memref<80xi32, #tpu.memory_space<hbm>>
    tpu.enqueue_dma source(%dma_start3A_86 : memref<80xi32, #tpu.memory_space<hbm>>) target(%dma_start3A_83 : memref<80xi32, #tpu.memory_space<vmem>>) target_semaphore(%dma_start3A_80 : memref<!tpu.dma_semaphore, #tpu.memory_space<semaphore_mem>>)
    %rem3A_87 = arith.constant 1 : i32
    %rem3A_88 = arith.constant 6 : i32
    %rem3A_89 = arith.remsi %rem3A_87, %rem3A_88 : i32
    %rem3A_90 = arith.constant 1 : i32
    %rem3A_91 = arith.constant 6 : i32
    %rem3A_92 = arith.remsi %rem3A_90, %rem3A_91 : i32
    %dma_start3A_93 = arith.constant 1 : i32
    %dma_start3A_94 = arith.constant 0 : i32
    %dma_start3A_95 = tpu.memref_slice %arg13[%rem3A_89, %dma_start3A_94] : memref<6x80xi32, #tpu.memory_space<vmem>> -> memref<1x80xi32, #tpu.memory_space<vmem>>
    %dma_start3A_96 = tpu.memref_squeeze %dma_start3A_95 : memref<1x80xi32, #tpu.memory_space<vmem>> -> memref<80xi32, #tpu.memory_space<vmem>>
    %dma_start3A_97 = arith.constant 0 : i32
    %dma_start3A_98 = tpu.memref_slice %arg7[%add3A, %dma_start3A_93, %dma_start3A_97] : memref<32x125x80xi32, #tpu.memory_space<hbm>> -> memref<1x1x80xi32, #tpu.memory_space<hbm>>
    %dma_start3A_99 = tpu.memref_squeeze %dma_start3A_98 : memref<1x1x80xi32, #tpu.memory_space<hbm>> -> memref<80xi32, #tpu.memory_space<hbm>>
    %dma_start3A_100 = tpu.memref_slice %arg27[%rem3A_92] : memref<6x!tpu.dma_semaphore, #tpu.memory_space<semaphore_mem>> -> memref<1x!tpu.dma_semaphore, #tpu.memory_space<semaphore_mem>>
    %dma_start3A_101 = tpu.memref_squeeze %dma_start3A_100 : memref<1x!tpu.dma_semaphore, #tpu.memory_space<semaphore_mem>> -> memref<!tpu.dma_semaphore, #tpu.memory_space<semaphore_mem>>
    %dma_start3A_102 = arith.constant 0 : i32
    %dma_start3A_103 = tpu.memref_slice %arg13[%rem3A_89, %dma_start3A_102] : memref<6x80xi32, #tpu.memory_space<vmem>> -> memref<1x80xi32, #tpu.memory_space<vmem>>
    %dma_start3A_104 = tpu.memref_squeeze %dma_start3A_103 : memref<1x80xi32, #tpu.memory_space<vmem>> -> memref<80xi32, #tpu.memory_space<vmem>>
    %dma_start3A_105 = arith.constant 0 : i32
    %dma_start3A_106 = tpu.memref_slice %arg7[%add3A, %dma_start3A_93, %dma_start3A_105] : memref<32x125x80xi32, #tpu.memory_space<hbm>> -> memref<1x1x80xi32, #tpu.memory_space<hbm>>
    %dma_start3A_107 = tpu.memref_squeeze %dma_start3A_106 : memref<1x1x80xi32, #tpu.memory_space<hbm>> -> memref<80xi32, #tpu.memory_space<hbm>>
    tpu.enqueue_dma source(%dma_start3A_107 : memref<80xi32, #tpu.memory_space<hbm>>) target(%dma_start3A_104 : memref<80xi32, #tpu.memory_space<vmem>>) target_semaphore(%dma_start3A_101 : memref<!tpu.dma_semaphore, #tpu.memory_space<semaphore_mem>>)
    %rem3A_108 = arith.constant 2 : i32
    %rem3A_109 = arith.constant 4 : i32
    %rem3A_110 = arith.remsi %rem3A_108, %rem3A_109 : i32
    %rem3A_111 = arith.constant 2 : i32
    %rem3A_112 = arith.constant 4 : i32
    %rem3A_113 = arith.remsi %rem3A_111, %rem3A_112 : i32
    %dma_start3A_114 = arith.constant 2 : i32
    %dma_start3A_115 = arith.constant 0 : i32
    %dma_start3A_116 = tpu.memref_slice %arg12[%rem3A_110, %dma_start3A_115] : memref<4x80xi32, #tpu.memory_space<vmem>> -> memref<1x80xi32, #tpu.memory_space<vmem>>
    %dma_start3A_117 = tpu.memref_squeeze %dma_start3A_116 : memref<1x80xi32, #tpu.memory_space<vmem>> -> memref<80xi32, #tpu.memory_space<vmem>>
    %dma_start3A_118 = arith.constant 0 : i32
    %dma_start3A_119 = tpu.memref_slice %arg6[%add3A, %dma_start3A_114, %dma_start3A_118] : memref<32x125x80xi32, #tpu.memory_space<hbm>> -> memref<1x1x80xi32, #tpu.memory_space<hbm>>
    %dma_start3A_120 = tpu.memref_squeeze %dma_start3A_119 : memref<1x1x80xi32, #tpu.memory_space<hbm>> -> memref<80xi32, #tpu.memory_space<hbm>>
    %dma_start3A_121 = tpu.memref_slice %arg26[%rem3A_113] : memref<4x!tpu.dma_semaphore, #tpu.memory_space<semaphore_mem>> -> memref<1x!tpu.dma_semaphore, #tpu.memory_space<semaphore_mem>>
    %dma_start3A_122 = tpu.memref_squeeze %dma_start3A_121 : memref<1x!tpu.dma_semaphore, #tpu.memory_space<semaphore_mem>> -> memref<!tpu.dma_semaphore, #tpu.memory_space<semaphore_mem>>
    %dma_start3A_123 = arith.constant 0 : i32
    %dma_start3A_124 = tpu.memref_slice %arg12[%rem3A_110, %dma_start3A_123] : memref<4x80xi32, #tpu.memory_space<vmem>> -> memref<1x80xi32, #tpu.memory_space<vmem>>
    %dma_start3A_125 = tpu.memref_squeeze %dma_start3A_124 : memref<1x80xi32, #tpu.memory_space<vmem>> -> memref<80xi32, #tpu.memory_space<vmem>>
    %dma_start3A_126 = arith.constant 0 : i32
    %dma_start3A_127 = tpu.memref_slice %arg6[%add3A, %dma_start3A_114, %dma_start3A_126] : memref<32x125x80xi32, #tpu.memory_space<hbm>> -> memref<1x1x80xi32, #tpu.memory_space<hbm>>
    %dma_start3A_128 = tpu.memref_squeeze %dma_start3A_127 : memref<1x1x80xi32, #tpu.memory_space<hbm>> -> memref<80xi32, #tpu.memory_space<hbm>>
    tpu.enqueue_dma source(%dma_start3A_128 : memref<80xi32, #tpu.memory_space<hbm>>) target(%dma_start3A_125 : memref<80xi32, #tpu.memory_space<vmem>>) target_semaphore(%dma_start3A_122 : memref<!tpu.dma_semaphore, #tpu.memory_space<semaphore_mem>>)
    %rem3A_129 = arith.constant 2 : i32
    %rem3A_130 = arith.constant 6 : i32
    %rem3A_131 = arith.remsi %rem3A_129, %rem3A_130 : i32
    %rem3A_132 = arith.constant 2 : i32
    %rem3A_133 = arith.constant 6 : i32
    %rem3A_134 = arith.remsi %rem3A_132, %rem3A_133 : i32
    %dma_start3A_135 = arith.constant 2 : i32
    %dma_start3A_136 = arith.constant 0 : i32
    %dma_start3A_137 = tpu.memref_slice %arg13[%rem3A_131, %dma_start3A_136] : memref<6x80xi32, #tpu.memory_space<vmem>> -> memref<1x80xi32, #tpu.memory_space<vmem>>
    %dma_start3A_138 = tpu.memref_squeeze %dma_start3A_137 : memref<1x80xi32, #tpu.memory_space<vmem>> -> memref<80xi32, #tpu.memory_space<vmem>>
    %dma_start3A_139 = arith.constant 0 : i32
    %dma_start3A_140 = tpu.memref_slice %arg7[%add3A, %dma_start3A_135, %dma_start3A_139] : memref<32x125x80xi32, #tpu.memory_space<hbm>> -> memref<1x1x80xi32, #tpu.memory_space<hbm>>
    %dma_start3A_141 = tpu.memref_squeeze %dma_start3A_140 : memref<1x1x80xi32, #tpu.memory_space<hbm>> -> memref<80xi32, #tpu.memory_space<hbm>>
    %dma_start3A_142 = tpu.memref_slice %arg27[%rem3A_134] : memref<6x!tpu.dma_semaphore, #tpu.memory_space<semaphore_mem>> -> memref<1x!tpu.dma_semaphore, #tpu.memory_space<semaphore_mem>>
    %dma_start3A_143 = tpu.memref_squeeze %dma_start3A_142 : memref<1x!tpu.dma_semaphore, #tpu.memory_space<semaphore_mem>> -> memref<!tpu.dma_semaphore, #tpu.memory_space<semaphore_mem>>
    %dma_start3A_144 = arith.constant 0 : i32
    %dma_start3A_145 = tpu.memref_slice %arg13[%rem3A_131, %dma_start3A_144] : memref<6x80xi32, #tpu.memory_space<vmem>> -> memref<1x80xi32, #tpu.memory_space<vmem>>
    %dma_start3A_146 = tpu.memref_squeeze %dma_start3A_145 : memref<1x80xi32, #tpu.memory_space<vmem>> -> memref<80xi32, #tpu.memory_space<vmem>>
    %dma_start3A_147 = arith.constant 0 : i32
    %dma_start3A_148 = tpu.memref_slice %arg7[%add3A, %dma_start3A_135, %dma_start3A_147] : memref<32x125x80xi32, #tpu.memory_space<hbm>> -> memref<1x1x80xi32, #tpu.memory_space<hbm>>
    %dma_start3A_149 = tpu.memref_squeeze %dma_start3A_148 : memref<1x1x80xi32, #tpu.memory_space<hbm>> -> memref<80xi32, #tpu.memory_space<hbm>>
    tpu.enqueue_dma source(%dma_start3A_149 : memref<80xi32, #tpu.memory_space<hbm>>) target(%dma_start3A_146 : memref<80xi32, #tpu.memory_space<vmem>>) target_semaphore(%dma_start3A_143 : memref<!tpu.dma_semaphore, #tpu.memory_space<semaphore_mem>>)
    %rem3A_150 = arith.constant 3 : i32
    %rem3A_151 = arith.constant 4 : i32
    %rem3A_152 = arith.remsi %rem3A_150, %rem3A_151 : i32
    %rem3A_153 = arith.constant 3 : i32
    %rem3A_154 = arith.constant 4 : i32
    %rem3A_155 = arith.remsi %rem3A_153, %rem3A_154 : i32
    %dma_start3A_156 = arith.constant 3 : i32
    %dma_start3A_157 = arith.constant 0 : i32
    %dma_start3A_158 = tpu.memref_slice %arg12[%rem3A_152, %dma_start3A_157] : memref<4x80xi32, #tpu.memory_space<vmem>> -> memref<1x80xi32, #tpu.memory_space<vmem>>
    %dma_start3A_159 = tpu.memref_squeeze %dma_start3A_158 : memref<1x80xi32, #tpu.memory_space<vmem>> -> memref<80xi32, #tpu.memory_space<vmem>>
    %dma_start3A_160 = arith.constant 0 : i32
    %dma_start3A_161 = tpu.memref_slice %arg6[%add3A, %dma_start3A_156, %dma_start3A_160] : memref<32x125x80xi32, #tpu.memory_space<hbm>> -> memref<1x1x80xi32, #tpu.memory_space<hbm>>
    %dma_start3A_162 = tpu.memref_squeeze %dma_start3A_161 : memref<1x1x80xi32, #tpu.memory_space<hbm>> -> memref<80xi32, #tpu.memory_space<hbm>>
    %dma_start3A_163 = tpu.memref_slice %arg26[%rem3A_155] : memref<4x!tpu.dma_semaphore, #tpu.memory_space<semaphore_mem>> -> memref<1x!tpu.dma_semaphore, #tpu.memory_space<semaphore_mem>>
    %dma_start3A_164 = tpu.memref_squeeze %dma_start3A_163 : memref<1x!tpu.dma_semaphore, #tpu.memory_space<semaphore_mem>> -> memref<!tpu.dma_semaphore, #tpu.memory_space<semaphore_mem>>
    %dma_start3A_165 = arith.constant 0 : i32
    %dma_start3A_166 = tpu.memref_slice %arg12[%rem3A_152, %dma_start3A_165] : memref<4x80xi32, #tpu.memory_space<vmem>> -> memref<1x80xi32, #tpu.memory_space<vmem>>
    %dma_start3A_167 = tpu.memref_squeeze %dma_start3A_166 : memref<1x80xi32, #tpu.memory_space<vmem>> -> memref<80xi32, #tpu.memory_space<vmem>>
    %dma_start3A_168 = arith.constant 0 : i32
    %dma_start3A_169 = tpu.memref_slice %arg6[%add3A, %dma_start3A_156, %dma_start3A_168] : memref<32x125x80xi32, #tpu.memory_space<hbm>> -> memref<1x1x80xi32, #tpu.memory_space<hbm>>
    %dma_start3A_170 = tpu.memref_squeeze %dma_start3A_169 : memref<1x1x80xi32, #tpu.memory_space<hbm>> -> memref<80xi32, #tpu.memory_space<hbm>>
    tpu.enqueue_dma source(%dma_start3A_170 : memref<80xi32, #tpu.memory_space<hbm>>) target(%dma_start3A_167 : memref<80xi32, #tpu.memory_space<vmem>>) target_semaphore(%dma_start3A_164 : memref<!tpu.dma_semaphore, #tpu.memory_space<semaphore_mem>>)
    %rem3A_171 = arith.constant 3 : i32
    %rem3A_172 = arith.constant 6 : i32
    %rem3A_173 = arith.remsi %rem3A_171, %rem3A_172 : i32
    %rem3A_174 = arith.constant 3 : i32
    %rem3A_175 = arith.constant 6 : i32
    %rem3A_176 = arith.remsi %rem3A_174, %rem3A_175 : i32
    %dma_start3A_177 = arith.constant 3 : i32
    %dma_start3A_178 = arith.constant 0 : i32
    %dma_start3A_179 = tpu.memref_slice %arg13[%rem3A_173, %dma_start3A_178] : memref<6x80xi32, #tpu.memory_space<vmem>> -> memref<1x80xi32, #tpu.memory_space<vmem>>
    %dma_start3A_180 = tpu.memref_squeeze %dma_start3A_179 : memref<1x80xi32, #tpu.memory_space<vmem>> -> memref<80xi32, #tpu.memory_space<vmem>>
    %dma_start3A_181 = arith.constant 0 : i32
    %dma_start3A_182 = tpu.memref_slice %arg7[%add3A, %dma_start3A_177, %dma_start3A_181] : memref<32x125x80xi32, #tpu.memory_space<hbm>> -> memref<1x1x80xi32, #tpu.memory_space<hbm>>
    %dma_start3A_183 = tpu.memref_squeeze %dma_start3A_182 : memref<1x1x80xi32, #tpu.memory_space<hbm>> -> memref<80xi32, #tpu.memory_space<hbm>>
    %dma_start3A_184 = tpu.memref_slice %arg27[%rem3A_176] : memref<6x!tpu.dma_semaphore, #tpu.memory_space<semaphore_mem>> -> memref<1x!tpu.dma_semaphore, #tpu.memory_space<semaphore_mem>>
    %dma_start3A_185 = tpu.memref_squeeze %dma_start3A_184 : memref<1x!tpu.dma_semaphore, #tpu.memory_space<semaphore_mem>> -> memref<!tpu.dma_semaphore, #tpu.memory_space<semaphore_mem>>
    %dma_start3A_186 = arith.constant 0 : i32
    %dma_start3A_187 = tpu.memref_slice %arg13[%rem3A_173, %dma_start3A_186] : memref<6x80xi32, #tpu.memory_space<vmem>> -> memref<1x80xi32, #tpu.memory_space<vmem>>
    %dma_start3A_188 = tpu.memref_squeeze %dma_start3A_187 : memref<1x80xi32, #tpu.memory_space<vmem>> -> memref<80xi32, #tpu.memory_space<vmem>>
    %dma_start3A_189 = arith.constant 0 : i32
    %dma_start3A_190 = tpu.memref_slice %arg7[%add3A, %dma_start3A_177, %dma_start3A_189] : memref<32x125x80xi32, #tpu.memory_space<hbm>> -> memref<1x1x80xi32, #tpu.memory_space<hbm>>
    %dma_start3A_191 = tpu.memref_squeeze %dma_start3A_190 : memref<1x1x80xi32, #tpu.memory_space<hbm>> -> memref<80xi32, #tpu.memory_space<hbm>>
    tpu.enqueue_dma source(%dma_start3A_191 : memref<80xi32, #tpu.memory_space<hbm>>) target(%dma_start3A_188 : memref<80xi32, #tpu.memory_space<vmem>>) target_semaphore(%dma_start3A_185 : memref<!tpu.dma_semaphore, #tpu.memory_space<semaphore_mem>>)
    %rem3A_192 = arith.constant 0 : i32
    %rem3A_193 = arith.constant 4 : i32
    %rem3A_194 = arith.remsi %rem3A_192, %rem3A_193 : i32
    %rem3A_195 = arith.constant 0 : i32
    %rem3A_196 = arith.constant 4 : i32
    %rem3A_197 = arith.remsi %rem3A_195, %rem3A_196 : i32
    %dma_wait3A = arith.constant 0 : i32
    %dma_wait3A_198 = arith.constant 0 : i32
    %dma_wait3A_199 = tpu.memref_slice %arg12[%rem3A_194, %dma_wait3A_198] : memref<4x80xi32, #tpu.memory_space<vmem>> -> memref<1x80xi32, #tpu.memory_space<vmem>>
    %dma_wait3A_200 = tpu.memref_squeeze %dma_wait3A_199 : memref<1x80xi32, #tpu.memory_space<vmem>> -> memref<80xi32, #tpu.memory_space<vmem>>
    %dma_wait3A_201 = arith.constant 0 : i32
    %dma_wait3A_202 = tpu.memref_slice %arg6[%add3A, %dma_wait3A, %dma_wait3A_201] : memref<32x125x80xi32, #tpu.memory_space<hbm>> -> memref<1x1x80xi32, #tpu.memory_space<hbm>>
    %dma_wait3A_203 = tpu.memref_squeeze %dma_wait3A_202 : memref<1x1x80xi32, #tpu.memory_space<hbm>> -> memref<80xi32, #tpu.memory_space<hbm>>
    %dma_wait3A_204 = tpu.memref_slice %arg26[%rem3A_197] : memref<4x!tpu.dma_semaphore, #tpu.memory_space<semaphore_mem>> -> memref<1x!tpu.dma_semaphore, #tpu.memory_space<semaphore_mem>>
    %dma_wait3A_205 = tpu.memref_squeeze %dma_wait3A_204 : memref<1x!tpu.dma_semaphore, #tpu.memory_space<semaphore_mem>> -> memref<!tpu.dma_semaphore, #tpu.memory_space<semaphore_mem>>
    %dma_wait3A_206 = arith.constant 0 : i32
    %dma_wait3A_207 = tpu.memref_slice %arg12[%rem3A_194, %dma_wait3A_206] : memref<4x80xi32, #tpu.memory_space<vmem>> -> memref<1x80xi32, #tpu.memory_space<vmem>>
    %dma_wait3A_208 = tpu.memref_squeeze %dma_wait3A_207 : memref<1x80xi32, #tpu.memory_space<vmem>> -> memref<80xi32, #tpu.memory_space<vmem>>
    %dma_wait3A_209 = arith.constant 0 : i32
    %dma_wait3A_210 = tpu.memref_slice %arg6[%add3A, %dma_wait3A, %dma_wait3A_209] : memref<32x125x80xi32, #tpu.memory_space<hbm>> -> memref<1x1x80xi32, #tpu.memory_space<hbm>>
    %dma_wait3A_211 = tpu.memref_squeeze %dma_wait3A_210 : memref<1x1x80xi32, #tpu.memory_space<hbm>> -> memref<80xi32, #tpu.memory_space<hbm>>
    tpu.wait_dma2 semaphore(%dma_wait3A_205 : memref<!tpu.dma_semaphore, #tpu.memory_space<semaphore_mem>>) src(%dma_wait3A_211 : memref<80xi32, #tpu.memory_space<hbm>>) dst(%dma_wait3A_208 : memref<80xi32, #tpu.memory_space<vmem>>)
    %rem3A_212 = arith.constant 0 : i32
    %rem3A_213 = arith.constant 6 : i32
    %rem3A_214 = arith.remsi %rem3A_212, %rem3A_213 : i32
    %rem3A_215 = arith.constant 0 : i32
    %rem3A_216 = arith.constant 6 : i32
    %rem3A_217 = arith.remsi %rem3A_215, %rem3A_216 : i32
    %dma_wait3A_218 = arith.constant 0 : i32
    %dma_wait3A_219 = arith.constant 0 : i32
    %dma_wait3A_220 = tpu.memref_slice %arg13[%rem3A_214, %dma_wait3A_219] : memref<6x80xi32, #tpu.memory_space<vmem>> -> memref<1x80xi32, #tpu.memory_space<vmem>>
    %dma_wait3A_221 = tpu.memref_squeeze %dma_wait3A_220 : memref<1x80xi32, #tpu.memory_space<vmem>> -> memref<80xi32, #tpu.memory_space<vmem>>
    %dma_wait3A_222 = arith.constant 0 : i32
    %dma_wait3A_223 = tpu.memref_slice %arg7[%add3A, %dma_wait3A_218, %dma_wait3A_222] : memref<32x125x80xi32, #tpu.memory_space<hbm>> -> memref<1x1x80xi32, #tpu.memory_space<hbm>>
    %dma_wait3A_224 = tpu.memref_squeeze %dma_wait3A_223 : memref<1x1x80xi32, #tpu.memory_space<hbm>> -> memref<80xi32, #tpu.memory_space<hbm>>
    %dma_wait3A_225 = tpu.memref_slice %arg27[%rem3A_217] : memref<6x!tpu.dma_semaphore, #tpu.memory_space<semaphore_mem>> -> memref<1x!tpu.dma_semaphore, #tpu.memory_space<semaphore_mem>>
    %dma_wait3A_226 = tpu.memref_squeeze %dma_wait3A_225 : memref<1x!tpu.dma_semaphore, #tpu.memory_space<semaphore_mem>> -> memref<!tpu.dma_semaphore, #tpu.memory_space<semaphore_mem>>
    %dma_wait3A_227 = arith.constant 0 : i32
    %dma_wait3A_228 = tpu.memref_slice %arg13[%rem3A_214, %dma_wait3A_227] : memref<6x80xi32, #tpu.memory_space<vmem>> -> memref<1x80xi32, #tpu.memory_space<vmem>>
    %dma_wait3A_229 = tpu.memref_squeeze %dma_wait3A_228 : memref<1x80xi32, #tpu.memory_space<vmem>> -> memref<80xi32, #tpu.memory_space<vmem>>
    %dma_wait3A_230 = arith.constant 0 : i32
    %dma_wait3A_231 = tpu.memref_slice %arg7[%add3A, %dma_wait3A_218, %dma_wait3A_230] : memref<32x125x80xi32, #tpu.memory_space<hbm>> -> memref<1x1x80xi32, #tpu.memory_space<hbm>>
    %dma_wait3A_232 = tpu.memref_squeeze %dma_wait3A_231 : memref<1x1x80xi32, #tpu.memory_space<hbm>> -> memref<80xi32, #tpu.memory_space<hbm>>
    tpu.wait_dma2 semaphore(%dma_wait3A_226 : memref<!tpu.dma_semaphore, #tpu.memory_space<semaphore_mem>>) src(%dma_wait3A_232 : memref<80xi32, #tpu.memory_space<hbm>>) dst(%dma_wait3A_229 : memref<80xi32, #tpu.memory_space<vmem>>)
    %rem3A_233 = arith.constant 0 : i32
    %rem3A_234 = arith.constant 4 : i32
    %rem3A_235 = arith.remsi %rem3A_233, %rem3A_234 : i32
    %rem3A_236 = arith.constant 0 : i32
    %rem3A_237 = arith.constant 3 : i32
    %rem3A_238 = arith.remsi %rem3A_236, %rem3A_237 : i32
    %dma_start3A_239 = arith.constant 0 : i32
    %dma_start3A_240 = arith.constant 0 : i32
    %dma_start3A_241 = tpu.memref_slice %arg16[%rem3A_235, %dma_start3A_239, %dma_start3A_240] : memref<4x80x128xf32, #tpu.memory_space<vmem>> -> memref<1x80x128xf32, #tpu.memory_space<vmem>>
    %dma_start3A_242 = tpu.memref_squeeze %dma_start3A_241 : memref<1x80x128xf32, #tpu.memory_space<vmem>> -> memref<80x128xf32, #tpu.memory_space<vmem>>
    %dma_start3A_243 = arith.constant 0 : i32
    %dma_start3A_244 = tpu.memref_slice %arg12[%rem3A_235, %dma_start3A_243] : memref<4x80xi32, #tpu.memory_space<vmem>> -> memref<1x80xi32, #tpu.memory_space<vmem>>
    %dma_start3A_245 = tpu.memref_squeeze %dma_start3A_244 : memref<1x80xi32, #tpu.memory_space<vmem>> -> memref<80xi32, #tpu.memory_space<vmem>>
    %dma_start3A_246 = arith.constant 0 : i32
    %dma_start3A_247 = arith.constant 0 : i32
    %dma_start3A_248 = tpu.memref_slice %arg2[%dma_start3A_246, %dma_start3A_247] : memref<10240x128xf32, #tpu.memory_space<hbm>> -> memref<10240x128xf32, #tpu.memory_space<hbm>>
    %dma_start3A_249 = tpu.memref_slice %arg23[%rem3A_235] : memref<4x!tpu.dma_semaphore, #tpu.memory_space<semaphore_mem>> -> memref<1x!tpu.dma_semaphore, #tpu.memory_space<semaphore_mem>>
    %dma_start3A_250 = tpu.memref_squeeze %dma_start3A_249 : memref<1x!tpu.dma_semaphore, #tpu.memory_space<semaphore_mem>> -> memref<!tpu.dma_semaphore, #tpu.memory_space<semaphore_mem>>
    tpu.enqueue_indirect_dma source(%dma_start3A_248 : memref<10240x128xf32, #tpu.memory_space<hbm>>) target(%dma_start3A_242 : memref<80x128xf32, #tpu.memory_space<vmem>>) offsets(%dma_start3A_245 : memref<80xi32, #tpu.memory_space<vmem>>) semaphore(%dma_start3A_250 : memref<!tpu.dma_semaphore, #tpu.memory_space<semaphore_mem>>)
    %dma_start3A_251 = arith.constant 0 : i32
    %dma_start3A_252 = tpu.memref_slice %arg17[%rem3A_238, %dma_start3A_251] : memref<3x80xf32, #tpu.memory_space<vmem>> -> memref<1x80xf32, #tpu.memory_space<vmem>>
    %dma_start3A_253 = tpu.memref_squeeze %dma_start3A_252 : memref<1x80xf32, #tpu.memory_space<vmem>> -> memref<80xf32, #tpu.memory_space<vmem>>
    %dma_start3A_254 = arith.constant 0 : i32
    %dma_start3A_255 = tpu.memref_slice %arg12[%rem3A_235, %dma_start3A_254] : memref<4x80xi32, #tpu.memory_space<vmem>> -> memref<1x80xi32, #tpu.memory_space<vmem>>
    %dma_start3A_256 = tpu.memref_squeeze %dma_start3A_255 : memref<1x80xi32, #tpu.memory_space<vmem>> -> memref<80xi32, #tpu.memory_space<vmem>>
    %dma_start3A_257 = arith.constant 0 : i32
    %dma_start3A_258 = tpu.memref_slice %arg19[%dma_start3A_257] : memref<10240xf32, #tpu.memory_space<vmem_shared>> -> memref<10240xf32, #tpu.memory_space<vmem_shared>>
    %dma_start3A_259 = tpu.memref_slice %arg28[%rem3A_238] : memref<3x!tpu.dma_semaphore, #tpu.memory_space<semaphore_mem>> -> memref<1x!tpu.dma_semaphore, #tpu.memory_space<semaphore_mem>>
    %dma_start3A_260 = tpu.memref_squeeze %dma_start3A_259 : memref<1x!tpu.dma_semaphore, #tpu.memory_space<semaphore_mem>> -> memref<!tpu.dma_semaphore, #tpu.memory_space<semaphore_mem>>
    tpu.enqueue_indirect_dma source(%dma_start3A_258 : memref<10240xf32, #tpu.memory_space<vmem_shared>>) target(%dma_start3A_253 : memref<80xf32, #tpu.memory_space<vmem>>) offsets(%dma_start3A_256 : memref<80xi32, #tpu.memory_space<vmem>>) semaphore(%dma_start3A_260 : memref<!tpu.dma_semaphore, #tpu.memory_space<semaphore_mem>>)
    %rem3A_261 = arith.constant 0 : i32
    %rem3A_262 = arith.constant 6 : i32
    %rem3A_263 = arith.remsi %rem3A_261, %rem3A_262 : i32
    %dma_start3A_264 = arith.constant 0 : i32
    %dma_start3A_265 = tpu.memref_slice %arg18[%rem3A_238, %dma_start3A_264] : memref<3x80xf32, #tpu.memory_space<vmem>> -> memref<1x80xf32, #tpu.memory_space<vmem>>
    %dma_start3A_266 = tpu.memref_squeeze %dma_start3A_265 : memref<1x80xf32, #tpu.memory_space<vmem>> -> memref<80xf32, #tpu.memory_space<vmem>>
    %dma_start3A_267 = arith.constant 0 : i32
    %dma_start3A_268 = tpu.memref_slice %arg13[%rem3A_263, %dma_start3A_267] : memref<6x80xi32, #tpu.memory_space<vmem>> -> memref<1x80xi32, #tpu.memory_space<vmem>>
    %dma_start3A_269 = tpu.memref_squeeze %dma_start3A_268 : memref<1x80xi32, #tpu.memory_space<vmem>> -> memref<80xi32, #tpu.memory_space<vmem>>
    %dma_start3A_270 = arith.constant 0 : i32
    %dma_start3A_271 = tpu.memref_slice %arg20[%dma_start3A_270] : memref<10240xf32, #tpu.memory_space<vmem_shared>> -> memref<10240xf32, #tpu.memory_space<vmem_shared>>
    %dma_start3A_272 = tpu.memref_slice %arg29[%rem3A_238] : memref<3x!tpu.dma_semaphore, #tpu.memory_space<semaphore_mem>> -> memref<1x!tpu.dma_semaphore, #tpu.memory_space<semaphore_mem>>
    %dma_start3A_273 = tpu.memref_squeeze %dma_start3A_272 : memref<1x!tpu.dma_semaphore, #tpu.memory_space<semaphore_mem>> -> memref<!tpu.dma_semaphore, #tpu.memory_space<semaphore_mem>>
    tpu.enqueue_indirect_dma source(%dma_start3A_271 : memref<10240xf32, #tpu.memory_space<vmem_shared>>) target(%dma_start3A_266 : memref<80xf32, #tpu.memory_space<vmem>>) offsets(%dma_start3A_269 : memref<80xi32, #tpu.memory_space<vmem>>) semaphore(%dma_start3A_273 : memref<!tpu.dma_semaphore, #tpu.memory_space<semaphore_mem>>)
    %rem3A_274 = arith.constant 1 : i32
    %rem3A_275 = arith.constant 4 : i32
    %rem3A_276 = arith.remsi %rem3A_274, %rem3A_275 : i32
    %rem3A_277 = arith.constant 1 : i32
    %rem3A_278 = arith.constant 4 : i32
    %rem3A_279 = arith.remsi %rem3A_277, %rem3A_278 : i32
    %dma_wait3A_280 = arith.constant 1 : i32
    %dma_wait3A_281 = arith.constant 0 : i32
    %dma_wait3A_282 = tpu.memref_slice %arg12[%rem3A_276, %dma_wait3A_281] : memref<4x80xi32, #tpu.memory_space<vmem>> -> memref<1x80xi32, #tpu.memory_space<vmem>>
    %dma_wait3A_283 = tpu.memref_squeeze %dma_wait3A_282 : memref<1x80xi32, #tpu.memory_space<vmem>> -> memref<80xi32, #tpu.memory_space<vmem>>
    %dma_wait3A_284 = arith.constant 0 : i32
    %dma_wait3A_285 = tpu.memref_slice %arg6[%add3A, %dma_wait3A_280, %dma_wait3A_284] : memref<32x125x80xi32, #tpu.memory_space<hbm>> -> memref<1x1x80xi32, #tpu.memory_space<hbm>>
    %dma_wait3A_286 = tpu.memref_squeeze %dma_wait3A_285 : memref<1x1x80xi32, #tpu.memory_space<hbm>> -> memref<80xi32, #tpu.memory_space<hbm>>
    %dma_wait3A_287 = tpu.memref_slice %arg26[%rem3A_279] : memref<4x!tpu.dma_semaphore, #tpu.memory_space<semaphore_mem>> -> memref<1x!tpu.dma_semaphore, #tpu.memory_space<semaphore_mem>>
    %dma_wait3A_288 = tpu.memref_squeeze %dma_wait3A_287 : memref<1x!tpu.dma_semaphore, #tpu.memory_space<semaphore_mem>> -> memref<!tpu.dma_semaphore, #tpu.memory_space<semaphore_mem>>
    %dma_wait3A_289 = arith.constant 0 : i32
    %dma_wait3A_290 = tpu.memref_slice %arg12[%rem3A_276, %dma_wait3A_289] : memref<4x80xi32, #tpu.memory_space<vmem>> -> memref<1x80xi32, #tpu.memory_space<vmem>>
    %dma_wait3A_291 = tpu.memref_squeeze %dma_wait3A_290 : memref<1x80xi32, #tpu.memory_space<vmem>> -> memref<80xi32, #tpu.memory_space<vmem>>
    %dma_wait3A_292 = arith.constant 0 : i32
    %dma_wait3A_293 = tpu.memref_slice %arg6[%add3A, %dma_wait3A_280, %dma_wait3A_292] : memref<32x125x80xi32, #tpu.memory_space<hbm>> -> memref<1x1x80xi32, #tpu.memory_space<hbm>>
    %dma_wait3A_294 = tpu.memref_squeeze %dma_wait3A_293 : memref<1x1x80xi32, #tpu.memory_space<hbm>> -> memref<80xi32, #tpu.memory_space<hbm>>
    tpu.wait_dma2 semaphore(%dma_wait3A_288 : memref<!tpu.dma_semaphore, #tpu.memory_space<semaphore_mem>>) src(%dma_wait3A_294 : memref<80xi32, #tpu.memory_space<hbm>>) dst(%dma_wait3A_291 : memref<80xi32, #tpu.memory_space<vmem>>)
    %rem3A_295 = arith.constant 1 : i32
    %rem3A_296 = arith.constant 6 : i32
    %rem3A_297 = arith.remsi %rem3A_295, %rem3A_296 : i32
    %rem3A_298 = arith.constant 1 : i32
    %rem3A_299 = arith.constant 6 : i32
    %rem3A_300 = arith.remsi %rem3A_298, %rem3A_299 : i32
    %dma_wait3A_301 = arith.constant 1 : i32
    %dma_wait3A_302 = arith.constant 0 : i32
    %dma_wait3A_303 = tpu.memref_slice %arg13[%rem3A_297, %dma_wait3A_302] : memref<6x80xi32, #tpu.memory_space<vmem>> -> memref<1x80xi32, #tpu.memory_space<vmem>>
    %dma_wait3A_304 = tpu.memref_squeeze %dma_wait3A_303 : memref<1x80xi32, #tpu.memory_space<vmem>> -> memref<80xi32, #tpu.memory_space<vmem>>
    %dma_wait3A_305 = arith.constant 0 : i32
    %dma_wait3A_306 = tpu.memref_slice %arg7[%add3A, %dma_wait3A_301, %dma_wait3A_305] : memref<32x125x80xi32, #tpu.memory_space<hbm>> -> memref<1x1x80xi32, #tpu.memory_space<hbm>>
    %dma_wait3A_307 = tpu.memref_squeeze %dma_wait3A_306 : memref<1x1x80xi32, #tpu.memory_space<hbm>> -> memref<80xi32, #tpu.memory_space<hbm>>
    %dma_wait3A_308 = tpu.memref_slice %arg27[%rem3A_300] : memref<6x!tpu.dma_semaphore, #tpu.memory_space<semaphore_mem>> -> memref<1x!tpu.dma_semaphore, #tpu.memory_space<semaphore_mem>>
    %dma_wait3A_309 = tpu.memref_squeeze %dma_wait3A_308 : memref<1x!tpu.dma_semaphore, #tpu.memory_space<semaphore_mem>> -> memref<!tpu.dma_semaphore, #tpu.memory_space<semaphore_mem>>
    %dma_wait3A_310 = arith.constant 0 : i32
    %dma_wait3A_311 = tpu.memref_slice %arg13[%rem3A_297, %dma_wait3A_310] : memref<6x80xi32, #tpu.memory_space<vmem>> -> memref<1x80xi32, #tpu.memory_space<vmem>>
    %dma_wait3A_312 = tpu.memref_squeeze %dma_wait3A_311 : memref<1x80xi32, #tpu.memory_space<vmem>> -> memref<80xi32, #tpu.memory_space<vmem>>
    %dma_wait3A_313 = arith.constant 0 : i32
    %dma_wait3A_314 = tpu.memref_slice %arg7[%add3A, %dma_wait3A_301, %dma_wait3A_313] : memref<32x125x80xi32, #tpu.memory_space<hbm>> -> memref<1x1x80xi32, #tpu.memory_space<hbm>>
    %dma_wait3A_315 = tpu.memref_squeeze %dma_wait3A_314 : memref<1x1x80xi32, #tpu.memory_space<hbm>> -> memref<80xi32, #tpu.memory_space<hbm>>
    tpu.wait_dma2 semaphore(%dma_wait3A_309 : memref<!tpu.dma_semaphore, #tpu.memory_space<semaphore_mem>>) src(%dma_wait3A_315 : memref<80xi32, #tpu.memory_space<hbm>>) dst(%dma_wait3A_312 : memref<80xi32, #tpu.memory_space<vmem>>)
    %rem3A_316 = arith.constant 1 : i32
    %rem3A_317 = arith.constant 4 : i32
    %rem3A_318 = arith.remsi %rem3A_316, %rem3A_317 : i32
    %rem3A_319 = arith.constant 1 : i32
    %rem3A_320 = arith.constant 3 : i32
    %rem3A_321 = arith.remsi %rem3A_319, %rem3A_320 : i32
    %dma_start3A_322 = arith.constant 0 : i32
    %dma_start3A_323 = arith.constant 0 : i32
    %dma_start3A_324 = tpu.memref_slice %arg16[%rem3A_318, %dma_start3A_322, %dma_start3A_323] : memref<4x80x128xf32, #tpu.memory_space<vmem>> -> memref<1x80x128xf32, #tpu.memory_space<vmem>>
    %dma_start3A_325 = tpu.memref_squeeze %dma_start3A_324 : memref<1x80x128xf32, #tpu.memory_space<vmem>> -> memref<80x128xf32, #tpu.memory_space<vmem>>
    %dma_start3A_326 = arith.constant 0 : i32
    %dma_start3A_327 = tpu.memref_slice %arg12[%rem3A_318, %dma_start3A_326] : memref<4x80xi32, #tpu.memory_space<vmem>> -> memref<1x80xi32, #tpu.memory_space<vmem>>
    %dma_start3A_328 = tpu.memref_squeeze %dma_start3A_327 : memref<1x80xi32, #tpu.memory_space<vmem>> -> memref<80xi32, #tpu.memory_space<vmem>>
    %dma_start3A_329 = arith.constant 0 : i32
    %dma_start3A_330 = arith.constant 0 : i32
    %dma_start3A_331 = tpu.memref_slice %arg2[%dma_start3A_329, %dma_start3A_330] : memref<10240x128xf32, #tpu.memory_space<hbm>> -> memref<10240x128xf32, #tpu.memory_space<hbm>>
    %dma_start3A_332 = tpu.memref_slice %arg23[%rem3A_318] : memref<4x!tpu.dma_semaphore, #tpu.memory_space<semaphore_mem>> -> memref<1x!tpu.dma_semaphore, #tpu.memory_space<semaphore_mem>>
    %dma_start3A_333 = tpu.memref_squeeze %dma_start3A_332 : memref<1x!tpu.dma_semaphore, #tpu.memory_space<semaphore_mem>> -> memref<!tpu.dma_semaphore, #tpu.memory_space<semaphore_mem>>
    tpu.enqueue_indirect_dma source(%dma_start3A_331 : memref<10240x128xf32, #tpu.memory_space<hbm>>) target(%dma_start3A_325 : memref<80x128xf32, #tpu.memory_space<vmem>>) offsets(%dma_start3A_328 : memref<80xi32, #tpu.memory_space<vmem>>) semaphore(%dma_start3A_333 : memref<!tpu.dma_semaphore, #tpu.memory_space<semaphore_mem>>)
    %dma_start3A_334 = arith.constant 0 : i32
    %dma_start3A_335 = tpu.memref_slice %arg17[%rem3A_321, %dma_start3A_334] : memref<3x80xf32, #tpu.memory_space<vmem>> -> memref<1x80xf32, #tpu.memory_space<vmem>>
    %dma_start3A_336 = tpu.memref_squeeze %dma_start3A_335 : memref<1x80xf32, #tpu.memory_space<vmem>> -> memref<80xf32, #tpu.memory_space<vmem>>
    %dma_start3A_337 = arith.constant 0 : i32
    %dma_start3A_338 = tpu.memref_slice %arg12[%rem3A_318, %dma_start3A_337] : memref<4x80xi32, #tpu.memory_space<vmem>> -> memref<1x80xi32, #tpu.memory_space<vmem>>
    %dma_start3A_339 = tpu.memref_squeeze %dma_start3A_338 : memref<1x80xi32, #tpu.memory_space<vmem>> -> memref<80xi32, #tpu.memory_space<vmem>>
    %dma_start3A_340 = arith.constant 0 : i32
    %dma_start3A_341 = tpu.memref_slice %arg19[%dma_start3A_340] : memref<10240xf32, #tpu.memory_space<vmem_shared>> -> memref<10240xf32, #tpu.memory_space<vmem_shared>>
    %dma_start3A_342 = tpu.memref_slice %arg28[%rem3A_321] : memref<3x!tpu.dma_semaphore, #tpu.memory_space<semaphore_mem>> -> memref<1x!tpu.dma_semaphore, #tpu.memory_space<semaphore_mem>>
    %dma_start3A_343 = tpu.memref_squeeze %dma_start3A_342 : memref<1x!tpu.dma_semaphore, #tpu.memory_space<semaphore_mem>> -> memref<!tpu.dma_semaphore, #tpu.memory_space<semaphore_mem>>
    tpu.enqueue_indirect_dma source(%dma_start3A_341 : memref<10240xf32, #tpu.memory_space<vmem_shared>>) target(%dma_start3A_336 : memref<80xf32, #tpu.memory_space<vmem>>) offsets(%dma_start3A_339 : memref<80xi32, #tpu.memory_space<vmem>>) semaphore(%dma_start3A_343 : memref<!tpu.dma_semaphore, #tpu.memory_space<semaphore_mem>>)
    %rem3A_344 = arith.constant 1 : i32
    %rem3A_345 = arith.constant 6 : i32
    %rem3A_346 = arith.remsi %rem3A_344, %rem3A_345 : i32
    %dma_start3A_347 = arith.constant 0 : i32
    %dma_start3A_348 = tpu.memref_slice %arg18[%rem3A_321, %dma_start3A_347] : memref<3x80xf32, #tpu.memory_space<vmem>> -> memref<1x80xf32, #tpu.memory_space<vmem>>
    %dma_start3A_349 = tpu.memref_squeeze %dma_start3A_348 : memref<1x80xf32, #tpu.memory_space<vmem>> -> memref<80xf32, #tpu.memory_space<vmem>>
    %dma_start3A_350 = arith.constant 0 : i32
    %dma_start3A_351 = tpu.memref_slice %arg13[%rem3A_346, %dma_start3A_350] : memref<6x80xi32, #tpu.memory_space<vmem>> -> memref<1x80xi32, #tpu.memory_space<vmem>>
    %dma_start3A_352 = tpu.memref_squeeze %dma_start3A_351 : memref<1x80xi32, #tpu.memory_space<vmem>> -> memref<80xi32, #tpu.memory_space<vmem>>
    %dma_start3A_353 = arith.constant 0 : i32
    %dma_start3A_354 = tpu.memref_slice %arg20[%dma_start3A_353] : memref<10240xf32, #tpu.memory_space<vmem_shared>> -> memref<10240xf32, #tpu.memory_space<vmem_shared>>
    %dma_start3A_355 = tpu.memref_slice %arg29[%rem3A_321] : memref<3x!tpu.dma_semaphore, #tpu.memory_space<semaphore_mem>> -> memref<1x!tpu.dma_semaphore, #tpu.memory_space<semaphore_mem>>
    %dma_start3A_356 = tpu.memref_squeeze %dma_start3A_355 : memref<1x!tpu.dma_semaphore, #tpu.memory_space<semaphore_mem>> -> memref<!tpu.dma_semaphore, #tpu.memory_space<semaphore_mem>>
    tpu.enqueue_indirect_dma source(%dma_start3A_354 : memref<10240xf32, #tpu.memory_space<vmem_shared>>) target(%dma_start3A_349 : memref<80xf32, #tpu.memory_space<vmem>>) offsets(%dma_start3A_352 : memref<80xi32, #tpu.memory_space<vmem>>) semaphore(%dma_start3A_356 : memref<!tpu.dma_semaphore, #tpu.memory_space<semaphore_mem>>)
    %scan3A = arith.constant 0 : i32
    %scan3A_357 = arith.constant 0 : i32
    %scan3A_358 = arith.constant 125 : i32
    %scan3A_359 = arith.addi %scan3A_357, %scan3A_358 : i32
    %scan3A_360 = arith.constant 1 : i32
    scf.for %scan3A_402 = %scan3A_357 to %scan3A_359 step %scan3A_360  : i32 {
      %rem3A_403 = arith.constant 4 : i32
      %rem3A_404 = arith.remsi %scan3A_402, %rem3A_403 : i32
      %rem3A_405 = arith.constant 2 : i32
      %rem3A_406 = arith.remsi %scan3A_402, %rem3A_405 : i32
      %rem3A_407 = arith.constant 3 : i32
      %rem3A_408 = arith.remsi %scan3A_402, %rem3A_407 : i32
      %rem3A_409 = arith.constant 4 : i32
      %rem3A_410 = arith.remsi %scan3A_402, %rem3A_409 : i32
      %rem3A_411 = arith.constant 3 : i32
      %rem3A_412 = arith.remsi %scan3A_402, %rem3A_411 : i32
      %dma_wait3A_413 = arith.constant 0 : i32
      %dma_wait3A_414 = arith.constant 0 : i32
      %dma_wait3A_415 = tpu.memref_slice %arg16[%rem3A_410, %dma_wait3A_413, %dma_wait3A_414] : memref<4x80x128xf32, #tpu.memory_space<vmem>> -> memref<1x80x128xf32, #tpu.memory_space<vmem>>
      %dma_wait3A_416 = tpu.memref_squeeze %dma_wait3A_415 : memref<1x80x128xf32, #tpu.memory_space<vmem>> -> memref<80x128xf32, #tpu.memory_space<vmem>>
      %dma_wait3A_417 = arith.constant 0 : i32
      %dma_wait3A_418 = tpu.memref_slice %arg12[%rem3A_410, %dma_wait3A_417] : memref<4x80xi32, #tpu.memory_space<vmem>> -> memref<1x80xi32, #tpu.memory_space<vmem>>
      %dma_wait3A_419 = tpu.memref_squeeze %dma_wait3A_418 : memref<1x80xi32, #tpu.memory_space<vmem>> -> memref<80xi32, #tpu.memory_space<vmem>>
      %dma_wait3A_420 = arith.constant 0 : i32
      %dma_wait3A_421 = arith.constant 0 : i32
      %dma_wait3A_422 = tpu.memref_slice %arg2[%dma_wait3A_420, %dma_wait3A_421] : memref<10240x128xf32, #tpu.memory_space<hbm>> -> memref<10240x128xf32, #tpu.memory_space<hbm>>
      %dma_wait3A_423 = tpu.memref_slice %arg23[%rem3A_410] : memref<4x!tpu.dma_semaphore, #tpu.memory_space<semaphore_mem>> -> memref<1x!tpu.dma_semaphore, #tpu.memory_space<semaphore_mem>>
      %dma_wait3A_424 = tpu.memref_squeeze %dma_wait3A_423 : memref<1x!tpu.dma_semaphore, #tpu.memory_space<semaphore_mem>> -> memref<!tpu.dma_semaphore, #tpu.memory_space<semaphore_mem>>
      tpu.wait_indirect_dma semaphore(%dma_wait3A_424 : memref<!tpu.dma_semaphore, #tpu.memory_space<semaphore_mem>>) src(%dma_wait3A_422 : memref<10240x128xf32, #tpu.memory_space<hbm>>) dst(%dma_wait3A_416 : memref<80x128xf32, #tpu.memory_space<vmem>>)
      %dma_wait3A_425 = arith.constant 0 : i32
      %dma_wait3A_426 = tpu.memref_slice %arg17[%rem3A_412, %dma_wait3A_425] : memref<3x80xf32, #tpu.memory_space<vmem>> -> memref<1x80xf32, #tpu.memory_space<vmem>>
      %dma_wait3A_427 = tpu.memref_squeeze %dma_wait3A_426 : memref<1x80xf32, #tpu.memory_space<vmem>> -> memref<80xf32, #tpu.memory_space<vmem>>
      %dma_wait3A_428 = arith.constant 0 : i32
      %dma_wait3A_429 = tpu.memref_slice %arg12[%rem3A_410, %dma_wait3A_428] : memref<4x80xi32, #tpu.memory_space<vmem>> -> memref<1x80xi32, #tpu.memory_space<vmem>>
      %dma_wait3A_430 = tpu.memref_squeeze %dma_wait3A_429 : memref<1x80xi32, #tpu.memory_space<vmem>> -> memref<80xi32, #tpu.memory_space<vmem>>
      %dma_wait3A_431 = arith.constant 0 : i32
      %dma_wait3A_432 = tpu.memref_slice %arg19[%dma_wait3A_431] : memref<10240xf32, #tpu.memory_space<vmem_shared>> -> memref<10240xf32, #tpu.memory_space<vmem_shared>>
      %dma_wait3A_433 = tpu.memref_slice %arg28[%rem3A_412] : memref<3x!tpu.dma_semaphore, #tpu.memory_space<semaphore_mem>> -> memref<1x!tpu.dma_semaphore, #tpu.memory_space<semaphore_mem>>
      %dma_wait3A_434 = tpu.memref_squeeze %dma_wait3A_433 : memref<1x!tpu.dma_semaphore, #tpu.memory_space<semaphore_mem>> -> memref<!tpu.dma_semaphore, #tpu.memory_space<semaphore_mem>>
      tpu.wait_indirect_dma semaphore(%dma_wait3A_434 : memref<!tpu.dma_semaphore, #tpu.memory_space<semaphore_mem>>) src(%dma_wait3A_432 : memref<10240xf32, #tpu.memory_space<vmem_shared>>) dst(%dma_wait3A_427 : memref<80xf32, #tpu.memory_space<vmem>>)
      %rem3A_435 = arith.constant 6 : i32
      %rem3A_436 = arith.remsi %scan3A_402, %rem3A_435 : i32
      %dma_wait3A_437 = arith.constant 0 : i32
      %dma_wait3A_438 = tpu.memref_slice %arg18[%rem3A_412, %dma_wait3A_437] : memref<3x80xf32, #tpu.memory_space<vmem>> -> memref<1x80xf32, #tpu.memory_space<vmem>>
      %dma_wait3A_439 = tpu.memref_squeeze %dma_wait3A_438 : memref<1x80xf32, #tpu.memory_space<vmem>> -> memref<80xf32, #tpu.memory_space<vmem>>
      %dma_wait3A_440 = arith.constant 0 : i32
      %dma_wait3A_441 = tpu.memref_slice %arg13[%rem3A_436, %dma_wait3A_440] : memref<6x80xi32, #tpu.memory_space<vmem>> -> memref<1x80xi32, #tpu.memory_space<vmem>>
      %dma_wait3A_442 = tpu.memref_squeeze %dma_wait3A_441 : memref<1x80xi32, #tpu.memory_space<vmem>> -> memref<80xi32, #tpu.memory_space<vmem>>
      %dma_wait3A_443 = arith.constant 0 : i32
      %dma_wait3A_444 = tpu.memref_slice %arg20[%dma_wait3A_443] : memref<10240xf32, #tpu.memory_space<vmem_shared>> -> memref<10240xf32, #tpu.memory_space<vmem_shared>>
      %dma_wait3A_445 = tpu.memref_slice %arg29[%rem3A_412] : memref<3x!tpu.dma_semaphore, #tpu.memory_space<semaphore_mem>> -> memref<1x!tpu.dma_semaphore, #tpu.memory_space<semaphore_mem>>
      %dma_wait3A_446 = tpu.memref_squeeze %dma_wait3A_445 : memref<1x!tpu.dma_semaphore, #tpu.memory_space<semaphore_mem>> -> memref<!tpu.dma_semaphore, #tpu.memory_space<semaphore_mem>>
      tpu.wait_indirect_dma semaphore(%dma_wait3A_446 : memref<!tpu.dma_semaphore, #tpu.memory_space<semaphore_mem>>) src(%dma_wait3A_444 : memref<10240xf32, #tpu.memory_space<vmem_shared>>) dst(%dma_wait3A_439 : memref<80xf32, #tpu.memory_space<vmem>>)
      %add3A_447 = arith.constant 2 : i32
      %add3A_448 = arith.addi %scan3A_402, %add3A_447 : i32
      %lt3A = arith.constant 125 : i32
      %lt3A_449 = arith.cmpi slt, %add3A_448, %lt3A : i32
      %convert_element_type3A = arith.extui %lt3A_449 : i1 to i32
      %cond3A = arith.constant 0 : i32
      %cond3A_450 = arith.cmpi ne, %convert_element_type3A, %cond3A : i32
      scf.if %cond3A_450 {
        %add3A_588 = arith.constant 2 : i32
        %add3A_589 = arith.addi %scan3A_402, %add3A_588 : i32
        %rem3A_590 = arith.constant 4 : i32
        %rem3A_591 = arith.remsi %add3A_589, %rem3A_590 : i32
        %rem3A_592 = arith.constant 4 : i32
        %rem3A_593 = arith.remsi %add3A_589, %rem3A_592 : i32
        %dma_wait3A_594 = arith.constant 0 : i32
        %dma_wait3A_595 = tpu.memref_slice %arg12[%rem3A_591, %dma_wait3A_594] : memref<4x80xi32, #tpu.memory_space<vmem>> -> memref<1x80xi32, #tpu.memory_space<vmem>>
        %dma_wait3A_596 = tpu.memref_squeeze %dma_wait3A_595 : memref<1x80xi32, #tpu.memory_space<vmem>> -> memref<80xi32, #tpu.memory_space<vmem>>
        %dma_wait3A_597 = arith.constant 0 : i32
        %dma_wait3A_598 = tpu.memref_slice %arg6[%add3A, %add3A_589, %dma_wait3A_597] : memref<32x125x80xi32, #tpu.memory_space<hbm>> -> memref<1x1x80xi32, #tpu.memory_space<hbm>>
        %dma_wait3A_599 = tpu.memref_squeeze %dma_wait3A_598 : memref<1x1x80xi32, #tpu.memory_space<hbm>> -> memref<80xi32, #tpu.memory_space<hbm>>
        %dma_wait3A_600 = tpu.memref_slice %arg26[%rem3A_593] : memref<4x!tpu.dma_semaphore, #tpu.memory_space<semaphore_mem>> -> memref<1x!tpu.dma_semaphore, #tpu.memory_space<semaphore_mem>>
        %dma_wait3A_601 = tpu.memref_squeeze %dma_wait3A_600 : memref<1x!tpu.dma_semaphore, #tpu.memory_space<semaphore_mem>> -> memref<!tpu.dma_semaphore, #tpu.memory_space<semaphore_mem>>
        %dma_wait3A_602 = arith.constant 0 : i32
        %dma_wait3A_603 = tpu.memref_slice %arg12[%rem3A_591, %dma_wait3A_602] : memref<4x80xi32, #tpu.memory_space<vmem>> -> memref<1x80xi32, #tpu.memory_space<vmem>>
        %dma_wait3A_604 = tpu.memref_squeeze %dma_wait3A_603 : memref<1x80xi32, #tpu.memory_space<vmem>> -> memref<80xi32, #tpu.memory_space<vmem>>
        %dma_wait3A_605 = arith.constant 0 : i32
        %dma_wait3A_606 = tpu.memref_slice %arg6[%add3A, %add3A_589, %dma_wait3A_605] : memref<32x125x80xi32, #tpu.memory_space<hbm>> -> memref<1x1x80xi32, #tpu.memory_space<hbm>>
        %dma_wait3A_607 = tpu.memref_squeeze %dma_wait3A_606 : memref<1x1x80xi32, #tpu.memory_space<hbm>> -> memref<80xi32, #tpu.memory_space<hbm>>
        tpu.wait_dma2 semaphore(%dma_wait3A_601 : memref<!tpu.dma_semaphore, #tpu.memory_space<semaphore_mem>>) src(%dma_wait3A_607 : memref<80xi32, #tpu.memory_space<hbm>>) dst(%dma_wait3A_604 : memref<80xi32, #tpu.memory_space<vmem>>)
        %rem3A_608 = arith.constant 6 : i32
        %rem3A_609 = arith.remsi %add3A_589, %rem3A_608 : i32
        %rem3A_610 = arith.constant 6 : i32
        %rem3A_611 = arith.remsi %add3A_589, %rem3A_610 : i32
        %dma_wait3A_612 = arith.constant 0 : i32
        %dma_wait3A_613 = tpu.memref_slice %arg13[%rem3A_609, %dma_wait3A_612] : memref<6x80xi32, #tpu.memory_space<vmem>> -> memref<1x80xi32, #tpu.memory_space<vmem>>
        %dma_wait3A_614 = tpu.memref_squeeze %dma_wait3A_613 : memref<1x80xi32, #tpu.memory_space<vmem>> -> memref<80xi32, #tpu.memory_space<vmem>>
        %dma_wait3A_615 = arith.constant 0 : i32
        %dma_wait3A_616 = tpu.memref_slice %arg7[%add3A, %add3A_589, %dma_wait3A_615] : memref<32x125x80xi32, #tpu.memory_space<hbm>> -> memref<1x1x80xi32, #tpu.memory_space<hbm>>
        %dma_wait3A_617 = tpu.memref_squeeze %dma_wait3A_616 : memref<1x1x80xi32, #tpu.memory_space<hbm>> -> memref<80xi32, #tpu.memory_space<hbm>>
        %dma_wait3A_618 = tpu.memref_slice %arg27[%rem3A_611] : memref<6x!tpu.dma_semaphore, #tpu.memory_space<semaphore_mem>> -> memref<1x!tpu.dma_semaphore, #tpu.memory_space<semaphore_mem>>
        %dma_wait3A_619 = tpu.memref_squeeze %dma_wait3A_618 : memref<1x!tpu.dma_semaphore, #tpu.memory_space<semaphore_mem>> -> memref<!tpu.dma_semaphore, #tpu.memory_space<semaphore_mem>>
        %dma_wait3A_620 = arith.constant 0 : i32
        %dma_wait3A_621 = tpu.memref_slice %arg13[%rem3A_609, %dma_wait3A_620] : memref<6x80xi32, #tpu.memory_space<vmem>> -> memref<1x80xi32, #tpu.memory_space<vmem>>
        %dma_wait3A_622 = tpu.memref_squeeze %dma_wait3A_621 : memref<1x80xi32, #tpu.memory_space<vmem>> -> memref<80xi32, #tpu.memory_space<vmem>>
        %dma_wait3A_623 = arith.constant 0 : i32
        %dma_wait3A_624 = tpu.memref_slice %arg7[%add3A, %add3A_589, %dma_wait3A_623] : memref<32x125x80xi32, #tpu.memory_space<hbm>> -> memref<1x1x80xi32, #tpu.memory_space<hbm>>
        %dma_wait3A_625 = tpu.memref_squeeze %dma_wait3A_624 : memref<1x1x80xi32, #tpu.memory_space<hbm>> -> memref<80xi32, #tpu.memory_space<hbm>>
        tpu.wait_dma2 semaphore(%dma_wait3A_619 : memref<!tpu.dma_semaphore, #tpu.memory_space<semaphore_mem>>) src(%dma_wait3A_625 : memref<80xi32, #tpu.memory_space<hbm>>) dst(%dma_wait3A_622 : memref<80xi32, #tpu.memory_space<vmem>>)
        %add3A_626 = arith.constant 2 : i32
        %add3A_627 = arith.addi %scan3A_402, %add3A_626 : i32
        %rem3A_628 = arith.constant 4 : i32
        %rem3A_629 = arith.remsi %add3A_627, %rem3A_628 : i32
        %rem3A_630 = arith.constant 3 : i32
        %rem3A_631 = arith.remsi %add3A_627, %rem3A_630 : i32
        %dma_start3A_632 = arith.constant 0 : i32
        %dma_start3A_633 = arith.constant 0 : i32
        %dma_start3A_634 = tpu.memref_slice %arg16[%rem3A_629, %dma_start3A_632, %dma_start3A_633] : memref<4x80x128xf32, #tpu.memory_space<vmem>> -> memref<1x80x128xf32, #tpu.memory_space<vmem>>
        %dma_start3A_635 = tpu.memref_squeeze %dma_start3A_634 : memref<1x80x128xf32, #tpu.memory_space<vmem>> -> memref<80x128xf32, #tpu.memory_space<vmem>>
        %dma_start3A_636 = arith.constant 0 : i32
        %dma_start3A_637 = tpu.memref_slice %arg12[%rem3A_629, %dma_start3A_636] : memref<4x80xi32, #tpu.memory_space<vmem>> -> memref<1x80xi32, #tpu.memory_space<vmem>>
        %dma_start3A_638 = tpu.memref_squeeze %dma_start3A_637 : memref<1x80xi32, #tpu.memory_space<vmem>> -> memref<80xi32, #tpu.memory_space<vmem>>
        %dma_start3A_639 = arith.constant 0 : i32
        %dma_start3A_640 = arith.constant 0 : i32
        %dma_start3A_641 = tpu.memref_slice %arg2[%dma_start3A_639, %dma_start3A_640] : memref<10240x128xf32, #tpu.memory_space<hbm>> -> memref<10240x128xf32, #tpu.memory_space<hbm>>
        %dma_start3A_642 = tpu.memref_slice %arg23[%rem3A_629] : memref<4x!tpu.dma_semaphore, #tpu.memory_space<semaphore_mem>> -> memref<1x!tpu.dma_semaphore, #tpu.memory_space<semaphore_mem>>
        %dma_start3A_643 = tpu.memref_squeeze %dma_start3A_642 : memref<1x!tpu.dma_semaphore, #tpu.memory_space<semaphore_mem>> -> memref<!tpu.dma_semaphore, #tpu.memory_space<semaphore_mem>>
        tpu.enqueue_indirect_dma source(%dma_start3A_641 : memref<10240x128xf32, #tpu.memory_space<hbm>>) target(%dma_start3A_635 : memref<80x128xf32, #tpu.memory_space<vmem>>) offsets(%dma_start3A_638 : memref<80xi32, #tpu.memory_space<vmem>>) semaphore(%dma_start3A_643 : memref<!tpu.dma_semaphore, #tpu.memory_space<semaphore_mem>>)
        %dma_start3A_644 = arith.constant 0 : i32
        %dma_start3A_645 = tpu.memref_slice %arg17[%rem3A_631, %dma_start3A_644] : memref<3x80xf32, #tpu.memory_space<vmem>> -> memref<1x80xf32, #tpu.memory_space<vmem>>
        %dma_start3A_646 = tpu.memref_squeeze %dma_start3A_645 : memref<1x80xf32, #tpu.memory_space<vmem>> -> memref<80xf32, #tpu.memory_space<vmem>>
        %dma_start3A_647 = arith.constant 0 : i32
        %dma_start3A_648 = tpu.memref_slice %arg12[%rem3A_629, %dma_start3A_647] : memref<4x80xi32, #tpu.memory_space<vmem>> -> memref<1x80xi32, #tpu.memory_space<vmem>>
        %dma_start3A_649 = tpu.memref_squeeze %dma_start3A_648 : memref<1x80xi32, #tpu.memory_space<vmem>> -> memref<80xi32, #tpu.memory_space<vmem>>
        %dma_start3A_650 = arith.constant 0 : i32
        %dma_start3A_651 = tpu.memref_slice %arg19[%dma_start3A_650] : memref<10240xf32, #tpu.memory_space<vmem_shared>> -> memref<10240xf32, #tpu.memory_space<vmem_shared>>
        %dma_start3A_652 = tpu.memref_slice %arg28[%rem3A_631] : memref<3x!tpu.dma_semaphore, #tpu.memory_space<semaphore_mem>> -> memref<1x!tpu.dma_semaphore, #tpu.memory_space<semaphore_mem>>
        %dma_start3A_653 = tpu.memref_squeeze %dma_start3A_652 : memref<1x!tpu.dma_semaphore, #tpu.memory_space<semaphore_mem>> -> memref<!tpu.dma_semaphore, #tpu.memory_space<semaphore_mem>>
        tpu.enqueue_indirect_dma source(%dma_start3A_651 : memref<10240xf32, #tpu.memory_space<vmem_shared>>) target(%dma_start3A_646 : memref<80xf32, #tpu.memory_space<vmem>>) offsets(%dma_start3A_649 : memref<80xi32, #tpu.memory_space<vmem>>) semaphore(%dma_start3A_653 : memref<!tpu.dma_semaphore, #tpu.memory_space<semaphore_mem>>)
        %rem3A_654 = arith.constant 6 : i32
        %rem3A_655 = arith.remsi %add3A_627, %rem3A_654 : i32
        %dma_start3A_656 = arith.constant 0 : i32
        %dma_start3A_657 = tpu.memref_slice %arg18[%rem3A_631, %dma_start3A_656] : memref<3x80xf32, #tpu.memory_space<vmem>> -> memref<1x80xf32, #tpu.memory_space<vmem>>
        %dma_start3A_658 = tpu.memref_squeeze %dma_start3A_657 : memref<1x80xf32, #tpu.memory_space<vmem>> -> memref<80xf32, #tpu.memory_space<vmem>>
        %dma_start3A_659 = arith.constant 0 : i32
        %dma_start3A_660 = tpu.memref_slice %arg13[%rem3A_655, %dma_start3A_659] : memref<6x80xi32, #tpu.memory_space<vmem>> -> memref<1x80xi32, #tpu.memory_space<vmem>>
        %dma_start3A_661 = tpu.memref_squeeze %dma_start3A_660 : memref<1x80xi32, #tpu.memory_space<vmem>> -> memref<80xi32, #tpu.memory_space<vmem>>
        %dma_start3A_662 = arith.constant 0 : i32
        %dma_start3A_663 = tpu.memref_slice %arg20[%dma_start3A_662] : memref<10240xf32, #tpu.memory_space<vmem_shared>> -> memref<10240xf32, #tpu.memory_space<vmem_shared>>
        %dma_start3A_664 = tpu.memref_slice %arg29[%rem3A_631] : memref<3x!tpu.dma_semaphore, #tpu.memory_space<semaphore_mem>> -> memref<1x!tpu.dma_semaphore, #tpu.memory_space<semaphore_mem>>
        %dma_start3A_665 = tpu.memref_squeeze %dma_start3A_664 : memref<1x!tpu.dma_semaphore, #tpu.memory_space<semaphore_mem>> -> memref<!tpu.dma_semaphore, #tpu.memory_space<semaphore_mem>>
        tpu.enqueue_indirect_dma source(%dma_start3A_663 : memref<10240xf32, #tpu.memory_space<vmem_shared>>) target(%dma_start3A_658 : memref<80xf32, #tpu.memory_space<vmem>>) offsets(%dma_start3A_661 : memref<80xi32, #tpu.memory_space<vmem>>) semaphore(%dma_start3A_665 : memref<!tpu.dma_semaphore, #tpu.memory_space<semaphore_mem>>)
      } else {
      }
      %get3A_451 = arith.index_cast %rem3A_408 : i32 to index
      %get3A_452 = arith.constant 0 : index
      %get3A_453 = tpu.vector_load %arg17[%get3A_451, %get3A_452] {strides = array<i32>} : memref<3x80xf32, #tpu.memory_space<vmem>>, vector<16xf32>,
      %get3A_454 = arith.index_cast %rem3A_408 : i32 to index
      %get3A_455 = arith.constant 0 : index
      %get3A_456 = tpu.vector_load %arg18[%get3A_454, %get3A_455] {strides = array<i32>} : memref<3x80xf32, #tpu.memory_space<vmem>>, vector<16xf32>,
      %add3A_457 = arith.addf %get3A_453, %get3A_456 : vector<16xf32>
      %ge3A_458 = arith.constant 0.000000e+00 : f32
      %ge3A_459 = vector.broadcast %ge3A_458 : f32 to vector<16xf32>
      %ge3A_460 = arith.cmpf oge, %add3A_457, %ge3A_459 : vector<16xf32>
      %mul3A_461 = arith.constant 2.000000e-01 : f32
      %mul3A_462 = vector.broadcast %mul3A_461 : f32 to vector<16xf32>
      %mul3A_463 = arith.mulf %mul3A_462, %add3A_457 : vector<16xf32>
      %select_n3A_464 = arith.select %ge3A_460, %add3A_457, %mul3A_463 : vector<16xi1>, vector<16xf32>
      %sub3A = arith.subf %select_n3A_464, %select_n3A : vector<16xf32>
      %exp3A = math.exp %sub3A : vector<16xf32>
      %swap3A = arith.index_cast %rem3A_406 : i32 to index
      %swap3A_465 = arith.constant 0 : index
      %swap3A_466 = tpu.vector_load %arg15[%swap3A, %swap3A_465] {strides = array<i32>} : memref<2x80xf32, #tpu.memory_space<vmem>>, vector<16xf32>,
      tpu.vector_store %arg15[%swap3A, %swap3A_465], %exp3A {strides = array<i32>} : memref<2x80xf32, #tpu.memory_space<vmem>>, vector<16xf32>,
      %get3A_467 = arith.index_cast %rem3A_408 : i32 to index
      %get3A_468 = arith.constant 16 : index
      %get3A_469 = tpu.vector_load %arg17[%get3A_467, %get3A_468] {strides = array<i32>} : memref<3x80xf32, #tpu.memory_space<vmem>>, vector<16xf32>,
      %get3A_470 = arith.index_cast %rem3A_408 : i32 to index
      %get3A_471 = arith.constant 16 : index
      %get3A_472 = tpu.vector_load %arg18[%get3A_470, %get3A_471] {strides = array<i32>} : memref<3x80xf32, #tpu.memory_space<vmem>>, vector<16xf32>,
      %add3A_473 = arith.addf %get3A_469, %get3A_472 : vector<16xf32>
      %ge3A_474 = arith.constant 0.000000e+00 : f32
      %ge3A_475 = vector.broadcast %ge3A_474 : f32 to vector<16xf32>
      %ge3A_476 = arith.cmpf oge, %add3A_473, %ge3A_475 : vector<16xf32>
      %mul3A_477 = arith.constant 2.000000e-01 : f32
      %mul3A_478 = vector.broadcast %mul3A_477 : f32 to vector<16xf32>
      %mul3A_479 = arith.mulf %mul3A_478, %add3A_473 : vector<16xf32>
      %select_n3A_480 = arith.select %ge3A_476, %add3A_473, %mul3A_479 : vector<16xi1>, vector<16xf32>
      %sub3A_481 = arith.subf %select_n3A_480, %select_n3A : vector<16xf32>
      %exp3A_482 = math.exp %sub3A_481 : vector<16xf32>
      %swap3A_483 = arith.index_cast %rem3A_406 : i32 to index
      %swap3A_484 = arith.constant 16 : index
      %swap3A_485 = tpu.vector_load %arg15[%swap3A_483, %swap3A_484] {strides = array<i32>} : memref<2x80xf32, #tpu.memory_space<vmem>>, vector<16xf32>,
      tpu.vector_store %arg15[%swap3A_483, %swap3A_484], %exp3A_482 {strides = array<i32>} : memref<2x80xf32, #tpu.memory_space<vmem>>, vector<16xf32>,
      %get3A_486 = arith.index_cast %rem3A_408 : i32 to index
      %get3A_487 = arith.constant 32 : index
      %get3A_488 = tpu.vector_load %arg17[%get3A_486, %get3A_487] {strides = array<i32>} : memref<3x80xf32, #tpu.memory_space<vmem>>, vector<16xf32>,
      %get3A_489 = arith.index_cast %rem3A_408 : i32 to index
      %get3A_490 = arith.constant 32 : index
      %get3A_491 = tpu.vector_load %arg18[%get3A_489, %get3A_490] {strides = array<i32>} : memref<3x80xf32, #tpu.memory_space<vmem>>, vector<16xf32>,
      %add3A_492 = arith.addf %get3A_488, %get3A_491 : vector<16xf32>
      %ge3A_493 = arith.constant 0.000000e+00 : f32
      %ge3A_494 = vector.broadcast %ge3A_493 : f32 to vector<16xf32>
      %ge3A_495 = arith.cmpf oge, %add3A_492, %ge3A_494 : vector<16xf32>
      %mul3A_496 = arith.constant 2.000000e-01 : f32
      %mul3A_497 = vector.broadcast %mul3A_496 : f32 to vector<16xf32>
      %mul3A_498 = arith.mulf %mul3A_497, %add3A_492 : vector<16xf32>
      %select_n3A_499 = arith.select %ge3A_495, %add3A_492, %mul3A_498 : vector<16xi1>, vector<16xf32>
      %sub3A_500 = arith.subf %select_n3A_499, %select_n3A : vector<16xf32>
      %exp3A_501 = math.exp %sub3A_500 : vector<16xf32>
      %swap3A_502 = arith.index_cast %rem3A_406 : i32 to index
      %swap3A_503 = arith.constant 32 : index
      %swap3A_504 = tpu.vector_load %arg15[%swap3A_502, %swap3A_503] {strides = array<i32>} : memref<2x80xf32, #tpu.memory_space<vmem>>, vector<16xf32>,
      tpu.vector_store %arg15[%swap3A_502, %swap3A_503], %exp3A_501 {strides = array<i32>} : memref<2x80xf32, #tpu.memory_space<vmem>>, vector<16xf32>,
      %get3A_505 = arith.index_cast %rem3A_408 : i32 to index
      %get3A_506 = arith.constant 48 : index
      %get3A_507 = tpu.vector_load %arg17[%get3A_505, %get3A_506] {strides = array<i32>} : memref<3x80xf32, #tpu.memory_space<vmem>>, vector<16xf32>,
      %get3A_508 = arith.index_cast %rem3A_408 : i32 to index
      %get3A_509 = arith.constant 48 : index
      %get3A_510 = tpu.vector_load %arg18[%get3A_508, %get3A_509] {strides = array<i32>} : memref<3x80xf32, #tpu.memory_space<vmem>>, vector<16xf32>,
      %add3A_511 = arith.addf %get3A_507, %get3A_510 : vector<16xf32>
      %ge3A_512 = arith.constant 0.000000e+00 : f32
      %ge3A_513 = vector.broadcast %ge3A_512 : f32 to vector<16xf32>
      %ge3A_514 = arith.cmpf oge, %add3A_511, %ge3A_513 : vector<16xf32>
      %mul3A_515 = arith.constant 2.000000e-01 : f32
      %mul3A_516 = vector.broadcast %mul3A_515 : f32 to vector<16xf32>
      %mul3A_517 = arith.mulf %mul3A_516, %add3A_511 : vector<16xf32>
      %select_n3A_518 = arith.select %ge3A_514, %add3A_511, %mul3A_517 : vector<16xi1>, vector<16xf32>
      %sub3A_519 = arith.subf %select_n3A_518, %select_n3A : vector<16xf32>
      %exp3A_520 = math.exp %sub3A_519 : vector<16xf32>
      %swap3A_521 = arith.index_cast %rem3A_406 : i32 to index
      %swap3A_522 = arith.constant 48 : index
      %swap3A_523 = tpu.vector_load %arg15[%swap3A_521, %swap3A_522] {strides = array<i32>} : memref<2x80xf32, #tpu.memory_space<vmem>>, vector<16xf32>,
      tpu.vector_store %arg15[%swap3A_521, %swap3A_522], %exp3A_520 {strides = array<i32>} : memref<2x80xf32, #tpu.memory_space<vmem>>, vector<16xf32>,
      %get3A_524 = arith.index_cast %rem3A_408 : i32 to index
      %get3A_525 = arith.constant 64 : index
      %get3A_526 = tpu.vector_load %arg17[%get3A_524, %get3A_525] {strides = array<i32>} : memref<3x80xf32, #tpu.memory_space<vmem>>, vector<16xf32>,
      %get3A_527 = arith.index_cast %rem3A_408 : i32 to index
      %get3A_528 = arith.constant 64 : index
      %get3A_529 = tpu.vector_load %arg18[%get3A_527, %get3A_528] {strides = array<i32>} : memref<3x80xf32, #tpu.memory_space<vmem>>, vector<16xf32>,
      %add3A_530 = arith.addf %get3A_526, %get3A_529 : vector<16xf32>
      %ge3A_531 = arith.constant 0.000000e+00 : f32
      %ge3A_532 = vector.broadcast %ge3A_531 : f32 to vector<16xf32>
      %ge3A_533 = arith.cmpf oge, %add3A_530, %ge3A_532 : vector<16xf32>
      %mul3A_534 = arith.constant 2.000000e-01 : f32
      %mul3A_535 = vector.broadcast %mul3A_534 : f32 to vector<16xf32>
      %mul3A_536 = arith.mulf %mul3A_535, %add3A_530 : vector<16xf32>
      %select_n3A_537 = arith.select %ge3A_533, %add3A_530, %mul3A_536 : vector<16xi1>, vector<16xf32>
      %sub3A_538 = arith.subf %select_n3A_537, %select_n3A : vector<16xf32>
      %exp3A_539 = math.exp %sub3A_538 : vector<16xf32>
      %swap3A_540 = arith.index_cast %rem3A_406 : i32 to index
      %swap3A_541 = arith.constant 64 : index
      %swap3A_542 = tpu.vector_load %arg15[%swap3A_540, %swap3A_541] {strides = array<i32>} : memref<2x80xf32, #tpu.memory_space<vmem>>, vector<16xf32>,
      tpu.vector_store %arg15[%swap3A_540, %swap3A_541], %exp3A_539 {strides = array<i32>} : memref<2x80xf32, #tpu.memory_space<vmem>>, vector<16xf32>,
      %scan3A_543 = arith.constant 0 : i32
      %scan3A_544 = arith.constant 0 : i32
      %scan3A_545 = arith.constant 10 : i32
      %scan3A_546 = arith.addi %scan3A_544, %scan3A_545 : i32
      %scan3A_547 = arith.constant 1 : i32
      scf.for %scan3A_588 = %scan3A_544 to %scan3A_546 step %scan3A_547  : i32 {
        %mul3A_589 = arith.constant 8 : i32
        %mul3A_590 = arith.muli %scan3A_588, %mul3A_589 : i32
        %add3A_591 = arith.constant 0 : i32
        %add3A_592 = arith.addi %mul3A_590, %add3A_591 : i32
        %broadcast_in_dim3A = vector.broadcast %add3A_592 : i32 to vector<16xi32>
        %gather3A = arith.constant 0 : i32
        %gather3A_593 = tpu.memref_slice %arg15[%rem3A_406, %gather3A] : memref<2x80xf32, #tpu.memory_space<vmem>> -> memref<1x80xf32, #tpu.memory_space<vmem>>
        %gather3A_594 = tpu.memref_squeeze %gather3A_593 : memref<1x80xf32, #tpu.memory_space<vmem>> -> memref<80xf32, #tpu.memory_space<vmem>>
        %gather3A_595 = tpu.vector_load_idx %gather3A_594[%broadcast_in_dim3A] : memref<80xf32, #tpu.memory_space<vmem>>[vector<16xi32>], vector<16xf32>,
        %get3A_596 = arith.index_cast %rem3A_404 : i32 to index
        %get3A_597 = arith.index_cast %add3A_592 : i32 to index
        %get3A_598 = arith.constant 0 : index
        %get3A_599 = tpu.vector_load %arg16[%get3A_596, %get3A_597, %get3A_598] {strides = array<i32>} : memref<4x80x128xf32, #tpu.memory_space<vmem>>, vector<16xf32>,
        %mul3A_600 = arith.mulf %get3A_599, %gather3A_595 : vector<16xf32>
        %swap3A_601 = arith.index_cast %rem3A_404 : i32 to index
        %swap3A_602 = arith.index_cast %add3A_592 : i32 to index
        %swap3A_603 = arith.constant 0 : index
        %swap3A_604 = tpu.vector_load %arg16[%swap3A_601, %swap3A_602, %swap3A_603] {strides = array<i32>} : memref<4x80x128xf32, #tpu.memory_space<vmem>>, vector<16xf32>,
        tpu.vector_store %arg16[%swap3A_601, %swap3A_602, %swap3A_603], %mul3A_600 {strides = array<i32>} : memref<4x80x128xf32, #tpu.memory_space<vmem>>, vector<16xf32>,
        %get3A_605 = arith.index_cast %rem3A_404 : i32 to index
        %get3A_606 = arith.index_cast %add3A_592 : i32 to index
        %get3A_607 = arith.constant 16 : index
        %get3A_608 = tpu.vector_load %arg16[%get3A_605, %get3A_606, %get3A_607] {strides = array<i32>} : memref<4x80x128xf32, #tpu.memory_space<vmem>>, vector<16xf32>,
        %mul3A_609 = arith.mulf %get3A_608, %gather3A_595 : vector<16xf32>
        %swap3A_610 = arith.index_cast %rem3A_404 : i32 to index
        %swap3A_611 = arith.index_cast %add3A_592 : i32 to index
        %swap3A_612 = arith.constant 16 : index
        %swap3A_613 = tpu.vector_load %arg16[%swap3A_610, %swap3A_611, %swap3A_612] {strides = array<i32>} : memref<4x80x128xf32, #tpu.memory_space<vmem>>, vector<16xf32>,
        tpu.vector_store %arg16[%swap3A_610, %swap3A_611, %swap3A_612], %mul3A_609 {strides = array<i32>} : memref<4x80x128xf32, #tpu.memory_space<vmem>>, vector<16xf32>,
        %get3A_614 = arith.index_cast %rem3A_404 : i32 to index
        %get3A_615 = arith.index_cast %add3A_592 : i32 to index
        %get3A_616 = arith.constant 32 : index
        %get3A_617 = tpu.vector_load %arg16[%get3A_614, %get3A_615, %get3A_616] {strides = array<i32>} : memref<4x80x128xf32, #tpu.memory_space<vmem>>, vector<16xf32>,
        %mul3A_618 = arith.mulf %get3A_617, %gather3A_595 : vector<16xf32>
        %swap3A_619 = arith.index_cast %rem3A_404 : i32 to index
        %swap3A_620 = arith.index_cast %add3A_592 : i32 to index
        %swap3A_621 = arith.constant 32 : index
        %swap3A_622 = tpu.vector_load %arg16[%swap3A_619, %swap3A_620, %swap3A_621] {strides = array<i32>} : memref<4x80x128xf32, #tpu.memory_space<vmem>>, vector<16xf32>,
        tpu.vector_store %arg16[%swap3A_619, %swap3A_620, %swap3A_621], %mul3A_618 {strides = array<i32>} : memref<4x80x128xf32, #tpu.memory_space<vmem>>, vector<16xf32>,
        %get3A_623 = arith.index_cast %rem3A_404 : i32 to index
        %get3A_624 = arith.index_cast %add3A_592 : i32 to index
        %get3A_625 = arith.constant 48 : index
        %get3A_626 = tpu.vector_load %arg16[%get3A_623, %get3A_624, %get3A_625] {strides = array<i32>} : memref<4x80x128xf32, #tpu.memory_space<vmem>>, vector<16xf32>,
        %mul3A_627 = arith.mulf %get3A_626, %gather3A_595 : vector<16xf32>
        %swap3A_628 = arith.index_cast %rem3A_404 : i32 to index
        %swap3A_629 = arith.index_cast %add3A_592 : i32 to index
        %swap3A_630 = arith.constant 48 : index
        %swap3A_631 = tpu.vector_load %arg16[%swap3A_628, %swap3A_629, %swap3A_630] {strides = array<i32>} : memref<4x80x128xf32, #tpu.memory_space<vmem>>, vector<16xf32>,
        tpu.vector_store %arg16[%swap3A_628, %swap3A_629, %swap3A_630], %mul3A_627 {strides = array<i32>} : memref<4x80x128xf32, #tpu.memory_space<vmem>>, vector<16xf32>,
        %get3A_632 = arith.index_cast %rem3A_404 : i32 to index
        %get3A_633 = arith.index_cast %add3A_592 : i32 to index
        %get3A_634 = arith.constant 64 : index
        %get3A_635 = tpu.vector_load %arg16[%get3A_632, %get3A_633, %get3A_634] {strides = array<i32>} : memref<4x80x128xf32, #tpu.memory_space<vmem>>, vector<16xf32>,
        %mul3A_636 = arith.mulf %get3A_635, %gather3A_595 : vector<16xf32>
        %swap3A_637 = arith.index_cast %rem3A_404 : i32 to index
        %swap3A_638 = arith.index_cast %add3A_592 : i32 to index
        %swap3A_639 = arith.constant 64 : index
        %swap3A_640 = tpu.vector_load %arg16[%swap3A_637, %swap3A_638, %swap3A_639] {strides = array<i32>} : memref<4x80x128xf32, #tpu.memory_space<vmem>>, vector<16xf32>,
        tpu.vector_store %arg16[%swap3A_637, %swap3A_638, %swap3A_639], %mul3A_636 {strides = array<i32>} : memref<4x80x128xf32, #tpu.memory_space<vmem>>, vector<16xf32>,
        %get3A_641 = arith.index_cast %rem3A_404 : i32 to index
        %get3A_642 = arith.index_cast %add3A_592 : i32 to index
        %get3A_643 = arith.constant 80 : index
        %get3A_644 = tpu.vector_load %arg16[%get3A_641, %get3A_642, %get3A_643] {strides = array<i32>} : memref<4x80x128xf32, #tpu.memory_space<vmem>>, vector<16xf32>,
        %mul3A_645 = arith.mulf %get3A_644, %gather3A_595 : vector<16xf32>
        %swap3A_646 = arith.index_cast %rem3A_404 : i32 to index
        %swap3A_647 = arith.index_cast %add3A_592 : i32 to index
        %swap3A_648 = arith.constant 80 : index
        %swap3A_649 = tpu.vector_load %arg16[%swap3A_646, %swap3A_647, %swap3A_648] {strides = array<i32>} : memref<4x80x128xf32, #tpu.memory_space<vmem>>, vector<16xf32>,
        tpu.vector_store %arg16[%swap3A_646, %swap3A_647, %swap3A_648], %mul3A_645 {strides = array<i32>} : memref<4x80x128xf32, #tpu.memory_space<vmem>>, vector<16xf32>,
        %get3A_650 = arith.index_cast %rem3A_404 : i32 to index
        %get3A_651 = arith.index_cast %add3A_592 : i32 to index
        %get3A_652 = arith.constant 96 : index
        %get3A_653 = tpu.vector_load %arg16[%get3A_650, %get3A_651, %get3A_652] {strides = array<i32>} : memref<4x80x128xf32, #tpu.memory_space<vmem>>, vector<16xf32>,
        %mul3A_654 = arith.mulf %get3A_653, %gather3A_595 : vector<16xf32>
        %swap3A_655 = arith.index_cast %rem3A_404 : i32 to index
        %swap3A_656 = arith.index_cast %add3A_592 : i32 to index
        %swap3A_657 = arith.constant 96 : index
        %swap3A_658 = tpu.vector_load %arg16[%swap3A_655, %swap3A_656, %swap3A_657] {strides = array<i32>} : memref<4x80x128xf32, #tpu.memory_space<vmem>>, vector<16xf32>,
        tpu.vector_store %arg16[%swap3A_655, %swap3A_656, %swap3A_657], %mul3A_654 {strides = array<i32>} : memref<4x80x128xf32, #tpu.memory_space<vmem>>, vector<16xf32>,
        %get3A_659 = arith.index_cast %rem3A_404 : i32 to index
        %get3A_660 = arith.index_cast %add3A_592 : i32 to index
        %get3A_661 = arith.constant 112 : index
        %get3A_662 = tpu.vector_load %arg16[%get3A_659, %get3A_660, %get3A_661] {strides = array<i32>} : memref<4x80x128xf32, #tpu.memory_space<vmem>>, vector<16xf32>,
        %mul3A_663 = arith.mulf %get3A_662, %gather3A_595 : vector<16xf32>
        %swap3A_664 = arith.index_cast %rem3A_404 : i32 to index
        %swap3A_665 = arith.index_cast %add3A_592 : i32 to index
        %swap3A_666 = arith.constant 112 : index
        %swap3A_667 = tpu.vector_load %arg16[%swap3A_664, %swap3A_665, %swap3A_666] {strides = array<i32>} : memref<4x80x128xf32, #tpu.memory_space<vmem>>, vector<16xf32>,
        tpu.vector_store %arg16[%swap3A_664, %swap3A_665, %swap3A_666], %mul3A_663 {strides = array<i32>} : memref<4x80x128xf32, #tpu.memory_space<vmem>>, vector<16xf32>,
        %mul3A_668 = arith.constant 8 : i32
        %mul3A_669 = arith.muli %scan3A_588, %mul3A_668 : i32
        %add3A_670 = arith.constant 1 : i32
        %add3A_671 = arith.addi %mul3A_669, %add3A_670 : i32
        %broadcast_in_dim3A_672 = vector.broadcast %add3A_671 : i32 to vector<16xi32>
        %gather3A_673 = arith.constant 0 : i32
        %gather3A_674 = tpu.memref_slice %arg15[%rem3A_406, %gather3A_673] : memref<2x80xf32, #tpu.memory_space<vmem>> -> memref<1x80xf32, #tpu.memory_space<vmem>>
        %gather3A_675 = tpu.memref_squeeze %gather3A_674 : memref<1x80xf32, #tpu.memory_space<vmem>> -> memref<80xf32, #tpu.memory_space<vmem>>
        %gather3A_676 = tpu.vector_load_idx %gather3A_675[%broadcast_in_dim3A_672] : memref<80xf32, #tpu.memory_space<vmem>>[vector<16xi32>], vector<16xf32>,
        %get3A_677 = arith.index_cast %rem3A_404 : i32 to index
        %get3A_678 = arith.index_cast %add3A_671 : i32 to index
        %get3A_679 = arith.constant 0 : index
        %get3A_680 = tpu.vector_load %arg16[%get3A_677, %get3A_678, %get3A_679] {strides = array<i32>} : memref<4x80x128xf32, #tpu.memory_space<vmem>>, vector<16xf32>,
        %mul3A_681 = arith.mulf %get3A_680, %gather3A_676 : vector<16xf32>
        %swap3A_682 = arith.index_cast %rem3A_404 : i32 to index
        %swap3A_683 = arith.index_cast %add3A_671 : i32 to index
        %swap3A_684 = arith.constant 0 : index
        %swap3A_685 = tpu.vector_load %arg16[%swap3A_682, %swap3A_683, %swap3A_684] {strides = array<i32>} : memref<4x80x128xf32, #tpu.memory_space<vmem>>, vector<16xf32>,
        tpu.vector_store %arg16[%swap3A_682, %swap3A_683, %swap3A_684], %mul3A_681 {strides = array<i32>} : memref<4x80x128xf32, #tpu.memory_space<vmem>>, vector<16xf32>,
        %get3A_686 = arith.index_cast %rem3A_404 : i32 to index
        %get3A_687 = arith.index_cast %add3A_671 : i32 to index
        %get3A_688 = arith.constant 16 : index
        %get3A_689 = tpu.vector_load %arg16[%get3A_686, %get3A_687, %get3A_688] {strides = array<i32>} : memref<4x80x128xf32, #tpu.memory_space<vmem>>, vector<16xf32>,
        %mul3A_690 = arith.mulf %get3A_689, %gather3A_676 : vector<16xf32>
        %swap3A_691 = arith.index_cast %rem3A_404 : i32 to index
        %swap3A_692 = arith.index_cast %add3A_671 : i32 to index
        %swap3A_693 = arith.constant 16 : index
        %swap3A_694 = tpu.vector_load %arg16[%swap3A_691, %swap3A_692, %swap3A_693] {strides = array<i32>} : memref<4x80x128xf32, #tpu.memory_space<vmem>>, vector<16xf32>,
        tpu.vector_store %arg16[%swap3A_691, %swap3A_692, %swap3A_693], %mul3A_690 {strides = array<i32>} : memref<4x80x128xf32, #tpu.memory_space<vmem>>, vector<16xf32>,
        %get3A_695 = arith.index_cast %rem3A_404 : i32 to index
        %get3A_696 = arith.index_cast %add3A_671 : i32 to index
        %get3A_697 = arith.constant 32 : index
        %get3A_698 = tpu.vector_load %arg16[%get3A_695, %get3A_696, %get3A_697] {strides = array<i32>} : memref<4x80x128xf32, #tpu.memory_space<vmem>>, vector<16xf32>,
        %mul3A_699 = arith.mulf %get3A_698, %gather3A_676 : vector<16xf32>
        %swap3A_700 = arith.index_cast %rem3A_404 : i32 to index
        %swap3A_701 = arith.index_cast %add3A_671 : i32 to index
        %swap3A_702 = arith.constant 32 : index
        %swap3A_703 = tpu.vector_load %arg16[%swap3A_700, %swap3A_701, %swap3A_702] {strides = array<i32>} : memref<4x80x128xf32, #tpu.memory_space<vmem>>, vector<16xf32>,
        tpu.vector_store %arg16[%swap3A_700, %swap3A_701, %swap3A_702], %mul3A_699 {strides = array<i32>} : memref<4x80x128xf32, #tpu.memory_space<vmem>>, vector<16xf32>,
        %get3A_704 = arith.index_cast %rem3A_404 : i32 to index
        %get3A_705 = arith.index_cast %add3A_671 : i32 to index
        %get3A_706 = arith.constant 48 : index
        %get3A_707 = tpu.vector_load %arg16[%get3A_704, %get3A_705, %get3A_706] {strides = array<i32>} : memref<4x80x128xf32, #tpu.memory_space<vmem>>, vector<16xf32>,
        %mul3A_708 = arith.mulf %get3A_707, %gather3A_676 : vector<16xf32>
        %swap3A_709 = arith.index_cast %rem3A_404 : i32 to index
        %swap3A_710 = arith.index_cast %add3A_671 : i32 to index
        %swap3A_711 = arith.constant 48 : index
        %swap3A_712 = tpu.vector_load %arg16[%swap3A_709, %swap3A_710, %swap3A_711] {strides = array<i32>} : memref<4x80x128xf32, #tpu.memory_space<vmem>>, vector<16xf32>,
        tpu.vector_store %arg16[%swap3A_709, %swap3A_710, %swap3A_711], %mul3A_708 {strides = array<i32>} : memref<4x80x128xf32, #tpu.memory_space<vmem>>, vector<16xf32>,
        %get3A_713 = arith.index_cast %rem3A_404 : i32 to index
        %get3A_714 = arith.index_cast %add3A_671 : i32 to index
        %get3A_715 = arith.constant 64 : index
        %get3A_716 = tpu.vector_load %arg16[%get3A_713, %get3A_714, %get3A_715] {strides = array<i32>} : memref<4x80x128xf32, #tpu.memory_space<vmem>>, vector<16xf32>,
        %mul3A_717 = arith.mulf %get3A_716, %gather3A_676 : vector<16xf32>
        %swap3A_718 = arith.index_cast %rem3A_404 : i32 to index
        %swap3A_719 = arith.index_cast %add3A_671 : i32 to index
        %swap3A_720 = arith.constant 64 : index
        %swap3A_721 = tpu.vector_load %arg16[%swap3A_718, %swap3A_719, %swap3A_720] {strides = array<i32>} : memref<4x80x128xf32, #tpu.memory_space<vmem>>, vector<16xf32>,
        tpu.vector_store %arg16[%swap3A_718, %swap3A_719, %swap3A_720], %mul3A_717 {strides = array<i32>} : memref<4x80x128xf32, #tpu.memory_space<vmem>>, vector<16xf32>,
        %get3A_722 = arith.index_cast %rem3A_404 : i32 to index
        %get3A_723 = arith.index_cast %add3A_671 : i32 to index
        %get3A_724 = arith.constant 80 : index
        %get3A_725 = tpu.vector_load %arg16[%get3A_722, %get3A_723, %get3A_724] {strides = array<i32>} : memref<4x80x128xf32, #tpu.memory_space<vmem>>, vector<16xf32>,
        %mul3A_726 = arith.mulf %get3A_725, %gather3A_676 : vector<16xf32>
        %swap3A_727 = arith.index_cast %rem3A_404 : i32 to index
        %swap3A_728 = arith.index_cast %add3A_671 : i32 to index
        %swap3A_729 = arith.constant 80 : index
        %swap3A_730 = tpu.vector_load %arg16[%swap3A_727, %swap3A_728, %swap3A_729] {strides = array<i32>} : memref<4x80x128xf32, #tpu.memory_space<vmem>>, vector<16xf32>,
        tpu.vector_store %arg16[%swap3A_727, %swap3A_728, %swap3A_729], %mul3A_726 {strides = array<i32>} : memref<4x80x128xf32, #tpu.memory_space<vmem>>, vector<16xf32>,
        %get3A_731 = arith.index_cast %rem3A_404 : i32 to index
        %get3A_732 = arith.index_cast %add3A_671 : i32 to index
        %get3A_733 = arith.constant 96 : index
        %get3A_734 = tpu.vector_load %arg16[%get3A_731, %get3A_732, %get3A_733] {strides = array<i32>} : memref<4x80x128xf32, #tpu.memory_space<vmem>>, vector<16xf32>,
        %mul3A_735 = arith.mulf %get3A_734, %gather3A_676 : vector<16xf32>
        %swap3A_736 = arith.index_cast %rem3A_404 : i32 to index
        %swap3A_737 = arith.index_cast %add3A_671 : i32 to index
        %swap3A_738 = arith.constant 96 : index
        %swap3A_739 = tpu.vector_load %arg16[%swap3A_736, %swap3A_737, %swap3A_738] {strides = array<i32>} : memref<4x80x128xf32, #tpu.memory_space<vmem>>, vector<16xf32>,
        tpu.vector_store %arg16[%swap3A_736, %swap3A_737, %swap3A_738], %mul3A_735 {strides = array<i32>} : memref<4x80x128xf32, #tpu.memory_space<vmem>>, vector<16xf32>,
        %get3A_740 = arith.index_cast %rem3A_404 : i32 to index
        %get3A_741 = arith.index_cast %add3A_671 : i32 to index
        %get3A_742 = arith.constant 112 : index
        %get3A_743 = tpu.vector_load %arg16[%get3A_740, %get3A_741, %get3A_742] {strides = array<i32>} : memref<4x80x128xf32, #tpu.memory_space<vmem>>, vector<16xf32>,
        %mul3A_744 = arith.mulf %get3A_743, %gather3A_676 : vector<16xf32>
        %swap3A_745 = arith.index_cast %rem3A_404 : i32 to index
        %swap3A_746 = arith.index_cast %add3A_671 : i32 to index
        %swap3A_747 = arith.constant 112 : index
        %swap3A_748 = tpu.vector_load %arg16[%swap3A_745, %swap3A_746, %swap3A_747] {strides = array<i32>} : memref<4x80x128xf32, #tpu.memory_space<vmem>>, vector<16xf32>,
        tpu.vector_store %arg16[%swap3A_745, %swap3A_746, %swap3A_747], %mul3A_744 {strides = array<i32>} : memref<4x80x128xf32, #tpu.memory_space<vmem>>, vector<16xf32>,
        %mul3A_749 = arith.constant 8 : i32
        %mul3A_750 = arith.muli %scan3A_588, %mul3A_749 : i32
        %add3A_751 = arith.constant 2 : i32
        %add3A_752 = arith.addi %mul3A_750, %add3A_751 : i32
        %broadcast_in_dim3A_753 = vector.broadcast %add3A_752 : i32 to vector<16xi32>
        %gather3A_754 = arith.constant 0 : i32
        %gather3A_755 = tpu.memref_slice %arg15[%rem3A_406, %gather3A_754] : memref<2x80xf32, #tpu.memory_space<vmem>> -> memref<1x80xf32, #tpu.memory_space<vmem>>
        %gather3A_756 = tpu.memref_squeeze %gather3A_755 : memref<1x80xf32, #tpu.memory_space<vmem>> -> memref<80xf32, #tpu.memory_space<vmem>>
        %gather3A_757 = tpu.vector_load_idx %gather3A_756[%broadcast_in_dim3A_753] : memref<80xf32, #tpu.memory_space<vmem>>[vector<16xi32>], vector<16xf32>,
        %get3A_758 = arith.index_cast %rem3A_404 : i32 to index
        %get3A_759 = arith.index_cast %add3A_752 : i32 to index
        %get3A_760 = arith.constant 0 : index
        %get3A_761 = tpu.vector_load %arg16[%get3A_758, %get3A_759, %get3A_760] {strides = array<i32>} : memref<4x80x128xf32, #tpu.memory_space<vmem>>, vector<16xf32>,
        %mul3A_762 = arith.mulf %get3A_761, %gather3A_757 : vector<16xf32>
        %swap3A_763 = arith.index_cast %rem3A_404 : i32 to index
        %swap3A_764 = arith.index_cast %add3A_752 : i32 to index
        %swap3A_765 = arith.constant 0 : index
        %swap3A_766 = tpu.vector_load %arg16[%swap3A_763, %swap3A_764, %swap3A_765] {strides = array<i32>} : memref<4x80x128xf32, #tpu.memory_space<vmem>>, vector<16xf32>,
        tpu.vector_store %arg16[%swap3A_763, %swap3A_764, %swap3A_765], %mul3A_762 {strides = array<i32>} : memref<4x80x128xf32, #tpu.memory_space<vmem>>, vector<16xf32>,
        %get3A_767 = arith.index_cast %rem3A_404 : i32 to index
        %get3A_768 = arith.index_cast %add3A_752 : i32 to index
        %get3A_769 = arith.constant 16 : index
        %get3A_770 = tpu.vector_load %arg16[%get3A_767, %get3A_768, %get3A_769] {strides = array<i32>} : memref<4x80x128xf32, #tpu.memory_space<vmem>>, vector<16xf32>,
        %mul3A_771 = arith.mulf %get3A_770, %gather3A_757 : vector<16xf32>
        %swap3A_772 = arith.index_cast %rem3A_404 : i32 to index
        %swap3A_773 = arith.index_cast %add3A_752 : i32 to index
        %swap3A_774 = arith.constant 16 : index
        %swap3A_775 = tpu.vector_load %arg16[%swap3A_772, %swap3A_773, %swap3A_774] {strides = array<i32>} : memref<4x80x128xf32, #tpu.memory_space<vmem>>, vector<16xf32>,
        tpu.vector_store %arg16[%swap3A_772, %swap3A_773, %swap3A_774], %mul3A_771 {strides = array<i32>} : memref<4x80x128xf32, #tpu.memory_space<vmem>>, vector<16xf32>,
        %get3A_776 = arith.index_cast %rem3A_404 : i32 to index
        %get3A_777 = arith.index_cast %add3A_752 : i32 to index
        %get3A_778 = arith.constant 32 : index
        %get3A_779 = tpu.vector_load %arg16[%get3A_776, %get3A_777, %get3A_778] {strides = array<i32>} : memref<4x80x128xf32, #tpu.memory_space<vmem>>, vector<16xf32>,
        %mul3A_780 = arith.mulf %get3A_779, %gather3A_757 : vector<16xf32>
        %swap3A_781 = arith.index_cast %rem3A_404 : i32 to index
        %swap3A_782 = arith.index_cast %add3A_752 : i32 to index
        %swap3A_783 = arith.constant 32 : index
        %swap3A_784 = tpu.vector_load %arg16[%swap3A_781, %swap3A_782, %swap3A_783] {strides = array<i32>} : memref<4x80x128xf32, #tpu.memory_space<vmem>>, vector<16xf32>,
        tpu.vector_store %arg16[%swap3A_781, %swap3A_782, %swap3A_783], %mul3A_780 {strides = array<i32>} : memref<4x80x128xf32, #tpu.memory_space<vmem>>, vector<16xf32>,
        %get3A_785 = arith.index_cast %rem3A_404 : i32 to index
        %get3A_786 = arith.index_cast %add3A_752 : i32 to index
        %get3A_787 = arith.constant 48 : index
        %get3A_788 = tpu.vector_load %arg16[%get3A_785, %get3A_786, %get3A_787] {strides = array<i32>} : memref<4x80x128xf32, #tpu.memory_space<vmem>>, vector<16xf32>,
        %mul3A_789 = arith.mulf %get3A_788, %gather3A_757 : vector<16xf32>
        %swap3A_790 = arith.index_cast %rem3A_404 : i32 to index
        %swap3A_791 = arith.index_cast %add3A_752 : i32 to index
        %swap3A_792 = arith.constant 48 : index
        %swap3A_793 = tpu.vector_load %arg16[%swap3A_790, %swap3A_791, %swap3A_792] {strides = array<i32>} : memref<4x80x128xf32, #tpu.memory_space<vmem>>, vector<16xf32>,
        tpu.vector_store %arg16[%swap3A_790, %swap3A_791, %swap3A_792], %mul3A_789 {strides = array<i32>} : memref<4x80x128xf32, #tpu.memory_space<vmem>>, vector<16xf32>,
        %get3A_794 = arith.index_cast %rem3A_404 : i32 to index
        %get3A_795 = arith.index_cast %add3A_752 : i32 to index
        %get3A_796 = arith.constant 64 : index
        %get3A_797 = tpu.vector_load %arg16[%get3A_794, %get3A_795, %get3A_796] {strides = array<i32>} : memref<4x80x128xf32, #tpu.memory_space<vmem>>, vector<16xf32>,
        %mul3A_798 = arith.mulf %get3A_797, %gather3A_757 : vector<16xf32>
        %swap3A_799 = arith.index_cast %rem3A_404 : i32 to index
        %swap3A_800 = arith.index_cast %add3A_752 : i32 to index
        %swap3A_801 = arith.constant 64 : index
        %swap3A_802 = tpu.vector_load %arg16[%swap3A_799, %swap3A_800, %swap3A_801] {strides = array<i32>} : memref<4x80x128xf32, #tpu.memory_space<vmem>>, vector<16xf32>,
        tpu.vector_store %arg16[%swap3A_799, %swap3A_800, %swap3A_801], %mul3A_798 {strides = array<i32>} : memref<4x80x128xf32, #tpu.memory_space<vmem>>, vector<16xf32>,
        %get3A_803 = arith.index_cast %rem3A_404 : i32 to index
        %get3A_804 = arith.index_cast %add3A_752 : i32 to index
        %get3A_805 = arith.constant 80 : index
        %get3A_806 = tpu.vector_load %arg16[%get3A_803, %get3A_804, %get3A_805] {strides = array<i32>} : memref<4x80x128xf32, #tpu.memory_space<vmem>>, vector<16xf32>,
        %mul3A_807 = arith.mulf %get3A_806, %gather3A_757 : vector<16xf32>
        %swap3A_808 = arith.index_cast %rem3A_404 : i32 to index
        %swap3A_809 = arith.index_cast %add3A_752 : i32 to index
        %swap3A_810 = arith.constant 80 : index
        %swap3A_811 = tpu.vector_load %arg16[%swap3A_808, %swap3A_809, %swap3A_810] {strides = array<i32>} : memref<4x80x128xf32, #tpu.memory_space<vmem>>, vector<16xf32>,
        tpu.vector_store %arg16[%swap3A_808, %swap3A_809, %swap3A_810], %mul3A_807 {strides = array<i32>} : memref<4x80x128xf32, #tpu.memory_space<vmem>>, vector<16xf32>,
        %get3A_812 = arith.index_cast %rem3A_404 : i32 to index
        %get3A_813 = arith.index_cast %add3A_752 : i32 to index
        %get3A_814 = arith.constant 96 : index
        %get3A_815 = tpu.vector_load %arg16[%get3A_812, %get3A_813, %get3A_814] {strides = array<i32>} : memref<4x80x128xf32, #tpu.memory_space<vmem>>, vector<16xf32>,
        %mul3A_816 = arith.mulf %get3A_815, %gather3A_757 : vector<16xf32>
        %swap3A_817 = arith.index_cast %rem3A_404 : i32 to index
        %swap3A_818 = arith.index_cast %add3A_752 : i32 to index
        %swap3A_819 = arith.constant 96 : index
        %swap3A_820 = tpu.vector_load %arg16[%swap3A_817, %swap3A_818, %swap3A_819] {strides = array<i32>} : memref<4x80x128xf32, #tpu.memory_space<vmem>>, vector<16xf32>,
        tpu.vector_store %arg16[%swap3A_817, %swap3A_818, %swap3A_819], %mul3A_816 {strides = array<i32>} : memref<4x80x128xf32, #tpu.memory_space<vmem>>, vector<16xf32>,
        %get3A_821 = arith.index_cast %rem3A_404 : i32 to index
        %get3A_822 = arith.index_cast %add3A_752 : i32 to index
        %get3A_823 = arith.constant 112 : index
        %get3A_824 = tpu.vector_load %arg16[%get3A_821, %get3A_822, %get3A_823] {strides = array<i32>} : memref<4x80x128xf32, #tpu.memory_space<vmem>>, vector<16xf32>,
        %mul3A_825 = arith.mulf %get3A_824, %gather3A_757 : vector<16xf32>
        %swap3A_826 = arith.index_cast %rem3A_404 : i32 to index
        %swap3A_827 = arith.index_cast %add3A_752 : i32 to index
        %swap3A_828 = arith.constant 112 : index
        %swap3A_829 = tpu.vector_load %arg16[%swap3A_826, %swap3A_827, %swap3A_828] {strides = array<i32>} : memref<4x80x128xf32, #tpu.memory_space<vmem>>, vector<16xf32>,
        tpu.vector_store %arg16[%swap3A_826, %swap3A_827, %swap3A_828], %mul3A_825 {strides = array<i32>} : memref<4x80x128xf32, #tpu.memory_space<vmem>>, vector<16xf32>,
        %mul3A_830 = arith.constant 8 : i32
        %mul3A_831 = arith.muli %scan3A_588, %mul3A_830 : i32
        %add3A_832 = arith.constant 3 : i32
        %add3A_833 = arith.addi %mul3A_831, %add3A_832 : i32
        %broadcast_in_dim3A_834 = vector.broadcast %add3A_833 : i32 to vector<16xi32>
        %gather3A_835 = arith.constant 0 : i32
        %gather3A_836 = tpu.memref_slice %arg15[%rem3A_406, %gather3A_835] : memref<2x80xf32, #tpu.memory_space<vmem>> -> memref<1x80xf32, #tpu.memory_space<vmem>>
        %gather3A_837 = tpu.memref_squeeze %gather3A_836 : memref<1x80xf32, #tpu.memory_space<vmem>> -> memref<80xf32, #tpu.memory_space<vmem>>
        %gather3A_838 = tpu.vector_load_idx %gather3A_837[%broadcast_in_dim3A_834] : memref<80xf32, #tpu.memory_space<vmem>>[vector<16xi32>], vector<16xf32>,
        %get3A_839 = arith.index_cast %rem3A_404 : i32 to index
        %get3A_840 = arith.index_cast %add3A_833 : i32 to index
        %get3A_841 = arith.constant 0 : index
        %get3A_842 = tpu.vector_load %arg16[%get3A_839, %get3A_840, %get3A_841] {strides = array<i32>} : memref<4x80x128xf32, #tpu.memory_space<vmem>>, vector<16xf32>,
        %mul3A_843 = arith.mulf %get3A_842, %gather3A_838 : vector<16xf32>
        %swap3A_844 = arith.index_cast %rem3A_404 : i32 to index
        %swap3A_845 = arith.index_cast %add3A_833 : i32 to index
        %swap3A_846 = arith.constant 0 : index
        %swap3A_847 = tpu.vector_load %arg16[%swap3A_844, %swap3A_845, %swap3A_846] {strides = array<i32>} : memref<4x80x128xf32, #tpu.memory_space<vmem>>, vector<16xf32>,
        tpu.vector_store %arg16[%swap3A_844, %swap3A_845, %swap3A_846], %mul3A_843 {strides = array<i32>} : memref<4x80x128xf32, #tpu.memory_space<vmem>>, vector<16xf32>,
        %get3A_848 = arith.index_cast %rem3A_404 : i32 to index
        %get3A_849 = arith.index_cast %add3A_833 : i32 to index
        %get3A_850 = arith.constant 16 : index
        %get3A_851 = tpu.vector_load %arg16[%get3A_848, %get3A_849, %get3A_850] {strides = array<i32>} : memref<4x80x128xf32, #tpu.memory_space<vmem>>, vector<16xf32>,
        %mul3A_852 = arith.mulf %get3A_851, %gather3A_838 : vector<16xf32>
        %swap3A_853 = arith.index_cast %rem3A_404 : i32 to index
        %swap3A_854 = arith.index_cast %add3A_833 : i32 to index
        %swap3A_855 = arith.constant 16 : index
        %swap3A_856 = tpu.vector_load %arg16[%swap3A_853, %swap3A_854, %swap3A_855] {strides = array<i32>} : memref<4x80x128xf32, #tpu.memory_space<vmem>>, vector<16xf32>,
        tpu.vector_store %arg16[%swap3A_853, %swap3A_854, %swap3A_855], %mul3A_852 {strides = array<i32>} : memref<4x80x128xf32, #tpu.memory_space<vmem>>, vector<16xf32>,
        %get3A_857 = arith.index_cast %rem3A_404 : i32 to index
        %get3A_858 = arith.index_cast %add3A_833 : i32 to index
        %get3A_859 = arith.constant 32 : index
        %get3A_860 = tpu.vector_load %arg16[%get3A_857, %get3A_858, %get3A_859] {strides = array<i32>} : memref<4x80x128xf32, #tpu.memory_space<vmem>>, vector<16xf32>,
        %mul3A_861 = arith.mulf %get3A_860, %gather3A_838 : vector<16xf32>
        %swap3A_862 = arith.index_cast %rem3A_404 : i32 to index
        %swap3A_863 = arith.index_cast %add3A_833 : i32 to index
        %swap3A_864 = arith.constant 32 : index
        %swap3A_865 = tpu.vector_load %arg16[%swap3A_862, %swap3A_863, %swap3A_864] {strides = array<i32>} : memref<4x80x128xf32, #tpu.memory_space<vmem>>, vector<16xf32>,
        tpu.vector_store %arg16[%swap3A_862, %swap3A_863, %swap3A_864], %mul3A_861 {strides = array<i32>} : memref<4x80x128xf32, #tpu.memory_space<vmem>>, vector<16xf32>,
        %get3A_866 = arith.index_cast %rem3A_404 : i32 to index
        %get3A_867 = arith.index_cast %add3A_833 : i32 to index
        %get3A_868 = arith.constant 48 : index
        %get3A_869 = tpu.vector_load %arg16[%get3A_866, %get3A_867, %get3A_868] {strides = array<i32>} : memref<4x80x128xf32, #tpu.memory_space<vmem>>, vector<16xf32>,
        %mul3A_870 = arith.mulf %get3A_869, %gather3A_838 : vector<16xf32>
        %swap3A_871 = arith.index_cast %rem3A_404 : i32 to index
        %swap3A_872 = arith.index_cast %add3A_833 : i32 to index
        %swap3A_873 = arith.constant 48 : index
        %swap3A_874 = tpu.vector_load %arg16[%swap3A_871, %swap3A_872, %swap3A_873] {strides = array<i32>} : memref<4x80x128xf32, #tpu.memory_space<vmem>>, vector<16xf32>,
        tpu.vector_store %arg16[%swap3A_871, %swap3A_872, %swap3A_873], %mul3A_870 {strides = array<i32>} : memref<4x80x128xf32, #tpu.memory_space<vmem>>, vector<16xf32>,
        %get3A_875 = arith.index_cast %rem3A_404 : i32 to index
        %get3A_876 = arith.index_cast %add3A_833 : i32 to index
        %get3A_877 = arith.constant 64 : index
        %get3A_878 = tpu.vector_load %arg16[%get3A_875, %get3A_876, %get3A_877] {strides = array<i32>} : memref<4x80x128xf32, #tpu.memory_space<vmem>>, vector<16xf32>,
        %mul3A_879 = arith.mulf %get3A_878, %gather3A_838 : vector<16xf32>
        %swap3A_880 = arith.index_cast %rem3A_404 : i32 to index
        %swap3A_881 = arith.index_cast %add3A_833 : i32 to index
        %swap3A_882 = arith.constant 64 : index
        %swap3A_883 = tpu.vector_load %arg16[%swap3A_880, %swap3A_881, %swap3A_882] {strides = array<i32>} : memref<4x80x128xf32, #tpu.memory_space<vmem>>, vector<16xf32>,
        tpu.vector_store %arg16[%swap3A_880, %swap3A_881, %swap3A_882], %mul3A_879 {strides = array<i32>} : memref<4x80x128xf32, #tpu.memory_space<vmem>>, vector<16xf32>,
        %get3A_884 = arith.index_cast %rem3A_404 : i32 to index
        %get3A_885 = arith.index_cast %add3A_833 : i32 to index
        %get3A_886 = arith.constant 80 : index
        %get3A_887 = tpu.vector_load %arg16[%get3A_884, %get3A_885, %get3A_886] {strides = array<i32>} : memref<4x80x128xf32, #tpu.memory_space<vmem>>, vector<16xf32>,
        %mul3A_888 = arith.mulf %get3A_887, %gather3A_838 : vector<16xf32>
        %swap3A_889 = arith.index_cast %rem3A_404 : i32 to index
        %swap3A_890 = arith.index_cast %add3A_833 : i32 to index
        %swap3A_891 = arith.constant 80 : index
        %swap3A_892 = tpu.vector_load %arg16[%swap3A_889, %swap3A_890, %swap3A_891] {strides = array<i32>} : memref<4x80x128xf32, #tpu.memory_space<vmem>>, vector<16xf32>,
        tpu.vector_store %arg16[%swap3A_889, %swap3A_890, %swap3A_891], %mul3A_888 {strides = array<i32>} : memref<4x80x128xf32, #tpu.memory_space<vmem>>, vector<16xf32>,
        %get3A_893 = arith.index_cast %rem3A_404 : i32 to index
        %get3A_894 = arith.index_cast %add3A_833 : i32 to index
        %get3A_895 = arith.constant 96 : index
        %get3A_896 = tpu.vector_load %arg16[%get3A_893, %get3A_894, %get3A_895] {strides = array<i32>} : memref<4x80x128xf32, #tpu.memory_space<vmem>>, vector<16xf32>,
        %mul3A_897 = arith.mulf %get3A_896, %gather3A_838 : vector<16xf32>
        %swap3A_898 = arith.index_cast %rem3A_404 : i32 to index
        %swap3A_899 = arith.index_cast %add3A_833 : i32 to index
        %swap3A_900 = arith.constant 96 : index
        %swap3A_901 = tpu.vector_load %arg16[%swap3A_898, %swap3A_899, %swap3A_900] {strides = array<i32>} : memref<4x80x128xf32, #tpu.memory_space<vmem>>, vector<16xf32>,
        tpu.vector_store %arg16[%swap3A_898, %swap3A_899, %swap3A_900], %mul3A_897 {strides = array<i32>} : memref<4x80x128xf32, #tpu.memory_space<vmem>>, vector<16xf32>,
        %get3A_902 = arith.index_cast %rem3A_404 : i32 to index
        %get3A_903 = arith.index_cast %add3A_833 : i32 to index
        %get3A_904 = arith.constant 112 : index
        %get3A_905 = tpu.vector_load %arg16[%get3A_902, %get3A_903, %get3A_904] {strides = array<i32>} : memref<4x80x128xf32, #tpu.memory_space<vmem>>, vector<16xf32>,
        %mul3A_906 = arith.mulf %get3A_905, %gather3A_838 : vector<16xf32>
        %swap3A_907 = arith.index_cast %rem3A_404 : i32 to index
        %swap3A_908 = arith.index_cast %add3A_833 : i32 to index
        %swap3A_909 = arith.constant 112 : index
        %swap3A_910 = tpu.vector_load %arg16[%swap3A_907, %swap3A_908, %swap3A_909] {strides = array<i32>} : memref<4x80x128xf32, #tpu.memory_space<vmem>>, vector<16xf32>,
        tpu.vector_store %arg16[%swap3A_907, %swap3A_908, %swap3A_909], %mul3A_906 {strides = array<i32>} : memref<4x80x128xf32, #tpu.memory_space<vmem>>, vector<16xf32>,
        %mul3A_911 = arith.constant 8 : i32
        %mul3A_912 = arith.muli %scan3A_588, %mul3A_911 : i32
        %add3A_913 = arith.constant 4 : i32
        %add3A_914 = arith.addi %mul3A_912, %add3A_913 : i32
        %broadcast_in_dim3A_915 = vector.broadcast %add3A_914 : i32 to vector<16xi32>
        %gather3A_916 = arith.constant 0 : i32
        %gather3A_917 = tpu.memref_slice %arg15[%rem3A_406, %gather3A_916] : memref<2x80xf32, #tpu.memory_space<vmem>> -> memref<1x80xf32, #tpu.memory_space<vmem>>
        %gather3A_918 = tpu.memref_squeeze %gather3A_917 : memref<1x80xf32, #tpu.memory_space<vmem>> -> memref<80xf32, #tpu.memory_space<vmem>>
        %gather3A_919 = tpu.vector_load_idx %gather3A_918[%broadcast_in_dim3A_915] : memref<80xf32, #tpu.memory_space<vmem>>[vector<16xi32>], vector<16xf32>,
        %get3A_920 = arith.index_cast %rem3A_404 : i32 to index
        %get3A_921 = arith.index_cast %add3A_914 : i32 to index
        %get3A_922 = arith.constant 0 : index
        %get3A_923 = tpu.vector_load %arg16[%get3A_920, %get3A_921, %get3A_922] {strides = array<i32>} : memref<4x80x128xf32, #tpu.memory_space<vmem>>, vector<16xf32>,
        %mul3A_924 = arith.mulf %get3A_923, %gather3A_919 : vector<16xf32>
        %swap3A_925 = arith.index_cast %rem3A_404 : i32 to index
        %swap3A_926 = arith.index_cast %add3A_914 : i32 to index
        %swap3A_927 = arith.constant 0 : index
        %swap3A_928 = tpu.vector_load %arg16[%swap3A_925, %swap3A_926, %swap3A_927] {strides = array<i32>} : memref<4x80x128xf32, #tpu.memory_space<vmem>>, vector<16xf32>,
        tpu.vector_store %arg16[%swap3A_925, %swap3A_926, %swap3A_927], %mul3A_924 {strides = array<i32>} : memref<4x80x128xf32, #tpu.memory_space<vmem>>, vector<16xf32>,
        %get3A_929 = arith.index_cast %rem3A_404 : i32 to index
        %get3A_930 = arith.index_cast %add3A_914 : i32 to index
        %get3A_931 = arith.constant 16 : index
        %get3A_932 = tpu.vector_load %arg16[%get3A_929, %get3A_930, %get3A_931] {strides = array<i32>} : memref<4x80x128xf32, #tpu.memory_space<vmem>>, vector<16xf32>,
        %mul3A_933 = arith.mulf %get3A_932, %gather3A_919 : vector<16xf32>
        %swap3A_934 = arith.index_cast %rem3A_404 : i32 to index
        %swap3A_935 = arith.index_cast %add3A_914 : i32 to index
        %swap3A_936 = arith.constant 16 : index
        %swap3A_937 = tpu.vector_load %arg16[%swap3A_934, %swap3A_935, %swap3A_936] {strides = array<i32>} : memref<4x80x128xf32, #tpu.memory_space<vmem>>, vector<16xf32>,
        tpu.vector_store %arg16[%swap3A_934, %swap3A_935, %swap3A_936], %mul3A_933 {strides = array<i32>} : memref<4x80x128xf32, #tpu.memory_space<vmem>>, vector<16xf32>,
        %get3A_938 = arith.index_cast %rem3A_404 : i32 to index
        %get3A_939 = arith.index_cast %add3A_914 : i32 to index
        %get3A_940 = arith.constant 32 : index
        %get3A_941 = tpu.vector_load %arg16[%get3A_938, %get3A_939, %get3A_940] {strides = array<i32>} : memref<4x80x128xf32, #tpu.memory_space<vmem>>, vector<16xf32>,
        %mul3A_942 = arith.mulf %get3A_941, %gather3A_919 : vector<16xf32>
        %swap3A_943 = arith.index_cast %rem3A_404 : i32 to index
        %swap3A_944 = arith.index_cast %add3A_914 : i32 to index
        %swap3A_945 = arith.constant 32 : index
        %swap3A_946 = tpu.vector_load %arg16[%swap3A_943, %swap3A_944, %swap3A_945] {strides = array<i32>} : memref<4x80x128xf32, #tpu.memory_space<vmem>>, vector<16xf32>,
        tpu.vector_store %arg16[%swap3A_943, %swap3A_944, %swap3A_945], %mul3A_942 {strides = array<i32>} : memref<4x80x128xf32, #tpu.memory_space<vmem>>, vector<16xf32>,
        %get3A_947 = arith.index_cast %rem3A_404 : i32 to index
        %get3A_948 = arith.index_cast %add3A_914 : i32 to index
        %get3A_949 = arith.constant 48 : index
        %get3A_950 = tpu.vector_load %arg16[%get3A_947, %get3A_948, %get3A_949] {strides = array<i32>} : memref<4x80x128xf32, #tpu.memory_space<vmem>>, vector<16xf32>,
        %mul3A_951 = arith.mulf %get3A_950, %gather3A_919 : vector<16xf32>
        %swap3A_952 = arith.index_cast %rem3A_404 : i32 to index
        %swap3A_953 = arith.index_cast %add3A_914 : i32 to index
        %swap3A_954 = arith.constant 48 : index
        %swap3A_955 = tpu.vector_load %arg16[%swap3A_952, %swap3A_953, %swap3A_954] {strides = array<i32>} : memref<4x80x128xf32, #tpu.memory_space<vmem>>, vector<16xf32>,
        tpu.vector_store %arg16[%swap3A_952, %swap3A_953, %swap3A_954], %mul3A_951 {strides = array<i32>} : memref<4x80x128xf32, #tpu.memory_space<vmem>>, vector<16xf32>,
        %get3A_956 = arith.index_cast %rem3A_404 : i32 to index
        %get3A_957 = arith.index_cast %add3A_914 : i32 to index
        %get3A_958 = arith.constant 64 : index
        %get3A_959 = tpu.vector_load %arg16[%get3A_956, %get3A_957, %get3A_958] {strides = array<i32>} : memref<4x80x128xf32, #tpu.memory_space<vmem>>, vector<16xf32>,
        %mul3A_960 = arith.mulf %get3A_959, %gather3A_919 : vector<16xf32>
        %swap3A_961 = arith.index_cast %rem3A_404 : i32 to index
        %swap3A_962 = arith.index_cast %add3A_914 : i32 to index
        %swap3A_963 = arith.constant 64 : index
        %swap3A_964 = tpu.vector_load %arg16[%swap3A_961, %swap3A_962, %swap3A_963] {strides = array<i32>} : memref<4x80x128xf32, #tpu.memory_space<vmem>>, vector<16xf32>,
        tpu.vector_store %arg16[%swap3A_961, %swap3A_962, %swap3A_963], %mul3A_960 {strides = array<i32>} : memref<4x80x128xf32, #tpu.memory_space<vmem>>, vector<16xf32>,
        %get3A_965 = arith.index_cast %rem3A_404 : i32 to index
        %get3A_966 = arith.index_cast %add3A_914 : i32 to index
        %get3A_967 = arith.constant 80 : index
        %get3A_968 = tpu.vector_load %arg16[%get3A_965, %get3A_966, %get3A_967] {strides = array<i32>} : memref<4x80x128xf32, #tpu.memory_space<vmem>>, vector<16xf32>,
        %mul3A_969 = arith.mulf %get3A_968, %gather3A_919 : vector<16xf32>
        %swap3A_970 = arith.index_cast %rem3A_404 : i32 to index
        %swap3A_971 = arith.index_cast %add3A_914 : i32 to index
        %swap3A_972 = arith.constant 80 : index
        %swap3A_973 = tpu.vector_load %arg16[%swap3A_970, %swap3A_971, %swap3A_972] {strides = array<i32>} : memref<4x80x128xf32, #tpu.memory_space<vmem>>, vector<16xf32>,
        tpu.vector_store %arg16[%swap3A_970, %swap3A_971, %swap3A_972], %mul3A_969 {strides = array<i32>} : memref<4x80x128xf32, #tpu.memory_space<vmem>>, vector<16xf32>,
        %get3A_974 = arith.index_cast %rem3A_404 : i32 to index
        %get3A_975 = arith.index_cast %add3A_914 : i32 to index
        %get3A_976 = arith.constant 96 : index
        %get3A_977 = tpu.vector_load %arg16[%get3A_974, %get3A_975, %get3A_976] {strides = array<i32>} : memref<4x80x128xf32, #tpu.memory_space<vmem>>, vector<16xf32>,
        %mul3A_978 = arith.mulf %get3A_977, %gather3A_919 : vector<16xf32>
        %swap3A_979 = arith.index_cast %rem3A_404 : i32 to index
        %swap3A_980 = arith.index_cast %add3A_914 : i32 to index
        %swap3A_981 = arith.constant 96 : index
        %swap3A_982 = tpu.vector_load %arg16[%swap3A_979, %swap3A_980, %swap3A_981] {strides = array<i32>} : memref<4x80x128xf32, #tpu.memory_space<vmem>>, vector<16xf32>,
        tpu.vector_store %arg16[%swap3A_979, %swap3A_980, %swap3A_981], %mul3A_978 {strides = array<i32>} : memref<4x80x128xf32, #tpu.memory_space<vmem>>, vector<16xf32>,
        %get3A_983 = arith.index_cast %rem3A_404 : i32 to index
        %get3A_984 = arith.index_cast %add3A_914 : i32 to index
        %get3A_985 = arith.constant 112 : index
        %get3A_986 = tpu.vector_load %arg16[%get3A_983, %get3A_984, %get3A_985] {strides = array<i32>} : memref<4x80x128xf32, #tpu.memory_space<vmem>>, vector<16xf32>,
        %mul3A_987 = arith.mulf %get3A_986, %gather3A_919 : vector<16xf32>
        %swap3A_988 = arith.index_cast %rem3A_404 : i32 to index
        %swap3A_989 = arith.index_cast %add3A_914 : i32 to index
        %swap3A_990 = arith.constant 112 : index
        %swap3A_991 = tpu.vector_load %arg16[%swap3A_988, %swap3A_989, %swap3A_990] {strides = array<i32>} : memref<4x80x128xf32, #tpu.memory_space<vmem>>, vector<16xf32>,
        tpu.vector_store %arg16[%swap3A_988, %swap3A_989, %swap3A_990], %mul3A_987 {strides = array<i32>} : memref<4x80x128xf32, #tpu.memory_space<vmem>>, vector<16xf32>,
        %mul3A_992 = arith.constant 8 : i32
        %mul3A_993 = arith.muli %scan3A_588, %mul3A_992 : i32
        %add3A_994 = arith.constant 5 : i32
        %add3A_995 = arith.addi %mul3A_993, %add3A_994 : i32
        %broadcast_in_dim3A_996 = vector.broadcast %add3A_995 : i32 to vector<16xi32>
        %gather3A_997 = arith.constant 0 : i32
        %gather3A_998 = tpu.memref_slice %arg15[%rem3A_406, %gather3A_997] : memref<2x80xf32, #tpu.memory_space<vmem>> -> memref<1x80xf32, #tpu.memory_space<vmem>>
        %gather3A_999 = tpu.memref_squeeze %gather3A_998 : memref<1x80xf32, #tpu.memory_space<vmem>> -> memref<80xf32, #tpu.memory_space<vmem>>
        %gather3A_1000 = tpu.vector_load_idx %gather3A_999[%broadcast_in_dim3A_996] : memref<80xf32, #tpu.memory_space<vmem>>[vector<16xi32>], vector<16xf32>,
        %get3A_1001 = arith.index_cast %rem3A_404 : i32 to index
        %get3A_1002 = arith.index_cast %add3A_995 : i32 to index
        %get3A_1003 = arith.constant 0 : index
        %get3A_1004 = tpu.vector_load %arg16[%get3A_1001, %get3A_1002, %get3A_1003] {strides = array<i32>} : memref<4x80x128xf32, #tpu.memory_space<vmem>>, vector<16xf32>,
        %mul3A_1005 = arith.mulf %get3A_1004, %gather3A_1000 : vector<16xf32>
        %swap3A_1006 = arith.index_cast %rem3A_404 : i32 to index
        %swap3A_1007 = arith.index_cast %add3A_995 : i32 to index
        %swap3A_1008 = arith.constant 0 : index
        %swap3A_1009 = tpu.vector_load %arg16[%swap3A_1006, %swap3A_1007, %swap3A_1008] {strides = array<i32>} : memref<4x80x128xf32, #tpu.memory_space<vmem>>, vector<16xf32>,
        tpu.vector_store %arg16[%swap3A_1006, %swap3A_1007, %swap3A_1008], %mul3A_1005 {strides = array<i32>} : memref<4x80x128xf32, #tpu.memory_space<vmem>>, vector<16xf32>,
        %get3A_1010 = arith.index_cast %rem3A_404 : i32 to index
        %get3A_1011 = arith.index_cast %add3A_995 : i32 to index
        %get3A_1012 = arith.constant 16 : index
        %get3A_1013 = tpu.vector_load %arg16[%get3A_1010, %get3A_1011, %get3A_1012] {strides = array<i32>} : memref<4x80x128xf32, #tpu.memory_space<vmem>>, vector<16xf32>,
        %mul3A_1014 = arith.mulf %get3A_1013, %gather3A_1000 : vector<16xf32>
        %swap3A_1015 = arith.index_cast %rem3A_404 : i32 to index
        %swap3A_1016 = arith.index_cast %add3A_995 : i32 to index
        %swap3A_1017 = arith.constant 16 : index
        %swap3A_1018 = tpu.vector_load %arg16[%swap3A_1015, %swap3A_1016, %swap3A_1017] {strides = array<i32>} : memref<4x80x128xf32, #tpu.memory_space<vmem>>, vector<16xf32>,
        tpu.vector_store %arg16[%swap3A_1015, %swap3A_1016, %swap3A_1017], %mul3A_1014 {strides = array<i32>} : memref<4x80x128xf32, #tpu.memory_space<vmem>>, vector<16xf32>,
        %get3A_1019 = arith.index_cast %rem3A_404 : i32 to index
        %get3A_1020 = arith.index_cast %add3A_995 : i32 to index
        %get3A_1021 = arith.constant 32 : index
        %get3A_1022 = tpu.vector_load %arg16[%get3A_1019, %get3A_1020, %get3A_1021] {strides = array<i32>} : memref<4x80x128xf32, #tpu.memory_space<vmem>>, vector<16xf32>,
        %mul3A_1023 = arith.mulf %get3A_1022, %gather3A_1000 : vector<16xf32>
        %swap3A_1024 = arith.index_cast %rem3A_404 : i32 to index
        %swap3A_1025 = arith.index_cast %add3A_995 : i32 to index
        %swap3A_1026 = arith.constant 32 : index
        %swap3A_1027 = tpu.vector_load %arg16[%swap3A_1024, %swap3A_1025, %swap3A_1026] {strides = array<i32>} : memref<4x80x128xf32, #tpu.memory_space<vmem>>, vector<16xf32>,
        tpu.vector_store %arg16[%swap3A_1024, %swap3A_1025, %swap3A_1026], %mul3A_1023 {strides = array<i32>} : memref<4x80x128xf32, #tpu.memory_space<vmem>>, vector<16xf32>,
        %get3A_1028 = arith.index_cast %rem3A_404 : i32 to index
        %get3A_1029 = arith.index_cast %add3A_995 : i32 to index
        %get3A_1030 = arith.constant 48 : index
        %get3A_1031 = tpu.vector_load %arg16[%get3A_1028, %get3A_1029, %get3A_1030] {strides = array<i32>} : memref<4x80x128xf32, #tpu.memory_space<vmem>>, vector<16xf32>,
        %mul3A_1032 = arith.mulf %get3A_1031, %gather3A_1000 : vector<16xf32>
        %swap3A_1033 = arith.index_cast %rem3A_404 : i32 to index
        %swap3A_1034 = arith.index_cast %add3A_995 : i32 to index
        %swap3A_1035 = arith.constant 48 : index
        %swap3A_1036 = tpu.vector_load %arg16[%swap3A_1033, %swap3A_1034, %swap3A_1035] {strides = array<i32>} : memref<4x80x128xf32, #tpu.memory_space<vmem>>, vector<16xf32>,
        tpu.vector_store %arg16[%swap3A_1033, %swap3A_1034, %swap3A_1035], %mul3A_1032 {strides = array<i32>} : memref<4x80x128xf32, #tpu.memory_space<vmem>>, vector<16xf32>,
        %get3A_1037 = arith.index_cast %rem3A_404 : i32 to index
        %get3A_1038 = arith.index_cast %add3A_995 : i32 to index
        %get3A_1039 = arith.constant 64 : index
        %get3A_1040 = tpu.vector_load %arg16[%get3A_1037, %get3A_1038, %get3A_1039] {strides = array<i32>} : memref<4x80x128xf32, #tpu.memory_space<vmem>>, vector<16xf32>,
        %mul3A_1041 = arith.mulf %get3A_1040, %gather3A_1000 : vector<16xf32>
        %swap3A_1042 = arith.index_cast %rem3A_404 : i32 to index
        %swap3A_1043 = arith.index_cast %add3A_995 : i32 to index
        %swap3A_1044 = arith.constant 64 : index
        %swap3A_1045 = tpu.vector_load %arg16[%swap3A_1042, %swap3A_1043, %swap3A_1044] {strides = array<i32>} : memref<4x80x128xf32, #tpu.memory_space<vmem>>, vector<16xf32>,
        tpu.vector_store %arg16[%swap3A_1042, %swap3A_1043, %swap3A_1044], %mul3A_1041 {strides = array<i32>} : memref<4x80x128xf32, #tpu.memory_space<vmem>>, vector<16xf32>,
        %get3A_1046 = arith.index_cast %rem3A_404 : i32 to index
        %get3A_1047 = arith.index_cast %add3A_995 : i32 to index
        %get3A_1048 = arith.constant 80 : index
        %get3A_1049 = tpu.vector_load %arg16[%get3A_1046, %get3A_1047, %get3A_1048] {strides = array<i32>} : memref<4x80x128xf32, #tpu.memory_space<vmem>>, vector<16xf32>,
        %mul3A_1050 = arith.mulf %get3A_1049, %gather3A_1000 : vector<16xf32>
        %swap3A_1051 = arith.index_cast %rem3A_404 : i32 to index
        %swap3A_1052 = arith.index_cast %add3A_995 : i32 to index
        %swap3A_1053 = arith.constant 80 : index
        %swap3A_1054 = tpu.vector_load %arg16[%swap3A_1051, %swap3A_1052, %swap3A_1053] {strides = array<i32>} : memref<4x80x128xf32, #tpu.memory_space<vmem>>, vector<16xf32>,
        tpu.vector_store %arg16[%swap3A_1051, %swap3A_1052, %swap3A_1053], %mul3A_1050 {strides = array<i32>} : memref<4x80x128xf32, #tpu.memory_space<vmem>>, vector<16xf32>,
        %get3A_1055 = arith.index_cast %rem3A_404 : i32 to index
        %get3A_1056 = arith.index_cast %add3A_995 : i32 to index
        %get3A_1057 = arith.constant 96 : index
        %get3A_1058 = tpu.vector_load %arg16[%get3A_1055, %get3A_1056, %get3A_1057] {strides = array<i32>} : memref<4x80x128xf32, #tpu.memory_space<vmem>>, vector<16xf32>,
        %mul3A_1059 = arith.mulf %get3A_1058, %gather3A_1000 : vector<16xf32>
        %swap3A_1060 = arith.index_cast %rem3A_404 : i32 to index
        %swap3A_1061 = arith.index_cast %add3A_995 : i32 to index
        %swap3A_1062 = arith.constant 96 : index
        %swap3A_1063 = tpu.vector_load %arg16[%swap3A_1060, %swap3A_1061, %swap3A_1062] {strides = array<i32>} : memref<4x80x128xf32, #tpu.memory_space<vmem>>, vector<16xf32>,
        tpu.vector_store %arg16[%swap3A_1060, %swap3A_1061, %swap3A_1062], %mul3A_1059 {strides = array<i32>} : memref<4x80x128xf32, #tpu.memory_space<vmem>>, vector<16xf32>,
        %get3A_1064 = arith.index_cast %rem3A_404 : i32 to index
        %get3A_1065 = arith.index_cast %add3A_995 : i32 to index
        %get3A_1066 = arith.constant 112 : index
        %get3A_1067 = tpu.vector_load %arg16[%get3A_1064, %get3A_1065, %get3A_1066] {strides = array<i32>} : memref<4x80x128xf32, #tpu.memory_space<vmem>>, vector<16xf32>,
        %mul3A_1068 = arith.mulf %get3A_1067, %gather3A_1000 : vector<16xf32>
        %swap3A_1069 = arith.index_cast %rem3A_404 : i32 to index
        %swap3A_1070 = arith.index_cast %add3A_995 : i32 to index
        %swap3A_1071 = arith.constant 112 : index
        %swap3A_1072 = tpu.vector_load %arg16[%swap3A_1069, %swap3A_1070, %swap3A_1071] {strides = array<i32>} : memref<4x80x128xf32, #tpu.memory_space<vmem>>, vector<16xf32>,
        tpu.vector_store %arg16[%swap3A_1069, %swap3A_1070, %swap3A_1071], %mul3A_1068 {strides = array<i32>} : memref<4x80x128xf32, #tpu.memory_space<vmem>>, vector<16xf32>,
        %mul3A_1073 = arith.constant 8 : i32
        %mul3A_1074 = arith.muli %scan3A_588, %mul3A_1073 : i32
        %add3A_1075 = arith.constant 6 : i32
        %add3A_1076 = arith.addi %mul3A_1074, %add3A_1075 : i32
        %broadcast_in_dim3A_1077 = vector.broadcast %add3A_1076 : i32 to vector<16xi32>
        %gather3A_1078 = arith.constant 0 : i32
        %gather3A_1079 = tpu.memref_slice %arg15[%rem3A_406, %gather3A_1078] : memref<2x80xf32, #tpu.memory_space<vmem>> -> memref<1x80xf32, #tpu.memory_space<vmem>>
        %gather3A_1080 = tpu.memref_squeeze %gather3A_1079 : memref<1x80xf32, #tpu.memory_space<vmem>> -> memref<80xf32, #tpu.memory_space<vmem>>
        %gather3A_1081 = tpu.vector_load_idx %gather3A_1080[%broadcast_in_dim3A_1077] : memref<80xf32, #tpu.memory_space<vmem>>[vector<16xi32>], vector<16xf32>,
        %get3A_1082 = arith.index_cast %rem3A_404 : i32 to index
        %get3A_1083 = arith.index_cast %add3A_1076 : i32 to index
        %get3A_1084 = arith.constant 0 : index
        %get3A_1085 = tpu.vector_load %arg16[%get3A_1082, %get3A_1083, %get3A_1084] {strides = array<i32>} : memref<4x80x128xf32, #tpu.memory_space<vmem>>, vector<16xf32>,
        %mul3A_1086 = arith.mulf %get3A_1085, %gather3A_1081 : vector<16xf32>
        %swap3A_1087 = arith.index_cast %rem3A_404 : i32 to index
        %swap3A_1088 = arith.index_cast %add3A_1076 : i32 to index
        %swap3A_1089 = arith.constant 0 : index
        %swap3A_1090 = tpu.vector_load %arg16[%swap3A_1087, %swap3A_1088, %swap3A_1089] {strides = array<i32>} : memref<4x80x128xf32, #tpu.memory_space<vmem>>, vector<16xf32>,
        tpu.vector_store %arg16[%swap3A_1087, %swap3A_1088, %swap3A_1089], %mul3A_1086 {strides = array<i32>} : memref<4x80x128xf32, #tpu.memory_space<vmem>>, vector<16xf32>,
        %get3A_1091 = arith.index_cast %rem3A_404 : i32 to index
        %get3A_1092 = arith.index_cast %add3A_1076 : i32 to index
        %get3A_1093 = arith.constant 16 : index
        %get3A_1094 = tpu.vector_load %arg16[%get3A_1091, %get3A_1092, %get3A_1093] {strides = array<i32>} : memref<4x80x128xf32, #tpu.memory_space<vmem>>, vector<16xf32>,
        %mul3A_1095 = arith.mulf %get3A_1094, %gather3A_1081 : vector<16xf32>
        %swap3A_1096 = arith.index_cast %rem3A_404 : i32 to index
        %swap3A_1097 = arith.index_cast %add3A_1076 : i32 to index
        %swap3A_1098 = arith.constant 16 : index
        %swap3A_1099 = tpu.vector_load %arg16[%swap3A_1096, %swap3A_1097, %swap3A_1098] {strides = array<i32>} : memref<4x80x128xf32, #tpu.memory_space<vmem>>, vector<16xf32>,
        tpu.vector_store %arg16[%swap3A_1096, %swap3A_1097, %swap3A_1098], %mul3A_1095 {strides = array<i32>} : memref<4x80x128xf32, #tpu.memory_space<vmem>>, vector<16xf32>,
        %get3A_1100 = arith.index_cast %rem3A_404 : i32 to index
        %get3A_1101 = arith.index_cast %add3A_1076 : i32 to index
        %get3A_1102 = arith.constant 32 : index
        %get3A_1103 = tpu.vector_load %arg16[%get3A_1100, %get3A_1101, %get3A_1102] {strides = array<i32>} : memref<4x80x128xf32, #tpu.memory_space<vmem>>, vector<16xf32>,
        %mul3A_1104 = arith.mulf %get3A_1103, %gather3A_1081 : vector<16xf32>
        %swap3A_1105 = arith.index_cast %rem3A_404 : i32 to index
        %swap3A_1106 = arith.index_cast %add3A_1076 : i32 to index
        %swap3A_1107 = arith.constant 32 : index
        %swap3A_1108 = tpu.vector_load %arg16[%swap3A_1105, %swap3A_1106, %swap3A_1107] {strides = array<i32>} : memref<4x80x128xf32, #tpu.memory_space<vmem>>, vector<16xf32>,
        tpu.vector_store %arg16[%swap3A_1105, %swap3A_1106, %swap3A_1107], %mul3A_1104 {strides = array<i32>} : memref<4x80x128xf32, #tpu.memory_space<vmem>>, vector<16xf32>,
        %get3A_1109 = arith.index_cast %rem3A_404 : i32 to index
        %get3A_1110 = arith.index_cast %add3A_1076 : i32 to index
        %get3A_1111 = arith.constant 48 : index
        %get3A_1112 = tpu.vector_load %arg16[%get3A_1109, %get3A_1110, %get3A_1111] {strides = array<i32>} : memref<4x80x128xf32, #tpu.memory_space<vmem>>, vector<16xf32>,
        %mul3A_1113 = arith.mulf %get3A_1112, %gather3A_1081 : vector<16xf32>
        %swap3A_1114 = arith.index_cast %rem3A_404 : i32 to index
        %swap3A_1115 = arith.index_cast %add3A_1076 : i32 to index
        %swap3A_1116 = arith.constant 48 : index
        %swap3A_1117 = tpu.vector_load %arg16[%swap3A_1114, %swap3A_1115, %swap3A_1116] {strides = array<i32>} : memref<4x80x128xf32, #tpu.memory_space<vmem>>, vector<16xf32>,
        tpu.vector_store %arg16[%swap3A_1114, %swap3A_1115, %swap3A_1116], %mul3A_1113 {strides = array<i32>} : memref<4x80x128xf32, #tpu.memory_space<vmem>>, vector<16xf32>,
        %get3A_1118 = arith.index_cast %rem3A_404 : i32 to index
        %get3A_1119 = arith.index_cast %add3A_1076 : i32 to index
        %get3A_1120 = arith.constant 64 : index
        %get3A_1121 = tpu.vector_load %arg16[%get3A_1118, %get3A_1119, %get3A_1120] {strides = array<i32>} : memref<4x80x128xf32, #tpu.memory_space<vmem>>, vector<16xf32>,
        %mul3A_1122 = arith.mulf %get3A_1121, %gather3A_1081 : vector<16xf32>
        %swap3A_1123 = arith.index_cast %rem3A_404 : i32 to index
        %swap3A_1124 = arith.index_cast %add3A_1076 : i32 to index
        %swap3A_1125 = arith.constant 64 : index
        %swap3A_1126 = tpu.vector_load %arg16[%swap3A_1123, %swap3A_1124, %swap3A_1125] {strides = array<i32>} : memref<4x80x128xf32, #tpu.memory_space<vmem>>, vector<16xf32>,
        tpu.vector_store %arg16[%swap3A_1123, %swap3A_1124, %swap3A_1125], %mul3A_1122 {strides = array<i32>} : memref<4x80x128xf32, #tpu.memory_space<vmem>>, vector<16xf32>,
        %get3A_1127 = arith.index_cast %rem3A_404 : i32 to index
        %get3A_1128 = arith.index_cast %add3A_1076 : i32 to index
        %get3A_1129 = arith.constant 80 : index
        %get3A_1130 = tpu.vector_load %arg16[%get3A_1127, %get3A_1128, %get3A_1129] {strides = array<i32>} : memref<4x80x128xf32, #tpu.memory_space<vmem>>, vector<16xf32>,
        %mul3A_1131 = arith.mulf %get3A_1130, %gather3A_1081 : vector<16xf32>
        %swap3A_1132 = arith.index_cast %rem3A_404 : i32 to index
        %swap3A_1133 = arith.index_cast %add3A_1076 : i32 to index
        %swap3A_1134 = arith.constant 80 : index
        %swap3A_1135 = tpu.vector_load %arg16[%swap3A_1132, %swap3A_1133, %swap3A_1134] {strides = array<i32>} : memref<4x80x128xf32, #tpu.memory_space<vmem>>, vector<16xf32>,
        tpu.vector_store %arg16[%swap3A_1132, %swap3A_1133, %swap3A_1134], %mul3A_1131 {strides = array<i32>} : memref<4x80x128xf32, #tpu.memory_space<vmem>>, vector<16xf32>,
        %get3A_1136 = arith.index_cast %rem3A_404 : i32 to index
        %get3A_1137 = arith.index_cast %add3A_1076 : i32 to index
        %get3A_1138 = arith.constant 96 : index
        %get3A_1139 = tpu.vector_load %arg16[%get3A_1136, %get3A_1137, %get3A_1138] {strides = array<i32>} : memref<4x80x128xf32, #tpu.memory_space<vmem>>, vector<16xf32>,
        %mul3A_1140 = arith.mulf %get3A_1139, %gather3A_1081 : vector<16xf32>
        %swap3A_1141 = arith.index_cast %rem3A_404 : i32 to index
        %swap3A_1142 = arith.index_cast %add3A_1076 : i32 to index
        %swap3A_1143 = arith.constant 96 : index
        %swap3A_1144 = tpu.vector_load %arg16[%swap3A_1141, %swap3A_1142, %swap3A_1143] {strides = array<i32>} : memref<4x80x128xf32, #tpu.memory_space<vmem>>, vector<16xf32>,
        tpu.vector_store %arg16[%swap3A_1141, %swap3A_1142, %swap3A_1143], %mul3A_1140 {strides = array<i32>} : memref<4x80x128xf32, #tpu.memory_space<vmem>>, vector<16xf32>,
        %get3A_1145 = arith.index_cast %rem3A_404 : i32 to index
        %get3A_1146 = arith.index_cast %add3A_1076 : i32 to index
        %get3A_1147 = arith.constant 112 : index
        %get3A_1148 = tpu.vector_load %arg16[%get3A_1145, %get3A_1146, %get3A_1147] {strides = array<i32>} : memref<4x80x128xf32, #tpu.memory_space<vmem>>, vector<16xf32>,
        %mul3A_1149 = arith.mulf %get3A_1148, %gather3A_1081 : vector<16xf32>
        %swap3A_1150 = arith.index_cast %rem3A_404 : i32 to index
        %swap3A_1151 = arith.index_cast %add3A_1076 : i32 to index
        %swap3A_1152 = arith.constant 112 : index
        %swap3A_1153 = tpu.vector_load %arg16[%swap3A_1150, %swap3A_1151, %swap3A_1152] {strides = array<i32>} : memref<4x80x128xf32, #tpu.memory_space<vmem>>, vector<16xf32>,
        tpu.vector_store %arg16[%swap3A_1150, %swap3A_1151, %swap3A_1152], %mul3A_1149 {strides = array<i32>} : memref<4x80x128xf32, #tpu.memory_space<vmem>>, vector<16xf32>,
        %mul3A_1154 = arith.constant 8 : i32
        %mul3A_1155 = arith.muli %scan3A_588, %mul3A_1154 : i32
        %add3A_1156 = arith.constant 7 : i32
        %add3A_1157 = arith.addi %mul3A_1155, %add3A_1156 : i32
        %broadcast_in_dim3A_1158 = vector.broadcast %add3A_1157 : i32 to vector<16xi32>
        %gather3A_1159 = arith.constant 0 : i32
        %gather3A_1160 = tpu.memref_slice %arg15[%rem3A_406, %gather3A_1159] : memref<2x80xf32, #tpu.memory_space<vmem>> -> memref<1x80xf32, #tpu.memory_space<vmem>>
        %gather3A_1161 = tpu.memref_squeeze %gather3A_1160 : memref<1x80xf32, #tpu.memory_space<vmem>> -> memref<80xf32, #tpu.memory_space<vmem>>
        %gather3A_1162 = tpu.vector_load_idx %gather3A_1161[%broadcast_in_dim3A_1158] : memref<80xf32, #tpu.memory_space<vmem>>[vector<16xi32>], vector<16xf32>,
        %get3A_1163 = arith.index_cast %rem3A_404 : i32 to index
        %get3A_1164 = arith.index_cast %add3A_1157 : i32 to index
        %get3A_1165 = arith.constant 0 : index
        %get3A_1166 = tpu.vector_load %arg16[%get3A_1163, %get3A_1164, %get3A_1165] {strides = array<i32>} : memref<4x80x128xf32, #tpu.memory_space<vmem>>, vector<16xf32>,
        %mul3A_1167 = arith.mulf %get3A_1166, %gather3A_1162 : vector<16xf32>
        %swap3A_1168 = arith.index_cast %rem3A_404 : i32 to index
        %swap3A_1169 = arith.index_cast %add3A_1157 : i32 to index
        %swap3A_1170 = arith.constant 0 : index
        %swap3A_1171 = tpu.vector_load %arg16[%swap3A_1168, %swap3A_1169, %swap3A_1170] {strides = array<i32>} : memref<4x80x128xf32, #tpu.memory_space<vmem>>, vector<16xf32>,
        tpu.vector_store %arg16[%swap3A_1168, %swap3A_1169, %swap3A_1170], %mul3A_1167 {strides = array<i32>} : memref<4x80x128xf32, #tpu.memory_space<vmem>>, vector<16xf32>,
        %get3A_1172 = arith.index_cast %rem3A_404 : i32 to index
        %get3A_1173 = arith.index_cast %add3A_1157 : i32 to index
        %get3A_1174 = arith.constant 16 : index
        %get3A_1175 = tpu.vector_load %arg16[%get3A_1172, %get3A_1173, %get3A_1174] {strides = array<i32>} : memref<4x80x128xf32, #tpu.memory_space<vmem>>, vector<16xf32>,
        %mul3A_1176 = arith.mulf %get3A_1175, %gather3A_1162 : vector<16xf32>
        %swap3A_1177 = arith.index_cast %rem3A_404 : i32 to index
        %swap3A_1178 = arith.index_cast %add3A_1157 : i32 to index
        %swap3A_1179 = arith.constant 16 : index
        %swap3A_1180 = tpu.vector_load %arg16[%swap3A_1177, %swap3A_1178, %swap3A_1179] {strides = array<i32>} : memref<4x80x128xf32, #tpu.memory_space<vmem>>, vector<16xf32>,
        tpu.vector_store %arg16[%swap3A_1177, %swap3A_1178, %swap3A_1179], %mul3A_1176 {strides = array<i32>} : memref<4x80x128xf32, #tpu.memory_space<vmem>>, vector<16xf32>,
        %get3A_1181 = arith.index_cast %rem3A_404 : i32 to index
        %get3A_1182 = arith.index_cast %add3A_1157 : i32 to index
        %get3A_1183 = arith.constant 32 : index
        %get3A_1184 = tpu.vector_load %arg16[%get3A_1181, %get3A_1182, %get3A_1183] {strides = array<i32>} : memref<4x80x128xf32, #tpu.memory_space<vmem>>, vector<16xf32>,
        %mul3A_1185 = arith.mulf %get3A_1184, %gather3A_1162 : vector<16xf32>
        %swap3A_1186 = arith.index_cast %rem3A_404 : i32 to index
        %swap3A_1187 = arith.index_cast %add3A_1157 : i32 to index
        %swap3A_1188 = arith.constant 32 : index
        %swap3A_1189 = tpu.vector_load %arg16[%swap3A_1186, %swap3A_1187, %swap3A_1188] {strides = array<i32>} : memref<4x80x128xf32, #tpu.memory_space<vmem>>, vector<16xf32>,
        tpu.vector_store %arg16[%swap3A_1186, %swap3A_1187, %swap3A_1188], %mul3A_1185 {strides = array<i32>} : memref<4x80x128xf32, #tpu.memory_space<vmem>>, vector<16xf32>,
        %get3A_1190 = arith.index_cast %rem3A_404 : i32 to index
        %get3A_1191 = arith.index_cast %add3A_1157 : i32 to index
        %get3A_1192 = arith.constant 48 : index
        %get3A_1193 = tpu.vector_load %arg16[%get3A_1190, %get3A_1191, %get3A_1192] {strides = array<i32>} : memref<4x80x128xf32, #tpu.memory_space<vmem>>, vector<16xf32>,
        %mul3A_1194 = arith.mulf %get3A_1193, %gather3A_1162 : vector<16xf32>
        %swap3A_1195 = arith.index_cast %rem3A_404 : i32 to index
        %swap3A_1196 = arith.index_cast %add3A_1157 : i32 to index
        %swap3A_1197 = arith.constant 48 : index
        %swap3A_1198 = tpu.vector_load %arg16[%swap3A_1195, %swap3A_1196, %swap3A_1197] {strides = array<i32>} : memref<4x80x128xf32, #tpu.memory_space<vmem>>, vector<16xf32>,
        tpu.vector_store %arg16[%swap3A_1195, %swap3A_1196, %swap3A_1197], %mul3A_1194 {strides = array<i32>} : memref<4x80x128xf32, #tpu.memory_space<vmem>>, vector<16xf32>,
        %get3A_1199 = arith.index_cast %rem3A_404 : i32 to index
        %get3A_1200 = arith.index_cast %add3A_1157 : i32 to index
        %get3A_1201 = arith.constant 64 : index
        %get3A_1202 = tpu.vector_load %arg16[%get3A_1199, %get3A_1200, %get3A_1201] {strides = array<i32>} : memref<4x80x128xf32, #tpu.memory_space<vmem>>, vector<16xf32>,
        %mul3A_1203 = arith.mulf %get3A_1202, %gather3A_1162 : vector<16xf32>
        %swap3A_1204 = arith.index_cast %rem3A_404 : i32 to index
        %swap3A_1205 = arith.index_cast %add3A_1157 : i32 to index
        %swap3A_1206 = arith.constant 64 : index
        %swap3A_1207 = tpu.vector_load %arg16[%swap3A_1204, %swap3A_1205, %swap3A_1206] {strides = array<i32>} : memref<4x80x128xf32, #tpu.memory_space<vmem>>, vector<16xf32>,
        tpu.vector_store %arg16[%swap3A_1204, %swap3A_1205, %swap3A_1206], %mul3A_1203 {strides = array<i32>} : memref<4x80x128xf32, #tpu.memory_space<vmem>>, vector<16xf32>,
        %get3A_1208 = arith.index_cast %rem3A_404 : i32 to index
        %get3A_1209 = arith.index_cast %add3A_1157 : i32 to index
        %get3A_1210 = arith.constant 80 : index
        %get3A_1211 = tpu.vector_load %arg16[%get3A_1208, %get3A_1209, %get3A_1210] {strides = array<i32>} : memref<4x80x128xf32, #tpu.memory_space<vmem>>, vector<16xf32>,
        %mul3A_1212 = arith.mulf %get3A_1211, %gather3A_1162 : vector<16xf32>
        %swap3A_1213 = arith.index_cast %rem3A_404 : i32 to index
        %swap3A_1214 = arith.index_cast %add3A_1157 : i32 to index
        %swap3A_1215 = arith.constant 80 : index
        %swap3A_1216 = tpu.vector_load %arg16[%swap3A_1213, %swap3A_1214, %swap3A_1215] {strides = array<i32>} : memref<4x80x128xf32, #tpu.memory_space<vmem>>, vector<16xf32>,
        tpu.vector_store %arg16[%swap3A_1213, %swap3A_1214, %swap3A_1215], %mul3A_1212 {strides = array<i32>} : memref<4x80x128xf32, #tpu.memory_space<vmem>>, vector<16xf32>,
        %get3A_1217 = arith.index_cast %rem3A_404 : i32 to index
        %get3A_1218 = arith.index_cast %add3A_1157 : i32 to index
        %get3A_1219 = arith.constant 96 : index
        %get3A_1220 = tpu.vector_load %arg16[%get3A_1217, %get3A_1218, %get3A_1219] {strides = array<i32>} : memref<4x80x128xf32, #tpu.memory_space<vmem>>, vector<16xf32>,
        %mul3A_1221 = arith.mulf %get3A_1220, %gather3A_1162 : vector<16xf32>
        %swap3A_1222 = arith.index_cast %rem3A_404 : i32 to index
        %swap3A_1223 = arith.index_cast %add3A_1157 : i32 to index
        %swap3A_1224 = arith.constant 96 : index
        %swap3A_1225 = tpu.vector_load %arg16[%swap3A_1222, %swap3A_1223, %swap3A_1224] {strides = array<i32>} : memref<4x80x128xf32, #tpu.memory_space<vmem>>, vector<16xf32>,
        tpu.vector_store %arg16[%swap3A_1222, %swap3A_1223, %swap3A_1224], %mul3A_1221 {strides = array<i32>} : memref<4x80x128xf32, #tpu.memory_space<vmem>>, vector<16xf32>,
        %get3A_1226 = arith.index_cast %rem3A_404 : i32 to index
        %get3A_1227 = arith.index_cast %add3A_1157 : i32 to index
        %get3A_1228 = arith.constant 112 : index
        %get3A_1229 = tpu.vector_load %arg16[%get3A_1226, %get3A_1227, %get3A_1228] {strides = array<i32>} : memref<4x80x128xf32, #tpu.memory_space<vmem>>, vector<16xf32>,
        %mul3A_1230 = arith.mulf %get3A_1229, %gather3A_1162 : vector<16xf32>
        %swap3A_1231 = arith.index_cast %rem3A_404 : i32 to index
        %swap3A_1232 = arith.index_cast %add3A_1157 : i32 to index
        %swap3A_1233 = arith.constant 112 : index
        %swap3A_1234 = tpu.vector_load %arg16[%swap3A_1231, %swap3A_1232, %swap3A_1233] {strides = array<i32>} : memref<4x80x128xf32, #tpu.memory_space<vmem>>, vector<16xf32>,
        tpu.vector_store %arg16[%swap3A_1231, %swap3A_1232, %swap3A_1233], %mul3A_1230 {strides = array<i32>} : memref<4x80x128xf32, #tpu.memory_space<vmem>>, vector<16xf32>,
      }
      %scan3A_548 = arith.constant 10 : i32
      %gt3A = arith.constant 0 : i32
      %gt3A_549 = arith.cmpi sgt, %scan3A_402, %gt3A : i32
      %convert_element_type3A_550 = arith.extui %gt3A_549 : i1 to i32
      %cond3A_551 = arith.constant 0 : i32
      %cond3A_552 = arith.cmpi ne, %convert_element_type3A_550, %cond3A_551 : i32
      scf.if %cond3A_552 {
        %sub3A_588 = arith.constant 1 : i32
        %sub3A_589 = arith.subi %scan3A_402, %sub3A_588 : i32
        %rem3A_590 = arith.constant 4 : i32
        %rem3A_591 = arith.remsi %sub3A_589, %rem3A_590 : i32
        %rem3A_592 = arith.constant 2 : i32
        %rem3A_593 = arith.remsi %sub3A_589, %rem3A_592 : i32
        %rem3A_594 = arith.constant 6 : i32
        %rem3A_595 = arith.remsi %sub3A_589, %rem3A_594 : i32
        %dma_wait3A_596 = arith.constant 0 : i32
        %dma_wait3A_597 = arith.constant 0 : i32
        %dma_wait3A_598 = tpu.memref_slice %arg16[%rem3A_591, %dma_wait3A_596, %dma_wait3A_597] : memref<4x80x128xf32, #tpu.memory_space<vmem>> -> memref<1x80x128xf32, #tpu.memory_space<vmem>>
        %dma_wait3A_599 = tpu.memref_squeeze %dma_wait3A_598 : memref<1x80x128xf32, #tpu.memory_space<vmem>> -> memref<80x128xf32, #tpu.memory_space<vmem>>
        %dma_wait3A_600 = arith.constant 0 : i32
        %dma_wait3A_601 = tpu.memref_slice %arg13[%rem3A_595, %dma_wait3A_600] : memref<6x80xi32, #tpu.memory_space<vmem>> -> memref<1x80xi32, #tpu.memory_space<vmem>>
        %dma_wait3A_602 = tpu.memref_squeeze %dma_wait3A_601 : memref<1x80xi32, #tpu.memory_space<vmem>> -> memref<80xi32, #tpu.memory_space<vmem>>
        %dma_wait3A_603 = arith.constant 0 : i32
        %dma_wait3A_604 = arith.constant 0 : i32
        %dma_wait3A_605 = tpu.memref_slice %arg21[%dma_wait3A_603, %dma_wait3A_604] : memref<10240x128xf32, #tpu.memory_space<vmem_shared>> -> memref<10240x128xf32, #tpu.memory_space<vmem_shared>>
        %dma_wait3A_606 = tpu.memref_slice %arg24[%rem3A_593] : memref<2x!tpu.dma_semaphore, #tpu.memory_space<semaphore_mem>> -> memref<1x!tpu.dma_semaphore, #tpu.memory_space<semaphore_mem>>
        %dma_wait3A_607 = tpu.memref_squeeze %dma_wait3A_606 : memref<1x!tpu.dma_semaphore, #tpu.memory_space<semaphore_mem>> -> memref<!tpu.dma_semaphore, #tpu.memory_space<semaphore_mem>>
        tpu.wait_indirect_dma semaphore(%dma_wait3A_607 : memref<!tpu.dma_semaphore, #tpu.memory_space<semaphore_mem>>) src(%dma_wait3A_599 : memref<80x128xf32, #tpu.memory_space<vmem>>) dst(%dma_wait3A_605 : memref<10240x128xf32, #tpu.memory_space<vmem_shared>>)
        %dma_wait3A_608 = arith.constant 0 : i32
        %dma_wait3A_609 = tpu.memref_slice %arg15[%rem3A_593, %dma_wait3A_608] : memref<2x80xf32, #tpu.memory_space<vmem>> -> memref<1x80xf32, #tpu.memory_space<vmem>>
        %dma_wait3A_610 = tpu.memref_squeeze %dma_wait3A_609 : memref<1x80xf32, #tpu.memory_space<vmem>> -> memref<80xf32, #tpu.memory_space<vmem>>
        %dma_wait3A_611 = arith.constant 0 : i32
        %dma_wait3A_612 = tpu.memref_slice %arg13[%rem3A_595, %dma_wait3A_611] : memref<6x80xi32, #tpu.memory_space<vmem>> -> memref<1x80xi32, #tpu.memory_space<vmem>>
        %dma_wait3A_613 = tpu.memref_squeeze %dma_wait3A_612 : memref<1x80xi32, #tpu.memory_space<vmem>> -> memref<80xi32, #tpu.memory_space<vmem>>
        %dma_wait3A_614 = arith.constant 0 : i32
        %dma_wait3A_615 = tpu.memref_slice %arg22[%dma_wait3A_614] : memref<10240xf32, #tpu.memory_space<vmem_shared>> -> memref<10240xf32, #tpu.memory_space<vmem_shared>>
        %dma_wait3A_616 = tpu.memref_slice %arg25[%rem3A_593] : memref<2x!tpu.dma_semaphore, #tpu.memory_space<semaphore_mem>> -> memref<1x!tpu.dma_semaphore, #tpu.memory_space<semaphore_mem>>
        %dma_wait3A_617 = tpu.memref_squeeze %dma_wait3A_616 : memref<1x!tpu.dma_semaphore, #tpu.memory_space<semaphore_mem>> -> memref<!tpu.dma_semaphore, #tpu.memory_space<semaphore_mem>>
        tpu.wait_indirect_dma semaphore(%dma_wait3A_617 : memref<!tpu.dma_semaphore, #tpu.memory_space<semaphore_mem>>) src(%dma_wait3A_610 : memref<80xf32, #tpu.memory_space<vmem>>) dst(%dma_wait3A_615 : memref<10240xf32, #tpu.memory_space<vmem_shared>>)
      } else {
      }
      %rem3A_553 = arith.constant 4 : i32
      %rem3A_554 = arith.remsi %scan3A_402, %rem3A_553 : i32
      %rem3A_555 = arith.constant 2 : i32
      %rem3A_556 = arith.remsi %scan3A_402, %rem3A_555 : i32
      %rem3A_557 = arith.constant 6 : i32
      %rem3A_558 = arith.remsi %scan3A_402, %rem3A_557 : i32
      %dma_start3A_559 = arith.constant 0 : i32
      %dma_start3A_560 = arith.constant 0 : i32
      %dma_start3A_561 = tpu.memref_slice %arg16[%rem3A_554, %dma_start3A_559, %dma_start3A_560] : memref<4x80x128xf32, #tpu.memory_space<vmem>> -> memref<1x80x128xf32, #tpu.memory_space<vmem>>
      %dma_start3A_562 = tpu.memref_squeeze %dma_start3A_561 : memref<1x80x128xf32, #tpu.memory_space<vmem>> -> memref<80x128xf32, #tpu.memory_space<vmem>>
      %dma_start3A_563 = arith.constant 0 : i32
      %dma_start3A_564 = tpu.memref_slice %arg13[%rem3A_558, %dma_start3A_563] : memref<6x80xi32, #tpu.memory_space<vmem>> -> memref<1x80xi32, #tpu.memory_space<vmem>>
      %dma_start3A_565 = tpu.memref_squeeze %dma_start3A_564 : memref<1x80xi32, #tpu.memory_space<vmem>> -> memref<80xi32, #tpu.memory_space<vmem>>
      %dma_start3A_566 = arith.constant 0 : i32
      %dma_start3A_567 = arith.constant 0 : i32
      %dma_start3A_568 = tpu.memref_slice %arg21[%dma_start3A_566, %dma_start3A_567] : memref<10240x128xf32, #tpu.memory_space<vmem_shared>> -> memref<10240x128xf32, #tpu.memory_space<vmem_shared>>
      %dma_start3A_569 = tpu.memref_slice %arg24[%rem3A_556] : memref<2x!tpu.dma_semaphore, #tpu.memory_space<semaphore_mem>> -> memref<1x!tpu.dma_semaphore, #tpu.memory_space<semaphore_mem>>
      %dma_start3A_570 = tpu.memref_squeeze %dma_start3A_569 : memref<1x!tpu.dma_semaphore, #tpu.memory_space<semaphore_mem>> -> memref<!tpu.dma_semaphore, #tpu.memory_space<semaphore_mem>>
      tpu.enqueue_indirect_dma source(%dma_start3A_562 : memref<80x128xf32, #tpu.memory_space<vmem>>) target(%dma_start3A_568 : memref<10240x128xf32, #tpu.memory_space<vmem_shared>>) offsets(%dma_start3A_565 : memref<80xi32, #tpu.memory_space<vmem>>) semaphore(%dma_start3A_570 : memref<!tpu.dma_semaphore, #tpu.memory_space<semaphore_mem>>) {add = true}
      %dma_start3A_571 = arith.constant 0 : i32
      %dma_start3A_572 = tpu.memref_slice %arg15[%rem3A_556, %dma_start3A_571] : memref<2x80xf32, #tpu.memory_space<vmem>> -> memref<1x80xf32, #tpu.memory_space<vmem>>
      %dma_start3A_573 = tpu.memref_squeeze %dma_start3A_572 : memref<1x80xf32, #tpu.memory_space<vmem>> -> memref<80xf32, #tpu.memory_space<vmem>>
      %dma_start3A_574 = arith.constant 0 : i32
      %dma_start3A_575 = tpu.memref_slice %arg13[%rem3A_558, %dma_start3A_574] : memref<6x80xi32, #tpu.memory_space<vmem>> -> memref<1x80xi32, #tpu.memory_space<vmem>>
      %dma_start3A_576 = tpu.memref_squeeze %dma_start3A_575 : memref<1x80xi32, #tpu.memory_space<vmem>> -> memref<80xi32, #tpu.memory_space<vmem>>
      %dma_start3A_577 = arith.constant 0 : i32
      %dma_start3A_578 = tpu.memref_slice %arg22[%dma_start3A_577] : memref<10240xf32, #tpu.memory_space<vmem_shared>> -> memref<10240xf32, #tpu.memory_space<vmem_shared>>
      %dma_start3A_579 = tpu.memref_slice %arg25[%rem3A_556] : memref<2x!tpu.dma_semaphore, #tpu.memory_space<semaphore_mem>> -> memref<1x!tpu.dma_semaphore, #tpu.memory_space<semaphore_mem>>
      %dma_start3A_580 = tpu.memref_squeeze %dma_start3A_579 : memref<1x!tpu.dma_semaphore, #tpu.memory_space<semaphore_mem>> -> memref<!tpu.dma_semaphore, #tpu.memory_space<semaphore_mem>>
      tpu.enqueue_indirect_dma source(%dma_start3A_573 : memref<80xf32, #tpu.memory_space<vmem>>) target(%dma_start3A_578 : memref<10240xf32, #tpu.memory_space<vmem_shared>>) offsets(%dma_start3A_576 : memref<80xi32, #tpu.memory_space<vmem>>) semaphore(%dma_start3A_580 : memref<!tpu.dma_semaphore, #tpu.memory_space<semaphore_mem>>) {add = true}
      %add3A_581 = arith.constant 4 : i32
      %add3A_582 = arith.addi %scan3A_402, %add3A_581 : i32
      %lt3A_583 = arith.constant 125 : i32
      %lt3A_584 = arith.cmpi slt, %add3A_582, %lt3A_583 : i32
      %convert_element_type3A_585 = arith.extui %lt3A_584 : i1 to i32
      %cond3A_586 = arith.constant 0 : i32
      %cond3A_587 = arith.cmpi ne, %convert_element_type3A_585, %cond3A_586 : i32
      scf.if %cond3A_587 {
        %add3A_588 = arith.constant 4 : i32
        %add3A_589 = arith.addi %scan3A_402, %add3A_588 : i32
        %rem3A_590 = arith.constant 4 : i32
        %rem3A_591 = arith.remsi %add3A_589, %rem3A_590 : i32
        %rem3A_592 = arith.constant 4 : i32
        %rem3A_593 = arith.remsi %add3A_589, %rem3A_592 : i32
        %dma_start3A_594 = arith.constant 0 : i32
        %dma_start3A_595 = tpu.memref_slice %arg12[%rem3A_591, %dma_start3A_594] : memref<4x80xi32, #tpu.memory_space<vmem>> -> memref<1x80xi32, #tpu.memory_space<vmem>>
        %dma_start3A_596 = tpu.memref_squeeze %dma_start3A_595 : memref<1x80xi32, #tpu.memory_space<vmem>> -> memref<80xi32, #tpu.memory_space<vmem>>
        %dma_start3A_597 = arith.constant 0 : i32
        %dma_start3A_598 = tpu.memref_slice %arg6[%add3A, %add3A_589, %dma_start3A_597] : memref<32x125x80xi32, #tpu.memory_space<hbm>> -> memref<1x1x80xi32, #tpu.memory_space<hbm>>
        %dma_start3A_599 = tpu.memref_squeeze %dma_start3A_598 : memref<1x1x80xi32, #tpu.memory_space<hbm>> -> memref<80xi32, #tpu.memory_space<hbm>>
        %dma_start3A_600 = tpu.memref_slice %arg26[%rem3A_593] : memref<4x!tpu.dma_semaphore, #tpu.memory_space<semaphore_mem>> -> memref<1x!tpu.dma_semaphore, #tpu.memory_space<semaphore_mem>>
        %dma_start3A_601 = tpu.memref_squeeze %dma_start3A_600 : memref<1x!tpu.dma_semaphore, #tpu.memory_space<semaphore_mem>> -> memref<!tpu.dma_semaphore, #tpu.memory_space<semaphore_mem>>
        %dma_start3A_602 = arith.constant 0 : i32
        %dma_start3A_603 = tpu.memref_slice %arg12[%rem3A_591, %dma_start3A_602] : memref<4x80xi32, #tpu.memory_space<vmem>> -> memref<1x80xi32, #tpu.memory_space<vmem>>
        %dma_start3A_604 = tpu.memref_squeeze %dma_start3A_603 : memref<1x80xi32, #tpu.memory_space<vmem>> -> memref<80xi32, #tpu.memory_space<vmem>>
        %dma_start3A_605 = arith.constant 0 : i32
        %dma_start3A_606 = tpu.memref_slice %arg6[%add3A, %add3A_589, %dma_start3A_605] : memref<32x125x80xi32, #tpu.memory_space<hbm>> -> memref<1x1x80xi32, #tpu.memory_space<hbm>>
        %dma_start3A_607 = tpu.memref_squeeze %dma_start3A_606 : memref<1x1x80xi32, #tpu.memory_space<hbm>> -> memref<80xi32, #tpu.memory_space<hbm>>
        tpu.enqueue_dma source(%dma_start3A_607 : memref<80xi32, #tpu.memory_space<hbm>>) target(%dma_start3A_604 : memref<80xi32, #tpu.memory_space<vmem>>) target_semaphore(%dma_start3A_601 : memref<!tpu.dma_semaphore, #tpu.memory_space<semaphore_mem>>)
        %rem3A_608 = arith.constant 6 : i32
        %rem3A_609 = arith.remsi %add3A_589, %rem3A_608 : i32
        %rem3A_610 = arith.constant 6 : i32
        %rem3A_611 = arith.remsi %add3A_589, %rem3A_610 : i32
        %dma_start3A_612 = arith.constant 0 : i32
        %dma_start3A_613 = tpu.memref_slice %arg13[%rem3A_609, %dma_start3A_612] : memref<6x80xi32, #tpu.memory_space<vmem>> -> memref<1x80xi32, #tpu.memory_space<vmem>>
        %dma_start3A_614 = tpu.memref_squeeze %dma_start3A_613 : memref<1x80xi32, #tpu.memory_space<vmem>> -> memref<80xi32, #tpu.memory_space<vmem>>
        %dma_start3A_615 = arith.constant 0 : i32
        %dma_start3A_616 = tpu.memref_slice %arg7[%add3A, %add3A_589, %dma_start3A_615] : memref<32x125x80xi32, #tpu.memory_space<hbm>> -> memref<1x1x80xi32, #tpu.memory_space<hbm>>
        %dma_start3A_617 = tpu.memref_squeeze %dma_start3A_616 : memref<1x1x80xi32, #tpu.memory_space<hbm>> -> memref<80xi32, #tpu.memory_space<hbm>>
        %dma_start3A_618 = tpu.memref_slice %arg27[%rem3A_611] : memref<6x!tpu.dma_semaphore, #tpu.memory_space<semaphore_mem>> -> memref<1x!tpu.dma_semaphore, #tpu.memory_space<semaphore_mem>>
        %dma_start3A_619 = tpu.memref_squeeze %dma_start3A_618 : memref<1x!tpu.dma_semaphore, #tpu.memory_space<semaphore_mem>> -> memref<!tpu.dma_semaphore, #tpu.memory_space<semaphore_mem>>
        %dma_start3A_620 = arith.constant 0 : i32
        %dma_start3A_621 = tpu.memref_slice %arg13[%rem3A_609, %dma_start3A_620] : memref<6x80xi32, #tpu.memory_space<vmem>> -> memref<1x80xi32, #tpu.memory_space<vmem>>
        %dma_start3A_622 = tpu.memref_squeeze %dma_start3A_621 : memref<1x80xi32, #tpu.memory_space<vmem>> -> memref<80xi32, #tpu.memory_space<vmem>>
        %dma_start3A_623 = arith.constant 0 : i32
        %dma_start3A_624 = tpu.memref_slice %arg7[%add3A, %add3A_589, %dma_start3A_623] : memref<32x125x80xi32, #tpu.memory_space<hbm>> -> memref<1x1x80xi32, #tpu.memory_space<hbm>>
        %dma_start3A_625 = tpu.memref_squeeze %dma_start3A_624 : memref<1x1x80xi32, #tpu.memory_space<hbm>> -> memref<80xi32, #tpu.memory_space<hbm>>
        tpu.enqueue_dma source(%dma_start3A_625 : memref<80xi32, #tpu.memory_space<hbm>>) target(%dma_start3A_622 : memref<80xi32, #tpu.memory_space<vmem>>) target_semaphore(%dma_start3A_619 : memref<!tpu.dma_semaphore, #tpu.memory_space<semaphore_mem>>)
      } else {
      }
    }
    %scan3A_361 = arith.constant 125 : i32
    %rem3A_362 = arith.constant 124 : i32
    %rem3A_363 = arith.constant 4 : i32
    %rem3A_364 = arith.remsi %rem3A_362, %rem3A_363 : i32
    %rem3A_365 = arith.constant 124 : i32
    %rem3A_366 = arith.constant 2 : i32
    %rem3A_367 = arith.remsi %rem3A_365, %rem3A_366 : i32
    %rem3A_368 = arith.constant 124 : i32
    %rem3A_369 = arith.constant 6 : i32
    %rem3A_370 = arith.remsi %rem3A_368, %rem3A_369 : i32
    %dma_wait3A_371 = arith.constant 0 : i32
    %dma_wait3A_372 = arith.constant 0 : i32
    %dma_wait3A_373 = tpu.memref_slice %arg16[%rem3A_364, %dma_wait3A_371, %dma_wait3A_372] : memref<4x80x128xf32, #tpu.memory_space<vmem>> -> memref<1x80x128xf32, #tpu.memory_space<vmem>>
    %dma_wait3A_374 = tpu.memref_squeeze %dma_wait3A_373 : memref<1x80x128xf32, #tpu.memory_space<vmem>> -> memref<80x128xf32, #tpu.memory_space<vmem>>
    %dma_wait3A_375 = arith.constant 0 : i32
    %dma_wait3A_376 = tpu.memref_slice %arg13[%rem3A_370, %dma_wait3A_375] : memref<6x80xi32, #tpu.memory_space<vmem>> -> memref<1x80xi32, #tpu.memory_space<vmem>>
    %dma_wait3A_377 = tpu.memref_squeeze %dma_wait3A_376 : memref<1x80xi32, #tpu.memory_space<vmem>> -> memref<80xi32, #tpu.memory_space<vmem>>
    %dma_wait3A_378 = arith.constant 0 : i32
    %dma_wait3A_379 = arith.constant 0 : i32
    %dma_wait3A_380 = tpu.memref_slice %arg21[%dma_wait3A_378, %dma_wait3A_379] : memref<10240x128xf32, #tpu.memory_space<vmem_shared>> -> memref<10240x128xf32, #tpu.memory_space<vmem_shared>>
    %dma_wait3A_381 = tpu.memref_slice %arg24[%rem3A_367] : memref<2x!tpu.dma_semaphore, #tpu.memory_space<semaphore_mem>> -> memref<1x!tpu.dma_semaphore, #tpu.memory_space<semaphore_mem>>
    %dma_wait3A_382 = tpu.memref_squeeze %dma_wait3A_381 : memref<1x!tpu.dma_semaphore, #tpu.memory_space<semaphore_mem>> -> memref<!tpu.dma_semaphore, #tpu.memory_space<semaphore_mem>>
    tpu.wait_indirect_dma semaphore(%dma_wait3A_382 : memref<!tpu.dma_semaphore, #tpu.memory_space<semaphore_mem>>) src(%dma_wait3A_374 : memref<80x128xf32, #tpu.memory_space<vmem>>) dst(%dma_wait3A_380 : memref<10240x128xf32, #tpu.memory_space<vmem_shared>>)
    %dma_wait3A_383 = arith.constant 0 : i32
    %dma_wait3A_384 = tpu.memref_slice %arg15[%rem3A_367, %dma_wait3A_383] : memref<2x80xf32, #tpu.memory_space<vmem>> -> memref<1x80xf32, #tpu.memory_space<vmem>>
    %dma_wait3A_385 = tpu.memref_squeeze %dma_wait3A_384 : memref<1x80xf32, #tpu.memory_space<vmem>> -> memref<80xf32, #tpu.memory_space<vmem>>
    %dma_wait3A_386 = arith.constant 0 : i32
    %dma_wait3A_387 = tpu.memref_slice %arg13[%rem3A_370, %dma_wait3A_386] : memref<6x80xi32, #tpu.memory_space<vmem>> -> memref<1x80xi32, #tpu.memory_space<vmem>>
    %dma_wait3A_388 = tpu.memref_squeeze %dma_wait3A_387 : memref<1x80xi32, #tpu.memory_space<vmem>> -> memref<80xi32, #tpu.memory_space<vmem>>
    %dma_wait3A_389 = arith.constant 0 : i32
    %dma_wait3A_390 = tpu.memref_slice %arg22[%dma_wait3A_389] : memref<10240xf32, #tpu.memory_space<vmem_shared>> -> memref<10240xf32, #tpu.memory_space<vmem_shared>>
    %dma_wait3A_391 = tpu.memref_slice %arg25[%rem3A_367] : memref<2x!tpu.dma_semaphore, #tpu.memory_space<semaphore_mem>> -> memref<1x!tpu.dma_semaphore, #tpu.memory_space<semaphore_mem>>
    %dma_wait3A_392 = tpu.memref_squeeze %dma_wait3A_391 : memref<1x!tpu.dma_semaphore, #tpu.memory_space<semaphore_mem>> -> memref<!tpu.dma_semaphore, #tpu.memory_space<semaphore_mem>>
    tpu.wait_indirect_dma semaphore(%dma_wait3A_392 : memref<!tpu.dma_semaphore, #tpu.memory_space<semaphore_mem>>) src(%dma_wait3A_385 : memref<80xf32, #tpu.memory_space<vmem>>) dst(%dma_wait3A_390 : memref<10240xf32, #tpu.memory_space<vmem_shared>>)
    %barrier3A_393 = arith.constant 0 : index
    tpu.barrier barrier_id(%barrier3A_393)
    %mul3A_394 = arith.constant 640 : i32
    %mul3A_395 = arith.muli %arg1, %mul3A_394 : i32
    %mul3A_396 = arith.constant 640 : i32
    %mul3A_397 = arith.muli %arg1, %mul3A_396 : i32
    "tpu.region"() ({
      %run_scoped3A = tpu.sem_alloc : memref<!tpu.dma_semaphore, #tpu.memory_space<semaphore_mem>>
      %dma_start3A_402 = arith.constant 0 : i32
      %dma_start3A_403 = tpu.memref_slice %arg10[%arg0, %mul3A_397, %dma_start3A_402] : memref<2x10240x128xf32, #tpu.memory_space<hbm>> -> memref<1x640x128xf32, #tpu.memory_space<hbm>>
      %dma_start3A_404 = tpu.memref_squeeze %dma_start3A_403 : memref<1x640x128xf32, #tpu.memory_space<hbm>> -> memref<640x128xf32, #tpu.memory_space<hbm>>
      %dma_start3A_405 = arith.constant 0 : i32
      %dma_start3A_406 = tpu.memref_slice %arg21[%mul3A_395, %dma_start3A_405] : memref<10240x128xf32, #tpu.memory_space<vmem_shared>> -> memref<640x128xf32, #tpu.memory_space<vmem_shared>>
      tpu.enqueue_dma source(%dma_start3A_406 : memref<640x128xf32, #tpu.memory_space<vmem_shared>>) target(%dma_start3A_404 : memref<640x128xf32, #tpu.memory_space<hbm>>) target_semaphore(%run_scoped3A : memref<!tpu.dma_semaphore, #tpu.memory_space<semaphore_mem>>)
      %dma_wait3A_407 = arith.constant 0 : i32
      %dma_wait3A_408 = tpu.memref_slice %arg10[%arg0, %mul3A_397, %dma_wait3A_407] : memref<2x10240x128xf32, #tpu.memory_space<hbm>> -> memref<1x640x128xf32, #tpu.memory_space<hbm>>
      %dma_wait3A_409 = tpu.memref_squeeze %dma_wait3A_408 : memref<1x640x128xf32, #tpu.memory_space<hbm>> -> memref<640x128xf32, #tpu.memory_space<hbm>>
      %dma_wait3A_410 = arith.constant 0 : i32
      %dma_wait3A_411 = tpu.memref_slice %arg21[%mul3A_395, %dma_wait3A_410] : memref<10240x128xf32, #tpu.memory_space<vmem_shared>> -> memref<640x128xf32, #tpu.memory_space<vmem_shared>>
      tpu.wait_dma2 semaphore(%run_scoped3A : memref<!tpu.dma_semaphore, #tpu.memory_space<semaphore_mem>>) src(%dma_wait3A_411 : memref<640x128xf32, #tpu.memory_space<vmem_shared>>) dst(%dma_wait3A_409 : memref<640x128xf32, #tpu.memory_space<hbm>>)
      tpu.yield
    }) : () -> ()
    %mul3A_398 = arith.constant 640 : i32
    %mul3A_399 = arith.muli %arg1, %mul3A_398 : i32
    %mul3A_400 = arith.constant 640 : i32
    %mul3A_401 = arith.muli %arg1, %mul3A_400 : i32
    "tpu.region"() ({
      %run_scoped3A = tpu.sem_alloc : memref<!tpu.dma_semaphore, #tpu.memory_space<semaphore_mem>>
      %dma_start3A_402 = tpu.memref_slice %arg11[%arg0, %mul3A_401] : memref<2x10240xf32, #tpu.memory_space<hbm>> -> memref<1x640xf32, #tpu.memory_space<hbm>>
      %dma_start3A_403 = tpu.memref_squeeze %dma_start3A_402 : memref<1x640xf32, #tpu.memory_space<hbm>> -> memref<640xf32, #tpu.memory_space<hbm>>
      %dma_start3A_404 = tpu.memref_slice %arg22[%mul3A_399] : memref<10240xf32, #tpu.memory_space<vmem_shared>> -> memref<640xf32, #tpu.memory_space<vmem_shared>>
      tpu.enqueue_dma source(%dma_start3A_404 : memref<640xf32, #tpu.memory_space<vmem_shared>>) target(%dma_start3A_403 : memref<640xf32, #tpu.memory_space<hbm>>) target_semaphore(%run_scoped3A : memref<!tpu.dma_semaphore, #tpu.memory_space<semaphore_mem>>)
      %dma_wait3A_405 = tpu.memref_slice %arg11[%arg0, %mul3A_401] : memref<2x10240xf32, #tpu.memory_space<hbm>> -> memref<1x640xf32, #tpu.memory_space<hbm>>
      %dma_wait3A_406 = tpu.memref_squeeze %dma_wait3A_405 : memref<1x640xf32, #tpu.memory_space<hbm>> -> memref<640xf32, #tpu.memory_space<hbm>>
      %dma_wait3A_407 = tpu.memref_slice %arg22[%mul3A_399] : memref<10240xf32, #tpu.memory_space<vmem_shared>> -> memref<640xf32, #tpu.memory_space<vmem_shared>>
      tpu.wait_dma2 semaphore(%run_scoped3A : memref<!tpu.dma_semaphore, #tpu.memory_space<semaphore_mem>>) src(%dma_wait3A_407 : memref<640xf32, #tpu.memory_space<vmem_shared>>) dst(%dma_wait3A_406 : memref<640xf32, #tpu.memory_space<hbm>>)
      tpu.yield
    }) : () -> ()
    return
  }
}

module attributes {stable_mosaic.version = 14 : i64} {
  func.func @_tc_entry_body(%arg0: i32, %arg1: memref<1280x128xf32, #tpu.memory_space<vmem>>, %arg2: memref<128x128xf32, #tpu.memory_space<vmem>>, %arg3: memref<1x128xf32, #tpu.memory_space<vmem>>, %arg4: memref<1x128xf32, #tpu.memory_space<vmem>>, %arg5: memref<1280x128xf32, #tpu.memory_space<vmem>>, %arg6: memref<10240xf32, #tpu.memory_space<vmem>>, %arg7: memref<10240xf32, #tpu.memory_space<vmem>>, %arg8: memref<2x128xf32, #tpu.memory_space<vmem>>) attributes {dimension_semantics = [#tpu.dimension_semantics<arbitrary>], iteration_bounds = array<i64: 8>, scalar_prefetch = 0 : i64, scratch_operands = 0 : i64, tpu.core_type = #tpu.core_type<tc>, window_params = [{transform_indices = @transform_0, window_bounds = array<i64: 1280, 128>}, {pipeline_mode = #tpu.pipeline_mode<synchronous>, transform_indices = @transform_1, window_bounds = array<i64: 128, 128>}, {pipeline_mode = #tpu.pipeline_mode<synchronous>, transform_indices = @transform_2, window_bounds = array<i64: 1, 128>}, {pipeline_mode = #tpu.pipeline_mode<synchronous>, transform_indices = @transform_3, window_bounds = array<i64: 1, 128>}, {transform_indices = @transform_4, window_bounds = array<i64: 1280, 128>}, {pipeline_mode = #tpu.pipeline_mode<synchronous>, transform_indices = @transform_5, window_bounds = array<i64: 10240>}, {pipeline_mode = #tpu.pipeline_mode<synchronous>, transform_indices = @transform_6, window_bounds = array<i64: 10240>}, {pipeline_mode = #tpu.pipeline_mode<synchronous>, transform_indices = @transform_7, window_bounds = array<i64: 2, 128>}]} {
    %get3A = arith.constant 0 : index
    %get3A_0 = arith.constant 0 : index
    %get3A_1 = vector.load %arg1[%get3A, %get3A_0] : memref<1280x128xf32, #tpu.memory_space<vmem>>, vector<1280x128xf32>
    %get3A_2 = arith.constant 0 : index
    %get3A_3 = arith.constant 0 : index
    %get3A_4 = vector.load %arg2[%get3A_2, %get3A_3] : memref<128x128xf32, #tpu.memory_space<vmem>>, vector<128x128xf32>
    %dot_general3A = arith.constant dense<0.000000e+00> : vector<1280x128xf32>
    %dot_general3A_5 = tpu.matmul %get3A_1, %get3A_4, %dot_general3A {dimension_numbers = #tpu.dot_dimension_numbers<[1], [0], [0], [1], [0, 0, 1, 1], [], []>, precision = #tpu.contract_precision<fp32>, transpose_lhs_hint = false} : vector<1280x128xf32>, vector<128x128xf32>, vector<1280x128xf32> -> vector<1280x128xf32>
    %swap3A = arith.constant 0 : index
    %swap3A_6 = arith.constant 0 : index
    %swap3A_7 = vector.load %arg5[%swap3A, %swap3A_6] : memref<1280x128xf32, #tpu.memory_space<vmem>>, vector<1280x128xf32>
    tpu.vector_store %arg5[%swap3A, %swap3A_6], %dot_general3A_5 {strides = array<i32>} : memref<1280x128xf32, #tpu.memory_space<vmem>>, vector<1280x128xf32>,
    %get3A_8 = arith.constant 0 : index
    %get3A_9 = arith.constant 0 : index
    %get3A_10 = vector.load %arg3[%get3A_8, %get3A_9] : memref<1x128xf32, #tpu.memory_space<vmem>>, vector<1x128xf32>
    %mul3A = vector.broadcast %get3A_10 : vector<1x128xf32> to vector<1280x128xf32>
    %mul3A_11 = arith.mulf %dot_general3A_5, %mul3A : vector<1280x128xf32>
    %reduce_sum3A = arith.constant dense<0.000000e+00> : vector<1280xf32>
    %reduce_sum3A_12 = vector.multi_reduction <add>, %mul3A_11, %reduce_sum3A [1] : vector<1280x128xf32> to vector<1280xf32>
    %get3A_13 = arith.constant 0 : index
    %get3A_14 = arith.constant 0 : index
    %get3A_15 = vector.load %arg4[%get3A_13, %get3A_14] : memref<1x128xf32, #tpu.memory_space<vmem>>, vector<1x128xf32>
    %mul3A_16 = vector.broadcast %get3A_15 : vector<1x128xf32> to vector<1280x128xf32>
    %mul3A_17 = arith.mulf %dot_general3A_5, %mul3A_16 : vector<1280x128xf32>
    %reduce_sum3A_18 = arith.constant dense<0.000000e+00> : vector<1280xf32>
    %reduce_sum3A_19 = vector.multi_reduction <add>, %mul3A_17, %reduce_sum3A_18 [1] : vector<1280x128xf32> to vector<1280xf32>
    %mul3A_20 = arith.constant 1280 : i32
    %mul3A_21 = arith.muli %arg0, %mul3A_20 : i32
    %swap3A_22 = arith.index_cast %mul3A_21 : i32 to index
    %swap3A_23 = vector.load %arg6[%swap3A_22] : memref<10240xf32, #tpu.memory_space<vmem>>, vector<1280xf32>
    tpu.vector_store %arg6[%swap3A_22], %reduce_sum3A_12 {strides = array<i32>} : memref<10240xf32, #tpu.memory_space<vmem>>, vector<1280xf32>,
    %mul3A_24 = arith.constant 1280 : i32
    %mul3A_25 = arith.muli %arg0, %mul3A_24 : i32
    %swap3A_26 = arith.index_cast %mul3A_25 : i32 to index
    %swap3A_27 = vector.load %arg7[%swap3A_26] : memref<10240xf32, #tpu.memory_space<vmem>>, vector<1280xf32>
    tpu.vector_store %arg7[%swap3A_26], %reduce_sum3A_19 {strides = array<i32>} : memref<10240xf32, #tpu.memory_space<vmem>>, vector<1280xf32>,
    %reduce_max3A = vector.shape_cast %reduce_sum3A_12 : vector<1280xf32> to vector<1x1280xf32>
    %reduce_max3A_28 = arith.constant dense<0xFF800000> : vector<1xf32>
    %reduce_max3A_29 = vector.multi_reduction <maximumf>, %reduce_max3A, %reduce_max3A_28 [1] : vector<1x1280xf32> to vector<1xf32>
    %reduce_max3A_30 = vector.shape_cast %reduce_max3A_29 : vector<1xf32> to vector<1x1xf32>
    %reduce_max3A_31 = vector.extract %reduce_max3A_30[0, 0] : f32 from vector<1x1xf32>
    %broadcast_in_dim3A = vector.broadcast %reduce_max3A_31 : f32 to vector<1x128xf32>
    %reduce_max3A_32 = vector.shape_cast %reduce_sum3A_19 : vector<1280xf32> to vector<1x1280xf32>
    %reduce_max3A_33 = arith.constant dense<0xFF800000> : vector<1xf32>
    %reduce_max3A_34 = vector.multi_reduction <maximumf>, %reduce_max3A_32, %reduce_max3A_33 [1] : vector<1x1280xf32> to vector<1xf32>
    %reduce_max3A_35 = vector.shape_cast %reduce_max3A_34 : vector<1xf32> to vector<1x1xf32>
    %reduce_max3A_36 = vector.extract %reduce_max3A_35[0, 0] : f32 from vector<1x1xf32>
    %broadcast_in_dim3A_37 = vector.broadcast %reduce_max3A_36 : f32 to vector<1x128xf32>
    %concatenate3A = tpu.concatenate %broadcast_in_dim3A, %broadcast_in_dim3A_37 in 0 : vector<1x128xf32>, vector<1x128xf32> -> vector<2x128xf32>
    %eq3A = arith.constant 0 : i32
    %eq3A_38 = arith.cmpi eq, %arg0, %eq3A : i32
    %convert_element_type3A = arith.extui %eq3A_38 : i1 to i32
    %cond3A = arith.constant 0 : i32
    %cond3A_39 = arith.cmpi ne, %convert_element_type3A, %cond3A : i32
    scf.if %cond3A_39 {
      %swap3A_44 = arith.constant 0 : index
      %swap3A_45 = arith.constant 0 : index
      %swap3A_46 = vector.load %arg8[%swap3A_44, %swap3A_45] : memref<2x128xf32, #tpu.memory_space<vmem>>, vector<2x128xf32>
      tpu.vector_store %arg8[%swap3A_44, %swap3A_45], %concatenate3A {strides = array<i32>} : memref<2x128xf32, #tpu.memory_space<vmem>>, vector<2x128xf32>,
    } else {
    }
    %gt3A = arith.constant 0 : i32
    %gt3A_40 = arith.cmpi sgt, %arg0, %gt3A : i32
    %convert_element_type3A_41 = arith.extui %gt3A_40 : i1 to i32
    %cond3A_42 = arith.constant 0 : i32
    %cond3A_43 = arith.cmpi ne, %convert_element_type3A_41, %cond3A_42 : i32
    scf.if %cond3A_43 {
      %get3A_44 = arith.constant 0 : index
      %get3A_45 = arith.constant 0 : index
      %get3A_46 = vector.load %arg8[%get3A_44, %get3A_45] : memref<2x128xf32, #tpu.memory_space<vmem>>, vector<2x128xf32>
      %max3A = arith.maximumf %get3A_46, %concatenate3A : vector<2x128xf32>
      %swap3A_47 = arith.constant 0 : index
      %swap3A_48 = arith.constant 0 : index
      %swap3A_49 = vector.load %arg8[%swap3A_47, %swap3A_48] : memref<2x128xf32, #tpu.memory_space<vmem>>, vector<2x128xf32>
      tpu.vector_store %arg8[%swap3A_47, %swap3A_48], %max3A {strides = array<i32>} : memref<2x128xf32, #tpu.memory_space<vmem>>, vector<2x128xf32>,
    } else {
    }
    return
  }
  func.func @transform_0(%arg0: i32) -> (i32, i32) {
    %c0_i32 = arith.constant 0 : i32
    %c0_i32_0 = arith.constant 0 : i32
    return %arg0, %c0_i32 : i32, i32
  }
  func.func @transform_1(%arg0: i32) -> (i32, i32) {
    %c0_i32 = arith.constant 0 : i32
    %c0_i32_0 = arith.constant 0 : i32
    %c0_i32_1 = arith.constant 0 : i32
    return %c0_i32, %c0_i32_0 : i32, i32
  }
  func.func @transform_2(%arg0: i32) -> (i32, i32) {
    %c0_i32 = arith.constant 0 : i32
    %c0_i32_0 = arith.constant 0 : i32
    %c0_i32_1 = arith.constant 0 : i32
    return %c0_i32, %c0_i32_0 : i32, i32
  }
  func.func @transform_3(%arg0: i32) -> (i32, i32) {
    %c0_i32 = arith.constant 0 : i32
    %c0_i32_0 = arith.constant 0 : i32
    %c0_i32_1 = arith.constant 0 : i32
    return %c0_i32, %c0_i32_0 : i32, i32
  }
  func.func @transform_4(%arg0: i32) -> (i32, i32) {
    %c0_i32 = arith.constant 0 : i32
    %c0_i32_0 = arith.constant 0 : i32
    return %arg0, %c0_i32 : i32, i32
  }
  func.func @transform_5(%arg0: i32) -> i32 {
    %c0_i32 = arith.constant 0 : i32
    %c0_i32_0 = arith.constant 0 : i32
    return %c0_i32 : i32
  }
  func.func @transform_6(%arg0: i32) -> i32 {
    %c0_i32 = arith.constant 0 : i32
    %c0_i32_0 = arith.constant 0 : i32
    return %c0_i32 : i32
  }
  func.func @transform_7(%arg0: i32) -> (i32, i32) {
    %c0_i32 = arith.constant 0 : i32
    %c0_i32_0 = arith.constant 0 : i32
    %c0_i32_1 = arith.constant 0 : i32
    return %c0_i32, %c0_i32_0 : i32, i32
  }
}

module attributes {stable_mosaic.version = 14 : i64} {
  func.func @_tc_mid_body(%arg0: i32, %arg1: memref<2x1280x128xf32, #tpu.memory_space<vmem>>, %arg2: memref<2x10240xf32, #tpu.memory_space<vmem>>, %arg3: memref<10240xf32, #tpu.memory_space<vmem>>, %arg4: memref<10240xf32, #tpu.memory_space<vmem>>, %arg5: memref<2x128xf32, #tpu.memory_space<vmem>>, %arg6: memref<1280x128xf32, #tpu.memory_space<vmem>>, %arg7: memref<1x128xf32, #tpu.memory_space<vmem>>, %arg8: memref<128x128xf32, #tpu.memory_space<vmem>>, %arg9: memref<1x128xf32, #tpu.memory_space<vmem>>, %arg10: memref<1x128xf32, #tpu.memory_space<vmem>>, %arg11: memref<1280x128xf32, #tpu.memory_space<vmem>>, %arg12: memref<10240xf32, #tpu.memory_space<vmem>>, %arg13: memref<10240xf32, #tpu.memory_space<vmem>>, %arg14: memref<2x128xf32, #tpu.memory_space<vmem>>) attributes {dimension_semantics = [#tpu.dimension_semantics<arbitrary>], iteration_bounds = array<i64: 8>, scalar_prefetch = 0 : i64, scratch_operands = 0 : i64, tpu.core_type = #tpu.core_type<tc>, window_params = [{transform_indices = @transform_0, window_bounds = array<i64: 2, 1280, 128>}, {pipeline_mode = #tpu.pipeline_mode<synchronous>, transform_indices = @transform_1, window_bounds = array<i64: 2, 10240>}, {pipeline_mode = #tpu.pipeline_mode<synchronous>, transform_indices = @transform_2, window_bounds = array<i64: 10240>}, {pipeline_mode = #tpu.pipeline_mode<synchronous>, transform_indices = @transform_3, window_bounds = array<i64: 10240>}, {pipeline_mode = #tpu.pipeline_mode<synchronous>, transform_indices = @transform_4, window_bounds = array<i64: 2, 128>}, {transform_indices = @transform_5, window_bounds = array<i64: 1280, 128>}, {pipeline_mode = #tpu.pipeline_mode<synchronous>, transform_indices = @transform_6, window_bounds = array<i64: 1, 128>}, {pipeline_mode = #tpu.pipeline_mode<synchronous>, transform_indices = @transform_7, window_bounds = array<i64: 128, 128>}, {pipeline_mode = #tpu.pipeline_mode<synchronous>, transform_indices = @transform_8, window_bounds = array<i64: 1, 128>}, {pipeline_mode = #tpu.pipeline_mode<synchronous>, transform_indices = @transform_9, window_bounds = array<i64: 1, 128>}, {transform_indices = @transform_10, window_bounds = array<i64: 1280, 128>}, {pipeline_mode = #tpu.pipeline_mode<synchronous>, transform_indices = @transform_11, window_bounds = array<i64: 10240>}, {pipeline_mode = #tpu.pipeline_mode<synchronous>, transform_indices = @transform_12, window_bounds = array<i64: 10240>}, {pipeline_mode = #tpu.pipeline_mode<synchronous>, transform_indices = @transform_13, window_bounds = array<i64: 2, 128>}]} {
    %mul3A = arith.constant 1280 : i32
    %mul3A_0 = arith.muli %arg0, %mul3A : i32
    %get3A = arith.constant 0 : index
    %get3A_1 = arith.constant 0 : index
    %get3A_2 = arith.constant 0 : index
    %get3A_3 = vector.load %arg1[%get3A, %get3A_1, %get3A_2] : memref<2x1280x128xf32, #tpu.memory_space<vmem>>, vector<2x1280x128xf32>
    %get3A_4 = arith.constant 0 : index
    %get3A_5 = arith.index_cast %mul3A_0 : i32 to index
    %get3A_6 = vector.load %arg2[%get3A_4, %get3A_5] : memref<2x10240xf32, #tpu.memory_space<vmem>>, vector<2x1280xf32>
    %get3A_7 = arith.index_cast %mul3A_0 : i32 to index
    %get3A_8 = vector.load %arg3[%get3A_7] : memref<10240xf32, #tpu.memory_space<vmem>>, vector<1280xf32>
    %get3A_9 = arith.index_cast %mul3A_0 : i32 to index
    %get3A_10 = vector.load %arg4[%get3A_9] : memref<10240xf32, #tpu.memory_space<vmem>>, vector<1280xf32>
    %get3A_11 = arith.constant 0 : index
    %get3A_12 = arith.constant 0 : index
    %get3A_13 = vector.load %arg5[%get3A_11, %get3A_12] : memref<2x128xf32, #tpu.memory_space<vmem>>, vector<2x128xf32>
    %get3A_14 = arith.constant 0 : index
    %get3A_15 = arith.constant 0 : index
    %get3A_16 = vector.load %arg6[%get3A_14, %get3A_15] : memref<1280x128xf32, #tpu.memory_space<vmem>>, vector<1280x128xf32>
    %get3A_17 = arith.constant 0 : index
    %get3A_18 = arith.constant 0 : index
    %get3A_19 = vector.load %arg7[%get3A_17, %get3A_18] : memref<1x128xf32, #tpu.memory_space<vmem>>, vector<1x128xf32>
    %slice3A = vector.extract_strided_slice %get3A_13 {offsets = [0, 0], sizes = [1, 1], strides = [1, 1]} : vector<2x128xf32> to vector<1x1xf32>
    %squeeze3A = vector.extract %slice3A[0, 0] : f32 from vector<1x1xf32>
    %slice3A_20 = vector.extract_strided_slice %get3A_13 {offsets = [1, 0], sizes = [1, 1], strides = [1, 1]} : vector<2x128xf32> to vector<1x1xf32>
    %squeeze3A_21 = vector.extract %slice3A_20[0, 0] : f32 from vector<1x1xf32>
    %add3A = arith.addf %squeeze3A, %squeeze3A_21 : f32
    %ge3A = arith.constant 0.000000e+00 : f32
    %ge3A_22 = arith.cmpf oge, %add3A, %ge3A : f32
    %mul3A_23 = arith.constant 2.000000e-01 : f32
    %mul3A_24 = arith.mulf %mul3A_23, %add3A : f32
    %select_n3A = arith.select %ge3A_22, %add3A, %mul3A_24 : f32
    %add3A_25 = arith.addf %get3A_8, %get3A_10 : vector<1280xf32>
    %ge3A_26 = arith.constant 0.000000e+00 : f32
    %ge3A_27 = vector.broadcast %ge3A_26 : f32 to vector<1280xf32>
    %ge3A_28 = arith.cmpf oge, %add3A_25, %ge3A_27 : vector<1280xf32>
    %mul3A_29 = arith.constant 2.000000e-01 : f32
    %mul3A_30 = vector.broadcast %mul3A_29 : f32 to vector<1280xf32>
    %mul3A_31 = arith.mulf %mul3A_30, %add3A_25 : vector<1280xf32>
    %select_n3A_32 = arith.select %ge3A_28, %add3A_25, %mul3A_31 : vector<1280xi1>, vector<1280xf32>
    %sub3A = vector.broadcast %select_n3A : f32 to vector<1280xf32>
    %sub3A_33 = arith.subf %select_n3A_32, %sub3A : vector<1280xf32>
    %exp3A = math.exp %sub3A_33 : vector<1280xf32>
    %slice3A_34 = vector.extract_strided_slice %get3A_6 {offsets = [0, 0], sizes = [1, 1280], strides = [1, 1]} : vector<2x1280xf32> to vector<1x1280xf32>
    %squeeze3A_35 = vector.shape_cast %slice3A_34 : vector<1x1280xf32> to vector<1280xf32>
    %slice3A_36 = vector.extract_strided_slice %get3A_6 {offsets = [1, 0], sizes = [1, 1280], strides = [1, 1]} : vector<2x1280xf32> to vector<1x1280xf32>
    %squeeze3A_37 = vector.shape_cast %slice3A_36 : vector<1x1280xf32> to vector<1280xf32>
    %add3A_38 = arith.addf %squeeze3A_35, %squeeze3A_37 : vector<1280xf32>
    %add3A_39 = arith.addf %add3A_38, %exp3A : vector<1280xf32>
    %add3A_40 = arith.constant 1.000000e-16 : f32
    %add3A_41 = vector.broadcast %add3A_40 : f32 to vector<1280xf32>
    %add3A_42 = arith.addf %add3A_39, %add3A_41 : vector<1280xf32>
    %slice3A_43 = vector.extract_strided_slice %get3A_3 {offsets = [0, 0, 0], sizes = [1, 1280, 128], strides = [1, 1, 1]} : vector<2x1280x128xf32> to vector<1x1280x128xf32>
    %squeeze3A_44 = vector.shape_cast %slice3A_43 : vector<1x1280x128xf32> to vector<1280x128xf32>
    %slice3A_45 = vector.extract_strided_slice %get3A_3 {offsets = [1, 0, 0], sizes = [1, 1280, 128], strides = [1, 1, 1]} : vector<2x1280x128xf32> to vector<1x1280x128xf32>
    %squeeze3A_46 = vector.shape_cast %slice3A_45 : vector<1x1280x128xf32> to vector<1280x128xf32>
    %add3A_47 = arith.addf %squeeze3A_44, %squeeze3A_46 : vector<1280x128xf32>
    %broadcast_in_dim3A = vector.shape_cast %exp3A : vector<1280xf32> to vector<1280x1xf32>
    %mul3A_48 = vector.broadcast %broadcast_in_dim3A : vector<1280x1xf32> to vector<1280x128xf32>
    %mul3A_49 = arith.mulf %mul3A_48, %get3A_16 : vector<1280x128xf32>
    %add3A_50 = arith.addf %add3A_47, %mul3A_49 : vector<1280x128xf32>
    %broadcast_in_dim3A_51 = vector.shape_cast %add3A_42 : vector<1280xf32> to vector<1280x1xf32>
    %div3A = vector.broadcast %broadcast_in_dim3A_51 : vector<1280x1xf32> to vector<1280x128xf32>
    %div3A_52 = arith.divf %add3A_50, %div3A : vector<1280x128xf32>
    %add3A_53 = vector.broadcast %get3A_19 : vector<1x128xf32> to vector<1280x128xf32>
    %add3A_54 = arith.addf %div3A_52, %add3A_53 : vector<1280x128xf32>
    %max3A = arith.constant 0.000000e+00 : f32
    %max3A_55 = vector.broadcast %max3A : f32 to vector<1280x128xf32>
    %max3A_56 = arith.maximumf %add3A_54, %max3A_55 : vector<1280x128xf32>
    %get3A_57 = arith.constant 0 : index
    %get3A_58 = arith.constant 0 : index
    %get3A_59 = vector.load %arg8[%get3A_57, %get3A_58] : memref<128x128xf32, #tpu.memory_space<vmem>>, vector<128x128xf32>
    %dot_general3A = arith.constant dense<0.000000e+00> : vector<1280x128xf32>
    %dot_general3A_60 = tpu.matmul %max3A_56, %get3A_59, %dot_general3A {dimension_numbers = #tpu.dot_dimension_numbers<[1], [0], [0], [1], [0, 0, 1, 1], [], []>, precision = #tpu.contract_precision<fp32>, transpose_lhs_hint = false} : vector<1280x128xf32>, vector<128x128xf32>, vector<1280x128xf32> -> vector<1280x128xf32>
    %swap3A = arith.constant 0 : index
    %swap3A_61 = arith.constant 0 : index
    %swap3A_62 = vector.load %arg11[%swap3A, %swap3A_61] : memref<1280x128xf32, #tpu.memory_space<vmem>>, vector<1280x128xf32>
    tpu.vector_store %arg11[%swap3A, %swap3A_61], %dot_general3A_60 {strides = array<i32>} : memref<1280x128xf32, #tpu.memory_space<vmem>>, vector<1280x128xf32>,
    %get3A_63 = arith.constant 0 : index
    %get3A_64 = arith.constant 0 : index
    %get3A_65 = vector.load %arg9[%get3A_63, %get3A_64] : memref<1x128xf32, #tpu.memory_space<vmem>>, vector<1x128xf32>
    %mul3A_66 = vector.broadcast %get3A_65 : vector<1x128xf32> to vector<1280x128xf32>
    %mul3A_67 = arith.mulf %dot_general3A_60, %mul3A_66 : vector<1280x128xf32>
    %reduce_sum3A = arith.constant dense<0.000000e+00> : vector<1280xf32>
    %reduce_sum3A_68 = vector.multi_reduction <add>, %mul3A_67, %reduce_sum3A [1] : vector<1280x128xf32> to vector<1280xf32>
    %get3A_69 = arith.constant 0 : index
    %get3A_70 = arith.constant 0 : index
    %get3A_71 = vector.load %arg10[%get3A_69, %get3A_70] : memref<1x128xf32, #tpu.memory_space<vmem>>, vector<1x128xf32>
    %mul3A_72 = vector.broadcast %get3A_71 : vector<1x128xf32> to vector<1280x128xf32>
    %mul3A_73 = arith.mulf %dot_general3A_60, %mul3A_72 : vector<1280x128xf32>
    %reduce_sum3A_74 = arith.constant dense<0.000000e+00> : vector<1280xf32>
    %reduce_sum3A_75 = vector.multi_reduction <add>, %mul3A_73, %reduce_sum3A_74 [1] : vector<1280x128xf32> to vector<1280xf32>
    %swap3A_76 = arith.index_cast %mul3A_0 : i32 to index
    %swap3A_77 = vector.load %arg12[%swap3A_76] : memref<10240xf32, #tpu.memory_space<vmem>>, vector<1280xf32>
    tpu.vector_store %arg12[%swap3A_76], %reduce_sum3A_68 {strides = array<i32>} : memref<10240xf32, #tpu.memory_space<vmem>>, vector<1280xf32>,
    %swap3A_78 = arith.index_cast %mul3A_0 : i32 to index
    %swap3A_79 = vector.load %arg13[%swap3A_78] : memref<10240xf32, #tpu.memory_space<vmem>>, vector<1280xf32>
    tpu.vector_store %arg13[%swap3A_78], %reduce_sum3A_75 {strides = array<i32>} : memref<10240xf32, #tpu.memory_space<vmem>>, vector<1280xf32>,
    %reduce_max3A = vector.shape_cast %reduce_sum3A_68 : vector<1280xf32> to vector<1x1280xf32>
    %reduce_max3A_80 = arith.constant dense<0xFF800000> : vector<1xf32>
    %reduce_max3A_81 = vector.multi_reduction <maximumf>, %reduce_max3A, %reduce_max3A_80 [1] : vector<1x1280xf32> to vector<1xf32>
    %reduce_max3A_82 = vector.shape_cast %reduce_max3A_81 : vector<1xf32> to vector<1x1xf32>
    %reduce_max3A_83 = vector.extract %reduce_max3A_82[0, 0] : f32 from vector<1x1xf32>
    %broadcast_in_dim3A_84 = vector.broadcast %reduce_max3A_83 : f32 to vector<1x128xf32>
    %reduce_max3A_85 = vector.shape_cast %reduce_sum3A_75 : vector<1280xf32> to vector<1x1280xf32>
    %reduce_max3A_86 = arith.constant dense<0xFF800000> : vector<1xf32>
    %reduce_max3A_87 = vector.multi_reduction <maximumf>, %reduce_max3A_85, %reduce_max3A_86 [1] : vector<1x1280xf32> to vector<1xf32>
    %reduce_max3A_88 = vector.shape_cast %reduce_max3A_87 : vector<1xf32> to vector<1x1xf32>
    %reduce_max3A_89 = vector.extract %reduce_max3A_88[0, 0] : f32 from vector<1x1xf32>
    %broadcast_in_dim3A_90 = vector.broadcast %reduce_max3A_89 : f32 to vector<1x128xf32>
    %concatenate3A = tpu.concatenate %broadcast_in_dim3A_84, %broadcast_in_dim3A_90 in 0 : vector<1x128xf32>, vector<1x128xf32> -> vector<2x128xf32>
    %eq3A = arith.constant 0 : i32
    %eq3A_91 = arith.cmpi eq, %arg0, %eq3A : i32
    %convert_element_type3A = arith.extui %eq3A_91 : i1 to i32
    %cond3A = arith.constant 0 : i32
    %cond3A_92 = arith.cmpi ne, %convert_element_type3A, %cond3A : i32
    scf.if %cond3A_92 {
      %swap3A_97 = arith.constant 0 : index
      %swap3A_98 = arith.constant 0 : index
      %swap3A_99 = vector.load %arg14[%swap3A_97, %swap3A_98] : memref<2x128xf32, #tpu.memory_space<vmem>>, vector<2x128xf32>
      tpu.vector_store %arg14[%swap3A_97, %swap3A_98], %concatenate3A {strides = array<i32>} : memref<2x128xf32, #tpu.memory_space<vmem>>, vector<2x128xf32>,
    } else {
    }
    %gt3A = arith.constant 0 : i32
    %gt3A_93 = arith.cmpi sgt, %arg0, %gt3A : i32
    %convert_element_type3A_94 = arith.extui %gt3A_93 : i1 to i32
    %cond3A_95 = arith.constant 0 : i32
    %cond3A_96 = arith.cmpi ne, %convert_element_type3A_94, %cond3A_95 : i32
    scf.if %cond3A_96 {
      %get3A_97 = arith.constant 0 : index
      %get3A_98 = arith.constant 0 : index
      %get3A_99 = vector.load %arg14[%get3A_97, %get3A_98] : memref<2x128xf32, #tpu.memory_space<vmem>>, vector<2x128xf32>
      %max3A_100 = arith.maximumf %get3A_99, %concatenate3A : vector<2x128xf32>
      %swap3A_101 = arith.constant 0 : index
      %swap3A_102 = arith.constant 0 : index
      %swap3A_103 = vector.load %arg14[%swap3A_101, %swap3A_102] : memref<2x128xf32, #tpu.memory_space<vmem>>, vector<2x128xf32>
      tpu.vector_store %arg14[%swap3A_101, %swap3A_102], %max3A_100 {strides = array<i32>} : memref<2x128xf32, #tpu.memory_space<vmem>>, vector<2x128xf32>,
    } else {
    }
    return
  }
  func.func @transform_0(%arg0: i32) -> (i32, i32, i32) {
    %c0_i32 = arith.constant 0 : i32
    %c0_i32_0 = arith.constant 0 : i32
    %c0_i32_1 = arith.constant 0 : i32
    return %c0_i32, %arg0, %c0_i32_0 : i32, i32, i32
  }
  func.func @transform_1(%arg0: i32) -> (i32, i32) {
    %c0_i32 = arith.constant 0 : i32
    %c0_i32_0 = arith.constant 0 : i32
    %c0_i32_1 = arith.constant 0 : i32
    return %c0_i32, %c0_i32_0 : i32, i32
  }
  func.func @transform_2(%arg0: i32) -> i32 {
    %c0_i32 = arith.constant 0 : i32
    %c0_i32_0 = arith.constant 0 : i32
    return %c0_i32 : i32
  }
  func.func @transform_3(%arg0: i32) -> i32 {
    %c0_i32 = arith.constant 0 : i32
    %c0_i32_0 = arith.constant 0 : i32
    return %c0_i32 : i32
  }
  func.func @transform_4(%arg0: i32) -> (i32, i32) {
    %c0_i32 = arith.constant 0 : i32
    %c0_i32_0 = arith.constant 0 : i32
    %c0_i32_1 = arith.constant 0 : i32
    return %c0_i32, %c0_i32_0 : i32, i32
  }
  func.func @transform_5(%arg0: i32) -> (i32, i32) {
    %c0_i32 = arith.constant 0 : i32
    %c0_i32_0 = arith.constant 0 : i32
    return %arg0, %c0_i32 : i32, i32
  }
  func.func @transform_6(%arg0: i32) -> (i32, i32) {
    %c0_i32 = arith.constant 0 : i32
    %c0_i32_0 = arith.constant 0 : i32
    %c0_i32_1 = arith.constant 0 : i32
    return %c0_i32, %c0_i32_0 : i32, i32
  }
  func.func @transform_7(%arg0: i32) -> (i32, i32) {
    %c0_i32 = arith.constant 0 : i32
    %c0_i32_0 = arith.constant 0 : i32
    %c0_i32_1 = arith.constant 0 : i32
    return %c0_i32, %c0_i32_0 : i32, i32
  }
  func.func @transform_8(%arg0: i32) -> (i32, i32) {
    %c0_i32 = arith.constant 0 : i32
    %c0_i32_0 = arith.constant 0 : i32
    %c0_i32_1 = arith.constant 0 : i32
    return %c0_i32, %c0_i32_0 : i32, i32
  }
  func.func @transform_9(%arg0: i32) -> (i32, i32) {
    %c0_i32 = arith.constant 0 : i32
    %c0_i32_0 = arith.constant 0 : i32
    %c0_i32_1 = arith.constant 0 : i32
    return %c0_i32, %c0_i32_0 : i32, i32
  }
  func.func @transform_10(%arg0: i32) -> (i32, i32) {
    %c0_i32 = arith.constant 0 : i32
    %c0_i32_0 = arith.constant 0 : i32
    return %arg0, %c0_i32 : i32, i32
  }
  func.func @transform_11(%arg0: i32) -> i32 {
    %c0_i32 = arith.constant 0 : i32
    %c0_i32_0 = arith.constant 0 : i32
    return %c0_i32 : i32
  }
  func.func @transform_12(%arg0: i32) -> i32 {
    %c0_i32 = arith.constant 0 : i32
    %c0_i32_0 = arith.constant 0 : i32
    return %c0_i32 : i32
  }
  func.func @transform_13(%arg0: i32) -> (i32, i32) {
    %c0_i32 = arith.constant 0 : i32
    %c0_i32_0 = arith.constant 0 : i32
    %c0_i32_1 = arith.constant 0 : i32
    return %c0_i32, %c0_i32_0 : i32, i32
  }
}

module attributes {stable_mosaic.version = 14 : i64} {
  func.func @_tc_final_body(%arg0: i32, %arg1: memref<2x1280x128xf32, #tpu.memory_space<vmem>>, %arg2: memref<2x10240xf32, #tpu.memory_space<vmem>>, %arg3: memref<10240xf32, #tpu.memory_space<vmem>>, %arg4: memref<10240xf32, #tpu.memory_space<vmem>>, %arg5: memref<2x128xf32, #tpu.memory_space<vmem>>, %arg6: memref<1280x128xf32, #tpu.memory_space<vmem>>, %arg7: memref<1x128xf32, #tpu.memory_space<vmem>>, %arg8: memref<1280x128xf32, #tpu.memory_space<vmem>>) attributes {dimension_semantics = [#tpu.dimension_semantics<arbitrary>], iteration_bounds = array<i64: 8>, scalar_prefetch = 0 : i64, scratch_operands = 0 : i64, tpu.core_type = #tpu.core_type<tc>, window_params = [{transform_indices = @transform_0, window_bounds = array<i64: 2, 1280, 128>}, {pipeline_mode = #tpu.pipeline_mode<synchronous>, transform_indices = @transform_1, window_bounds = array<i64: 2, 10240>}, {pipeline_mode = #tpu.pipeline_mode<synchronous>, transform_indices = @transform_2, window_bounds = array<i64: 10240>}, {pipeline_mode = #tpu.pipeline_mode<synchronous>, transform_indices = @transform_3, window_bounds = array<i64: 10240>}, {pipeline_mode = #tpu.pipeline_mode<synchronous>, transform_indices = @transform_4, window_bounds = array<i64: 2, 128>}, {transform_indices = @transform_5, window_bounds = array<i64: 1280, 128>}, {pipeline_mode = #tpu.pipeline_mode<synchronous>, transform_indices = @transform_6, window_bounds = array<i64: 1, 128>}, {transform_indices = @transform_7, window_bounds = array<i64: 1280, 128>}]} {
    %mul3A = arith.constant 1280 : i32
    %mul3A_0 = arith.muli %arg0, %mul3A : i32
    %get3A = arith.constant 0 : index
    %get3A_1 = arith.constant 0 : index
    %get3A_2 = arith.constant 0 : index
    %get3A_3 = vector.load %arg1[%get3A, %get3A_1, %get3A_2] : memref<2x1280x128xf32, #tpu.memory_space<vmem>>, vector<2x1280x128xf32>
    %get3A_4 = arith.constant 0 : index
    %get3A_5 = arith.index_cast %mul3A_0 : i32 to index
    %get3A_6 = vector.load %arg2[%get3A_4, %get3A_5] : memref<2x10240xf32, #tpu.memory_space<vmem>>, vector<2x1280xf32>
    %get3A_7 = arith.index_cast %mul3A_0 : i32 to index
    %get3A_8 = vector.load %arg3[%get3A_7] : memref<10240xf32, #tpu.memory_space<vmem>>, vector<1280xf32>
    %get3A_9 = arith.index_cast %mul3A_0 : i32 to index
    %get3A_10 = vector.load %arg4[%get3A_9] : memref<10240xf32, #tpu.memory_space<vmem>>, vector<1280xf32>
    %get3A_11 = arith.constant 0 : index
    %get3A_12 = arith.constant 0 : index
    %get3A_13 = vector.load %arg5[%get3A_11, %get3A_12] : memref<2x128xf32, #tpu.memory_space<vmem>>, vector<2x128xf32>
    %get3A_14 = arith.constant 0 : index
    %get3A_15 = arith.constant 0 : index
    %get3A_16 = vector.load %arg6[%get3A_14, %get3A_15] : memref<1280x128xf32, #tpu.memory_space<vmem>>, vector<1280x128xf32>
    %get3A_17 = arith.constant 0 : index
    %get3A_18 = arith.constant 0 : index
    %get3A_19 = vector.load %arg7[%get3A_17, %get3A_18] : memref<1x128xf32, #tpu.memory_space<vmem>>, vector<1x128xf32>
    %slice3A = vector.extract_strided_slice %get3A_13 {offsets = [0, 0], sizes = [1, 1], strides = [1, 1]} : vector<2x128xf32> to vector<1x1xf32>
    %squeeze3A = vector.extract %slice3A[0, 0] : f32 from vector<1x1xf32>
    %slice3A_20 = vector.extract_strided_slice %get3A_13 {offsets = [1, 0], sizes = [1, 1], strides = [1, 1]} : vector<2x128xf32> to vector<1x1xf32>
    %squeeze3A_21 = vector.extract %slice3A_20[0, 0] : f32 from vector<1x1xf32>
    %add3A = arith.addf %squeeze3A, %squeeze3A_21 : f32
    %ge3A = arith.constant 0.000000e+00 : f32
    %ge3A_22 = arith.cmpf oge, %add3A, %ge3A : f32
    %mul3A_23 = arith.constant 2.000000e-01 : f32
    %mul3A_24 = arith.mulf %mul3A_23, %add3A : f32
    %select_n3A = arith.select %ge3A_22, %add3A, %mul3A_24 : f32
    %add3A_25 = arith.addf %get3A_8, %get3A_10 : vector<1280xf32>
    %ge3A_26 = arith.constant 0.000000e+00 : f32
    %ge3A_27 = vector.broadcast %ge3A_26 : f32 to vector<1280xf32>
    %ge3A_28 = arith.cmpf oge, %add3A_25, %ge3A_27 : vector<1280xf32>
    %mul3A_29 = arith.constant 2.000000e-01 : f32
    %mul3A_30 = vector.broadcast %mul3A_29 : f32 to vector<1280xf32>
    %mul3A_31 = arith.mulf %mul3A_30, %add3A_25 : vector<1280xf32>
    %select_n3A_32 = arith.select %ge3A_28, %add3A_25, %mul3A_31 : vector<1280xi1>, vector<1280xf32>
    %sub3A = vector.broadcast %select_n3A : f32 to vector<1280xf32>
    %sub3A_33 = arith.subf %select_n3A_32, %sub3A : vector<1280xf32>
    %exp3A = math.exp %sub3A_33 : vector<1280xf32>
    %slice3A_34 = vector.extract_strided_slice %get3A_6 {offsets = [0, 0], sizes = [1, 1280], strides = [1, 1]} : vector<2x1280xf32> to vector<1x1280xf32>
    %squeeze3A_35 = vector.shape_cast %slice3A_34 : vector<1x1280xf32> to vector<1280xf32>
    %slice3A_36 = vector.extract_strided_slice %get3A_6 {offsets = [1, 0], sizes = [1, 1280], strides = [1, 1]} : vector<2x1280xf32> to vector<1x1280xf32>
    %squeeze3A_37 = vector.shape_cast %slice3A_36 : vector<1x1280xf32> to vector<1280xf32>
    %add3A_38 = arith.addf %squeeze3A_35, %squeeze3A_37 : vector<1280xf32>
    %add3A_39 = arith.addf %add3A_38, %exp3A : vector<1280xf32>
    %add3A_40 = arith.constant 1.000000e-16 : f32
    %add3A_41 = vector.broadcast %add3A_40 : f32 to vector<1280xf32>
    %add3A_42 = arith.addf %add3A_39, %add3A_41 : vector<1280xf32>
    %slice3A_43 = vector.extract_strided_slice %get3A_3 {offsets = [0, 0, 0], sizes = [1, 1280, 128], strides = [1, 1, 1]} : vector<2x1280x128xf32> to vector<1x1280x128xf32>
    %squeeze3A_44 = vector.shape_cast %slice3A_43 : vector<1x1280x128xf32> to vector<1280x128xf32>
    %slice3A_45 = vector.extract_strided_slice %get3A_3 {offsets = [1, 0, 0], sizes = [1, 1280, 128], strides = [1, 1, 1]} : vector<2x1280x128xf32> to vector<1x1280x128xf32>
    %squeeze3A_46 = vector.shape_cast %slice3A_45 : vector<1x1280x128xf32> to vector<1280x128xf32>
    %add3A_47 = arith.addf %squeeze3A_44, %squeeze3A_46 : vector<1280x128xf32>
    %broadcast_in_dim3A = vector.shape_cast %exp3A : vector<1280xf32> to vector<1280x1xf32>
    %mul3A_48 = vector.broadcast %broadcast_in_dim3A : vector<1280x1xf32> to vector<1280x128xf32>
    %mul3A_49 = arith.mulf %mul3A_48, %get3A_16 : vector<1280x128xf32>
    %add3A_50 = arith.addf %add3A_47, %mul3A_49 : vector<1280x128xf32>
    %broadcast_in_dim3A_51 = vector.shape_cast %add3A_42 : vector<1280xf32> to vector<1280x1xf32>
    %div3A = vector.broadcast %broadcast_in_dim3A_51 : vector<1280x1xf32> to vector<1280x128xf32>
    %div3A_52 = arith.divf %add3A_50, %div3A : vector<1280x128xf32>
    %add3A_53 = vector.broadcast %get3A_19 : vector<1x128xf32> to vector<1280x128xf32>
    %add3A_54 = arith.addf %div3A_52, %add3A_53 : vector<1280x128xf32>
    %max3A = arith.constant 0.000000e+00 : f32
    %max3A_55 = vector.broadcast %max3A : f32 to vector<1280x128xf32>
    %max3A_56 = arith.maximumf %add3A_54, %max3A_55 : vector<1280x128xf32>
    %swap3A = arith.constant 0 : index
    %swap3A_57 = arith.constant 0 : index
    %swap3A_58 = vector.load %arg8[%swap3A, %swap3A_57] : memref<1280x128xf32, #tpu.memory_space<vmem>>, vector<1280x128xf32>
    tpu.vector_store %arg8[%swap3A, %swap3A_57], %max3A_56 {strides = array<i32>} : memref<1280x128xf32, #tpu.memory_space<vmem>>, vector<1280x128xf32>,
    return
  }
  func.func @transform_0(%arg0: i32) -> (i32, i32, i32) {
    %c0_i32 = arith.constant 0 : i32
    %c0_i32_0 = arith.constant 0 : i32
    %c0_i32_1 = arith.constant 0 : i32
    return %c0_i32, %arg0, %c0_i32_0 : i32, i32, i32
  }
  func.func @transform_1(%arg0: i32) -> (i32, i32) {
    %c0_i32 = arith.constant 0 : i32
    %c0_i32_0 = arith.constant 0 : i32
    %c0_i32_1 = arith.constant 0 : i32
    return %c0_i32, %c0_i32_0 : i32, i32
  }
  func.func @transform_2(%arg0: i32) -> i32 {
    %c0_i32 = arith.constant 0 : i32
    %c0_i32_0 = arith.constant 0 : i32
    return %c0_i32 : i32
  }
  func.func @transform_3(%arg0: i32) -> i32 {
    %c0_i32 = arith.constant 0 : i32
    %c0_i32_0 = arith.constant 0 : i32
    return %c0_i32 : i32
  }
  func.func @transform_4(%arg0: i32) -> (i32, i32) {
    %c0_i32 = arith.constant 0 : i32
    %c0_i32_0 = arith.constant 0 : i32
    %c0_i32_1 = arith.constant 0 : i32
    return %c0_i32, %c0_i32_0 : i32, i32
  }
  func.func @transform_5(%arg0: i32) -> (i32, i32) {
    %c0_i32 = arith.constant 0 : i32
    %c0_i32_0 = arith.constant 0 : i32
    return %arg0, %c0_i32 : i32, i32
  }
  func.func @transform_6(%arg0: i32) -> (i32, i32) {
    %c0_i32 = arith.constant 0 : i32
    %c0_i32_0 = arith.constant 0 : i32
    %c0_i32_1 = arith.constant 0 : i32
    return %c0_i32, %c0_i32_0 : i32, i32
  }
  func.func @transform_7(%arg0: i32) -> (i32, i32) {
    %c0_i32 = arith.constant 0 : i32
    %c0_i32_0 = arith.constant 0 : i32
    return %arg0, %c0_i32 : i32, i32
  }
}

</mosaic_0001>

<sc_bundles>
// kernel: kernel.10.cloned.1.call-start
scs
__scs_entry_jumppad:
0x0: {  	(pc) =	sbr.rel $0x88, $3  }
0x1: {  	(tag) =	ssettag $0x0;
	lr =	simm.s32 $0x1  }
0x2: {  	[smem:$0x3F97] =	sst lr;
	_ =	strace $0xD0000000  }
0x3: {  	_ = 	snop  }
0x4: {  	_ = 	snop  }
0x5: {  	_ = 	snop  }
0x6: {  	_ = 	snop  }
0x7: {  	_ = 	snop  }
__scs_overlays_trampoline_lowered:
0x8: {  	[smem:$0x3FA6] =	sst s0  }
0x9: {  	[smem:$0x3FA7] =	sst s1  }
0xa: {  	[smem:$0x3FA8] =	sst s2  }
0xb: {  	[smem:$0x3FA9] =	sst s3  }
0xc: {  	[smem:$0x3FAA] =	sst s4  }
0xd: {  	[smem:$0x3FAB] =	sst s5  }
0xe: {  	[smem:$0x3FAC] =	sst s6  }
0xf: {  	[smem:$0x3FAD] =	sst s7  }
0x10: {  	[smem:$0x3FAE] =	sst s8  }
0x11: {  	[smem:$0x3FAF] =	sst s9;
	s0 =	simm.s32 @!p0 $0x0  }
0x12: {  	s1 =	sld [smem:$0x3F95];
	s0 =	simm.s32 @p0 $0x1  }
0x13: {  	[smem:$0x3FB0] =	sst s0;
	s0 =	simm.s32 @!p1 $0x0  }
0x14: {  	s2 =	sld [smem:$0x3F94];
	s0 =	simm.s32 @p1 $0x1  }
0x15: {  	[smem:$0x3FB1] =	sst s0;
	s0 =	simm.s32 @!p2 $0x0  }
0x16: {  	s3 =	sld [smem:$0x3FDB];
	s0 =	simm.s32 @p2 $0x1  }
0x17: {  	s4 =	simm.s32 $0x1BF5;
	[smem:$0x3FB3] =	sst s0  }
0x18: {  	s0 =	sld [smem:$0x3F96];
	_ =	swait.ge [sflag:s4], $0x0  }
0x19: {  	s7 =	sld [smem:$0x3F97]  }
0x1a: {  	s8 =	sadd.s32 $0xFFFFE003, lr  }
0x1b: {  	s9 =	sadd.s32 $0xFFFFFEF7, lr;
	s5 =	simm.s32 $0xFFFFFFFF;
	p2 =	slt.u32 s8, $0xFFFFF086  }
0x1c: {  	p1 =	slt.u32 s9, $0xF7A;
	s5 =	simm.s32 @!p2 $0x0  }
0x1d: {  	s5 =	simm.s32 @p1 $0x1;
	p0 =	seq.s32 s7, s2  }
0x1e: {  	s7 =	smul.u32 @!p0 $0xF7A, s2;
	p2 =	seq.s32 @!p0 s5, $0x0  }
0x1f: {  	s9 =	smul.u32 $0xF7A, s1;
	s8 =	simm.s32 @!p0 $0x1BF5;
	p2 =	por !p2, p0  }
0x20: {  	[sflag:s8] =	ssyncset.s32 @!p0 $0xFFFFF086;
	s6 =	sadd.s32 @!p0 s3, s7;
	s7 =	simm.s32 @!p0 $0x108  }
0x21: {  	s3 =	sadd.s32 s3, s9;
	s6 =	sadd.s32 @!p0 $0x88, s6;
	s7 =	simm.s32 @p2 $0x1082  }
0x22: {  	[simem:s7], [sflag:s8] =	dma.local @!p0 [hbm:s6], $0xF7A  }
0x23: {  	s9 =	sor.u32 $0xD0000000, s2;
	s6 =	simm.s32 $0x108;
	_ =	swait.ge @!p0 [sflag:s8], $0x0  }
0x24: {  	s3 =	sadd.s32 $0x88, s3;
	s6 =	simm.s32 @!p1 $0x1082;
	[sflag:s4] =	ssyncset.s32 $0xFFFFF086  }
0x25: {  	[simem:s6], [sflag:s4] =	dma.local [hbm:s3], $0xF7A  }
0x26: {  	[smem:$0x3F97] =	sst s1;
	(tag) =	ssettag s2;
	_ =	strace s9  }
0x27: {  	s1 =	sld [smem:$0x3FA7]  }
0x28: {  	s2 =	sld [smem:$0x3FA8]  }
0x29: {  	s4 =	sld [smem:$0x3FAA]  }
0x2a: {  	p0 =	seq.s32 s5, $0x0;
	s5 =	sld [smem:$0x3FAB]  }
0x2b: {  	s6 =	sld [smem:$0x3FAC]  }
0x2c: {  	s7 =	sld [smem:$0x3FAD]  }
0x2d: {  	s3 =	simm.s32 $0x108;
	s8 =	sld [smem:$0x3FAE]  }
0x2e: {  	s3 =	simm.s32 @!p0 $0x1082;
	s9 =	sld [smem:$0x3FAF]  }
0x2f: {  	lr =	sadd.s32 s0, s3;
	s0 =	sld [smem:$0x3FA6]  }
0x30: {  	s3 =	sld [smem:$0x3FA9]  }
0x31: {  	[smem:$0x3FB2] =	sst s10  }
0x32: {  	s10 =	sld [smem:$0x3FB0];
	_ =	sdelay $0x3  }
0x33: {  	p0 =	seq.s32 s10, $0x1;
	s10 =	sld [smem:$0x3FB2];
	_ =	sdelay $0x3  }
0x34: {  	[smem:$0x3FB2] =	sst s10  }
0x35: {  	s10 =	sld [smem:$0x3FB1];
	_ =	sdelay $0x3  }
0x36: {  	p1 =	seq.s32 s10, $0x1;
	s10 =	sld [smem:$0x3FB2];
	_ =	sdelay $0x3  }
0x37: {  	[smem:$0x3FB2] =	sst s10  }
0x38: {  	s10 =	sld [smem:$0x3FB3]  }
0x39: {  	_ = 	snop;
	(pc) =	sbr.ind lr, $3  }
0x3a: {  	_ = 	snop  }
0x3b: {  	_ = 	snop  }
0x3c: {  	p2 =	seq.s32 s10, $0x1;
	s10 =	sld [smem:$0x3FB2]  }
0x3d: {  	_ =	shalt  }
0x3e: {  	_ =	shalt  }
0x3f: {  	_ =	shalt  }
0x40: {  	_ =	shalt  }
0x41: {  	_ =	shalt  }
0x42: {  	_ =	shalt  }
0x43: {  	_ =	shalt  }
0x44: {  	_ =	shalt  }
0x45: {  	_ =	shalt  }
0x46: {  	_ =	shalt  }
0x47: {  	_ =	shalt  }
0x48: {  	_ =	shalt  }
0x49: {  	_ =	shalt  }
0x4a: {  	_ =	shalt  }
0x4b: {  	_ =	shalt  }
0x4c: {  	_ =	shalt  }
0x4d: {  	_ =	shalt  }
0x4e: {  	_ =	shalt  }
0x4f: {  	_ =	shalt  }
0x50: {  	_ =	shalt  }
0x51: {  	_ =	shalt  }
0x52: {  	_ =	shalt  }
0x53: {  	_ =	shalt  }
0x54: {  	_ =	shalt  }
0x55: {  	_ =	shalt  }
0x56: {  	_ =	shalt  }
0x57: {  	_ =	shalt  }
0x58: {  	_ =	shalt  }
0x59: {  	_ =	shalt  }
0x5a: {  	_ =	shalt  }
0x5b: {  	_ =	shalt  }
0x5c: {  	_ =	shalt  }
0x5d: {  	_ =	shalt  }
0x5e: {  	_ =	shalt  }
0x5f: {  	_ =	shalt  }
0x60: {  	_ =	shalt  }
0x61: {  	_ =	shalt  }
0x62: {  	_ =	shalt  }
0x63: {  	_ =	shalt  }
0x64: {  	_ =	shalt  }
0x65: {  	_ =	shalt  }
0x66: {  	_ =	shalt  }
0x67: {  	_ =	shalt  }
0x68: {  	_ =	shalt  }
0x69: {  	_ =	shalt  }
0x6a: {  	_ =	shalt  }
0x6b: {  	_ =	shalt  }
0x6c: {  	_ =	shalt  }
0x6d: {  	_ =	shalt  }
0x6e: {  	_ =	shalt  }
0x6f: {  	_ =	shalt  }
0x70: {  	_ =	shalt  }
0x71: {  	_ =	shalt  }
0x72: {  	_ =	shalt  }
0x73: {  	_ =	shalt  }
0x74: {  	_ =	shalt  }
0x75: {  	_ =	shalt  }
0x76: {  	_ =	shalt  }
0x77: {  	_ =	shalt  }
0x78: {  	_ =	shalt  }
0x79: {  	_ =	shalt  }
0x7a: {  	_ =	shalt  }
0x7b: {  	_ =	shalt  }
0x7c: {  	_ =	shalt  }
0x7d: {  	_ =	shalt  }
0x7e: {  	_ =	shalt  }
0x7f: {  	_ =	shalt  }
0x80: {  	_ =	shalt  }
0x81: {  	_ =	shalt  }
0x82: {  	_ =	shalt  }
0x83: {  	_ =	shalt  }
0x84: {  	_ =	shalt  }
0x85: {  	_ =	shalt  }
0x86: {  	_ =	shalt  }
0x87: {  	_ =	shalt  }
.Lfunc_end0:
.L_simem_size_0:
called_computation.1_lowered:
.L_overlay_start_0:
0x88: {  	s2 =	sld [smem:$0x3FD9]  }
0x89: {  	s3 =	sld [smem:$0x3FFE];
	_ =	sdelay $0x1  }
0x8a: {  	s1 =	srdreg.scid  }
0x8b: {  	s0 =	sand.u32 $0x1, s1  }
0x8c: {  	s17 =	sshll.u32 s0, $0xA;
	s2 =	sadd.s32 s3, s2  }
0x8d: {  	s2 =	sadd.s32 s2, s17  }
0x8e: {  	[smem:$0x3FBE] =	sst s2  }
0x8f: {  	_ = 	snop  }
0x90: {  	s2 =	sld [smem:$0x3FD0];
	(tm) =	ssettm $0x1  }
0x91: {  	s18 =	sld [smem:$0x3FFB];
	_ =	sdelay $0x3  }
0x92: {  	_ =	strace s18  }
0x93: {  	s3 =	sld [smem:$0x3FFC];
	_ =	sdelay $0x3  }
0x94: {  	_ =	strace s3  }
0x95: {  	s3 =	sld [smem:$0x3FFD];
	_ =	sdelay $0x3  }
0x96: {  	_ =	strace s3  }
0x97: {  	_ =	strace $0x8FFFFFFF  }
0x98: {  	s19 =	sld [smem:$0x3FDB];
	_ =	sdelay $0x1  }
0x99: {  	s4 =	simm.s32 $_scs_section_size  }
0x9a: {  	s5 =	simm.s32 $_size__tile_overlayer_lowered;
	s6 =	simm.s32 $_tile_overlayer_lowered  }
0x9b: {  	s22 =	simm.s32 $0x1BFF;
	s21 =	sshll.u32 s6, $0x1;
	s3 =	sadd.s32 s4, s19  }
0x9c: {  	s7 =	simm.s32 $0x0;
	s20 =	sshll.u32 s5, $0x1;
	s5 =	sadd.s32 s21, s3  }
0x9d: {  	[timem:s7], [sflag:s22] =	dma.local [hbm:s5], s20  }
0x9e: {  	_ =	swait.ge [sflag:s22], s20  }
0x9f: {  	s4 =	ssub.s32 $0x0, s20;
	[sflag:s22] =	ssyncset.done $0x0  }
0xa0: {  	[sflag:s22] =	ssyncadd.s32 s4;
	_ =	sdelay $0x1  }
0xa1: {  	s23 =	simm.s32 $0x1B8B  }
0xa2: {  	_ =	swait.ge [sflag:s23], $0x1  }
0xa3: {  	[sflag:s23] =	ssyncset.done $0x0  }
0xa4: {  	s25 =	simm.s32 $0x1B8E;
	s24 =	sld [smem:$0x3FFE];
	[sflag:s23] =	ssyncadd.s32 $0xFFFFFFFF  }
0xa5: {  	s26 =	simm.s32 $execute0_lowered;
	[smem:$0x3FD2] =	sst s25  }
0xa6: {  	s5 =	sshll.u32 s26, $0x1;
	_ =	strace $0x80000049;
	[dreg:$0x1] =	wrdreg $0xFFFFFFFF  }
0xa7: {  	s28 =	simm.s32 $_size_execute0_lowered;
	s3 =	sadd.s32 s3, s5;
	[dreg:$0x0] =	wrdreg $0x0  }
0xa8: {  	s5 =	sshll.u32 s28, $0x1;
	[dreg:$0x2] =	wrdreg s3  }
0xa9: {  	[dreg:$0x3] =	wrdreg s5  }
0xaa: {  	[dreg:$0x4] =	wrdreg $0xC0  }
0xab: {  	_ =	task [dreg:s7], $0x5FFFF  }
0xac: {  	[dreg:$0x1] =	wrdreg $0xFFFFFFFF  }
0xad: {  	[dreg:$0x0] =	wrdreg $0x60  }
0xae: {  	[dreg:$0x2] =	wrdreg s24  }
0xaf: {  	[dreg:$0x3] =	wrdreg s2  }
0xb0: {  	[dreg:$0x4] =	wrdreg $0xA6A00  }
0xb1: {  	[dreg:$0x5] =	wrdreg $0xA9200  }
0xb2: {  	[dreg:$0x6] =	wrdreg $0xABA00  }
0xb3: {  	[dreg:$0x7] =	wrdreg $0x1EBA00  }
0xb4: {  	[dreg:$0x8] =	wrdreg $0x9  }
0xb5: {  	_ =	task.clear_ibuf [dreg:s7], $0x9FFFF;
	_ =	strace $0x90000049  }
0xb6: {  	s29 =	simm.s32 $0x9;
	_ =	strace $0x8000004B  }
0xb7: {  	_ =	swait.ge [sflag:s29], $0x1  }
0xb8: {  	[sflag:s29] =	ssyncadd.s32 $0xFFFFFFFF  }
0xb9: {  	_ =	strace $0x9000004B  }
0xba: {  	_ =	sfence  }
0xbb: {  	s30 =	sld [smem:$0x0];
	_ =	sdelay $0x2  }
0xbc: {  	s31 =	sshll.u32 s1, $0xD;
	s1 =	sshrl.u32 s1, $0x2  }
0xbd: {  	s3 =	sand.u32 $0x4000, s31;
	s1 =	sadd.s32 s1, s30  }
0xbe: {  	s0 =	sor.u32 s3, s0;
	s1 =	sshll.u32 s1, $0x11  }
0xbf: {  	s0 =	sor.u32 s1, s0  }
0xc0: {  	s0 =	sadd.s32 $0x8F2B, s0  }
0xc1: {  	[sflag:s0] =	ssyncadd.remote.s32 $0x1  }
0xc2: {  	_ =	sfence.sel $0xFFFF  }
0xc3: {  	[dreg:$0x0] =	wrdreg $0xFFFFFFFF;
	(pc) =	sbr.abs _section_cstart, $3  }
0xc4: {  	[dreg:$0x1] =	wrdreg $0xFFFFFFFF  }
0xc5: {  	_ =	task.clear_ibuf [dreg:s7], $0x2FFFF;
	_ =	strace $0x9FFFFFFF  }
0xc6: {  	(tm) =	ssettm $0x7FFFFFFF  }
0xc7: {  	_ =	shalt  }
tec
execute0_lowered:
.L_overlay_start_1:
0x0: {  	(tag) =	ssettag $0x1  }
0x1: {  	s0 =	rddreg [dreg:$0x0]  }
0x2: {  	s1 =	rddreg [dreg:$0x1]  }
0x3: {  	s2 =	rddreg [dreg:$0x2]  }
0x4: {  	s3 =	rddreg [dreg:$0x3]  }
0x5: {  	s4 =	rddreg [dreg:$0x4]  }
0x6: {  	s6 =	rddreg [dreg:$0x5]  }
0x7: {  	s7 =	simm.s32 $0x0;
	s16 =	stileid.u32;
	s8 =	srdreg.scid  }
0x8: {  	[smem:$0x7FF] =	sst s7;
	s5 =	smul.u32 $0x280, s16;
	s9 =	sand.u32 $0x1, s8  }
0x9: {  	s11 =	smul.u32 $0x14000, s16;
	s8 =	sadd.s32 $0xE600, s0;
	s24 =	sadd.s32 $0x37200, s0  }
0xa: {  	s13 =	sadd.s32 $0x37600, s0;
	_ =	strace $0x8000004A;
	[dreg:$0x7] =	wrdreg s24  }
0xb: {  	s15 =	sadd.s32 $0x37400, s0;
	s12 =	smul.u32 $0x140000, s9;
	[dreg:$0x8] =	wrdreg s13  }
0xc: {  	s25 =	smul.u32 $0x2800, s9;
	[dreg:$0x9] =	wrdreg s15;
	s26 =	sshll.u32 s9, $0x4  }
0xd: {  	s9 =	ssub.s32 $0x2, s9;
	s10 =	sshrl.u32 s5, $0x3;
	s15 =	sor.u32 s16, s26  }
0xe: {  	s17 =	sshrl.u32 s9, $0x1;
	s14 =	sadd.s32 s10, s0;
	s10 =	sadd.s32 $0x4800, s0  }
0xf: {  	s12 =	sadd.s32 s11, s12;
	s13 =	sadd.s32 s5, s25;
	s9 =	ssub.s32 s9, s17  }
0x10: {  	s17 =	sadd.s32 s5, s3;
	s11 =	sadd.s32 s11, s4;
	s12 =	sshrl.u32 s12, $0x3  }
0x11: {  	s28 =	sshrl.u32 s13, $0x3;
	s29 =	sadd.s32 $0x36600, s14;
	[dreg:$0xc] =	wrdreg s11  }
0x12: {  	s13 =	smul.u32 $0x2710, s15;
	s14 =	sadd.s32 $0x36C00, s14;
	[dreg:$0xa] =	wrdreg s29  }
0x13: {  	s15 =	sadd.s32 s5, s2;
	s5 =	sadd.s32 s5, s6;
	[dreg:$0xb] =	wrdreg s14  }
0x14: {  	s12 =	sadd.s32 s12, s0;
	[dreg:$0xd] =	wrdreg s5;
	s29 =	smax.u32 s9, $0x1  }
0x15: {  	s0 =	sadd.s32 s28, s0;
	s28 =	sadd.s32 $0x3A800, s12;
	[dreg:$0x18] =	wrdreg s29  }
0x16: {  	s30 =	sshrl.u32 s13, $0x3;
	s0 =	sadd.s32 $0x39E00, s0;
	[dreg:$0x16] =	wrdreg s28  }
0x17: {  	s31 =	sadd.s32 $0xA, s30;
	s20 =	sadd.s32 s10, s30;
	[dreg:$0x17] =	wrdreg s0  }
0x18: {  	s21 =	sadd.s32 $0x14, s30;
	s22 =	sadd.s32 s1, s30;
	[dreg:$0x10] =	wrdreg s20  }
0x19: {  	s23 =	sadd.s32 $0x1E, s30;
	s30 =	sshrl.u32 s15, $0x3;
	[dreg:$0x11] =	wrdreg s22  }
0x1a: {  	s18 =	sadd.s32 s10, s31;
	[dreg:$0x19] =	wrdreg s30  }
0x1b: {  	s19 =	sadd.s32 s1, s31;
	[dreg:$0xe] =	wrdreg s18  }
0x1c: {  	s16 =	simm.s32 $0xE;
	s24 =	sadd.s32 s10, s21;
	[dreg:$0xf] =	wrdreg s19  }
0x1d: {  	s9 =	simm.s32 $0x50;
	s5 =	sadd.s32 s1, s21;
	[dreg:$0x12] =	wrdreg s24  }
0x1e: {  	s0 =	simm.s32 $0x19;
	s25 =	sadd.s32 s10, s23;
	[dreg:$0x13] =	wrdreg s5  }
0x1f: {  	s15 =	simm.s32 $0xA;
	s26 =	sadd.s32 s1, s23;
	[dreg:$0x14] =	wrdreg s25  }
0x20: {  	v0 =	vimm.s32 $0x0;
	vm0 =	vcmask $0x300;
	s31 =	sshrl.u32 s17, $0x3;
	s17 =	simm.s32 $0x5;
	[dreg:$0x15] =	wrdreg s26  }
0x21: {  	v0 =	vsel vm0, $0x3, v0;
	[dreg:$0x1a] =	wrdreg s31;
	s18 =	simm.s32 $0x7;
	s19 =	simm.s32 $0x0  }
.LBB2_1:
0x22: {  	s5 =	rddreg [dreg:$0x7];
	s11 =	simm.s32 $0x320  }
0x23: {  	[tilespmem:s11], [sflag:$0x19] =	stream.linear.gather [hbm4b:s5+s7], $0x100, $0x38;
	[tilespmem:$0x1EE20] =	vst v63  }
0x24: {  	s22 =	stileid.u32;
	_ =	swait.ge [sflag:s0], $0x100  }
0x25: {  	s5 =	sshll.u32 s22, $0x6;
	[sflag:s0] =	ssyncset.done $0x0;
	s23 =	rddreg [dreg:$0xa]  }
0x26: {  	s20 =	sor.u32 $0x1C19, s5;
	s24 =	rddreg [dreg:$0x19];
	[sflag:s0] =	ssyncadd.s32 $0xFFFFFF00  }
0x27: {  	[spmem:s24], [sflag:s20] =	dma.local [hbm:s23], $0x50  }
0x28: {  	_ =	swait.ge [sflag:s0], $0x50  }
0x29: {  	[sflag:s0] =	ssyncset.done $0x0;
	s25 =	rddreg [dreg:$0xb]  }
0x2a: {  	s26 =	rddreg [dreg:$0x1a];
	[sflag:s0] =	ssyncadd.s32 $0xFFFFFFB0  }
0x2b: {  	[spmem:s26], [sflag:s20] =	dma.local [hbm:s25], $0x50  }
0x2c: {  	_ =	swait.ge [sflag:s0], $0x50  }
0x2d: {  	[sflag:s0] =	ssyncset.done $0x0;
	s28 =	rddreg [dreg:$0xc]  }
0x2e: {  	s29 =	rddreg [dreg:$0x8];
	[sflag:s0] =	ssyncadd.s32 $0xFFFFFFB0;
	s5 =	sshrl.u32 s28, $0x3  }
0x2f: {  	[spmem:s5], [sflag:s20] =	dma.local [hbm:s29], $0x2800  }
0x30: {  	_ =	swait.ge [sflag:s0], $0x2800  }
0x31: {  	[sflag:s0] =	ssyncset.done $0x0;
	s30 =	rddreg [dreg:$0xd]  }
0x32: {  	s31 =	rddreg [dreg:$0x9];
	[sflag:s0] =	ssyncadd.s32 $0xFFFFD800;
	s21 =	sshrl.u32 s30, $0x3  }
0x33: {  	[spmem:s21], [sflag:s20] =	dma.local [hbm:s31], $0x50  }
0x34: {  	_ =	swait.ge [sflag:s0], $0x50  }
0x35: {  	[sflag:s0] =	ssyncset.done $0x0  }
0x36: {  	[sflag:s0] =	ssyncadd.s32 $0xFFFFFFB0  }
0x37: {  	[bflag:$0x0] =	sbarrier.arrive $0xFFFF  }
0x38: {  	v1 =	vld [tilespmem:$0x320];
	s12 =	rddreg [dreg:$0x10]  }
0x39: {  	v2 =	vld [tilespmem:$0x3A0];
	[tilespmem:s7], [sflag:$0x9] =	stream.linear.gather [hbm4b:s12+s7], $0x50, $0x38  }
0x3a: {  	s14 =	rddreg [dreg:$0x11];
	s12 =	simm.s32 $0x140  }
0x3b: {  	[tilespmem:s12], [sflag:$0xD] =	stream.linear.gather [hbm4b:s14+s7], $0x50, $0x38;
	[tilespmem:$0x1EE20] =	vst v63  }
0x3c: {  	s22 =	rddreg [dreg:$0xe]  }
0x3d: {  	[tilespmem:s9], [sflag:$0xA] =	stream.linear.gather [hbm4b:s22+s7], $0x50, $0x38;
	[tilespmem:$0x1EE20] =	vst v63  }
0x3e: {  	s23 =	rddreg [dreg:$0xf];
	s14 =	simm.s32 $0x190  }
0x3f: {  	[tilespmem:s14], [sflag:$0xE] =	stream.linear.gather [hbm4b:s23+s7], $0x50, $0x38;
	[tilespmem:$0x1EE20] =	vst v63  }
0x40: {  	s24 =	rddreg [dreg:$0x12];
	s22 =	simm.s32 $0xA0  }
0x41: {  	[tilespmem:s22], [sflag:$0xB] =	stream.linear.gather [hbm4b:s24+s7], $0x50, $0x38;
	[tilespmem:$0x1EE20] =	vst v63  }
0x42: {  	s26 =	simm.s32 $0x1E0;
	s25 =	rddreg [dreg:$0x13]  }
0x43: {  	[tilespmem:s26], [sflag:$0xF] =	stream.linear.gather [hbm4b:s25+s7], $0x50, $0x38;
	[tilespmem:$0x1EE20] =	vst v63  }
0x44: {  	s29 =	simm.s32 $0xF0;
	s28 =	rddreg [dreg:$0x14]  }
0x45: {  	[tilespmem:s29], [sflag:$0xC] =	stream.linear.gather [hbm4b:s28+s7], $0x50, $0x38;
	[tilespmem:$0x1EE20] =	vst v63  }
0x46: {  	s31 =	simm.s32 $0x230;
	s30 =	rddreg [dreg:$0x15];
	s23 =	simm.s32 $0x9  }
0x47: {  	[tilespmem:s31], [sflag:$0x10] =	stream.linear.gather [hbm4b:s30+s7], $0x50, $0x38;
	[tilespmem:$0x1EE20] =	vst v63  }
0x48: {  	_ =	swait.ge [sflag:s23], $0x50  }
0x49: {  	[sflag:s23] =	ssyncset.done $0x0  }
0x4a: {  	s24 =	simm.s32 $0xD;
	[sflag:s23] =	ssyncadd.s32 $0xFFFFFFB0  }
0x4b: {  	_ =	swait.ge [sflag:s24], $0x50  }
0x4c: {  	[sflag:s24] =	ssyncset.done $0x0  }
0x4d: {  	s25 =	simm.s32 $0x4C0;
	[sflag:s24] =	ssyncadd.s32 $0xFFFFFFB0  }
0x4e: {  	[tilespmem:s25], [sflag:$0x1] =	stream.indirect.gather [hbm4b:s8+s9], $0x80, s7, s9, $0xb8;
	[tilespmem:$0x1EE20] =	vst v63  }
0x4f: {  	s26 =	simm.s32 $0xA4C0  }
0x50: {  	[tilespmem:s26], [sflag:$0x13] =	stream.indirect.gather [spmem:s2], $0x1, s7, s9, $0xb8;
	[tilespmem:$0x1EE20] =	vst v63  }
0x51: {  	s28 =	simm.s32 $0xA5B0  }
0x52: {  	[tilespmem:s28], [sflag:$0x16] =	stream.indirect.gather [spmem:s3], $0x1, s12, s9, $0xb8;
	[tilespmem:$0x1EE20] =	vst v63  }
0x53: {  	_ =	swait.ge [sflag:s15], $0x50  }
0x54: {  	[sflag:s15] =	ssyncset.done $0x0  }
0x55: {  	[sflag:s15] =	ssyncadd.s32 $0xFFFFFFB0  }
0x56: {  	_ =	swait.ge [sflag:s16], $0x50  }
0x57: {  	[sflag:s16] =	ssyncset.done $0x0  }
0x58: {  	s29 =	simm.s32 $0x2CC0;
	[sflag:s16] =	ssyncadd.s32 $0xFFFFFFB0  }
0x59: {  	v1 =	vadd.f32 v2, v1;
	[tilespmem:s29], [sflag:$0x2] =	stream.indirect.gather [hbm4b:s8+s9], $0x80, s9, s9, $0xb8;
	[tilespmem:$0x1EE20] =	vst v63  }
0x5a: {  	s30 =	simm.s32 $0xA510  }
0x5b: {  	v2 =	vmul.f32 $2.000000030e-01, v1;
	[tilespmem:s30], [sflag:$0x14] =	stream.indirect.gather [spmem:s2], $0x1, s9, s9, $0xb8;
	[tilespmem:$0x1EE20] =	vst v63  }
0x5c: {  	s11 =	simm.s32 $0x0;
	vm0 =	vge.f32 v1, $0.0e+00;
	s22 =	simm.s32 $0x0;
	s31 =	simm.s32 $0xA600  }
0x5d: {  	v1 =	vsel vm0, v1, v2;
	[tilespmem:s31], [sflag:$0x17] =	stream.indirect.gather [spmem:s3], $0x1, s14, s9, $0xb8;
	[tilespmem:$0x1EE20] =	vst v63  }
.LBB2_2:
0x5e: {  	s12 =	smul.u32 $0xAB, s22;
	_ =	sdelay $0x1  }
0x5f: {  	s12 =	sshrl.u32 s12, $0x9  }
0x60: {  	s12 =	sand.u32 $0x7F, s12  }
0x61: {  	s23 =	sand.u32 $0x3, s22;
	s12 =	smul.u32 $0x3, s12  }
0x62: {  	s24 =	sadd.s32 $0x1, s23  }
0x63: {  	p0 =	sgt.u32 s22, $0x7A;
	_ =	swait.ge [sflag:s24], $0x2800;
	s12 =	ssub.s32 s22, s12  }
0x64: {  	s25 =	sadd.s32 @!p0 $0x2, s22;
	[sflag:s24] =	ssyncset.done $0x0;
	s12 =	sand.u32 $0xFF, s12  }
0x65: {  	s26 =	smul.u32 @!p0 $0xAB, s25;
	[sflag:s24] =	ssyncadd.s32 $0xFFFFD800;
	s14 =	sadd.s32 $0x13, s12  }
0x66: {  	s29 =	sand.u32 @!p0 $0x3, s25;
	_ =	swait.ge [sflag:s14], $0x50  }
0x67: {  	s30 =	smul.u32 @!p0 $0x140, s29;
	s28 =	sshrl.u32 @!p0 s26, $0xA;
	[sflag:s14] =	ssyncset.done $0x0  }
0x68: {  	s28 =	sand.u32 @!p0 $0x3F, s28;
	[sflag:s14] =	ssyncadd.s32 $0xFFFFFFB0;
	s14 =	sadd.s32 $0x16, s12  }
0x69: {  	s28 =	smul.u32 @!p0 $0x6, s28;
	_ =	swait.ge [sflag:s14], $0x50  }
0x6a: {  	s24 =	sadd.s32 @!p0 $0x9, s29;
	s26 =	sshrl.u32 @!p0 s26, $0x9;
	[sflag:s14] =	ssyncset.done $0x0  }
0x6b: {  	s26 =	sand.u32 @!p0 $0x7F, s26;
	s28 =	ssub.s32 @!p0 s25, s28;
	[sflag:s14] =	ssyncadd.s32 $0xFFFFFFB0  }
0x6c: {  	s26 =	smul.u32 @!p0 $0x3, s26;
	s28 =	sand.u32 @!p0 $0xFF, s28;
	_ =	swait.ge @!p0 [sflag:s24], $0x50  }
0x6d: {  	s31 =	smul.u32 @!p0 $0x140, s28;
	[sflag:s24] =	ssyncset.done @!p0 $0x0  }
0x6e: {  	[sflag:s24] =	ssyncadd.s32 @!p0 $0xFFFFFFB0;
	s24 =	sadd.s32 @!p0 $0xD, s28;
	s28 =	smul.u32 @!p0 $0xA000, s29  }
0x6f: {  	s30 =	sshrl.u32 @!p0 s30, $0x2;
	s25 =	ssub.s32 @!p0 s25, s26;
	_ =	swait.ge @!p0 [sflag:s24], $0x50  }
0x70: {  	s31 =	sshrl.u32 @!p0 s31, $0x2;
	[sflag:s24] =	ssyncset.done @!p0 $0x0;
	s26 =	sshrl.u32 @!p0 s28, $0x2  }
0x71: {  	s28 =	simm.s32 @!p0 $0x50;
	[sflag:s24] =	ssyncadd.s32 @!p0 $0xFFFFFFB0;
	s24 =	sand.u32 @!p0 $0xFF, s25  }
0x72: {  	s25 =	sor.u32 @!p0 $0x4C0, s26;
	s26 =	sadd.s32 @!p0 $0x1, s29;
	s29 =	smul.u32 @!p0 $0x50, s24  }
0x73: {  	[tilespmem:s25], [sflag:s26] =	stream.indirect.gather @!p0 [hbm4b:s8+s28], $0x80, s30, s28, $0xb8;
	[tilespmem:$0x1EE20] =	vst v63  }
0x74: {  	s25 =	sadd.s32 @!p0 $0x140, s31;
	s31 =	sadd.s32 @!p0 $0x13, s24;
	s26 =	sadd.s32 @!p0 $0xA4C0, s29  }
0x75: {  	[tilespmem:s26], [sflag:s31] =	stream.indirect.gather @!p0 [spmem:s2], $0x1, s30, s28, $0xb8;
	[tilespmem:$0x1EE20] =	vst v63  }
0x76: {  	s12 =	smul.u32 $0x50, s12;
	s24 =	sadd.s32 @!p0 $0x16, s24;
	s26 =	sadd.s32 @!p0 $0xA5B0, s29  }
0x77: {  	[tilespmem:s26], [sflag:s24] =	stream.indirect.gather @!p0 [spmem:s3], $0x1, s25, s28, $0xb8;
	[tilespmem:$0x1EE20] =	vst v63  }
0x78: {  	v2 =	vld [tilespmem:s12+$0xA4C0]  }
0x79: {  	v3 =	vld [tilespmem:s12+$0xA5B0];
	_ =	sdelay $0x4  }
0x7a: {  	v2 =	vadd.f32 v3, v2;
	_ =	sdelay $0x1  }
0x7b: {  	v3 =	vmul.f32 $2.000000030e-01, v2  }
0x7c: {  	vm0 =	vge.f32 v2, $0.0e+00  }
0x7d: {  	v2 =	vsel vm0, v2, v3  }
0x7e: {  	v2 =	vsub.f32 v2, v1;
	_ =	sdelay $0x1  }
0x7f: {  	v2 =	vmul.f32 $1.442695020e+00, v2;
	_ =	sdelay $0x1  }
0x80: {  	(erf) = vpow2.f32 v2;
	_ =	sdelay $0x5  }
0x81: {  	s24 =	sand.u32 $0x1, s22  }
0x82: {  	s26 =	smul.u32 $0x140, s24;
	_ =	sdelay $0x1  }
0x83: {  	s25 =	sshrl.u32 s26, $0x2;
	v2 =	vpop (erf)  }
0x84: {  	[tilespmem:s25+$0x420] =	vst v2  }
0x85: {  	v2 =	vld [tilespmem:s12+$0xA4D0]  }
0x86: {  	v3 =	vld [tilespmem:s12+$0xA5C0];
	_ =	sdelay $0x4  }
0x87: {  	v2 =	vadd.f32 v3, v2;
	_ =	sdelay $0x1  }
0x88: {  	v3 =	vmul.f32 $2.000000030e-01, v2  }
0x89: {  	vm12 =	vge.f32 v2, $0.0e+00  }
0x8a: {  	v2 =	vsel vm12, v2, v3  }
0x8b: {  	v2 =	vsub.f32 v2, v1;
	_ =	sdelay $0x1  }
0x8c: {  	v2 =	vmul.f32 $1.442695020e+00, v2;
	_ =	sdelay $0x1  }
0x8d: {  	(erf) = vpow2.f32 v2;
	_ =	sdelay $0x8  }
0x8e: {  	v2 =	vpop (erf)  }
0x8f: {  	[tilespmem:s25+$0x430] =	vst v2  }
0x90: {  	v2 =	vld [tilespmem:s12+$0xA4E0]  }
0x91: {  	v3 =	vld [tilespmem:s12+$0xA5D0];
	_ =	sdelay $0x4  }
0x92: {  	v2 =	vadd.f32 v3, v2;
	_ =	sdelay $0x1  }
0x93: {  	v3 =	vmul.f32 $2.000000030e-01, v2  }
0x94: {  	vm13 =	vge.f32 v2, $0.0e+00  }
0x95: {  	v2 =	vsel vm13, v2, v3  }
0x96: {  	v2 =	vsub.f32 v2, v1;
	_ =	sdelay $0x1  }
0x97: {  	v2 =	vmul.f32 $1.442695020e+00, v2;
	_ =	sdelay $0x1  }
0x98: {  	(erf) = vpow2.f32 v2;
	_ =	sdelay $0x8  }
0x99: {  	v2 =	vpop (erf)  }
0x9a: {  	[tilespmem:s25+$0x440] =	vst v2  }
0x9b: {  	v2 =	vld [tilespmem:s12+$0xA4F0]  }
0x9c: {  	v3 =	vld [tilespmem:s12+$0xA5E0];
	_ =	sdelay $0x4  }
0x9d: {  	v2 =	vadd.f32 v3, v2;
	_ =	sdelay $0x1  }
0x9e: {  	v3 =	vmul.f32 $2.000000030e-01, v2  }
0x9f: {  	vm14 =	vge.f32 v2, $0.0e+00  }
0xa0: {  	v2 =	vsel vm14, v2, v3  }
0xa1: {  	v2 =	vsub.f32 v2, v1;
	_ =	sdelay $0x1  }
0xa2: {  	v2 =	vmul.f32 $1.442695020e+00, v2;
	_ =	sdelay $0x1  }
0xa3: {  	(erf) = vpow2.f32 v2;
	_ =	sdelay $0x8  }
0xa4: {  	v2 =	vpop (erf)  }
0xa5: {  	[tilespmem:s25+$0x450] =	vst v2  }
0xa6: {  	v2 =	vld [tilespmem:s12+$0xA500]  }
0xa7: {  	v3 =	vld [tilespmem:s12+$0xA5F0];
	_ =	sdelay $0x4  }
0xa8: {  	v2 =	vadd.f32 v3, v2;
	_ =	sdelay $0x1  }
0xa9: {  	v3 =	vmul.f32 $2.000000030e-01, v2  }
0xaa: {  	vm15 =	vge.f32 v2, $0.0e+00  }
0xab: {  	v2 =	vsel vm15, v2, v3  }
0xac: {  	v2 =	vsub.f32 v2, v1;
	_ =	sdelay $0x1  }
0xad: {  	v2 =	vmul.f32 $1.442695020e+00, v2;
	_ =	sdelay $0x1  }
0xae: {  	(erf) = vpow2.f32 v2;
	_ =	sdelay $0x1  }
0xaf: {  	s14 =	simm.s32 $0x0  }
0xb0: {  	v2 =	vmov s14  }
0xb1: {  	v2 =	vshrl.u32 v2, $0x3  }
0xb2: {  	v2 =	vshll.u32 v2, v0  }
0xb3: {  	s26 =	sand.u32 $0x3, s11;
	v2 =	vbroadcast v2, $0x0  }
0xb4: {  	s12 =	smul.u32 $0xA000, s26;
	_ =	sdelay $0x1  }
0xb5: {  	s12 =	sshrl.u32 s12, $0x2;
	v3 =	vpop (erf)  }
0xb6: {  	s26 =	sor.u32 $0x6C0, s12;
	[tilespmem:s25+$0x460] =	vst v3  }
0xb7: {  	s25 =	sadd.s32 $0x420, s25;
	v4 =	vld [tilespmem:s26+$0xFFFFFE70]  }
0xb8: {  	v2 =	vld.idx.msk [tilespmem:v2+s25+$0x0], $0xffff  }
0xb9: {  	v5 =	vld [tilespmem:s26+$0xFFFFFE00]  }
0xba: {  	v6 =	vld [tilespmem:s26+$0xFFFFFE20]  }
0xbb: {  	v7 =	vld [tilespmem:s26+$0xFFFFFE30]  }
0xbc: {  	s14 =	simm.s32 $0x1;
	v3 =	vld [tilespmem:s26+$0xFFFFFE50]  }
0xbd: {  	v10 =	vmov s14;
	v9 =	vld [tilespmem:s26+$0xFFFFFE10];
	v4 =	vmul.f32 v4, v2  }
0xbe: {  	v10 =	vshrl.u32 v10, $0x3;
	v8 =	vld [tilespmem:s26+$0xFFFFFE60];
	v5 =	vmul.f32 v5, v2  }
0xbf: {  	v11 =	vld [tilespmem:s26+$0xFFFFFE40];
	v6 =	vmul.f32 v6, v2;
	[tilespmem:s26+$0xFFFFFE70] =	vst v4;
	v4 =	vshll.u32 v10, v0  }
0xc0: {  	v7 =	vmul.f32 v7, v2;
	[tilespmem:s26+$0xFFFFFE00] =	vst v5;
	v4 =	vadd.s32 $0x1, v4  }
0xc1: {  	v3 =	vmul.f32 v3, v2;
	[tilespmem:s26+$0xFFFFFE20] =	vst v6;
	v4 =	vbroadcast v4, $0x0  }
0xc2: {  	v5 =	vmul.f32 v9, v2;
	[tilespmem:s26+$0xFFFFFE30] =	vst v7  }
0xc3: {  	v6 =	vmul.f32 v8, v2;
	[tilespmem:s26+$0xFFFFFE50] =	vst v3  }
0xc4: {  	v2 =	vmul.f32 v11, v2;
	[tilespmem:s26+$0xFFFFFE10] =	vst v5  }
0xc5: {  	[tilespmem:s26+$0xFFFFFE60] =	vst v6  }
0xc6: {  	[tilespmem:s26+$0xFFFFFE40] =	vst v2  }
0xc7: {  	v2 =	vld.idx.msk [tilespmem:v4+s25+$0x0], $0xffff  }
0xc8: {  	v4 =	vld [tilespmem:s26+$0xFFFFFE80]  }
0xc9: {  	v5 =	vld [tilespmem:s26+$0xFFFFFEE0]  }
0xca: {  	v6 =	vld [tilespmem:s26+$0xFFFFFE90]  }
0xcb: {  	v7 =	vld [tilespmem:s26+$0xFFFFFED0]  }
0xcc: {  	s14 =	simm.s32 $0x2;
	v3 =	vld [tilespmem:s26+$0xFFFFFEF0]  }
0xcd: {  	v8 =	vld [tilespmem:s26+$0xFFFFFEB0];
	v10 =	vmov s14;
	v4 =	vmul.f32 v4, v2  }
0xce: {  	v11 =	vld [tilespmem:s26+$0xFFFFFEC0];
	v10 =	vshrl.u32 v10, $0x3;
	v5 =	vmul.f32 v5, v2  }
0xcf: {  	v9 =	vld [tilespmem:s26+$0xFFFFFEA0];
	v6 =	vmul.f32 v6, v2;
	[tilespmem:s26+$0xFFFFFE80] =	vst v4;
	v4 =	vshll.u32 v10, v0  }
0xd0: {  	v7 =	vmul.f32 v7, v2;
	[tilespmem:s26+$0xFFFFFEE0] =	vst v5;
	v4 =	vadd.s32 $0x2, v4  }
0xd1: {  	v3 =	vmul.f32 v3, v2;
	[tilespmem:s26+$0xFFFFFE90] =	vst v6;
	v4 =	vbroadcast v4, $0x0  }
0xd2: {  	v5 =	vmul.f32 v8, v2;
	[tilespmem:s26+$0xFFFFFED0] =	vst v7  }
0xd3: {  	v6 =	vmul.f32 v11, v2;
	[tilespmem:s26+$0xFFFFFEF0] =	vst v3  }
0xd4: {  	v2 =	vmul.f32 v9, v2;
	[tilespmem:s26+$0xFFFFFEB0] =	vst v5  }
0xd5: {  	[tilespmem:s26+$0xFFFFFEC0] =	vst v6  }
0xd6: {  	v3 =	vld [tilespmem:s26+$0xFFFFFF10];
	[tilespmem:s26+$0xFFFFFEA0] =	vst v2  }
0xd7: {  	v2 =	vld.idx.msk [tilespmem:v4+s25+$0x0], $0xffff  }
0xd8: {  	v4 =	vld [tilespmem:s26+$0xFFFFFF40]  }
0xd9: {  	v5 =	vld [tilespmem:s26+$0xFFFFFF20]  }
0xda: {  	v6 =	vld [tilespmem:s26+$0xFFFFFF50]  }
0xdb: {  	s14 =	simm.s32 $0x3;
	v7 =	vld [tilespmem:s26+$0xFFFFFF00]  }
0xdc: {  	v8 =	vld [tilespmem:s26+$0xFFFFFF30];
	v9 =	vmov s14;
	v3 =	vmul.f32 v3, v2  }
0xdd: {  	v10 =	vld [tilespmem:s26+$0xFFFFFF70];
	v9 =	vshrl.u32 v9, $0x3;
	v4 =	vmul.f32 v4, v2  }
0xde: {  	v11 =	vld [tilespmem:s26+$0xFFFFFF60];
	v5 =	vmul.f32 v5, v2;
	[tilespmem:s26+$0xFFFFFF10] =	vst v3;
	v3 =	vshll.u32 v9, v0  }
0xdf: {  	v6 =	vmul.f32 v6, v2;
	[tilespmem:s26+$0xFFFFFF40] =	vst v4;
	v3 =	vadd.s32 $0x3, v3  }
0xe0: {  	v4 =	vmul.f32 v7, v2;
	[tilespmem:s26+$0xFFFFFF20] =	vst v5;
	v3 =	vbroadcast v3, $0x0  }
0xe1: {  	v5 =	vmul.f32 v8, v2;
	[tilespmem:s26+$0xFFFFFF50] =	vst v6  }
0xe2: {  	v6 =	vmul.f32 v10, v2;
	[tilespmem:s26+$0xFFFFFF00] =	vst v4  }
0xe3: {  	v2 =	vmul.f32 v11, v2;
	[tilespmem:s26+$0xFFFFFF30] =	vst v5  }
0xe4: {  	[tilespmem:s26+$0xFFFFFF70] =	vst v6  }
0xe5: {  	[tilespmem:s26+$0xFFFFFF60] =	vst v2  }
0xe6: {  	v2 =	vld.idx.msk [tilespmem:v3+s25+$0x0], $0xffff  }
0xe7: {  	v3 =	vld [tilespmem:s26+$0xFFFFFF90]  }
0xe8: {  	v5 =	vld [tilespmem:s26+$0xFFFFFFE0]  }
0xe9: {  	v6 =	vld [tilespmem:s26+$0xFFFFFF80]  }
0xea: {  	v7 =	vld [tilespmem:s26+$0xFFFFFFD0]  }
0xeb: {  	s14 =	simm.s32 $0x4;
	v4 =	vld [tilespmem:s26+$0xFFFFFFF0]  }
0xec: {  	v8 =	vld [tilespmem:s26+$0xFFFFFFA0];
	v10 =	vmov s14;
	v3 =	vmul.f32 v3, v2  }
0xed: {  	v11 =	vld [tilespmem:s26+$0xFFFFFFC0];
	v10 =	vshrl.u32 v10, $0x3;
	v5 =	vmul.f32 v5, v2  }
0xee: {  	v9 =	vld [tilespmem:s26+$0xFFFFFFB0];
	v6 =	vmul.f32 v6, v2;
	[tilespmem:s26+$0xFFFFFF90] =	vst v3;
	v3 =	vshll.u32 v10, v0  }
0xef: {  	v7 =	vmul.f32 v7, v2;
	[tilespmem:s26+$0xFFFFFFE0] =	vst v5;
	v3 =	vadd.s32 $0x4, v3  }
0xf0: {  	v4 =	vmul.f32 v4, v2;
	[tilespmem:s26+$0xFFFFFF80] =	vst v6;
	v3 =	vbroadcast v3, $0x0  }
0xf1: {  	v5 =	vmul.f32 v8, v2;
	[tilespmem:s26+$0xFFFFFFD0] =	vst v7  }
0xf2: {  	v6 =	vmul.f32 v11, v2;
	[tilespmem:s26+$0xFFFFFFF0] =	vst v4;
	v4 =	vld [tilespmem:s26+$0x10]  }
0xf3: {  	v2 =	vmul.f32 v9, v2;
	v8 =	vld [tilespmem:s26+$0x0];
	[tilespmem:s26+$0xFFFFFFA0] =	vst v5  }
0xf4: {  	v11 =	vld [tilespmem:s26+$0x30];
	[tilespmem:s26+$0xFFFFFFC0] =	vst v6  }
0xf5: {  	v9 =	vld [tilespmem:s26+$0x20];
	[tilespmem:s26+$0xFFFFFFB0] =	vst v2  }
0xf6: {  	v2 =	vld.idx.msk [tilespmem:v3+s25+$0x0], $0xffff  }
0xf7: {  	v7 =	vld [tilespmem:s26+$0x40]  }
0xf8: {  	s14 =	smul.u32 $0xA000, s23;
	v5 =	vld [tilespmem:s26+$0x50]  }
0xf9: {  	v6 =	vld [tilespmem:s26+$0x60]  }
0xfa: {  	s29 =	simm.s32 $0x5;
	s30 =	simm.s32 $0x7;
	s12 =	sshrl.u32 s14, $0x2;
	v3 =	vld [tilespmem:s26+$0x70]  }
0xfb: {  	s31 =	simm.s32 $0xF;
	s28 =	sor.u32 $0x4C0, s12;
	v10 =	vmul.f32 v8, v2;
	v8 =	vmul.f32 v11, v2;
	v11 =	vmov s29;
	s29 =	smov.u32 s26  }
.LBB2_3:
0xfc: {  	p0 =	sne.s32 s31, $0x4F  }
0xfd: {  	v4 =	vmul.f32 v4, v2;
	v9 =	vmul.f32 v9, v2;
	v11 =	vshrl.u32 v11, $0x3;
	s26 =	sadd.s32 $0x400, s26;
	s12 =	smov.u32 s31;
	s31 =	sadd.s32 $0x8, s31  }
0xfe: {  	v5 =	vmul.f32 v5, v2;
	[tilespmem:s29+$0x0] =	vst v10;
	v7 =	vmul.f32 v7, v2;
	v10 =	vshll.u32 v11, v0  }
0xff: {  	[tilespmem:s29+$0x10] =	vst v4;
	v4 =	vmul.f32 v6, v2;
	v2 =	vmul.f32 v3, v2;
	v3 =	vadd.s32 $0x5, v10  }
0x100: {  	[tilespmem:s29+$0x20] =	vst v9;
	v3 =	vbroadcast v3, $0x0  }
0x101: {  	[tilespmem:s29+$0x30] =	vst v8  }
0x102: {  	[tilespmem:s29+$0x70] =	vst v2;
	v2 =	vld [tilespmem:s29+$0x80]  }
0x103: {  	[tilespmem:s29+$0x50] =	vst v5;
	v5 =	vld [tilespmem:s29+$0xF0]  }
0x104: {  	[tilespmem:s29+$0x40] =	vst v7;
	v6 =	vld [tilespmem:s29+$0xD0]  }
0x105: {  	[tilespmem:s29+$0x60] =	vst v4;
	v4 =	vld [tilespmem:s29+$0xA0]  }
0x106: {  	v3 =	vld.idx.msk [tilespmem:v3+s25+$0x0], $0xffff  }
0x107: {  	v7 =	vld [tilespmem:s29+$0xC0]  }
0x108: {  	v8 =	vld [tilespmem:s29+$0xB0]  }
0x109: {  	v9 =	vld [tilespmem:s29+$0x90]  }
0x10a: {  	v10 =	vld [tilespmem:s29+$0xE0]  }
0x10b: {  	s14 =	sadd.s32 $0xFFFFFFFF, s30  }
0x10c: {  	v11 =	vmov s14;
	v2 =	vmul.f32 v2, v3;
	v7 =	vmul.f32 v7, v3  }
0x10d: {  	v11 =	vshrl.u32 v11, $0x3;
	v4 =	vmul.f32 v4, v3;
	v8 =	vmul.f32 v8, v3  }
0x10e: {  	v6 =	vmul.f32 v6, v3;
	[tilespmem:s29+$0x80] =	vst v2;
	v2 =	vmul.f32 v9, v3;
	v9 =	vshll.u32 v11, v0  }
0x10f: {  	[tilespmem:s29+$0xC0] =	vst v7;
	v7 =	vmul.f32 v10, v3;
	v3 =	vmul.f32 v5, v3;
	v5 =	vadd.s32 $0x6, v9  }
0x110: {  	[tilespmem:s29+$0xA0] =	vst v4;
	v4 =	vbroadcast v5, $0x0  }
0x111: {  	[tilespmem:s29+$0xD0] =	vst v6  }
0x112: {  	[tilespmem:s29+$0xF0] =	vst v3;
	v3 =	vld [tilespmem:s29+$0x100]  }
0x113: {  	[tilespmem:s29+$0xB0] =	vst v8;
	v5 =	vld [tilespmem:s29+$0x160]  }
0x114: {  	[tilespmem:s29+$0xE0] =	vst v7;
	v6 =	vld [tilespmem:s29+$0x150]  }
0x115: {  	[tilespmem:s29+$0x90] =	vst v2;
	v2 =	vld [tilespmem:s29+$0x130]  }
0x116: {  	v4 =	vld.idx.msk [tilespmem:v4+s25+$0x0], $0xffff  }
0x117: {  	v7 =	vld [tilespmem:s29+$0x110]  }
0x118: {  	v8 =	vld [tilespmem:s29+$0x120]  }
0x119: {  	v9 =	vld [tilespmem:s29+$0x140]  }
0x11a: {  	v10 =	vld [tilespmem:s29+$0x170];
	_ =	sdelay $0x1  }
0x11b: {  	v11 =	vmov s30;
	s30 =	smov.u32 s12;
	v3 =	vmul.f32 v3, v4;
	v7 =	vmul.f32 v7, v4  }
0x11c: {  	v11 =	vshrl.u32 v11, $0x3;
	v2 =	vmul.f32 v2, v4;
	v8 =	vmul.f32 v8, v4  }
0x11d: {  	v6 =	vmul.f32 v6, v4;
	[tilespmem:s29+$0x100] =	vst v3;
	v3 =	vmul.f32 v9, v4;
	v9 =	vshll.u32 v11, v0  }
0x11e: {  	[tilespmem:s29+$0x130] =	vst v2;
	v2 =	vmul.f32 v5, v4;
	v4 =	vmul.f32 v10, v4;
	v5 =	vadd.s32 $0x7, v9  }
0x11f: {  	[tilespmem:s29+$0x140] =	vst v3;
	v3 =	vbroadcast v5, $0x0  }
0x120: {  	[tilespmem:s29+$0x150] =	vst v6  }
0x121: {  	[tilespmem:s29+$0x160] =	vst v2;
	v2 =	vld [tilespmem:s29+$0x1C0]  }
0x122: {  	[tilespmem:s29+$0x170] =	vst v4;
	v4 =	vld [tilespmem:s29+$0x180]  }
0x123: {  	[tilespmem:s29+$0x110] =	vst v7;
	v5 =	vld [tilespmem:s29+$0x1E0]  }
0x124: {  	[tilespmem:s29+$0x120] =	vst v8;
	v6 =	vld [tilespmem:s29+$0x190]  }
0x125: {  	v3 =	vld.idx.msk [tilespmem:v3+s25+$0x0], $0xffff  }
0x126: {  	v7 =	vld [tilespmem:s29+$0x1B0]  }
0x127: {  	v8 =	vld [tilespmem:s29+$0x1A0]  }
0x128: {  	v9 =	vld [tilespmem:s29+$0x1D0]  }
0x129: {  	v10 =	vld [tilespmem:s29+$0x1F0];
	_ =	sdelay $0x1  }
0x12a: {  	s12 =	sadd.s32 $0xFFFFFFF9, s30;
	v4 =	vmul.f32 v4, v3;
	v6 =	vmul.f32 v6, v3  }
0x12b: {  	v11 =	vmov s12;
	v7 =	vmul.f32 v7, v3;
	v8 =	vmul.f32 v8, v3  }
0x12c: {  	v11 =	vshrl.u32 v11, $0x3;
	v2 =	vmul.f32 v2, v3;
	[tilespmem:s29+$0x180] =	vst v4;
	v4 =	vmul.f32 v9, v3  }
0x12d: {  	v5 =	vmul.f32 v5, v3;
	v9 =	vshll.u32 v11, v0;
	[tilespmem:s29+$0x190] =	vst v6;
	v3 =	vmul.f32 v10, v3  }
0x12e: {  	v6 =	vbroadcast v9, $0x0;
	[tilespmem:s29+$0x1C0] =	vst v2  }
0x12f: {  	[tilespmem:s29+$0x1D0] =	vst v4  }
0x130: {  	v2 =	vld [tilespmem:s26+$0xFFFFFE50];
	[tilespmem:s29+$0x1E0] =	vst v5  }
0x131: {  	v4 =	vld [tilespmem:s26+$0xFFFFFE30];
	[tilespmem:s29+$0x1B0] =	vst v7  }
0x132: {  	v5 =	vld [tilespmem:s26+$0xFFFFFE60];
	[tilespmem:s29+$0x1A0] =	vst v8  }
0x133: {  	v7 =	vld [tilespmem:s26+$0xFFFFFE70];
	[tilespmem:s29+$0x1F0] =	vst v3;
	s29 =	smov.u32 s26  }
0x134: {  	v3 =	vld.idx.msk [tilespmem:v6+s25+$0x0], $0xffff  }
0x135: {  	v6 =	vld [tilespmem:s26+$0xFFFFFE00]  }
0x136: {  	v8 =	vld [tilespmem:s26+$0xFFFFFE20]  }
0x137: {  	v9 =	vld [tilespmem:s26+$0xFFFFFE10]  }
0x138: {  	v10 =	vld [tilespmem:s26+$0xFFFFFE40]  }
0x139: {  	s12 =	sadd.s32 $0xFFFFFFFA, s30  }
0x13a: {  	v11 =	vmov s12;
	v7 =	vmul.f32 v7, v3;
	v6 =	vmul.f32 v6, v3  }
0x13b: {  	v11 =	vshrl.u32 v11, $0x3;
	v5 =	vmul.f32 v5, v3;
	v8 =	vmul.f32 v8, v3  }
0x13c: {  	v4 =	vmul.f32 v4, v3;
	v9 =	vmul.f32 v9, v3;
	[tilespmem:s26+$0xFFFFFE70] =	vst v7;
	v7 =	vshll.u32 v11, v0  }
0x13d: {  	v2 =	vmul.f32 v2, v3;
	[tilespmem:s26+$0xFFFFFE00] =	vst v6;
	v6 =	vmul.f32 v10, v3;
	v3 =	vadd.s32 $0x1, v7  }
0x13e: {  	[tilespmem:s26+$0xFFFFFE20] =	vst v8;
	v3 =	vbroadcast v3, $0x0  }
0x13f: {  	[tilespmem:s26+$0xFFFFFE30] =	vst v4  }
0x140: {  	[tilespmem:s26+$0xFFFFFE50] =	vst v2;
	v2 =	vld [tilespmem:s26+$0xFFFFFEF0]  }
0x141: {  	[tilespmem:s26+$0xFFFFFE10] =	vst v9;
	v4 =	vld [tilespmem:s26+$0xFFFFFED0]  }
0x142: {  	[tilespmem:s26+$0xFFFFFE60] =	vst v5;
	v5 =	vld [tilespmem:s26+$0xFFFFFEB0]  }
0x143: {  	[tilespmem:s26+$0xFFFFFE40] =	vst v6;
	v6 =	vld [tilespmem:s26+$0xFFFFFEE0]  }
0x144: {  	v3 =	vld.idx.msk [tilespmem:v3+s25+$0x0], $0xffff  }
0x145: {  	v7 =	vld [tilespmem:s26+$0xFFFFFE80]  }
0x146: {  	v8 =	vld [tilespmem:s26+$0xFFFFFE90]  }
0x147: {  	v9 =	vld [tilespmem:s26+$0xFFFFFEA0]  }
0x148: {  	v10 =	vld [tilespmem:s26+$0xFFFFFEC0]  }
0x149: {  	s12 =	sadd.s32 $0xFFFFFFFB, s30  }
0x14a: {  	v11 =	vmov s12;
	v6 =	vmul.f32 v6, v3;
	v7 =	vmul.f32 v7, v3  }
0x14b: {  	v11 =	vshrl.u32 v11, $0x3;
	v5 =	vmul.f32 v5, v3;
	v8 =	vmul.f32 v8, v3  }
0x14c: {  	v4 =	vmul.f32 v4, v3;
	[tilespmem:s26+$0xFFFFFE80] =	vst v7;
	v7 =	vmul.f32 v9, v3;
	v9 =	vshll.u32 v11, v0  }
0x14d: {  	v2 =	vmul.f32 v2, v3;
	v10 =	vmul.f32 v10, v3;
	[tilespmem:s26+$0xFFFFFEE0] =	vst v6;
	v3 =	vadd.s32 $0x2, v9  }
0x14e: {  	[tilespmem:s26+$0xFFFFFE90] =	vst v8;
	v3 =	vbroadcast v3, $0x0  }
0x14f: {  	[tilespmem:s26+$0xFFFFFED0] =	vst v4  }
0x150: {  	[tilespmem:s26+$0xFFFFFEF0] =	vst v2;
	v2 =	vld [tilespmem:s26+$0xFFFFFF70]  }
0x151: {  	[tilespmem:s26+$0xFFFFFEB0] =	vst v5;
	v4 =	vld [tilespmem:s26+$0xFFFFFF50]  }
0x152: {  	[tilespmem:s26+$0xFFFFFEC0] =	vst v10;
	v5 =	vld [tilespmem:s26+$0xFFFFFF30]  }
0x153: {  	[tilespmem:s26+$0xFFFFFEA0] =	vst v7;
	v6 =	vld [tilespmem:s26+$0xFFFFFF40]  }
0x154: {  	v3 =	vld.idx.msk [tilespmem:v3+s25+$0x0], $0xffff  }
0x155: {  	v7 =	vld [tilespmem:s26+$0xFFFFFF10]  }
0x156: {  	v8 =	vld [tilespmem:s26+$0xFFFFFF20]  }
0x157: {  	v9 =	vld [tilespmem:s26+$0xFFFFFF00]  }
0x158: {  	v10 =	vld [tilespmem:s26+$0xFFFFFF60]  }
0x159: {  	s12 =	sadd.s32 $0xFFFFFFFC, s30  }
0x15a: {  	v11 =	vmov s12;
	v6 =	vmul.f32 v6, v3;
	v7 =	vmul.f32 v7, v3  }
0x15b: {  	v11 =	vshrl.u32 v11, $0x3;
	v5 =	vmul.f32 v5, v3;
	v8 =	vmul.f32 v8, v3  }
0x15c: {  	v4 =	vmul.f32 v4, v3;
	v9 =	vmul.f32 v9, v3;
	[tilespmem:s26+$0xFFFFFF10] =	vst v7;
	v7 =	vshll.u32 v11, v0  }
0x15d: {  	v2 =	vmul.f32 v2, v3;
	[tilespmem:s26+$0xFFFFFF40] =	vst v6;
	v6 =	vmul.f32 v10, v3;
	v3 =	vadd.s32 $0x3, v7  }
0x15e: {  	[tilespmem:s26+$0xFFFFFF20] =	vst v8;
	v3 =	vbroadcast v3, $0x0  }
0x15f: {  	[tilespmem:s26+$0xFFFFFF50] =	vst v4  }
0x160: {  	[tilespmem:s26+$0xFFFFFF00] =	vst v9;
	v4 =	vld [tilespmem:s26+$0xFFFFFFF0]  }
0x161: {  	[tilespmem:s26+$0xFFFFFF30] =	vst v5;
	v5 =	vld [tilespmem:s26+$0xFFFFFFD0]  }
0x162: {  	[tilespmem:s26+$0xFFFFFF70] =	vst v2;
	v2 =	vld [tilespmem:s26+$0xFFFFFFA0]  }
0x163: {  	[tilespmem:s26+$0xFFFFFF60] =	vst v6;
	v6 =	vld [tilespmem:s26+$0xFFFFFFE0]  }
0x164: {  	v3 =	vld.idx.msk [tilespmem:v3+s25+$0x0], $0xffff  }
0x165: {  	v7 =	vld [tilespmem:s26+$0xFFFFFF90]  }
0x166: {  	v8 =	vld [tilespmem:s26+$0xFFFFFF80]  }
0x167: {  	v9 =	vld [tilespmem:s26+$0xFFFFFFB0]  }
0x168: {  	v10 =	vld [tilespmem:s26+$0xFFFFFFC0]  }
0x169: {  	s12 =	sadd.s32 $0xFFFFFFFD, s30  }
0x16a: {  	v11 =	vmov s12;
	v6 =	vmul.f32 v6, v3;
	v7 =	vmul.f32 v7, v3  }
0x16b: {  	v11 =	vshrl.u32 v11, $0x3;
	v2 =	vmul.f32 v2, v3;
	v8 =	vmul.f32 v8, v3  }
0x16c: {  	v5 =	vmul.f32 v5, v3;
	[tilespmem:s26+$0xFFFFFF90] =	vst v7;
	v7 =	vmul.f32 v9, v3;
	v9 =	vshll.u32 v11, v0  }
0x16d: {  	v10 =	vmul.f32 v10, v3;
	[tilespmem:s26+$0xFFFFFFE0] =	vst v6;
	v3 =	vmul.f32 v4, v3;
	v4 =	vadd.s32 $0x4, v9  }
0x16e: {  	[tilespmem:s26+$0xFFFFFF80] =	vst v8;
	v6 =	vbroadcast v4, $0x0  }
0x16f: {  	[tilespmem:s26+$0xFFFFFFD0] =	vst v5  }
0x170: {  	[tilespmem:s26+$0xFFFFFFF0] =	vst v3;
	v4 =	vld [tilespmem:s26+$0x10]  }
0x171: {  	[tilespmem:s26+$0xFFFFFFA0] =	vst v2;
	v8 =	vld [tilespmem:s26+$0x0]  }
0x172: {  	[tilespmem:s26+$0xFFFFFFC0] =	vst v10;
	v3 =	vld [tilespmem:s26+$0x70]  }
0x173: {  	[tilespmem:s26+$0xFFFFFFB0] =	vst v7;
	v9 =	vld [tilespmem:s26+$0x20]  }
0x174: {  	v2 =	vld.idx.msk [tilespmem:v6+s25+$0x0], $0xffff  }
0x175: {  	v11 =	vld [tilespmem:s26+$0x30]  }
.Ltmp0:
0x176: {  	v5 =	vld [tilespmem:s26+$0x50];
	(pc) =	sbr.rel @p0 .LBB2_3-.Ltmp0, $4  }
0x177: {  	v7 =	vld [tilespmem:s26+$0x40]  }
0x178: {  	v6 =	vld [tilespmem:s26+$0x60]  }
0x179: {  	s12 =	sadd.s32 $0xFFFFFFFE, s30  }
0x17a: {  	v10 =	vmul.f32 v8, v2;
	v8 =	vmul.f32 v11, v2;
	v11 =	vmov s12  }
0x17b: {  	v11 =	vshrl.u32 v11, $0x3  }
0x17c: {  	v4 =	vmul.f32 v4, v2;
	[tilespmem:s29+$0x0] =	vst v10;
	v27 =	vshll.u32 v11, v0  }
0x17d: {  	v9 =	vmul.f32 v9, v2;
	[tilespmem:s29+$0x30] =	vst v8;
	v28 =	vadd.s32 $0x5, v27  }
0x17e: {  	v3 =	vmul.f32 v3, v2;
	[tilespmem:s29+$0x10] =	vst v4;
	v4 =	vbroadcast v28, $0x0  }
0x17f: {  	v5 =	vmul.f32 v5, v2;
	[tilespmem:s29+$0x20] =	vst v9  }
0x180: {  	[tilespmem:s29+$0x70] =	vst v3;
	v3 =	vmul.f32 v7, v2  }
0x181: {  	v2 =	vmul.f32 v6, v2;
	[tilespmem:s29+$0x50] =	vst v5  }
0x182: {  	[tilespmem:s29+$0x40] =	vst v3  }
0x183: {  	v29 =	vld [tilespmem:s29+$0x80];
	[tilespmem:s29+$0x60] =	vst v2  }
0x184: {  	v2 =	vld.idx.msk [tilespmem:v4+s25+$0x0], $0xffff  }
0x185: {  	v30 =	vld [tilespmem:s29+$0xC0]  }
0x186: {  	v31 =	vld [tilespmem:s29+$0xA0]  }
0x187: {  	v32 =	vld [tilespmem:s29+$0xD0]  }
0x188: {  	s12 =	sadd.s32 $0xFFFFFFFF, s30;
	v3 =	vld [tilespmem:s29+$0xF0]  }
0x189: {  	v33 =	vld [tilespmem:s29+$0xB0];
	v35 =	vmov s12;
	v7 =	vmul.f32 v29, v2  }
0x18a: {  	v36 =	vld [tilespmem:s29+$0xE0];
	v10 =	vshrl.u32 v35, $0x3;
	v4 =	vmul.f32 v30, v2  }
0x18b: {  	v34 =	vld [tilespmem:s29+$0x90];
	v37 =	vshll.u32 v10, v0;
	v5 =	vmul.f32 v31, v2;
	[tilespmem:s29+$0x80] =	vst v7  }
0x18c: {  	v38 =	vadd.s32 $0x6, v37;
	v6 =	vmul.f32 v32, v2;
	[tilespmem:s29+$0xC0] =	vst v4  }
0x18d: {  	v3 =	vmul.f32 v3, v2;
	[tilespmem:s29+$0xA0] =	vst v5;
	v4 =	vbroadcast v38, $0x0  }
0x18e: {  	v39 =	vmul.f32 v33, v2;
	[tilespmem:s29+$0xD0] =	vst v6  }
0x18f: {  	v40 =	vmul.f32 v36, v2;
	[tilespmem:s29+$0xF0] =	vst v3  }
0x190: {  	v2 =	vmul.f32 v34, v2;
	[tilespmem:s29+$0xB0] =	vst v39  }
0x191: {  	[tilespmem:s29+$0xE0] =	vst v40  }
0x192: {  	v3 =	vld [tilespmem:s29+$0x100];
	[tilespmem:s29+$0x90] =	vst v2  }
0x193: {  	v2 =	vld.idx.msk [tilespmem:v4+s25+$0x0], $0xffff  }
0x194: {  	v42 =	vld [tilespmem:s29+$0x130]  }
0x195: {  	v43 =	vld [tilespmem:s29+$0x140]  }
0x196: {  	v44 =	vld [tilespmem:s29+$0x150]  }
0x197: {  	v41 =	vld [tilespmem:s29+$0x160]  }
0x198: {  	v46 =	vld [tilespmem:s29+$0x170];
	v47 =	vmov s30;
	v3 =	vmul.f32 v3, v2  }
0x199: {  	v45 =	vld [tilespmem:s29+$0x110];
	v10 =	vshrl.u32 v47, $0x3;
	v4 =	vmul.f32 v42, v2  }
0x19a: {  	v48 =	vld [tilespmem:s29+$0x120];
	v49 =	vshll.u32 v10, v0;
	[tilespmem:s29+$0x100] =	vst v3;
	v3 =	vmul.f32 v43, v2  }
0x19b: {  	v50 =	vadd.s32 $0x7, v49;
	v7 =	vmul.f32 v44, v2;
	[tilespmem:s29+$0x130] =	vst v4  }
0x19c: {  	v5 =	vmul.f32 v41, v2;
	[tilespmem:s29+$0x140] =	vst v3;
	v3 =	vbroadcast v50, $0x0  }
0x19d: {  	v51 =	vmul.f32 v46, v2;
	[tilespmem:s29+$0x150] =	vst v7  }
0x19e: {  	v52 =	vmul.f32 v45, v2;
	[tilespmem:s29+$0x160] =	vst v5  }
0x19f: {  	v2 =	vmul.f32 v48, v2;
	[tilespmem:s29+$0x170] =	vst v51  }
0x1a0: {  	[tilespmem:s29+$0x110] =	vst v52  }
0x1a1: {  	v53 =	vld [tilespmem:s29+$0x180];
	[tilespmem:s29+$0x120] =	vst v2  }
0x1a2: {  	v2 =	vld.idx.msk [tilespmem:v3+s25+$0x0], $0xffff  }
0x1a3: {  	v3 =	vld [tilespmem:s29+$0x190]  }
0x1a4: {  	v54 =	vld [tilespmem:s29+$0x1C0]  }
0x1a5: {  	v55 =	vld [tilespmem:s29+$0x1D0]  }
0x1a6: {  	v57 =	vld [tilespmem:s29+$0x1B0]  }
0x1a7: {  	v58 =	vld [tilespmem:s29+$0x1A0];
	v4 =	vmul.f32 v53, v2  }
0x1a8: {  	v56 =	vld [tilespmem:s29+$0x1E0];
	v3 =	vmul.f32 v3, v2  }
0x1a9: {  	v59 =	vld [tilespmem:s29+$0x1F0];
	v60 =	vmul.f32 v54, v2;
	[tilespmem:s29+$0x180] =	vst v4  }
0x1aa: {  	v61 =	vmul.f32 v55, v2;
	[tilespmem:s29+$0x190] =	vst v3  }
0x1ab: {  	v62 =	vmul.f32 v57, v2;
	[tilespmem:s29+$0x1C0] =	vst v60  }
0x1ac: {  	v63 =	vmul.f32 v58, v2;
	[tilespmem:s29+$0x1D0] =	vst v61  }
0x1ad: {  	v3 =	vmul.f32 v56, v2;
	[tilespmem:s29+$0x1B0] =	vst v62  }
0x1ae: {  	p1 =	seq.s32 s22, $0x0;
	s31 =	smulhi.u32 $0xAAAAAAAB, s22;
	v2 =	vmul.f32 v59, v2;
	[tilespmem:s29+$0x1A0] =	vst v63  }
0x1af: {  	s14 =	sxor.u32 @!p1 $0x1, s24;
	[tilespmem:s29+$0x1E0] =	vst v3  }
0x1b0: {  	s26 =	sadd.s32 @!p1 $0x5, s14;
	s12 =	sshrl.u32 s31, $0x2;
	[tilespmem:s29+$0x1F0] =	vst v2  }
0x1b1: {  	s12 =	smul.u32 $0x6, s12;
	_ =	swait.ge @!p1 [sflag:s26], $0x2800  }
0x1b2: {  	[sflag:s26] =	ssyncset.done @!p1 $0x0  }
0x1b3: {  	s14 =	sadd.s32 @!p1 $0x7, s14;
	s12 =	ssub.s32 s22, s12;
	[sflag:s26] =	ssyncadd.s32 @!p1 $0xFFFFD800  }
0x1b4: {  	s12 =	smul.u32 $0x140, s12;
	_ =	swait.ge @!p1 [sflag:s14], $0x50  }
0x1b5: {  	p0 =	sgt.u32 s22, $0x78;
	[sflag:s14] =	ssyncset.done @!p1 $0x0  }
0x1b6: {  	s12 =	sshrl.u32 s12, $0x2;
	[sflag:s14] =	ssyncadd.s32 @!p1 $0xFFFFFFB0;
	s14 =	sadd.s32 @!p0 $0x4, s22  }
0x1b7: {  	s30 =	sadd.s32 $0x5, s24;
	s12 =	sadd.s32 $0x140, s12;
	s29 =	smul.u32 @!p0 $0xAB, s14  }
0x1b8: {  	[spmem:s4] =	stream.indirect.scatter.add.f32 [tilespmem:s28], [sflag:s30], $0x80, s12, s9, $0xb8;
	[tilespmem:$0x1EE20] =	vst v63  }
0x1b9: {  	s26 =	smul.u32 @!p0 $0x50, s14;
	s28 =	sshrl.u32 @!p0 s29, $0xA  }
0x1ba: {  	s29 =	smul.u32 @!p0 $0x140, s23;
	s28 =	sand.u32 @!p0 $0x3F, s28  }
0x1bb: {  	s31 =	sadd.s32 $0x7, s24;
	s28 =	smul.u32 @!p0 $0x6, s28  }
0x1bc: {  	[spmem:s6] =	stream.indirect.scatter.add.f32 [tilespmem:s25], [sflag:s31], $0x1, s12, s9, $0xb8;
	[tilespmem:$0x1EE20] =	vst v63  }
0x1bd: {  	s12 =	sadd.s32 @!p0 s13, s26;
	s23 =	sadd.s32 @!p0 $0x9, s23;
	s14 =	ssub.s32 @!p0 s14, s28  }
0x1be: {  	s26 =	simm.s32 @!p0 $0x0;
	s12 =	sshrl.u32 @!p0 s12, $0x3;
	s14 =	sand.u32 @!p0 $0xFF, s14  }
0x1bf: {  	s24 =	sshrl.u32 @!p0 s29, $0x2;
	s25 =	sadd.s32 @!p0 s10, s12;
	s28 =	smul.u32 @!p0 $0x140, s14  }
0x1c0: {  	[tilespmem:s24], [sflag:s23] =	stream.linear.gather @!p0 [hbm4b:s25+s26], $0x50, $0x38;
	[tilespmem:$0x1EE20] =	vst v63  }
0x1c1: {  	s22 =	sadd.s32 $0x1, s22;
	s23 =	sshrl.u32 @!p0 s28, $0x2  }
0x1c2: {  	s12 =	sadd.s32 @!p0 s1, s12;
	s14 =	sadd.s32 @!p0 $0xD, s14;
	s23 =	sadd.s32 @!p0 $0x140, s23  }
0x1c3: {  	[tilespmem:s23], [sflag:s14] =	stream.linear.gather @!p0 [hbm4b:s12+s26], $0x50, $0x38;
	[tilespmem:$0x1EE20] =	vst v63  }
0x1c4: {  	p0 =	sne.s32 s22, $0x7D  }
.Ltmp1:
0x1c5: {  	_ = 	snop;
	(pc) =	sbr.rel @p0 .LBB2_2-.Ltmp1, $2  }
0x1c6: {  	_ =	sdelay $0x2  }
0x1c7: {  	s11 =	sadd.s32 $0x1, s11  }
0x1c8: {  	_ =	swait.ge [sflag:s17], $0x2800  }
0x1c9: {  	[sflag:s17] =	ssyncset.done $0x0  }
0x1ca: {  	[sflag:s17] =	ssyncadd.s32 $0xFFFFD800  }
0x1cb: {  	_ =	swait.ge [sflag:s18], $0x50  }
0x1cc: {  	[sflag:s18] =	ssyncset.done $0x0  }
0x1cd: {  	[sflag:s18] =	ssyncadd.s32 $0xFFFFFFB0  }
0x1ce: {  	[bflag:$0x0] =	sbarrier.arrive $0xFFFF  }
0x1cf: {  	s11 =	rddreg [dreg:$0x16]  }
0x1d0: {  	[hbm:s11], [sflag:s20] =	dma.local [spmem:s5], $0x2800  }
0x1d1: {  	_ =	swait.ge [sflag:s0], $0x2800  }
0x1d2: {  	[sflag:s0] =	ssyncset.done $0x0  }
0x1d3: {  	s30 =	rddreg [dreg:$0x17];
	[sflag:s0] =	ssyncadd.s32 $0xFFFFD800  }
0x1d4: {  	[hbm:s30], [sflag:s20] =	dma.local [spmem:s21], $0x50  }
0x1d5: {  	_ =	swait.ge [sflag:s0], $0x50  }
0x1d6: {  	s19 =	sadd.s32 $0x1, s19;
	s31 =	rddreg [dreg:$0x18]  }
0x1d7: {  	p0 =	sne.s32 s19, s31  }
.Ltmp2:
0x1d8: {  	_ = 	snop;
	(pc) =	sbr.rel @p0 .LBB2_1-.Ltmp2, $3  }
0x1d9: {  	_ =	sdelay $0x1  }
0x1da: {  	[sflag:s0] =	ssyncset.done $0x0  }
0x1db: {  	[sflag:s0] =	ssyncadd.s32 $0xFFFFFFB0  }
0x1dc: {  	_ =	sfence.sel $0x180000  }
0x1dd: {  	[bflag:$0x0] =	sbarrier.arrive $0xFFFF  }
0x1de: {  	_ =	strace $0x9000004A  }
0x1df: {  	s0 =	stileid.u32;
	[bflag:$0x2] =	sbarrier.arrive $0xFFFF  }
0x1e0: {  	p0 =	sne.s32 s0, $0x0;
	s0 =	rddreg [dreg:$0x6]  }
0x1e1: {  	s0 =	sadd.s32 @!p0 $0x100000, s0  }
0x1e2: {  	[sflag:s0] =	ssyncadd.tile.s32 @!p0 $0x1;
	_ =	shalt  }
.Lfunc_end2:
_tile_overlayer_lowered:
.L_overlay_start_2:
0x1e3: {  	(tag) =	ssettag $0x2  }
0x1e4: {  	s0 =	rddreg [dreg:$0x0];
	s2 =	stileid.u32  }
0x1e5: {  	s1 =	rddreg [dreg:$0x1];
	p0 =	sne.s32 s2, $0x0  }
0x1e6: {  	s3 =	rddreg [dreg:$0x2];
	[bflag:$0x3] =	sbarrier.arrive $0xFFFF;
	s2 =	simm.s32 @!p0 $0x1C19  }
0x1e7: {  	[timem:s3], [sflag:s2] =	dma.local @!p0 [hbm:s0], s1  }
0x1e8: {  	s0 =	simm.s32 @!p0 $0x19  }
0x1e9: {  	_ =	swait.ge @!p0 [sflag:s0], s1  }
0x1ea: {  	s1 =	ssub.s32 @!p0 $0x0, s1;
	[sflag:s0] =	ssyncset.done @!p0 $0x0  }
0x1eb: {  	[sflag:s0] =	ssyncadd.s32 @!p0 s1  }
0x1ec: {  	[bflag:$0x3] =	sbarrier.arrive $0xFFFF  }
0x1ed: {  	_ =	shalt  }

// kernel: kernel.7.cloned.1.call-start
scs
__scs_entry_jumppad:
0x0: {  	(pc) =	sbr.rel $0x88, $3  }
0x1: {  	(tag) =	ssettag $0x0;
	lr =	simm.s32 $0x1  }
0x2: {  	[smem:$0x3F97] =	sst lr;
	_ =	strace $0xD0000000  }
0x3: {  	_ = 	snop  }
0x4: {  	_ = 	snop  }
0x5: {  	_ = 	snop  }
0x6: {  	_ = 	snop  }
0x7: {  	_ = 	snop  }
__scs_overlays_trampoline_lowered:
0x8: {  	[smem:$0x3FA6] =	sst s0  }
0x9: {  	[smem:$0x3FA7] =	sst s1  }
0xa: {  	[smem:$0x3FA8] =	sst s2  }
0xb: {  	[smem:$0x3FA9] =	sst s3  }
0xc: {  	[smem:$0x3FAA] =	sst s4  }
0xd: {  	[smem:$0x3FAB] =	sst s5  }
0xe: {  	[smem:$0x3FAC] =	sst s6  }
0xf: {  	[smem:$0x3FAD] =	sst s7  }
0x10: {  	[smem:$0x3FAE] =	sst s8  }
0x11: {  	[smem:$0x3FAF] =	sst s9;
	s0 =	simm.s32 @!p0 $0x0  }
0x12: {  	s1 =	sld [smem:$0x3F95];
	s0 =	simm.s32 @p0 $0x1  }
0x13: {  	[smem:$0x3FB0] =	sst s0;
	s0 =	simm.s32 @!p1 $0x0  }
0x14: {  	s2 =	sld [smem:$0x3F94];
	s0 =	simm.s32 @p1 $0x1  }
0x15: {  	[smem:$0x3FB1] =	sst s0;
	s0 =	simm.s32 @!p2 $0x0  }
0x16: {  	s3 =	sld [smem:$0x3FDB];
	s0 =	simm.s32 @p2 $0x1  }
0x17: {  	s4 =	simm.s32 $0x1BF5;
	[smem:$0x3FB3] =	sst s0  }
0x18: {  	s0 =	sld [smem:$0x3F96];
	_ =	swait.ge [sflag:s4], $0x0  }
0x19: {  	s7 =	sld [smem:$0x3F97]  }
0x1a: {  	s8 =	sadd.s32 $0xFFFFE003, lr  }
0x1b: {  	s9 =	sadd.s32 $0xFFFFFEF7, lr;
	s5 =	simm.s32 $0xFFFFFFFF;
	p2 =	slt.u32 s8, $0xFFFFF086  }
0x1c: {  	p1 =	slt.u32 s9, $0xF7A;
	s5 =	simm.s32 @!p2 $0x0  }
0x1d: {  	s5 =	simm.s32 @p1 $0x1;
	p0 =	seq.s32 s7, s2  }
0x1e: {  	s7 =	smul.u32 @!p0 $0xF7A, s2;
	p2 =	seq.s32 @!p0 s5, $0x0  }
0x1f: {  	s9 =	smul.u32 $0xF7A, s1;
	s8 =	simm.s32 @!p0 $0x1BF5;
	p2 =	por !p2, p0  }
0x20: {  	[sflag:s8] =	ssyncset.s32 @!p0 $0xFFFFF086;
	s6 =	sadd.s32 @!p0 s3, s7;
	s7 =	simm.s32 @!p0 $0x108  }
0x21: {  	s3 =	sadd.s32 s3, s9;
	s6 =	sadd.s32 @!p0 $0x88, s6;
	s7 =	simm.s32 @p2 $0x1082  }
0x22: {  	[simem:s7], [sflag:s8] =	dma.local @!p0 [hbm:s6], $0xF7A  }
0x23: {  	s9 =	sor.u32 $0xD0000000, s2;
	s6 =	simm.s32 $0x108;
	_ =	swait.ge @!p0 [sflag:s8], $0x0  }
0x24: {  	s3 =	sadd.s32 $0x88, s3;
	s6 =	simm.s32 @!p1 $0x1082;
	[sflag:s4] =	ssyncset.s32 $0xFFFFF086  }
0x25: {  	[simem:s6], [sflag:s4] =	dma.local [hbm:s3], $0xF7A  }
0x26: {  	[smem:$0x3F97] =	sst s1;
	(tag) =	ssettag s2;
	_ =	strace s9  }
0x27: {  	s1 =	sld [smem:$0x3FA7]  }
0x28: {  	s2 =	sld [smem:$0x3FA8]  }
0x29: {  	s4 =	sld [smem:$0x3FAA]  }
0x2a: {  	p0 =	seq.s32 s5, $0x0;
	s5 =	sld [smem:$0x3FAB]  }
0x2b: {  	s6 =	sld [smem:$0x3FAC]  }
0x2c: {  	s7 =	sld [smem:$0x3FAD]  }
0x2d: {  	s3 =	simm.s32 $0x108;
	s8 =	sld [smem:$0x3FAE]  }
0x2e: {  	s3 =	simm.s32 @!p0 $0x1082;
	s9 =	sld [smem:$0x3FAF]  }
0x2f: {  	lr =	sadd.s32 s0, s3;
	s0 =	sld [smem:$0x3FA6]  }
0x30: {  	s3 =	sld [smem:$0x3FA9]  }
0x31: {  	[smem:$0x3FB2] =	sst s10  }
0x32: {  	s10 =	sld [smem:$0x3FB0];
	_ =	sdelay $0x3  }
0x33: {  	p0 =	seq.s32 s10, $0x1;
	s10 =	sld [smem:$0x3FB2];
	_ =	sdelay $0x3  }
0x34: {  	[smem:$0x3FB2] =	sst s10  }
0x35: {  	s10 =	sld [smem:$0x3FB1];
	_ =	sdelay $0x3  }
0x36: {  	p1 =	seq.s32 s10, $0x1;
	s10 =	sld [smem:$0x3FB2];
	_ =	sdelay $0x3  }
0x37: {  	[smem:$0x3FB2] =	sst s10  }
0x38: {  	s10 =	sld [smem:$0x3FB3]  }
0x39: {  	_ = 	snop;
	(pc) =	sbr.ind lr, $3  }
0x3a: {  	_ = 	snop  }
0x3b: {  	_ = 	snop  }
0x3c: {  	p2 =	seq.s32 s10, $0x1;
	s10 =	sld [smem:$0x3FB2]  }
0x3d: {  	_ =	shalt  }
0x3e: {  	_ =	shalt  }
0x3f: {  	_ =	shalt  }
0x40: {  	_ =	shalt  }
0x41: {  	_ =	shalt  }
0x42: {  	_ =	shalt  }
0x43: {  	_ =	shalt  }
0x44: {  	_ =	shalt  }
0x45: {  	_ =	shalt  }
0x46: {  	_ =	shalt  }
0x47: {  	_ =	shalt  }
0x48: {  	_ =	shalt  }
0x49: {  	_ =	shalt  }
0x4a: {  	_ =	shalt  }
0x4b: {  	_ =	shalt  }
0x4c: {  	_ =	shalt  }
0x4d: {  	_ =	shalt  }
0x4e: {  	_ =	shalt  }
0x4f: {  	_ =	shalt  }
0x50: {  	_ =	shalt  }
0x51: {  	_ =	shalt  }
0x52: {  	_ =	shalt  }
0x53: {  	_ =	shalt  }
0x54: {  	_ =	shalt  }
0x55: {  	_ =	shalt  }
0x56: {  	_ =	shalt  }
0x57: {  	_ =	shalt  }
0x58: {  	_ =	shalt  }
0x59: {  	_ =	shalt  }
0x5a: {  	_ =	shalt  }
0x5b: {  	_ =	shalt  }
0x5c: {  	_ =	shalt  }
0x5d: {  	_ =	shalt  }
0x5e: {  	_ =	shalt  }
0x5f: {  	_ =	shalt  }
0x60: {  	_ =	shalt  }
0x61: {  	_ =	shalt  }
0x62: {  	_ =	shalt  }
0x63: {  	_ =	shalt  }
0x64: {  	_ =	shalt  }
0x65: {  	_ =	shalt  }
0x66: {  	_ =	shalt  }
0x67: {  	_ =	shalt  }
0x68: {  	_ =	shalt  }
0x69: {  	_ =	shalt  }
0x6a: {  	_ =	shalt  }
0x6b: {  	_ =	shalt  }
0x6c: {  	_ =	shalt  }
0x6d: {  	_ =	shalt  }
0x6e: {  	_ =	shalt  }
0x6f: {  	_ =	shalt  }
0x70: {  	_ =	shalt  }
0x71: {  	_ =	shalt  }
0x72: {  	_ =	shalt  }
0x73: {  	_ =	shalt  }
0x74: {  	_ =	shalt  }
0x75: {  	_ =	shalt  }
0x76: {  	_ =	shalt  }
0x77: {  	_ =	shalt  }
0x78: {  	_ =	shalt  }
0x79: {  	_ =	shalt  }
0x7a: {  	_ =	shalt  }
0x7b: {  	_ =	shalt  }
0x7c: {  	_ =	shalt  }
0x7d: {  	_ =	shalt  }
0x7e: {  	_ =	shalt  }
0x7f: {  	_ =	shalt  }
0x80: {  	_ =	shalt  }
0x81: {  	_ =	shalt  }
0x82: {  	_ =	shalt  }
0x83: {  	_ =	shalt  }
0x84: {  	_ =	shalt  }
0x85: {  	_ =	shalt  }
0x86: {  	_ =	shalt  }
0x87: {  	_ =	shalt  }
.Lfunc_end0:
.L_simem_size_0:
called_computation_lowered:
.L_overlay_start_0:
0x88: {  	s2 =	sld [smem:$0x3FD9]  }
0x89: {  	s3 =	sld [smem:$0x3FFE];
	_ =	sdelay $0x1  }
0x8a: {  	s1 =	srdreg.scid  }
0x8b: {  	s0 =	sand.u32 $0x1, s1  }
0x8c: {  	s17 =	sshll.u32 s0, $0xA;
	s2 =	sadd.s32 s3, s2  }
0x8d: {  	s2 =	sadd.s32 s2, s17  }
0x8e: {  	[smem:$0x3FBE] =	sst s2  }
0x8f: {  	_ = 	snop  }
0x90: {  	s2 =	sld [smem:$0x3FD0];
	(tm) =	ssettm $0x1  }
0x91: {  	s18 =	sld [smem:$0x3FFB];
	_ =	sdelay $0x3  }
0x92: {  	_ =	strace s18  }
0x93: {  	s3 =	sld [smem:$0x3FFC];
	_ =	sdelay $0x3  }
0x94: {  	_ =	strace s3  }
0x95: {  	s3 =	sld [smem:$0x3FFD];
	_ =	sdelay $0x3  }
0x96: {  	_ =	strace s3  }
0x97: {  	_ =	strace $0x8FFFFFFF  }
0x98: {  	s19 =	sld [smem:$0x3FDB];
	_ =	sdelay $0x1  }
0x99: {  	s4 =	simm.s32 $_scs_section_size  }
0x9a: {  	s5 =	simm.s32 $_size__tile_overlayer_lowered;
	s6 =	simm.s32 $_tile_overlayer_lowered  }
0x9b: {  	s22 =	simm.s32 $0x1BFF;
	s21 =	sshll.u32 s6, $0x1;
	s3 =	sadd.s32 s4, s19  }
0x9c: {  	s7 =	simm.s32 $0x0;
	s20 =	sshll.u32 s5, $0x1;
	s5 =	sadd.s32 s21, s3  }
0x9d: {  	[timem:s7], [sflag:s22] =	dma.local [hbm:s5], s20  }
0x9e: {  	_ =	swait.ge [sflag:s22], s20  }
0x9f: {  	s4 =	ssub.s32 $0x0, s20;
	[sflag:s22] =	ssyncset.done $0x0  }
0xa0: {  	[sflag:s22] =	ssyncadd.s32 s4;
	_ =	sdelay $0x1  }
0xa1: {  	s23 =	simm.s32 $0x1B8B  }
0xa2: {  	_ =	swait.ge [sflag:s23], $0x1  }
0xa3: {  	[sflag:s23] =	ssyncset.done $0x0  }
0xa4: {  	s25 =	simm.s32 $0x1B8E;
	s24 =	sld [smem:$0x3FFE];
	[sflag:s23] =	ssyncadd.s32 $0xFFFFFFFF  }
0xa5: {  	s26 =	simm.s32 $execute0_lowered;
	[smem:$0x3FD2] =	sst s25  }
0xa6: {  	s5 =	sshll.u32 s26, $0x1;
	_ =	strace $0x80000046;
	[dreg:$0x1] =	wrdreg $0xFFFFFFFF  }
0xa7: {  	s28 =	simm.s32 $_size_execute0_lowered;
	s3 =	sadd.s32 s3, s5;
	[dreg:$0x0] =	wrdreg $0x0  }
0xa8: {  	s5 =	sshll.u32 s28, $0x1;
	[dreg:$0x2] =	wrdreg s3  }
0xa9: {  	[dreg:$0x3] =	wrdreg s5  }
0xaa: {  	[dreg:$0x4] =	wrdreg $0xC0  }
0xab: {  	_ =	task [dreg:s7], $0x5FFFF  }
0xac: {  	[dreg:$0x1] =	wrdreg $0xFFFFFFFF  }
0xad: {  	[dreg:$0x0] =	wrdreg $0x60  }
0xae: {  	[dreg:$0x2] =	wrdreg s24  }
0xaf: {  	[dreg:$0x3] =	wrdreg s2  }
0xb0: {  	[dreg:$0x4] =	wrdreg $0xA6A00  }
0xb1: {  	[dreg:$0x5] =	wrdreg $0xA9200  }
0xb2: {  	[dreg:$0x6] =	wrdreg $0xABA00  }
0xb3: {  	[dreg:$0x7] =	wrdreg $0x1EBA00  }
0xb4: {  	[dreg:$0x8] =	wrdreg $0x9  }
0xb5: {  	_ =	task.clear_ibuf [dreg:s7], $0x9FFFF;
	_ =	strace $0x90000046  }
0xb6: {  	s29 =	simm.s32 $0x9;
	_ =	strace $0x80000048  }
0xb7: {  	_ =	swait.ge [sflag:s29], $0x1  }
0xb8: {  	[sflag:s29] =	ssyncadd.s32 $0xFFFFFFFF  }
0xb9: {  	_ =	strace $0x90000048  }
0xba: {  	_ =	sfence  }
0xbb: {  	s30 =	sld [smem:$0x0];
	_ =	sdelay $0x2  }
0xbc: {  	s31 =	sshll.u32 s1, $0xD;
	s1 =	sshrl.u32 s1, $0x2  }
0xbd: {  	s3 =	sand.u32 $0x4000, s31;
	s1 =	sadd.s32 s1, s30  }
0xbe: {  	s0 =	sor.u32 s3, s0;
	s1 =	sshll.u32 s1, $0x11  }
0xbf: {  	s0 =	sor.u32 s1, s0  }
0xc0: {  	s0 =	sadd.s32 $0x8F2B, s0  }
0xc1: {  	[sflag:s0] =	ssyncadd.remote.s32 $0x1  }
0xc2: {  	_ =	sfence.sel $0xFFFF  }
0xc3: {  	[dreg:$0x0] =	wrdreg $0xFFFFFFFF;
	(pc) =	sbr.abs _section_cstart, $3  }
0xc4: {  	[dreg:$0x1] =	wrdreg $0xFFFFFFFF  }
0xc5: {  	_ =	task.clear_ibuf [dreg:s7], $0x2FFFF;
	_ =	strace $0x9FFFFFFF  }
0xc6: {  	(tm) =	ssettm $0x7FFFFFFF  }
0xc7: {  	_ =	shalt  }
tec
execute0_lowered:
.L_overlay_start_1:
0x0: {  	(tag) =	ssettag $0x1  }
0x1: {  	s0 =	rddreg [dreg:$0x0]  }
0x2: {  	s1 =	rddreg [dreg:$0x1]  }
0x3: {  	s2 =	rddreg [dreg:$0x2]  }
0x4: {  	s3 =	rddreg [dreg:$0x3]  }
0x5: {  	s4 =	rddreg [dreg:$0x4]  }
0x6: {  	s6 =	rddreg [dreg:$0x5]  }
0x7: {  	s7 =	simm.s32 $0x0;
	s16 =	stileid.u32;
	s8 =	srdreg.scid  }
0x8: {  	[smem:$0x7FF] =	sst s7;
	s5 =	smul.u32 $0x280, s16;
	s9 =	sand.u32 $0x1, s8  }
0x9: {  	s11 =	smul.u32 $0x14000, s16;
	s8 =	sadd.s32 $0xE600, s0;
	s24 =	sadd.s32 $0x37200, s0  }
0xa: {  	s13 =	sadd.s32 $0x37600, s0;
	_ =	strace $0x80000047;
	[dreg:$0x7] =	wrdreg s24  }
0xb: {  	s15 =	sadd.s32 $0x37400, s0;
	s12 =	smul.u32 $0x140000, s9;
	[dreg:$0x8] =	wrdreg s13  }
0xc: {  	s25 =	smul.u32 $0x2800, s9;
	[dreg:$0x9] =	wrdreg s15;
	s26 =	sshll.u32 s9, $0x4  }
0xd: {  	s9 =	ssub.s32 $0x2, s9;
	s10 =	sshrl.u32 s5, $0x3;
	s15 =	sor.u32 s16, s26  }
0xe: {  	s17 =	sshrl.u32 s9, $0x1;
	s14 =	sadd.s32 s10, s0;
	s10 =	sadd.s32 $0x4800, s0  }
0xf: {  	s12 =	sadd.s32 s11, s12;
	s13 =	sadd.s32 s5, s25;
	s9 =	ssub.s32 s9, s17  }
0x10: {  	s17 =	sadd.s32 s5, s3;
	s11 =	sadd.s32 s11, s4;
	s12 =	sshrl.u32 s12, $0x3  }
0x11: {  	s28 =	sshrl.u32 s13, $0x3;
	s29 =	sadd.s32 $0x36600, s14;
	[dreg:$0xc] =	wrdreg s11  }
0x12: {  	s13 =	smul.u32 $0x2710, s15;
	s14 =	sadd.s32 $0x36C00, s14;
	[dreg:$0xa] =	wrdreg s29  }
0x13: {  	s15 =	sadd.s32 s5, s2;
	s5 =	sadd.s32 s5, s6;
	[dreg:$0xb] =	wrdreg s14  }
0x14: {  	s12 =	sadd.s32 s12, s0;
	[dreg:$0xd] =	wrdreg s5;
	s29 =	smax.u32 s9, $0x1  }
0x15: {  	s0 =	sadd.s32 s28, s0;
	s28 =	sadd.s32 $0x3A800, s12;
	[dreg:$0x18] =	wrdreg s29  }
0x16: {  	s30 =	sshrl.u32 s13, $0x3;
	s0 =	sadd.s32 $0x39E00, s0;
	[dreg:$0x16] =	wrdreg s28  }
0x17: {  	s31 =	sadd.s32 $0xA, s30;
	s20 =	sadd.s32 s10, s30;
	[dreg:$0x17] =	wrdreg s0  }
0x18: {  	s21 =	sadd.s32 $0x14, s30;
	s22 =	sadd.s32 s1, s30;
	[dreg:$0x10] =	wrdreg s20  }
0x19: {  	s23 =	sadd.s32 $0x1E, s30;
	s30 =	sshrl.u32 s15, $0x3;
	[dreg:$0x11] =	wrdreg s22  }
0x1a: {  	s18 =	sadd.s32 s10, s31;
	[dreg:$0x19] =	wrdreg s30  }
0x1b: {  	s19 =	sadd.s32 s1, s31;
	[dreg:$0xe] =	wrdreg s18  }
0x1c: {  	s16 =	simm.s32 $0xE;
	s24 =	sadd.s32 s10, s21;
	[dreg:$0xf] =	wrdreg s19  }
0x1d: {  	s9 =	simm.s32 $0x50;
	s5 =	sadd.s32 s1, s21;
	[dreg:$0x12] =	wrdreg s24  }
0x1e: {  	s0 =	simm.s32 $0x19;
	s25 =	sadd.s32 s10, s23;
	[dreg:$0x13] =	wrdreg s5  }
0x1f: {  	s15 =	simm.s32 $0xA;
	s26 =	sadd.s32 s1, s23;
	[dreg:$0x14] =	wrdreg s25  }
0x20: {  	v0 =	vimm.s32 $0x0;
	vm0 =	vcmask $0x300;
	s31 =	sshrl.u32 s17, $0x3;
	s17 =	simm.s32 $0x5;
	[dreg:$0x15] =	wrdreg s26  }
0x21: {  	v0 =	vsel vm0, $0x3, v0;
	[dreg:$0x1a] =	wrdreg s31;
	s18 =	simm.s32 $0x7;
	s19 =	simm.s32 $0x0  }
.LBB2_1:
0x22: {  	s5 =	rddreg [dreg:$0x7];
	s11 =	simm.s32 $0x320  }
0x23: {  	[tilespmem:s11], [sflag:$0x19] =	stream.linear.gather [hbm4b:s5+s7], $0x100, $0x38;
	[tilespmem:$0x1EE20] =	vst v63  }
0x24: {  	s22 =	stileid.u32;
	_ =	swait.ge [sflag:s0], $0x100  }
0x25: {  	s5 =	sshll.u32 s22, $0x6;
	[sflag:s0] =	ssyncset.done $0x0;
	s23 =	rddreg [dreg:$0xa]  }
0x26: {  	s20 =	sor.u32 $0x1C19, s5;
	s24 =	rddreg [dreg:$0x19];
	[sflag:s0] =	ssyncadd.s32 $0xFFFFFF00  }
0x27: {  	[spmem:s24], [sflag:s20] =	dma.local [hbm:s23], $0x50  }
0x28: {  	_ =	swait.ge [sflag:s0], $0x50  }
0x29: {  	[sflag:s0] =	ssyncset.done $0x0;
	s25 =	rddreg [dreg:$0xb]  }
0x2a: {  	s26 =	rddreg [dreg:$0x1a];
	[sflag:s0] =	ssyncadd.s32 $0xFFFFFFB0  }
0x2b: {  	[spmem:s26], [sflag:s20] =	dma.local [hbm:s25], $0x50  }
0x2c: {  	_ =	swait.ge [sflag:s0], $0x50  }
0x2d: {  	[sflag:s0] =	ssyncset.done $0x0;
	s28 =	rddreg [dreg:$0xc]  }
0x2e: {  	s29 =	rddreg [dreg:$0x8];
	[sflag:s0] =	ssyncadd.s32 $0xFFFFFFB0;
	s5 =	sshrl.u32 s28, $0x3  }
0x2f: {  	[spmem:s5], [sflag:s20] =	dma.local [hbm:s29], $0x2800  }
0x30: {  	_ =	swait.ge [sflag:s0], $0x2800  }
0x31: {  	[sflag:s0] =	ssyncset.done $0x0;
	s30 =	rddreg [dreg:$0xd]  }
0x32: {  	s31 =	rddreg [dreg:$0x9];
	[sflag:s0] =	ssyncadd.s32 $0xFFFFD800;
	s21 =	sshrl.u32 s30, $0x3  }
0x33: {  	[spmem:s21], [sflag:s20] =	dma.local [hbm:s31], $0x50  }
0x34: {  	_ =	swait.ge [sflag:s0], $0x50  }
0x35: {  	[sflag:s0] =	ssyncset.done $0x0  }
0x36: {  	[sflag:s0] =	ssyncadd.s32 $0xFFFFFFB0  }
0x37: {  	[bflag:$0x0] =	sbarrier.arrive $0xFFFF  }
0x38: {  	v1 =	vld [tilespmem:$0x320];
	s12 =	rddreg [dreg:$0x10]  }
0x39: {  	v2 =	vld [tilespmem:$0x3A0];
	[tilespmem:s7], [sflag:$0x9] =	stream.linear.gather [hbm4b:s12+s7], $0x50, $0x38  }
0x3a: {  	s14 =	rddreg [dreg:$0x11];
	s12 =	simm.s32 $0x140  }
0x3b: {  	[tilespmem:s12], [sflag:$0xD] =	stream.linear.gather [hbm4b:s14+s7], $0x50, $0x38;
	[tilespmem:$0x1EE20] =	vst v63  }
0x3c: {  	s22 =	rddreg [dreg:$0xe]  }
0x3d: {  	[tilespmem:s9], [sflag:$0xA] =	stream.linear.gather [hbm4b:s22+s7], $0x50, $0x38;
	[tilespmem:$0x1EE20] =	vst v63  }
0x3e: {  	s23 =	rddreg [dreg:$0xf];
	s14 =	simm.s32 $0x190  }
0x3f: {  	[tilespmem:s14], [sflag:$0xE] =	stream.linear.gather [hbm4b:s23+s7], $0x50, $0x38;
	[tilespmem:$0x1EE20] =	vst v63  }
0x40: {  	s24 =	rddreg [dreg:$0x12];
	s22 =	simm.s32 $0xA0  }
0x41: {  	[tilespmem:s22], [sflag:$0xB] =	stream.linear.gather [hbm4b:s24+s7], $0x50, $0x38;
	[tilespmem:$0x1EE20] =	vst v63  }
0x42: {  	s26 =	simm.s32 $0x1E0;
	s25 =	rddreg [dreg:$0x13]  }
0x43: {  	[tilespmem:s26], [sflag:$0xF] =	stream.linear.gather [hbm4b:s25+s7], $0x50, $0x38;
	[tilespmem:$0x1EE20] =	vst v63  }
0x44: {  	s29 =	simm.s32 $0xF0;
	s28 =	rddreg [dreg:$0x14]  }
0x45: {  	[tilespmem:s29], [sflag:$0xC] =	stream.linear.gather [hbm4b:s28+s7], $0x50, $0x38;
	[tilespmem:$0x1EE20] =	vst v63  }
0x46: {  	s31 =	simm.s32 $0x230;
	s30 =	rddreg [dreg:$0x15];
	s23 =	simm.s32 $0x9  }
0x47: {  	[tilespmem:s31], [sflag:$0x10] =	stream.linear.gather [hbm4b:s30+s7], $0x50, $0x38;
	[tilespmem:$0x1EE20] =	vst v63  }
0x48: {  	_ =	swait.ge [sflag:s23], $0x50  }
0x49: {  	[sflag:s23] =	ssyncset.done $0x0  }
0x4a: {  	s24 =	simm.s32 $0xD;
	[sflag:s23] =	ssyncadd.s32 $0xFFFFFFB0  }
0x4b: {  	_ =	swait.ge [sflag:s24], $0x50  }
0x4c: {  	[sflag:s24] =	ssyncset.done $0x0  }
0x4d: {  	s25 =	simm.s32 $0x4C0;
	[sflag:s24] =	ssyncadd.s32 $0xFFFFFFB0  }
0x4e: {  	[tilespmem:s25], [sflag:$0x1] =	stream.indirect.gather [hbm4b:s8+s9], $0x80, s7, s9, $0xb8;
	[tilespmem:$0x1EE20] =	vst v63  }
0x4f: {  	s26 =	simm.s32 $0xA4C0  }
0x50: {  	[tilespmem:s26], [sflag:$0x13] =	stream.indirect.gather [spmem:s2], $0x1, s7, s9, $0xb8;
	[tilespmem:$0x1EE20] =	vst v63  }
0x51: {  	s28 =	simm.s32 $0xA5B0  }
0x52: {  	[tilespmem:s28], [sflag:$0x16] =	stream.indirect.gather [spmem:s3], $0x1, s12, s9, $0xb8;
	[tilespmem:$0x1EE20] =	vst v63  }
0x53: {  	_ =	swait.ge [sflag:s15], $0x50  }
0x54: {  	[sflag:s15] =	ssyncset.done $0x0  }
0x55: {  	[sflag:s15] =	ssyncadd.s32 $0xFFFFFFB0  }
0x56: {  	_ =	swait.ge [sflag:s16], $0x50  }
0x57: {  	[sflag:s16] =	ssyncset.done $0x0  }
0x58: {  	s29 =	simm.s32 $0x2CC0;
	[sflag:s16] =	ssyncadd.s32 $0xFFFFFFB0  }
0x59: {  	v1 =	vadd.f32 v2, v1;
	[tilespmem:s29], [sflag:$0x2] =	stream.indirect.gather [hbm4b:s8+s9], $0x80, s9, s9, $0xb8;
	[tilespmem:$0x1EE20] =	vst v63  }
0x5a: {  	s30 =	simm.s32 $0xA510  }
0x5b: {  	v2 =	vmul.f32 $2.000000030e-01, v1;
	[tilespmem:s30], [sflag:$0x14] =	stream.indirect.gather [spmem:s2], $0x1, s9, s9, $0xb8;
	[tilespmem:$0x1EE20] =	vst v63  }
0x5c: {  	s11 =	simm.s32 $0x0;
	vm0 =	vge.f32 v1, $0.0e+00;
	s22 =	simm.s32 $0x0;
	s31 =	simm.s32 $0xA600  }
0x5d: {  	v1 =	vsel vm0, v1, v2;
	[tilespmem:s31], [sflag:$0x17] =	stream.indirect.gather [spmem:s3], $0x1, s14, s9, $0xb8;
	[tilespmem:$0x1EE20] =	vst v63  }
.LBB2_2:
0x5e: {  	s12 =	smul.u32 $0xAB, s22;
	_ =	sdelay $0x1  }
0x5f: {  	s12 =	sshrl.u32 s12, $0x9  }
0x60: {  	s12 =	sand.u32 $0x7F, s12  }
0x61: {  	s23 =	sand.u32 $0x3, s22;
	s12 =	smul.u32 $0x3, s12  }
0x62: {  	s24 =	sadd.s32 $0x1, s23  }
0x63: {  	p0 =	sgt.u32 s22, $0x7A;
	_ =	swait.ge [sflag:s24], $0x2800;
	s12 =	ssub.s32 s22, s12  }
0x64: {  	s25 =	sadd.s32 @!p0 $0x2, s22;
	[sflag:s24] =	ssyncset.done $0x0;
	s12 =	sand.u32 $0xFF, s12  }
0x65: {  	s26 =	smul.u32 @!p0 $0xAB, s25;
	[sflag:s24] =	ssyncadd.s32 $0xFFFFD800;
	s14 =	sadd.s32 $0x13, s12  }
0x66: {  	s29 =	sand.u32 @!p0 $0x3, s25;
	_ =	swait.ge [sflag:s14], $0x50  }
0x67: {  	s30 =	smul.u32 @!p0 $0x140, s29;
	s28 =	sshrl.u32 @!p0 s26, $0xA;
	[sflag:s14] =	ssyncset.done $0x0  }
0x68: {  	s28 =	sand.u32 @!p0 $0x3F, s28;
	[sflag:s14] =	ssyncadd.s32 $0xFFFFFFB0;
	s14 =	sadd.s32 $0x16, s12  }
0x69: {  	s28 =	smul.u32 @!p0 $0x6, s28;
	_ =	swait.ge [sflag:s14], $0x50  }
0x6a: {  	s24 =	sadd.s32 @!p0 $0x9, s29;
	s26 =	sshrl.u32 @!p0 s26, $0x9;
	[sflag:s14] =	ssyncset.done $0x0  }
0x6b: {  	s26 =	sand.u32 @!p0 $0x7F, s26;
	s28 =	ssub.s32 @!p0 s25, s28;
	[sflag:s14] =	ssyncadd.s32 $0xFFFFFFB0  }
0x6c: {  	s26 =	smul.u32 @!p0 $0x3, s26;
	s28 =	sand.u32 @!p0 $0xFF, s28;
	_ =	swait.ge @!p0 [sflag:s24], $0x50  }
0x6d: {  	s31 =	smul.u32 @!p0 $0x140, s28;
	[sflag:s24] =	ssyncset.done @!p0 $0x0  }
0x6e: {  	[sflag:s24] =	ssyncadd.s32 @!p0 $0xFFFFFFB0;
	s24 =	sadd.s32 @!p0 $0xD, s28;
	s28 =	smul.u32 @!p0 $0xA000, s29  }
0x6f: {  	s30 =	sshrl.u32 @!p0 s30, $0x2;
	s25 =	ssub.s32 @!p0 s25, s26;
	_ =	swait.ge @!p0 [sflag:s24], $0x50  }
0x70: {  	s31 =	sshrl.u32 @!p0 s31, $0x2;
	[sflag:s24] =	ssyncset.done @!p0 $0x0;
	s26 =	sshrl.u32 @!p0 s28, $0x2  }
0x71: {  	s28 =	simm.s32 @!p0 $0x50;
	[sflag:s24] =	ssyncadd.s32 @!p0 $0xFFFFFFB0;
	s24 =	sand.u32 @!p0 $0xFF, s25  }
0x72: {  	s25 =	sor.u32 @!p0 $0x4C0, s26;
	s26 =	sadd.s32 @!p0 $0x1, s29;
	s29 =	smul.u32 @!p0 $0x50, s24  }
0x73: {  	[tilespmem:s25], [sflag:s26] =	stream.indirect.gather @!p0 [hbm4b:s8+s28], $0x80, s30, s28, $0xb8;
	[tilespmem:$0x1EE20] =	vst v63  }
0x74: {  	s25 =	sadd.s32 @!p0 $0x140, s31;
	s31 =	sadd.s32 @!p0 $0x13, s24;
	s26 =	sadd.s32 @!p0 $0xA4C0, s29  }
0x75: {  	[tilespmem:s26], [sflag:s31] =	stream.indirect.gather @!p0 [spmem:s2], $0x1, s30, s28, $0xb8;
	[tilespmem:$0x1EE20] =	vst v63  }
0x76: {  	s12 =	smul.u32 $0x50, s12;
	s24 =	sadd.s32 @!p0 $0x16, s24;
	s26 =	sadd.s32 @!p0 $0xA5B0, s29  }
0x77: {  	[tilespmem:s26], [sflag:s24] =	stream.indirect.gather @!p0 [spmem:s3], $0x1, s25, s28, $0xb8;
	[tilespmem:$0x1EE20] =	vst v63  }
0x78: {  	v2 =	vld [tilespmem:s12+$0xA4C0]  }
0x79: {  	v3 =	vld [tilespmem:s12+$0xA5B0];
	_ =	sdelay $0x4  }
0x7a: {  	v2 =	vadd.f32 v3, v2;
	_ =	sdelay $0x1  }
0x7b: {  	v3 =	vmul.f32 $2.000000030e-01, v2  }
0x7c: {  	vm0 =	vge.f32 v2, $0.0e+00  }
0x7d: {  	v2 =	vsel vm0, v2, v3  }
0x7e: {  	v2 =	vsub.f32 v2, v1;
	_ =	sdelay $0x1  }
0x7f: {  	v2 =	vmul.f32 $1.442695020e+00, v2;
	_ =	sdelay $0x1  }
0x80: {  	(erf) = vpow2.f32 v2;
	_ =	sdelay $0x5  }
0x81: {  	s24 =	sand.u32 $0x1, s22  }
0x82: {  	s26 =	smul.u32 $0x140, s24;
	_ =	sdelay $0x1  }
0x83: {  	s25 =	sshrl.u32 s26, $0x2;
	v2 =	vpop (erf)  }
0x84: {  	[tilespmem:s25+$0x420] =	vst v2  }
0x85: {  	v2 =	vld [tilespmem:s12+$0xA4D0]  }
0x86: {  	v3 =	vld [tilespmem:s12+$0xA5C0];
	_ =	sdelay $0x4  }
0x87: {  	v2 =	vadd.f32 v3, v2;
	_ =	sdelay $0x1  }
0x88: {  	v3 =	vmul.f32 $2.000000030e-01, v2  }
0x89: {  	vm12 =	vge.f32 v2, $0.0e+00  }
0x8a: {  	v2 =	vsel vm12, v2, v3  }
0x8b: {  	v2 =	vsub.f32 v2, v1;
	_ =	sdelay $0x1  }
0x8c: {  	v2 =	vmul.f32 $1.442695020e+00, v2;
	_ =	sdelay $0x1  }
0x8d: {  	(erf) = vpow2.f32 v2;
	_ =	sdelay $0x8  }
0x8e: {  	v2 =	vpop (erf)  }
0x8f: {  	[tilespmem:s25+$0x430] =	vst v2  }
0x90: {  	v2 =	vld [tilespmem:s12+$0xA4E0]  }
0x91: {  	v3 =	vld [tilespmem:s12+$0xA5D0];
	_ =	sdelay $0x4  }
0x92: {  	v2 =	vadd.f32 v3, v2;
	_ =	sdelay $0x1  }
0x93: {  	v3 =	vmul.f32 $2.000000030e-01, v2  }
0x94: {  	vm13 =	vge.f32 v2, $0.0e+00  }
0x95: {  	v2 =	vsel vm13, v2, v3  }
0x96: {  	v2 =	vsub.f32 v2, v1;
	_ =	sdelay $0x1  }
0x97: {  	v2 =	vmul.f32 $1.442695020e+00, v2;
	_ =	sdelay $0x1  }
0x98: {  	(erf) = vpow2.f32 v2;
	_ =	sdelay $0x8  }
0x99: {  	v2 =	vpop (erf)  }
0x9a: {  	[tilespmem:s25+$0x440] =	vst v2  }
0x9b: {  	v2 =	vld [tilespmem:s12+$0xA4F0]  }
0x9c: {  	v3 =	vld [tilespmem:s12+$0xA5E0];
	_ =	sdelay $0x4  }
0x9d: {  	v2 =	vadd.f32 v3, v2;
	_ =	sdelay $0x1  }
0x9e: {  	v3 =	vmul.f32 $2.000000030e-01, v2  }
0x9f: {  	vm14 =	vge.f32 v2, $0.0e+00  }
0xa0: {  	v2 =	vsel vm14, v2, v3  }
0xa1: {  	v2 =	vsub.f32 v2, v1;
	_ =	sdelay $0x1  }
0xa2: {  	v2 =	vmul.f32 $1.442695020e+00, v2;
	_ =	sdelay $0x1  }
0xa3: {  	(erf) = vpow2.f32 v2;
	_ =	sdelay $0x8  }
0xa4: {  	v2 =	vpop (erf)  }
0xa5: {  	[tilespmem:s25+$0x450] =	vst v2  }
0xa6: {  	v2 =	vld [tilespmem:s12+$0xA500]  }
0xa7: {  	v3 =	vld [tilespmem:s12+$0xA5F0];
	_ =	sdelay $0x4  }
0xa8: {  	v2 =	vadd.f32 v3, v2;
	_ =	sdelay $0x1  }
0xa9: {  	v3 =	vmul.f32 $2.000000030e-01, v2  }
0xaa: {  	vm15 =	vge.f32 v2, $0.0e+00  }
0xab: {  	v2 =	vsel vm15, v2, v3  }
0xac: {  	v2 =	vsub.f32 v2, v1;
	_ =	sdelay $0x1  }
0xad: {  	v2 =	vmul.f32 $1.442695020e+00, v2;
	_ =	sdelay $0x1  }
0xae: {  	(erf) = vpow2.f32 v2;
	_ =	sdelay $0x1  }
0xaf: {  	s14 =	simm.s32 $0x0  }
0xb0: {  	v2 =	vmov s14  }
0xb1: {  	v2 =	vshrl.u32 v2, $0x3  }
0xb2: {  	v2 =	vshll.u32 v2, v0  }
0xb3: {  	s26 =	sand.u32 $0x3, s11;
	v2 =	vbroadcast v2, $0x0  }
0xb4: {  	s12 =	smul.u32 $0xA000, s26;
	_ =	sdelay $0x1  }
0xb5: {  	s12 =	sshrl.u32 s12, $0x2;
	v3 =	vpop (erf)  }
0xb6: {  	s26 =	sor.u32 $0x6C0, s12;
	[tilespmem:s25+$0x460] =	vst v3  }
0xb7: {  	s25 =	sadd.s32 $0x420, s25;
	v4 =	vld [tilespmem:s26+$0xFFFFFE70]  }
0xb8: {  	v2 =	vld.idx.msk [tilespmem:v2+s25+$0x0], $0xffff  }
0xb9: {  	v5 =	vld [tilespmem:s26+$0xFFFFFE00]  }
0xba: {  	v6 =	vld [tilespmem:s26+$0xFFFFFE20]  }
0xbb: {  	v7 =	vld [tilespmem:s26+$0xFFFFFE30]  }
0xbc: {  	s14 =	simm.s32 $0x1;
	v3 =	vld [tilespmem:s26+$0xFFFFFE50]  }
0xbd: {  	v10 =	vmov s14;
	v9 =	vld [tilespmem:s26+$0xFFFFFE10];
	v4 =	vmul.f32 v4, v2  }
0xbe: {  	v10 =	vshrl.u32 v10, $0x3;
	v8 =	vld [tilespmem:s26+$0xFFFFFE60];
	v5 =	vmul.f32 v5, v2  }
0xbf: {  	v11 =	vld [tilespmem:s26+$0xFFFFFE40];
	v6 =	vmul.f32 v6, v2;
	[tilespmem:s26+$0xFFFFFE70] =	vst v4;
	v4 =	vshll.u32 v10, v0  }
0xc0: {  	v7 =	vmul.f32 v7, v2;
	[tilespmem:s26+$0xFFFFFE00] =	vst v5;
	v4 =	vadd.s32 $0x1, v4  }
0xc1: {  	v3 =	vmul.f32 v3, v2;
	[tilespmem:s26+$0xFFFFFE20] =	vst v6;
	v4 =	vbroadcast v4, $0x0  }
0xc2: {  	v5 =	vmul.f32 v9, v2;
	[tilespmem:s26+$0xFFFFFE30] =	vst v7  }
0xc3: {  	v6 =	vmul.f32 v8, v2;
	[tilespmem:s26+$0xFFFFFE50] =	vst v3  }
0xc4: {  	v2 =	vmul.f32 v11, v2;
	[tilespmem:s26+$0xFFFFFE10] =	vst v5  }
0xc5: {  	[tilespmem:s26+$0xFFFFFE60] =	vst v6  }
0xc6: {  	[tilespmem:s26+$0xFFFFFE40] =	vst v2  }
0xc7: {  	v2 =	vld.idx.msk [tilespmem:v4+s25+$0x0], $0xffff  }
0xc8: {  	v4 =	vld [tilespmem:s26+$0xFFFFFE80]  }
0xc9: {  	v5 =	vld [tilespmem:s26+$0xFFFFFEE0]  }
0xca: {  	v6 =	vld [tilespmem:s26+$0xFFFFFE90]  }
0xcb: {  	v7 =	vld [tilespmem:s26+$0xFFFFFED0]  }
0xcc: {  	s14 =	simm.s32 $0x2;
	v3 =	vld [tilespmem:s26+$0xFFFFFEF0]  }
0xcd: {  	v8 =	vld [tilespmem:s26+$0xFFFFFEB0];
	v10 =	vmov s14;
	v4 =	vmul.f32 v4, v2  }
0xce: {  	v11 =	vld [tilespmem:s26+$0xFFFFFEC0];
	v10 =	vshrl.u32 v10, $0x3;
	v5 =	vmul.f32 v5, v2  }
0xcf: {  	v9 =	vld [tilespmem:s26+$0xFFFFFEA0];
	v6 =	vmul.f32 v6, v2;
	[tilespmem:s26+$0xFFFFFE80] =	vst v4;
	v4 =	vshll.u32 v10, v0  }
0xd0: {  	v7 =	vmul.f32 v7, v2;
	[tilespmem:s26+$0xFFFFFEE0] =	vst v5;
	v4 =	vadd.s32 $0x2, v4  }
0xd1: {  	v3 =	vmul.f32 v3, v2;
	[tilespmem:s26+$0xFFFFFE90] =	vst v6;
	v4 =	vbroadcast v4, $0x0  }
0xd2: {  	v5 =	vmul.f32 v8, v2;
	[tilespmem:s26+$0xFFFFFED0] =	vst v7  }
0xd3: {  	v6 =	vmul.f32 v11, v2;
	[tilespmem:s26+$0xFFFFFEF0] =	vst v3  }
0xd4: {  	v2 =	vmul.f32 v9, v2;
	[tilespmem:s26+$0xFFFFFEB0] =	vst v5  }
0xd5: {  	[tilespmem:s26+$0xFFFFFEC0] =	vst v6  }
0xd6: {  	v3 =	vld [tilespmem:s26+$0xFFFFFF10];
	[tilespmem:s26+$0xFFFFFEA0] =	vst v2  }
0xd7: {  	v2 =	vld.idx.msk [tilespmem:v4+s25+$0x0], $0xffff  }
0xd8: {  	v4 =	vld [tilespmem:s26+$0xFFFFFF40]  }
0xd9: {  	v5 =	vld [tilespmem:s26+$0xFFFFFF20]  }
0xda: {  	v6 =	vld [tilespmem:s26+$0xFFFFFF50]  }
0xdb: {  	s14 =	simm.s32 $0x3;
	v7 =	vld [tilespmem:s26+$0xFFFFFF00]  }
0xdc: {  	v8 =	vld [tilespmem:s26+$0xFFFFFF30];
	v9 =	vmov s14;
	v3 =	vmul.f32 v3, v2  }
0xdd: {  	v10 =	vld [tilespmem:s26+$0xFFFFFF70];
	v9 =	vshrl.u32 v9, $0x3;
	v4 =	vmul.f32 v4, v2  }
0xde: {  	v11 =	vld [tilespmem:s26+$0xFFFFFF60];
	v5 =	vmul.f32 v5, v2;
	[tilespmem:s26+$0xFFFFFF10] =	vst v3;
	v3 =	vshll.u32 v9, v0  }
0xdf: {  	v6 =	vmul.f32 v6, v2;
	[tilespmem:s26+$0xFFFFFF40] =	vst v4;
	v3 =	vadd.s32 $0x3, v3  }
0xe0: {  	v4 =	vmul.f32 v7, v2;
	[tilespmem:s26+$0xFFFFFF20] =	vst v5;
	v3 =	vbroadcast v3, $0x0  }
0xe1: {  	v5 =	vmul.f32 v8, v2;
	[tilespmem:s26+$0xFFFFFF50] =	vst v6  }
0xe2: {  	v6 =	vmul.f32 v10, v2;
	[tilespmem:s26+$0xFFFFFF00] =	vst v4  }
0xe3: {  	v2 =	vmul.f32 v11, v2;
	[tilespmem:s26+$0xFFFFFF30] =	vst v5  }
0xe4: {  	[tilespmem:s26+$0xFFFFFF70] =	vst v6  }
0xe5: {  	[tilespmem:s26+$0xFFFFFF60] =	vst v2  }
0xe6: {  	v2 =	vld.idx.msk [tilespmem:v3+s25+$0x0], $0xffff  }
0xe7: {  	v3 =	vld [tilespmem:s26+$0xFFFFFF90]  }
0xe8: {  	v5 =	vld [tilespmem:s26+$0xFFFFFFE0]  }
0xe9: {  	v6 =	vld [tilespmem:s26+$0xFFFFFF80]  }
0xea: {  	v7 =	vld [tilespmem:s26+$0xFFFFFFD0]  }
0xeb: {  	s14 =	simm.s32 $0x4;
	v4 =	vld [tilespmem:s26+$0xFFFFFFF0]  }
0xec: {  	v8 =	vld [tilespmem:s26+$0xFFFFFFA0];
	v10 =	vmov s14;
	v3 =	vmul.f32 v3, v2  }
0xed: {  	v11 =	vld [tilespmem:s26+$0xFFFFFFC0];
	v10 =	vshrl.u32 v10, $0x3;
	v5 =	vmul.f32 v5, v2  }
0xee: {  	v9 =	vld [tilespmem:s26+$0xFFFFFFB0];
	v6 =	vmul.f32 v6, v2;
	[tilespmem:s26+$0xFFFFFF90] =	vst v3;
	v3 =	vshll.u32 v10, v0  }
0xef: {  	v7 =	vmul.f32 v7, v2;
	[tilespmem:s26+$0xFFFFFFE0] =	vst v5;
	v3 =	vadd.s32 $0x4, v3  }
0xf0: {  	v4 =	vmul.f32 v4, v2;
	[tilespmem:s26+$0xFFFFFF80] =	vst v6;
	v3 =	vbroadcast v3, $0x0  }
0xf1: {  	v5 =	vmul.f32 v8, v2;
	[tilespmem:s26+$0xFFFFFFD0] =	vst v7  }
0xf2: {  	v6 =	vmul.f32 v11, v2;
	[tilespmem:s26+$0xFFFFFFF0] =	vst v4;
	v4 =	vld [tilespmem:s26+$0x10]  }
0xf3: {  	v2 =	vmul.f32 v9, v2;
	v8 =	vld [tilespmem:s26+$0x0];
	[tilespmem:s26+$0xFFFFFFA0] =	vst v5  }
0xf4: {  	v11 =	vld [tilespmem:s26+$0x30];
	[tilespmem:s26+$0xFFFFFFC0] =	vst v6  }
0xf5: {  	v9 =	vld [tilespmem:s26+$0x20];
	[tilespmem:s26+$0xFFFFFFB0] =	vst v2  }
0xf6: {  	v2 =	vld.idx.msk [tilespmem:v3+s25+$0x0], $0xffff  }
0xf7: {  	v7 =	vld [tilespmem:s26+$0x40]  }
0xf8: {  	s14 =	smul.u32 $0xA000, s23;
	v5 =	vld [tilespmem:s26+$0x50]  }
0xf9: {  	v6 =	vld [tilespmem:s26+$0x60]  }
0xfa: {  	s29 =	simm.s32 $0x5;
	s30 =	simm.s32 $0x7;
	s12 =	sshrl.u32 s14, $0x2;
	v3 =	vld [tilespmem:s26+$0x70]  }
0xfb: {  	s31 =	simm.s32 $0xF;
	s28 =	sor.u32 $0x4C0, s12;
	v10 =	vmul.f32 v8, v2;
	v8 =	vmul.f32 v11, v2;
	v11 =	vmov s29;
	s29 =	smov.u32 s26  }
.LBB2_3:
0xfc: {  	p0 =	sne.s32 s31, $0x4F  }
0xfd: {  	v4 =	vmul.f32 v4, v2;
	v9 =	vmul.f32 v9, v2;
	v11 =	vshrl.u32 v11, $0x3;
	s26 =	sadd.s32 $0x400, s26;
	s12 =	smov.u32 s31;
	s31 =	sadd.s32 $0x8, s31  }
0xfe: {  	v5 =	vmul.f32 v5, v2;
	[tilespmem:s29+$0x0] =	vst v10;
	v7 =	vmul.f32 v7, v2;
	v10 =	vshll.u32 v11, v0  }
0xff: {  	[tilespmem:s29+$0x10] =	vst v4;
	v4 =	vmul.f32 v6, v2;
	v2 =	vmul.f32 v3, v2;
	v3 =	vadd.s32 $0x5, v10  }
0x100: {  	[tilespmem:s29+$0x20] =	vst v9;
	v3 =	vbroadcast v3, $0x0  }
0x101: {  	[tilespmem:s29+$0x30] =	vst v8  }
0x102: {  	[tilespmem:s29+$0x70] =	vst v2;
	v2 =	vld [tilespmem:s29+$0x80]  }
0x103: {  	[tilespmem:s29+$0x50] =	vst v5;
	v5 =	vld [tilespmem:s29+$0xF0]  }
0x104: {  	[tilespmem:s29+$0x40] =	vst v7;
	v6 =	vld [tilespmem:s29+$0xD0]  }
0x105: {  	[tilespmem:s29+$0x60] =	vst v4;
	v4 =	vld [tilespmem:s29+$0xA0]  }
0x106: {  	v3 =	vld.idx.msk [tilespmem:v3+s25+$0x0], $0xffff  }
0x107: {  	v7 =	vld [tilespmem:s29+$0xC0]  }
0x108: {  	v8 =	vld [tilespmem:s29+$0xB0]  }
0x109: {  	v9 =	vld [tilespmem:s29+$0x90]  }
0x10a: {  	v10 =	vld [tilespmem:s29+$0xE0]  }
0x10b: {  	s14 =	sadd.s32 $0xFFFFFFFF, s30  }
0x10c: {  	v11 =	vmov s14;
	v2 =	vmul.f32 v2, v3;
	v7 =	vmul.f32 v7, v3  }
0x10d: {  	v11 =	vshrl.u32 v11, $0x3;
	v4 =	vmul.f32 v4, v3;
	v8 =	vmul.f32 v8, v3  }
0x10e: {  	v6 =	vmul.f32 v6, v3;
	[tilespmem:s29+$0x80] =	vst v2;
	v2 =	vmul.f32 v9, v3;
	v9 =	vshll.u32 v11, v0  }
0x10f: {  	[tilespmem:s29+$0xC0] =	vst v7;
	v7 =	vmul.f32 v10, v3;
	v3 =	vmul.f32 v5, v3;
	v5 =	vadd.s32 $0x6, v9  }
0x110: {  	[tilespmem:s29+$0xA0] =	vst v4;
	v4 =	vbroadcast v5, $0x0  }
0x111: {  	[tilespmem:s29+$0xD0] =	vst v6  }
0x112: {  	[tilespmem:s29+$0xF0] =	vst v3;
	v3 =	vld [tilespmem:s29+$0x100]  }
0x113: {  	[tilespmem:s29+$0xB0] =	vst v8;
	v5 =	vld [tilespmem:s29+$0x160]  }
0x114: {  	[tilespmem:s29+$0xE0] =	vst v7;
	v6 =	vld [tilespmem:s29+$0x150]  }
0x115: {  	[tilespmem:s29+$0x90] =	vst v2;
	v2 =	vld [tilespmem:s29+$0x130]  }
0x116: {  	v4 =	vld.idx.msk [tilespmem:v4+s25+$0x0], $0xffff  }
0x117: {  	v7 =	vld [tilespmem:s29+$0x110]  }
0x118: {  	v8 =	vld [tilespmem:s29+$0x120]  }
0x119: {  	v9 =	vld [tilespmem:s29+$0x140]  }
0x11a: {  	v10 =	vld [tilespmem:s29+$0x170];
	_ =	sdelay $0x1  }
0x11b: {  	v11 =	vmov s30;
	s30 =	smov.u32 s12;
	v3 =	vmul.f32 v3, v4;
	v7 =	vmul.f32 v7, v4  }
0x11c: {  	v11 =	vshrl.u32 v11, $0x3;
	v2 =	vmul.f32 v2, v4;
	v8 =	vmul.f32 v8, v4  }
0x11d: {  	v6 =	vmul.f32 v6, v4;
	[tilespmem:s29+$0x100] =	vst v3;
	v3 =	vmul.f32 v9, v4;
	v9 =	vshll.u32 v11, v0  }
0x11e: {  	[tilespmem:s29+$0x130] =	vst v2;
	v2 =	vmul.f32 v5, v4;
	v4 =	vmul.f32 v10, v4;
	v5 =	vadd.s32 $0x7, v9  }
0x11f: {  	[tilespmem:s29+$0x140] =	vst v3;
	v3 =	vbroadcast v5, $0x0  }
0x120: {  	[tilespmem:s29+$0x150] =	vst v6  }
0x121: {  	[tilespmem:s29+$0x160] =	vst v2;
	v2 =	vld [tilespmem:s29+$0x1C0]  }
0x122: {  	[tilespmem:s29+$0x170] =	vst v4;
	v4 =	vld [tilespmem:s29+$0x180]  }
0x123: {  	[tilespmem:s29+$0x110] =	vst v7;
	v5 =	vld [tilespmem:s29+$0x1E0]  }
0x124: {  	[tilespmem:s29+$0x120] =	vst v8;
	v6 =	vld [tilespmem:s29+$0x190]  }
0x125: {  	v3 =	vld.idx.msk [tilespmem:v3+s25+$0x0], $0xffff  }
0x126: {  	v7 =	vld [tilespmem:s29+$0x1B0]  }
0x127: {  	v8 =	vld [tilespmem:s29+$0x1A0]  }
0x128: {  	v9 =	vld [tilespmem:s29+$0x1D0]  }
0x129: {  	v10 =	vld [tilespmem:s29+$0x1F0];
	_ =	sdelay $0x1  }
0x12a: {  	s12 =	sadd.s32 $0xFFFFFFF9, s30;
	v4 =	vmul.f32 v4, v3;
	v6 =	vmul.f32 v6, v3  }
0x12b: {  	v11 =	vmov s12;
	v7 =	vmul.f32 v7, v3;
	v8 =	vmul.f32 v8, v3  }
0x12c: {  	v11 =	vshrl.u32 v11, $0x3;
	v2 =	vmul.f32 v2, v3;
	[tilespmem:s29+$0x180] =	vst v4;
	v4 =	vmul.f32 v9, v3  }
0x12d: {  	v5 =	vmul.f32 v5, v3;
	v9 =	vshll.u32 v11, v0;
	[tilespmem:s29+$0x190] =	vst v6;
	v3 =	vmul.f32 v10, v3  }
0x12e: {  	v6 =	vbroadcast v9, $0x0;
	[tilespmem:s29+$0x1C0] =	vst v2  }
0x12f: {  	[tilespmem:s29+$0x1D0] =	vst v4  }
0x130: {  	v2 =	vld [tilespmem:s26+$0xFFFFFE50];
	[tilespmem:s29+$0x1E0] =	vst v5  }
0x131: {  	v4 =	vld [tilespmem:s26+$0xFFFFFE30];
	[tilespmem:s29+$0x1B0] =	vst v7  }
0x132: {  	v5 =	vld [tilespmem:s26+$0xFFFFFE60];
	[tilespmem:s29+$0x1A0] =	vst v8  }
0x133: {  	v7 =	vld [tilespmem:s26+$0xFFFFFE70];
	[tilespmem:s29+$0x1F0] =	vst v3;
	s29 =	smov.u32 s26  }
0x134: {  	v3 =	vld.idx.msk [tilespmem:v6+s25+$0x0], $0xffff  }
0x135: {  	v6 =	vld [tilespmem:s26+$0xFFFFFE00]  }
0x136: {  	v8 =	vld [tilespmem:s26+$0xFFFFFE20]  }
0x137: {  	v9 =	vld [tilespmem:s26+$0xFFFFFE10]  }
0x138: {  	v10 =	vld [tilespmem:s26+$0xFFFFFE40]  }
0x139: {  	s12 =	sadd.s32 $0xFFFFFFFA, s30  }
0x13a: {  	v11 =	vmov s12;
	v7 =	vmul.f32 v7, v3;
	v6 =	vmul.f32 v6, v3  }
0x13b: {  	v11 =	vshrl.u32 v11, $0x3;
	v5 =	vmul.f32 v5, v3;
	v8 =	vmul.f32 v8, v3  }
0x13c: {  	v4 =	vmul.f32 v4, v3;
	v9 =	vmul.f32 v9, v3;
	[tilespmem:s26+$0xFFFFFE70] =	vst v7;
	v7 =	vshll.u32 v11, v0  }
0x13d: {  	v2 =	vmul.f32 v2, v3;
	[tilespmem:s26+$0xFFFFFE00] =	vst v6;
	v6 =	vmul.f32 v10, v3;
	v3 =	vadd.s32 $0x1, v7  }
0x13e: {  	[tilespmem:s26+$0xFFFFFE20] =	vst v8;
	v3 =	vbroadcast v3, $0x0  }
0x13f: {  	[tilespmem:s26+$0xFFFFFE30] =	vst v4  }
0x140: {  	[tilespmem:s26+$0xFFFFFE50] =	vst v2;
	v2 =	vld [tilespmem:s26+$0xFFFFFEF0]  }
0x141: {  	[tilespmem:s26+$0xFFFFFE10] =	vst v9;
	v4 =	vld [tilespmem:s26+$0xFFFFFED0]  }
0x142: {  	[tilespmem:s26+$0xFFFFFE60] =	vst v5;
	v5 =	vld [tilespmem:s26+$0xFFFFFEB0]  }
0x143: {  	[tilespmem:s26+$0xFFFFFE40] =	vst v6;
	v6 =	vld [tilespmem:s26+$0xFFFFFEE0]  }
0x144: {  	v3 =	vld.idx.msk [tilespmem:v3+s25+$0x0], $0xffff  }
0x145: {  	v7 =	vld [tilespmem:s26+$0xFFFFFE80]  }
0x146: {  	v8 =	vld [tilespmem:s26+$0xFFFFFE90]  }
0x147: {  	v9 =	vld [tilespmem:s26+$0xFFFFFEA0]  }
0x148: {  	v10 =	vld [tilespmem:s26+$0xFFFFFEC0]  }
0x149: {  	s12 =	sadd.s32 $0xFFFFFFFB, s30  }
0x14a: {  	v11 =	vmov s12;
	v6 =	vmul.f32 v6, v3;
	v7 =	vmul.f32 v7, v3  }
0x14b: {  	v11 =	vshrl.u32 v11, $0x3;
	v5 =	vmul.f32 v5, v3;
	v8 =	vmul.f32 v8, v3  }
0x14c: {  	v4 =	vmul.f32 v4, v3;
	[tilespmem:s26+$0xFFFFFE80] =	vst v7;
	v7 =	vmul.f32 v9, v3;
	v9 =	vshll.u32 v11, v0  }
0x14d: {  	v2 =	vmul.f32 v2, v3;
	v10 =	vmul.f32 v10, v3;
	[tilespmem:s26+$0xFFFFFEE0] =	vst v6;
	v3 =	vadd.s32 $0x2, v9  }
0x14e: {  	[tilespmem:s26+$0xFFFFFE90] =	vst v8;
	v3 =	vbroadcast v3, $0x0  }
0x14f: {  	[tilespmem:s26+$0xFFFFFED0] =	vst v4  }
0x150: {  	[tilespmem:s26+$0xFFFFFEF0] =	vst v2;
	v2 =	vld [tilespmem:s26+$0xFFFFFF70]  }
0x151: {  	[tilespmem:s26+$0xFFFFFEB0] =	vst v5;
	v4 =	vld [tilespmem:s26+$0xFFFFFF50]  }
0x152: {  	[tilespmem:s26+$0xFFFFFEC0] =	vst v10;
	v5 =	vld [tilespmem:s26+$0xFFFFFF30]  }
0x153: {  	[tilespmem:s26+$0xFFFFFEA0] =	vst v7;
	v6 =	vld [tilespmem:s26+$0xFFFFFF40]  }
0x154: {  	v3 =	vld.idx.msk [tilespmem:v3+s25+$0x0], $0xffff  }
0x155: {  	v7 =	vld [tilespmem:s26+$0xFFFFFF10]  }
0x156: {  	v8 =	vld [tilespmem:s26+$0xFFFFFF20]  }
0x157: {  	v9 =	vld [tilespmem:s26+$0xFFFFFF00]  }
0x158: {  	v10 =	vld [tilespmem:s26+$0xFFFFFF60]  }
0x159: {  	s12 =	sadd.s32 $0xFFFFFFFC, s30  }
0x15a: {  	v11 =	vmov s12;
	v6 =	vmul.f32 v6, v3;
	v7 =	vmul.f32 v7, v3  }
0x15b: {  	v11 =	vshrl.u32 v11, $0x3;
	v5 =	vmul.f32 v5, v3;
	v8 =	vmul.f32 v8, v3  }
0x15c: {  	v4 =	vmul.f32 v4, v3;
	v9 =	vmul.f32 v9, v3;
	[tilespmem:s26+$0xFFFFFF10] =	vst v7;
	v7 =	vshll.u32 v11, v0  }
0x15d: {  	v2 =	vmul.f32 v2, v3;
	[tilespmem:s26+$0xFFFFFF40] =	vst v6;
	v6 =	vmul.f32 v10, v3;
	v3 =	vadd.s32 $0x3, v7  }
0x15e: {  	[tilespmem:s26+$0xFFFFFF20] =	vst v8;
	v3 =	vbroadcast v3, $0x0  }
0x15f: {  	[tilespmem:s26+$0xFFFFFF50] =	vst v4  }
0x160: {  	[tilespmem:s26+$0xFFFFFF00] =	vst v9;
	v4 =	vld [tilespmem:s26+$0xFFFFFFF0]  }
0x161: {  	[tilespmem:s26+$0xFFFFFF30] =	vst v5;
	v5 =	vld [tilespmem:s26+$0xFFFFFFD0]  }
0x162: {  	[tilespmem:s26+$0xFFFFFF70] =	vst v2;
	v2 =	vld [tilespmem:s26+$0xFFFFFFA0]  }
0x163: {  	[tilespmem:s26+$0xFFFFFF60] =	vst v6;
	v6 =	vld [tilespmem:s26+$0xFFFFFFE0]  }
0x164: {  	v3 =	vld.idx.msk [tilespmem:v3+s25+$0x0], $0xffff  }
0x165: {  	v7 =	vld [tilespmem:s26+$0xFFFFFF90]  }
0x166: {  	v8 =	vld [tilespmem:s26+$0xFFFFFF80]  }
0x167: {  	v9 =	vld [tilespmem:s26+$0xFFFFFFB0]  }
0x168: {  	v10 =	vld [tilespmem:s26+$0xFFFFFFC0]  }
0x169: {  	s12 =	sadd.s32 $0xFFFFFFFD, s30  }
0x16a: {  	v11 =	vmov s12;
	v6 =	vmul.f32 v6, v3;
	v7 =	vmul.f32 v7, v3  }
0x16b: {  	v11 =	vshrl.u32 v11, $0x3;
	v2 =	vmul.f32 v2, v3;
	v8 =	vmul.f32 v8, v3  }
0x16c: {  	v5 =	vmul.f32 v5, v3;
	[tilespmem:s26+$0xFFFFFF90] =	vst v7;
	v7 =	vmul.f32 v9, v3;
	v9 =	vshll.u32 v11, v0  }
0x16d: {  	v10 =	vmul.f32 v10, v3;
	[tilespmem:s26+$0xFFFFFFE0] =	vst v6;
	v3 =	vmul.f32 v4, v3;
	v4 =	vadd.s32 $0x4, v9  }
0x16e: {  	[tilespmem:s26+$0xFFFFFF80] =	vst v8;
	v6 =	vbroadcast v4, $0x0  }
0x16f: {  	[tilespmem:s26+$0xFFFFFFD0] =	vst v5  }
0x170: {  	[tilespmem:s26+$0xFFFFFFF0] =	vst v3;
	v4 =	vld [tilespmem:s26+$0x10]  }
0x171: {  	[tilespmem:s26+$0xFFFFFFA0] =	vst v2;
	v8 =	vld [tilespmem:s26+$0x0]  }
0x172: {  	[tilespmem:s26+$0xFFFFFFC0] =	vst v10;
	v3 =	vld [tilespmem:s26+$0x70]  }
0x173: {  	[tilespmem:s26+$0xFFFFFFB0] =	vst v7;
	v9 =	vld [tilespmem:s26+$0x20]  }
0x174: {  	v2 =	vld.idx.msk [tilespmem:v6+s25+$0x0], $0xffff  }
0x175: {  	v11 =	vld [tilespmem:s26+$0x30]  }
.Ltmp0:
0x176: {  	v5 =	vld [tilespmem:s26+$0x50];
	(pc) =	sbr.rel @p0 .LBB2_3-.Ltmp0, $4  }
0x177: {  	v7 =	vld [tilespmem:s26+$0x40]  }
0x178: {  	v6 =	vld [tilespmem:s26+$0x60]  }
0x179: {  	s12 =	sadd.s32 $0xFFFFFFFE, s30  }
0x17a: {  	v10 =	vmul.f32 v8, v2;
	v8 =	vmul.f32 v11, v2;
	v11 =	vmov s12  }
0x17b: {  	v11 =	vshrl.u32 v11, $0x3  }
0x17c: {  	v4 =	vmul.f32 v4, v2;
	[tilespmem:s29+$0x0] =	vst v10;
	v27 =	vshll.u32 v11, v0  }
0x17d: {  	v9 =	vmul.f32 v9, v2;
	[tilespmem:s29+$0x30] =	vst v8;
	v28 =	vadd.s32 $0x5, v27  }
0x17e: {  	v3 =	vmul.f32 v3, v2;
	[tilespmem:s29+$0x10] =	vst v4;
	v4 =	vbroadcast v28, $0x0  }
0x17f: {  	v5 =	vmul.f32 v5, v2;
	[tilespmem:s29+$0x20] =	vst v9  }
0x180: {  	[tilespmem:s29+$0x70] =	vst v3;
	v3 =	vmul.f32 v7, v2  }
0x181: {  	v2 =	vmul.f32 v6, v2;
	[tilespmem:s29+$0x50] =	vst v5  }
0x182: {  	[tilespmem:s29+$0x40] =	vst v3  }
0x183: {  	v29 =	vld [tilespmem:s29+$0x80];
	[tilespmem:s29+$0x60] =	vst v2  }
0x184: {  	v2 =	vld.idx.msk [tilespmem:v4+s25+$0x0], $0xffff  }
0x185: {  	v30 =	vld [tilespmem:s29+$0xC0]  }
0x186: {  	v31 =	vld [tilespmem:s29+$0xA0]  }
0x187: {  	v32 =	vld [tilespmem:s29+$0xD0]  }
0x188: {  	s12 =	sadd.s32 $0xFFFFFFFF, s30;
	v3 =	vld [tilespmem:s29+$0xF0]  }
0x189: {  	v33 =	vld [tilespmem:s29+$0xB0];
	v35 =	vmov s12;
	v7 =	vmul.f32 v29, v2  }
0x18a: {  	v36 =	vld [tilespmem:s29+$0xE0];
	v10 =	vshrl.u32 v35, $0x3;
	v4 =	vmul.f32 v30, v2  }
0x18b: {  	v34 =	vld [tilespmem:s29+$0x90];
	v37 =	vshll.u32 v10, v0;
	v5 =	vmul.f32 v31, v2;
	[tilespmem:s29+$0x80] =	vst v7  }
0x18c: {  	v38 =	vadd.s32 $0x6, v37;
	v6 =	vmul.f32 v32, v2;
	[tilespmem:s29+$0xC0] =	vst v4  }
0x18d: {  	v3 =	vmul.f32 v3, v2;
	[tilespmem:s29+$0xA0] =	vst v5;
	v4 =	vbroadcast v38, $0x0  }
0x18e: {  	v39 =	vmul.f32 v33, v2;
	[tilespmem:s29+$0xD0] =	vst v6  }
0x18f: {  	v40 =	vmul.f32 v36, v2;
	[tilespmem:s29+$0xF0] =	vst v3  }
0x190: {  	v2 =	vmul.f32 v34, v2;
	[tilespmem:s29+$0xB0] =	vst v39  }
0x191: {  	[tilespmem:s29+$0xE0] =	vst v40  }
0x192: {  	v3 =	vld [tilespmem:s29+$0x100];
	[tilespmem:s29+$0x90] =	vst v2  }
0x193: {  	v2 =	vld.idx.msk [tilespmem:v4+s25+$0x0], $0xffff  }
0x194: {  	v42 =	vld [tilespmem:s29+$0x130]  }
0x195: {  	v43 =	vld [tilespmem:s29+$0x140]  }
0x196: {  	v44 =	vld [tilespmem:s29+$0x150]  }
0x197: {  	v41 =	vld [tilespmem:s29+$0x160]  }
0x198: {  	v46 =	vld [tilespmem:s29+$0x170];
	v47 =	vmov s30;
	v3 =	vmul.f32 v3, v2  }
0x199: {  	v45 =	vld [tilespmem:s29+$0x110];
	v10 =	vshrl.u32 v47, $0x3;
	v4 =	vmul.f32 v42, v2  }
0x19a: {  	v48 =	vld [tilespmem:s29+$0x120];
	v49 =	vshll.u32 v10, v0;
	[tilespmem:s29+$0x100] =	vst v3;
	v3 =	vmul.f32 v43, v2  }
0x19b: {  	v50 =	vadd.s32 $0x7, v49;
	v7 =	vmul.f32 v44, v2;
	[tilespmem:s29+$0x130] =	vst v4  }
0x19c: {  	v5 =	vmul.f32 v41, v2;
	[tilespmem:s29+$0x140] =	vst v3;
	v3 =	vbroadcast v50, $0x0  }
0x19d: {  	v51 =	vmul.f32 v46, v2;
	[tilespmem:s29+$0x150] =	vst v7  }
0x19e: {  	v52 =	vmul.f32 v45, v2;
	[tilespmem:s29+$0x160] =	vst v5  }
0x19f: {  	v2 =	vmul.f32 v48, v2;
	[tilespmem:s29+$0x170] =	vst v51  }
0x1a0: {  	[tilespmem:s29+$0x110] =	vst v52  }
0x1a1: {  	v53 =	vld [tilespmem:s29+$0x180];
	[tilespmem:s29+$0x120] =	vst v2  }
0x1a2: {  	v2 =	vld.idx.msk [tilespmem:v3+s25+$0x0], $0xffff  }
0x1a3: {  	v3 =	vld [tilespmem:s29+$0x190]  }
0x1a4: {  	v54 =	vld [tilespmem:s29+$0x1C0]  }
0x1a5: {  	v55 =	vld [tilespmem:s29+$0x1D0]  }
0x1a6: {  	v57 =	vld [tilespmem:s29+$0x1B0]  }
0x1a7: {  	v58 =	vld [tilespmem:s29+$0x1A0];
	v4 =	vmul.f32 v53, v2  }
0x1a8: {  	v56 =	vld [tilespmem:s29+$0x1E0];
	v3 =	vmul.f32 v3, v2  }
0x1a9: {  	v59 =	vld [tilespmem:s29+$0x1F0];
	v60 =	vmul.f32 v54, v2;
	[tilespmem:s29+$0x180] =	vst v4  }
0x1aa: {  	v61 =	vmul.f32 v55, v2;
	[tilespmem:s29+$0x190] =	vst v3  }
0x1ab: {  	v62 =	vmul.f32 v57, v2;
	[tilespmem:s29+$0x1C0] =	vst v60  }
0x1ac: {  	v63 =	vmul.f32 v58, v2;
	[tilespmem:s29+$0x1D0] =	vst v61  }
0x1ad: {  	v3 =	vmul.f32 v56, v2;
	[tilespmem:s29+$0x1B0] =	vst v62  }
0x1ae: {  	p1 =	seq.s32 s22, $0x0;
	s31 =	smulhi.u32 $0xAAAAAAAB, s22;
	v2 =	vmul.f32 v59, v2;
	[tilespmem:s29+$0x1A0] =	vst v63  }
0x1af: {  	s14 =	sxor.u32 @!p1 $0x1, s24;
	[tilespmem:s29+$0x1E0] =	vst v3  }
0x1b0: {  	s26 =	sadd.s32 @!p1 $0x5, s14;
	s12 =	sshrl.u32 s31, $0x2;
	[tilespmem:s29+$0x1F0] =	vst v2  }
0x1b1: {  	s12 =	smul.u32 $0x6, s12;
	_ =	swait.ge @!p1 [sflag:s26], $0x2800  }
0x1b2: {  	[sflag:s26] =	ssyncset.done @!p1 $0x0  }
0x1b3: {  	s14 =	sadd.s32 @!p1 $0x7, s14;
	s12 =	ssub.s32 s22, s12;
	[sflag:s26] =	ssyncadd.s32 @!p1 $0xFFFFD800  }
0x1b4: {  	s12 =	smul.u32 $0x140, s12;
	_ =	swait.ge @!p1 [sflag:s14], $0x50  }
0x1b5: {  	p0 =	sgt.u32 s22, $0x78;
	[sflag:s14] =	ssyncset.done @!p1 $0x0  }
0x1b6: {  	s12 =	sshrl.u32 s12, $0x2;
	[sflag:s14] =	ssyncadd.s32 @!p1 $0xFFFFFFB0;
	s14 =	sadd.s32 @!p0 $0x4, s22  }
0x1b7: {  	s30 =	sadd.s32 $0x5, s24;
	s12 =	sadd.s32 $0x140, s12;
	s29 =	smul.u32 @!p0 $0xAB, s14  }
0x1b8: {  	[spmem:s4] =	stream.indirect.scatter.add.f32 [tilespmem:s28], [sflag:s30], $0x80, s12, s9, $0xb8;
	[tilespmem:$0x1EE20] =	vst v63  }
0x1b9: {  	s26 =	smul.u32 @!p0 $0x50, s14;
	s28 =	sshrl.u32 @!p0 s29, $0xA  }
0x1ba: {  	s29 =	smul.u32 @!p0 $0x140, s23;
	s28 =	sand.u32 @!p0 $0x3F, s28  }
0x1bb: {  	s31 =	sadd.s32 $0x7, s24;
	s28 =	smul.u32 @!p0 $0x6, s28  }
0x1bc: {  	[spmem:s6] =	stream.indirect.scatter.add.f32 [tilespmem:s25], [sflag:s31], $0x1, s12, s9, $0xb8;
	[tilespmem:$0x1EE20] =	vst v63  }
0x1bd: {  	s12 =	sadd.s32 @!p0 s13, s26;
	s23 =	sadd.s32 @!p0 $0x9, s23;
	s14 =	ssub.s32 @!p0 s14, s28  }
0x1be: {  	s26 =	simm.s32 @!p0 $0x0;
	s12 =	sshrl.u32 @!p0 s12, $0x3;
	s14 =	sand.u32 @!p0 $0xFF, s14  }
0x1bf: {  	s24 =	sshrl.u32 @!p0 s29, $0x2;
	s25 =	sadd.s32 @!p0 s10, s12;
	s28 =	smul.u32 @!p0 $0x140, s14  }
0x1c0: {  	[tilespmem:s24], [sflag:s23] =	stream.linear.gather @!p0 [hbm4b:s25+s26], $0x50, $0x38;
	[tilespmem:$0x1EE20] =	vst v63  }
0x1c1: {  	s22 =	sadd.s32 $0x1, s22;
	s23 =	sshrl.u32 @!p0 s28, $0x2  }
0x1c2: {  	s12 =	sadd.s32 @!p0 s1, s12;
	s14 =	sadd.s32 @!p0 $0xD, s14;
	s23 =	sadd.s32 @!p0 $0x140, s23  }
0x1c3: {  	[tilespmem:s23], [sflag:s14] =	stream.linear.gather @!p0 [hbm4b:s12+s26], $0x50, $0x38;
	[tilespmem:$0x1EE20] =	vst v63  }
0x1c4: {  	p0 =	sne.s32 s22, $0x7D  }
.Ltmp1:
0x1c5: {  	_ = 	snop;
	(pc) =	sbr.rel @p0 .LBB2_2-.Ltmp1, $2  }
0x1c6: {  	_ =	sdelay $0x2  }
0x1c7: {  	s11 =	sadd.s32 $0x1, s11  }
0x1c8: {  	_ =	swait.ge [sflag:s17], $0x2800  }
0x1c9: {  	[sflag:s17] =	ssyncset.done $0x0  }
0x1ca: {  	[sflag:s17] =	ssyncadd.s32 $0xFFFFD800  }
0x1cb: {  	_ =	swait.ge [sflag:s18], $0x50  }
0x1cc: {  	[sflag:s18] =	ssyncset.done $0x0  }
0x1cd: {  	[sflag:s18] =	ssyncadd.s32 $0xFFFFFFB0  }
0x1ce: {  	[bflag:$0x0] =	sbarrier.arrive $0xFFFF  }
0x1cf: {  	s11 =	rddreg [dreg:$0x16]  }
0x1d0: {  	[hbm:s11], [sflag:s20] =	dma.local [spmem:s5], $0x2800  }
0x1d1: {  	_ =	swait.ge [sflag:s0], $0x2800  }
0x1d2: {  	[sflag:s0] =	ssyncset.done $0x0  }
0x1d3: {  	s30 =	rddreg [dreg:$0x17];
	[sflag:s0] =	ssyncadd.s32 $0xFFFFD800  }
0x1d4: {  	[hbm:s30], [sflag:s20] =	dma.local [spmem:s21], $0x50  }
0x1d5: {  	_ =	swait.ge [sflag:s0], $0x50  }
0x1d6: {  	s19 =	sadd.s32 $0x1, s19;
	s31 =	rddreg [dreg:$0x18]  }
0x1d7: {  	p0 =	sne.s32 s19, s31  }
.Ltmp2:
0x1d8: {  	_ = 	snop;
	(pc) =	sbr.rel @p0 .LBB2_1-.Ltmp2, $3  }
0x1d9: {  	_ =	sdelay $0x1  }
0x1da: {  	[sflag:s0] =	ssyncset.done $0x0  }
0x1db: {  	[sflag:s0] =	ssyncadd.s32 $0xFFFFFFB0  }
0x1dc: {  	_ =	sfence.sel $0x180000  }
0x1dd: {  	[bflag:$0x0] =	sbarrier.arrive $0xFFFF  }
0x1de: {  	_ =	strace $0x90000047  }
0x1df: {  	s0 =	stileid.u32;
	[bflag:$0x2] =	sbarrier.arrive $0xFFFF  }
0x1e0: {  	p0 =	sne.s32 s0, $0x0;
	s0 =	rddreg [dreg:$0x6]  }
0x1e1: {  	s0 =	sadd.s32 @!p0 $0x100000, s0  }
0x1e2: {  	[sflag:s0] =	ssyncadd.tile.s32 @!p0 $0x1;
	_ =	shalt  }
.Lfunc_end2:
_tile_overlayer_lowered:
.L_overlay_start_2:
0x1e3: {  	(tag) =	ssettag $0x2  }
0x1e4: {  	s0 =	rddreg [dreg:$0x0];
	s2 =	stileid.u32  }
0x1e5: {  	s1 =	rddreg [dreg:$0x1];
	p0 =	sne.s32 s2, $0x0  }
0x1e6: {  	s3 =	rddreg [dreg:$0x2];
	[bflag:$0x3] =	sbarrier.arrive $0xFFFF;
	s2 =	simm.s32 @!p0 $0x1C19  }
0x1e7: {  	[timem:s3], [sflag:s2] =	dma.local @!p0 [hbm:s0], s1  }
0x1e8: {  	s0 =	simm.s32 @!p0 $0x19  }
0x1e9: {  	_ =	swait.ge @!p0 [sflag:s0], s1  }
0x1ea: {  	s1 =	ssub.s32 @!p0 $0x0, s1;
	[sflag:s0] =	ssyncset.done @!p0 $0x0  }
0x1eb: {  	[sflag:s0] =	ssyncadd.s32 @!p0 s1  }
0x1ec: {  	[bflag:$0x3] =	sbarrier.arrive $0xFFFF  }
0x1ed: {  	_ =	shalt  }

</sc_bundles>
